<compile_context>
chip_gen: v7x
topology: tpu7x:2x2x1
jax: 0.10.2.dev20260603
libtpu: 0.0.44.dev20260713+nightly
codegen_flags: <defaults>
</compile_context>

<pallas_src>
import functools

import jax
import jax.numpy as jnp
import numpy as np
from jax.experimental import pallas as pl
from jax.experimental.pallas import tpu as pltpu

_HEADS = 4
_CHUNK = 512
_ECH = 2048
_WIN = 256


def _edge_agg_kernel(w_ref, c_ref, firstw_ref, lastw_ref, valid_ref,
                     att_ref, dst_ref, adstw_ref, msg_ref, t0_ref,
                     out_ref, den_ref):
    t = pl.program_id(0)
    w0 = w_ref[t] * _WIN
    dstc = dst_ref[0]
    iota = jax.lax.broadcasted_iota(jnp.int32, (_WIN, _ECH), 0) + w0
    O = jnp.where((iota == dstc) & (valid_ref[t] == 1), 1.0, 0.0)
    adst_e = jax.lax.dot_general(adstw_ref[...], O, (((0,), (0,)), ((), ())),
                                 preferred_element_type=jnp.float32)
    asrc_e = jax.lax.dot_general(att_ref[...], msg_ref[...],
                                 (((1,), (1,)), ((), ())),
                                 preferred_element_type=jnp.float32)
    s = asrc_e + adst_e
    e = jnp.where(s > 0, s, 0.2 * s) - t0_ref[0, 0]
    Oe = O * jnp.exp(e)

    @pl.when(firstw_ref[t] == 1)
    def _init():
        out_ref[...] = jnp.zeros_like(out_ref)
        den_ref[...] = jnp.zeros_like(den_ref)

    out_ref[...] += jnp.dot(Oe, msg_ref[...],
                            preferred_element_type=jnp.float32)
    den_ref[...] += jnp.sum(Oe, axis=1, keepdims=True)

    @pl.when(lastw_ref[t] == 1)
    def _finalize():
        out_ref[...] = out_ref[...] / (den_ref[...] + 1e-16)


def _pma1_chunk_kernel(gid_ref, cid_ref, first_ref, last_ref, valid_ref,
                       xc_ref, b_ref, wk_ref, wv_ref, qh_ref,
                       out_ref, acc_ref, den_ref, *, nheads, dh):
    t = pl.program_id(0)
    g = gid_ref[t]
    inv = 1.0 / float(np.sqrt(dh))
    xb = xc_ref[...]
    kh = jnp.dot(xb, wk_ref[...], preferred_element_type=jnp.float32)
    vh = jnp.dot(xb, wv_ref[...], preferred_element_type=jnp.float32)
    bvals = b_ref[0]
    maskf = jnp.where((bvals == g) & (valid_ref[t] == 1), 1.0, 0.0)

    @pl.when(first_ref[t] == 1)
    def _init():
        acc_ref[...] = jnp.zeros_like(acc_ref)
        den_ref[...] = jnp.zeros_like(den_ref)

    for h in range(nheads):
        sl = slice(h * dh, (h + 1) * dh)
        qhh = qh_ref[h]
        logits = jax.lax.dot_general(
            qhh, kh[:, sl], (((1,), (1,)), ((), ())),
            preferred_element_type=jnp.float32) * inv
        p = jnp.exp(logits) * maskf
        den_ref[:, h:h + 1] += jnp.sum(p, axis=1, keepdims=True)
        acc_ref[:, sl] += jnp.dot(p, vh[:, sl],
                                  preferred_element_type=jnp.float32)

    @pl.when(last_ref[t] == 1)
    def _finalize():
        for h in range(nheads):
            sl = slice(h * dh, (h + 1) * dh)
            d = den_ref[:, h:h + 1]
            safe = jnp.where(d > 0, d, 1.0)
            out_ref[0, :, sl] = acc_ref[:, sl] / safe * jnp.where(d > 0, 1.0, 0.0)


def _heads_attn(Q, Kv, wq, wk, wv, wo, nheads):
    c = Q.shape[-1]
    dh = c // nheads
    inv = 1.0 / float(np.sqrt(dh))
    q = jnp.dot(Q, wq, preferred_element_type=jnp.float32)
    k = jnp.dot(Kv, wk, preferred_element_type=jnp.float32)
    v = jnp.dot(Kv, wv, preferred_element_type=jnp.float32)
    outs = []
    for h in range(nheads):
        sl = slice(h * dh, (h + 1) * dh)
        lg = jax.lax.dot_general(q[:, sl], k[:, sl],
                                 (((1,), (1,)), ((), ())),
                                 preferred_element_type=jnp.float32) * inv
        lg = lg - jnp.max(lg, axis=-1, keepdims=True)
        p = jnp.exp(lg)
        p = p / jnp.sum(p, axis=-1, keepdims=True)
        outs.append(jnp.dot(p, v[:, sl], preferred_element_type=jnp.float32))
    o = jnp.concatenate(outs, axis=-1)
    return jnp.dot(o, wo, preferred_element_type=jnp.float32)


def _tail_kernel(o_ref, seed1_ref, wo0_ref, wq_ref, wk_ref, wv_ref, wo_ref,
                 ffw_ref, ffb_ref, seed2_ref, fc1w_ref, fc1b_ref,
                 fc2w_ref, fc2b_ref, out_ref, *, nheads):
    o = jnp.dot(o_ref[0], wo0_ref[...], preferred_element_type=jnp.float32)
    H = seed1_ref[...] + o
    H1 = H + jax.nn.relu(
        jnp.dot(H, ffw_ref[0], preferred_element_type=jnp.float32)
        + ffb_ref[0:1, :])

    o2 = _heads_attn(H1, H1, wq_ref[1], wk_ref[1], wv_ref[1], wo_ref[1],
                     nheads)
    H2a = H1 + o2
    H2 = H2a + jax.nn.relu(
        jnp.dot(H2a, ffw_ref[1], preferred_element_type=jnp.float32)
        + ffb_ref[1:2, :])

    o3 = _heads_attn(seed2_ref[...], H2, wq_ref[2], wk_ref[2], wv_ref[2],
                     wo_ref[2], nheads)
    H3a = seed2_ref[...] + o3
    P = H3a + jax.nn.relu(
        jnp.dot(H3a, ffw_ref[2], preferred_element_type=jnp.float32)
        + ffb_ref[2:3, :])

    z = jax.nn.relu(jnp.dot(P, fc1w_ref[...],
                            preferred_element_type=jnp.float32)
                    + fc1b_ref[0:1, :])
    z = jax.nn.relu(jnp.dot(z, fc2w_ref[...],
                            preferred_element_type=jnp.float32)
                    + fc2b_ref[0:1, :])
    out_ref[0] = z


def _forward(x, edge_index, batch, ln1_W, ln1_b, gat_W, gat_att_src,
             gat_att_dst, gat_b, ln_gamma, ln_beta, gn_weight, gn_bias,
             gn_mean_scale, pma1_seed, mab_Wq, mab_Wk, mab_Wv, mab_Wo,
             mab_ff_W, mab_ff_b, pma2_seed, fc1_W, fc1_b, fc2_W, fc2_b,
             num_graphs):
    N = x.shape[0]
    L, DIM, _ = gat_W.shape
    K, C = pma1_seed.shape
    B = num_graphs
    dh = C // _HEADS
    src = edge_index[0]
    dst = edge_index[1]

    counts = jax.ops.segment_sum(jnp.ones((N,), jnp.float32), batch,
                                 num_segments=B)

    E = src.shape[0]
    order = jnp.argsort(dst)
    src_s = src[order]
    dst_s = dst[order]
    NE = (E + _ECH - 1) // _ECH
    EPAD = NE * _ECH
    NWIN = (N + _WIN - 1) // _WIN
    NPADW = NWIN * _WIN
    dst3 = jnp.pad(dst_s, (0, EPAD - E),
                   constant_values=NPADW).reshape(NE, 1, _ECH)
    wb = jnp.arange(NWIN)
    es = jnp.searchsorted(dst_s, wb * _WIN)
    ee = jnp.searchsorted(dst_s, (wb + 1) * _WIN)
    has = ee > es
    c1 = jnp.where(has, es // _ECH, 0)
    c2 = jnp.where(has, (ee - 1) // _ECH, 0)
    cumw = jnp.concatenate([jnp.zeros((1,), jnp.int32),
                            jnp.cumsum(c2 - c1 + 1).astype(jnp.int32)])
    TP = NWIN + NE
    tp = jnp.arange(TP)
    w_t = jnp.clip(jnp.searchsorted(cumw, tp, side='right') - 1, 0, NWIN - 1)
    c_t = jnp.clip(c1[w_t] + (tp - cumw[w_t]), 0, NE - 1).astype(jnp.int32)
    validp = (tp < cumw[NWIN]).astype(jnp.int32)
    firstw = ((tp == cumw[w_t]) & (validp == 1)).astype(jnp.int32)
    lastw = ((tp == cumw[w_t + 1] - 1) & (validp == 1)).astype(jnp.int32)
    w_t = w_t.astype(jnp.int32)

    edge_grid = pltpu.PrefetchScalarGridSpec(
        num_scalar_prefetch=5,
        grid=(TP,),
        in_specs=[
            pl.BlockSpec((1, 64), lambda i, w, c, f, l, v: (0, 0)),
            pl.BlockSpec((1, 1, _ECH),
                         lambda i, w, c, f, l, v: (c[i], 0, 0)),
            pl.BlockSpec((_WIN, 1), lambda i, w, c, f, l, v: (w[i], 0)),
            pl.BlockSpec((_ECH, 64), lambda i, w, c, f, l, v: (c[i], 0)),
            pl.BlockSpec((1, 1), lambda i, w, c, f, l, v: (0, 0)),
        ],
        out_specs=pl.BlockSpec((_WIN, 64),
                               lambda i, w, c, f, l, v: (w[i], 0)),
        scratch_shapes=[pltpu.VMEM((_WIN, 1), jnp.float32)],
    )

    h = x @ ln1_W + ln1_b
    hidden = []
    for i in range(L):
        hp = h @ gat_W[i]
        asrc_n = (hp * gat_att_src[i]).sum(-1)
        adst_n = (hp * gat_att_dst[i]).sum(-1)
        t0 = jnp.max(asrc_n) + jnp.max(adst_n)
        t0 = jnp.where(t0 > 0, t0, 0.2 * t0).reshape(1, 1)
        adstw = jnp.pad(adst_n, (0, NPADW - N)).reshape(NPADW, 1)
        msgp = jnp.pad(hp[src_s], ((0, EPAD - E), (0, 0)))
        attv = gat_att_src[i].reshape(1, 64)
        hagg = pl.pallas_call(
            _edge_agg_kernel,
            grid_spec=edge_grid,
            out_shape=jax.ShapeDtypeStruct((NPADW, 64), jnp.float32),
        )(w_t, c_t, firstw, lastw, validp, attv, dst3, adstw, msgp, t0)
        h = jax.nn.relu(hagg[:N] + gat_b[i])
        mu = jnp.mean(h, axis=-1, keepdims=True)
        var = jnp.mean((h - mu) ** 2, axis=-1, keepdims=True)
        h = (h - mu) / jnp.sqrt(var + 1e-5) * ln_gamma[i] + ln_beta[i]
        gmean = jax.ops.segment_sum(h, batch, num_segments=B) / counts[:, None]
        hc = h - gmean[batch] * gn_mean_scale[i]
        gvar = jax.ops.segment_sum(hc * hc, batch,
                                   num_segments=B) / counts[:, None]
        h = gn_weight[i] * hc / jnp.sqrt(gvar[batch] + 1e-5) + gn_bias[i]
        hidden.append(h)
    xc = jnp.concatenate(hidden, axis=-1)

    NC = (N + _CHUNK - 1) // _CHUNK
    NPAD = NC * _CHUNK
    xc_pad = jnp.pad(xc, ((0, NPAD - N), (0, 0)))
    batch_pad = jnp.pad(batch, (0, NPAD - N),
                        constant_values=B).reshape(NC, 1, _CHUNK)

    gidx = jnp.arange(B)
    starts = jnp.searchsorted(batch, gidx)
    ends = jnp.searchsorted(batch, gidx, side='right')
    n_g = ends - starts
    first_c = jnp.clip(starts // _CHUNK, 0, NC - 1)
    last_c = jnp.where(n_g > 0, jnp.clip((ends - 1) // _CHUNK, 0, NC - 1),
                       first_c)
    cnt = last_c - first_c + 1
    cum = jnp.concatenate([jnp.zeros((1,), jnp.int32),
                           jnp.cumsum(cnt).astype(jnp.int32)])
    TMAX = NC + B
    t = jnp.arange(TMAX)
    g_of_t = jnp.clip(jnp.searchsorted(cum, t, side='right') - 1, 0, B - 1)
    chunk_t = jnp.clip(first_c[g_of_t] + (t - cum[g_of_t]), 0, NC - 1)
    valid_t = (t < cum[B]).astype(jnp.int32)
    first_t = ((t == cum[g_of_t]) & (valid_t == 1)).astype(jnp.int32)
    last_t = ((t == cum[g_of_t + 1] - 1) & (valid_t == 1)).astype(jnp.int32)
    g_of_t = g_of_t.astype(jnp.int32)
    chunk_t = chunk_t.astype(jnp.int32)

    qh = (pma1_seed @ mab_Wq[0]).reshape(K, _HEADS, dh).transpose(1, 0, 2)

    grid_spec = pltpu.PrefetchScalarGridSpec(
        num_scalar_prefetch=5,
        grid=(TMAX,),
        in_specs=[
            pl.BlockSpec((_CHUNK, C),
                         lambda i, gid, cid, fi, la, va: (cid[i], 0)),
            pl.BlockSpec((1, 1, _CHUNK),
                         lambda i, gid, cid, fi, la, va: (cid[i], 0, 0)),
            pl.BlockSpec((C, C), lambda i, *_: (0, 0)),
            pl.BlockSpec((C, C), lambda i, *_: (0, 0)),
            pl.BlockSpec((_HEADS, K, dh), lambda i, *_: (0, 0, 0)),
        ],
        out_specs=pl.BlockSpec((1, K, C),
                               lambda i, gid, *_: (gid[i], 0, 0)),
        scratch_shapes=[pltpu.VMEM((K, C), jnp.float32),
                        pltpu.VMEM((K, _HEADS), jnp.float32)],
    )
    o_raw = pl.pallas_call(
        functools.partial(_pma1_chunk_kernel, nheads=_HEADS, dh=dh),
        grid_spec=grid_spec,
        out_shape=jax.ShapeDtypeStruct((B, K, C), jnp.float32),
    )(g_of_t, chunk_t, first_t, last_t, valid_t,
      xc_pad, batch_pad, mab_Wk[0], mab_Wv[0], qh)

    out_dim = fc2_W.shape[1]
    z = pl.pallas_call(
        functools.partial(_tail_kernel, nheads=_HEADS),
        grid=(B,),
        in_specs=[
            pl.BlockSpec((1, K, C), lambda b: (b, 0, 0)),
            pl.BlockSpec((K, C), lambda b: (0, 0)),
            pl.BlockSpec((C, C), lambda b: (0, 0)),
            pl.BlockSpec((3, C, C), lambda b: (0, 0, 0)),
            pl.BlockSpec((3, C, C), lambda b: (0, 0, 0)),
            pl.BlockSpec((3, C, C), lambda b: (0, 0, 0)),
            pl.BlockSpec((3, C, C), lambda b: (0, 0, 0)),
            pl.BlockSpec((3, C, C), lambda b: (0, 0, 0)),
            pl.BlockSpec((3, C), lambda b: (0, 0)),
            pl.BlockSpec((1, C), lambda b: (0, 0)),
            pl.BlockSpec(fc1_W.shape, lambda b: (0, 0)),
            pl.BlockSpec((1, fc1_b.shape[0]), lambda b: (0, 0)),
            pl.BlockSpec(fc2_W.shape, lambda b: (0, 0)),
            pl.BlockSpec((1, fc2_b.shape[0]), lambda b: (0, 0)),
        ],
        out_specs=pl.BlockSpec((1, 1, out_dim), lambda b: (b, 0, 0)),
        out_shape=jax.ShapeDtypeStruct((B, 1, out_dim), jnp.float32),
    )(o_raw, pma1_seed, mab_Wo[0], mab_Wq, mab_Wk, mab_Wv, mab_Wo,
      mab_ff_W, mab_ff_b, pma2_seed, fc1_W, fc1_b.reshape(1, -1),
      fc2_W, fc2_b.reshape(1, -1))
    return z.reshape(B, out_dim)


def kernel(x, edge_index, batch, ln1_W, ln1_b, gat_W, gat_att_src,
           gat_att_dst, gat_b, ln_gamma, ln_beta, gn_weight, gn_bias,
           gn_mean_scale, pma1_seed, mab_Wq, mab_Wk, mab_Wv, mab_Wo,
           mab_ff_W, mab_ff_b, pma2_seed, fc1_W, fc1_b, fc2_W, fc2_b):
    return _forward(x, edge_index, batch, ln1_W, ln1_b, gat_W, gat_att_src,
                    gat_att_dst, gat_b, ln_gamma, ln_beta, gn_weight,
                    gn_bias, gn_mean_scale, pma1_seed, mab_Wq, mab_Wk,
                    mab_Wv, mab_Wo, mab_ff_W, mab_ff_b, pma2_seed,
                    fc1_W, fc1_b, fc2_W, fc2_b, num_graphs=100)

# --- scband reference (transcript-rebuilt; emitter-appended) ---
"""Pipeline reference for scband-gnn-cell-view-predifine-17205638988668 (READ-ONLY COPY).

The authoritative reference and input builder live on the scoring server;
editing this copy changes nothing except your own understanding.
"""

import jax, jax.numpy as jnp
import numpy as np

N = 50000
E = 800000
B = 100
L = 3
DIM = 64
C = DIM * L
K_SEEDS = 30
HEADS = 4


def setup_inputs(seed: int = 0):
    key = jax.random.key(seed)
    ks = jax.random.split(key, 20)
    s = 0.05
    inp = {}
    inp['x'] = jax.random.normal(ks[0], (N, 1), jnp.float32)
    inp['edge_index'] = jax.random.randint(ks[1], (2, E), 0, N, dtype=jnp.int32)
    inp['batch'] = jnp.sort(jax.random.randint(ks[2], (N,), 0, B, dtype=jnp.int32))
    inp['ln1_W'] = jax.random.normal(ks[3], (1, DIM)) * s
    inp['ln1_b'] = jnp.zeros((DIM,))
    inp['gat_W'] = jax.random.normal(ks[4], (L, DIM, DIM)) * s
    inp['gat_att_src'] = jax.random.normal(ks[5], (L, DIM)) * s
    inp['gat_att_dst'] = jax.random.normal(ks[6], (L, DIM)) * s
    inp['gat_b'] = jnp.zeros((L, DIM))
    inp['ln_gamma'] = jnp.ones((L, DIM))
    inp['ln_beta'] = jnp.zeros((L, DIM))
    inp['gn_weight'] = jnp.ones((L, DIM))
    inp['gn_bias'] = jnp.zeros((L, DIM))
    inp['gn_mean_scale'] = jnp.ones((L, DIM))
    inp['pma1_seed'] = jax.random.normal(ks[7], (K_SEEDS, C)) * s
    inp['mab_Wq'] = jax.random.normal(ks[8], (3, C, C)) * s
    inp['mab_Wk'] = jax.random.normal(ks[9], (3, C, C)) * s
    inp['mab_Wv'] = jax.random.normal(ks[10], (3, C, C)) * s
    inp['mab_Wo'] = jax.random.normal(ks[11], (3, C, C)) * s
    inp['mab_ff_W'] = jax.random.normal(ks[12], (3, C, C)) * s
    inp['mab_ff_b'] = jnp.zeros((3, C))
    inp['pma2_seed'] = jax.random.normal(ks[13], (1, C)) * s
    inp['fc1_W'] = jax.random.normal(ks[14], (C, 1024)) * s
    inp['fc1_b'] = jnp.zeros((1024,))
    inp['fc2_W'] = jax.random.normal(ks[15], (1024, 256)) * s
    inp['fc2_b'] = jnp.zeros((256,))
    return inp


def _mab(Q, Kv, mask_k, Wq, Wk, Wv, Wo, ffW, ffb):
    b, q, c = Q.shape
    n = Kv.shape[1]
    dh = c // HEADS
    Qh = (Q @ Wq).reshape(b, q, HEADS, dh).transpose(0, 2, 1, 3)
    Kh = (Kv @ Wk).reshape(b, n, HEADS, dh).transpose(0, 2, 1, 3)
    Vh = (Kv @ Wv).reshape(b, n, HEADS, dh).transpose(0, 2, 1, 3)
    logits = (Qh @ Kh.transpose(0, 1, 3, 2)) / float(np.sqrt(dh))
    if mask_k is not None:
        logits = jnp.where(mask_k[:, None, None, :], logits, -1e9)
    attn = jax.nn.softmax(logits, axis=-1)
    o = (attn @ Vh).transpose(0, 2, 1, 3).reshape(b, q, c) @ Wo
    H = Q + o
    return H + jax.nn.relu(H @ ffW + ffb)


def reference(x, edge_index, batch, ln1_W, ln1_b, gat_W, gat_att_src, gat_att_dst, gat_b, ln_gamma, ln_beta, gn_weight, gn_bias, gn_mean_scale, pma1_seed, mab_Wq, mab_Wk, mab_Wv, mab_Wo, mab_ff_W, mab_ff_b, pma2_seed, fc1_W, fc1_b, fc2_W, fc2_b):
    src = edge_index[0]
    dst = edge_index[1]
    counts = jax.ops.segment_sum(jnp.ones((N,), jnp.float32), batch, num_segments=B)
    h = x @ ln1_W + ln1_b
    hidden = []
    for i in range(L):
        hp = h @ gat_W[i]
        e = (hp * gat_att_src[i]).sum(-1)[src] + (hp * gat_att_dst[i]).sum(-1)[dst]
        e = jnp.where(e > 0, e, 0.2 * e)
        m = jax.ops.segment_max(e, dst, num_segments=N)
        m = jax.lax.stop_gradient(jnp.where(jnp.isfinite(m), m, 0.0))
        ex = jnp.exp(e - m[dst])
        den = jax.ops.segment_sum(ex, dst, num_segments=N)
        alpha = ex / (den[dst] + 1e-16)
        h = jax.ops.segment_sum(hp[src] * alpha[:, None], dst, num_segments=N) + gat_b[i]
        h = jax.nn.relu(h)
        mu = jnp.mean(h, axis=-1, keepdims=True)
        var = jnp.mean((h - mu) ** 2, axis=-1, keepdims=True)
        h = (h - mu) / jnp.sqrt(var + 1e-5) * ln_gamma[i] + ln_beta[i]
        gmean = jax.ops.segment_sum(h, batch, num_segments=B) / counts[:, None]
        hc = h - gmean[batch] * gn_mean_scale[i]
        gvar = jax.ops.segment_sum(hc * hc, batch, num_segments=B) / counts[:, None]
        h = gn_weight[i] * hc / jnp.sqrt(gvar[batch] + 1e-5) + gn_bias[i]
        hidden.append(h)
    xc = jnp.concatenate(hidden, axis=-1)
    starts = jnp.searchsorted(batch, jnp.arange(B))
    pos = jnp.arange(N) - starts[batch]
    max_nodes = batch.shape[0]
    dense = jnp.zeros((B, max_nodes, C), jnp.float32).at[batch, pos].set(xc)
    mask = jnp.zeros((B, max_nodes), dtype=bool).at[batch, pos].set(True)
    H1 = _mab(jnp.broadcast_to(pma1_seed, (B, K_SEEDS, C)), dense, mask, mab_Wq[0], mab_Wk[0], mab_Wv[0], mab_Wo[0], mab_ff_W[0], mab_ff_b[0])
    H2 = _mab(H1, H1, None, mab_Wq[1], mab_Wk[1], mab_Wv[1], mab_Wo[1], mab_ff_W[1], mab_ff_b[1])
    P = _mab(jnp.broadcast_to(pma2_seed, (B, 1, C)), H2, None, mab_Wq[2], mab_Wk[2], mab_Wv[2], mab_Wo[2], mab_ff_W[2], mab_ff_b[2])
    node_rep = P[:, 0, :]
    z = jax.nn.relu(node_rep @ fc1_W + fc1_b)
    z = jax.nn.relu(z @ fc2_W + fc2_b)
    return z

if __name__ == "__main__":
    import jax
    _d = setup_inputs()
    print(jax.jit(kernel)(*tuple(_d.values())))

</pallas_src>

<mosaic_0001>
module attributes {stable_mosaic.version = 14 : i64} {
  func.func @_edge_agg_kernel(%arg0: i32, %arg1: memref<587xi32, #tpu.memory_space<smem>>, %arg2: memref<587xi32, #tpu.memory_space<smem>>, %arg3: memref<587xi32, #tpu.memory_space<smem>>, %arg4: memref<587xi32, #tpu.memory_space<smem>>, %arg5: memref<587xi32, #tpu.memory_space<smem>>, %arg6: memref<1x64xf32, #tpu.memory_space<vmem>>, %arg7: memref<1x1x2048xi32, #tpu.memory_space<vmem>>, %arg8: memref<256x1xf32, #tpu.memory_space<vmem>>, %arg9: memref<2048x64xf32, #tpu.memory_space<vmem>>, %arg10: memref<1x1xf32, #tpu.memory_space<vmem>>, %arg11: memref<256x64xf32, #tpu.memory_space<vmem>>, %arg12: memref<256x1xf32, #tpu.memory_space<vmem>>) attributes {dimension_semantics = [#tpu.dimension_semantics<arbitrary>], iteration_bounds = array<i64: 587>, scalar_prefetch = 5 : i64, scratch_operands = 1 : i64, tpu.core_type = #tpu.core_type<tc>, window_params = [{pipeline_mode = #tpu.pipeline_mode<synchronous>, transform_indices = @transform_0, window_bounds = array<i64: 1, 64>}, {transform_indices = @transform_1, window_bounds = array<i64: 1, 1, 2048>}, {transform_indices = @transform_2, window_bounds = array<i64: 256, 1>}, {transform_indices = @transform_3, window_bounds = array<i64: 2048, 64>}, {pipeline_mode = #tpu.pipeline_mode<synchronous>, transform_indices = @transform_4, window_bounds = array<i64: 1, 1>}, {transform_indices = @transform_5, window_bounds = array<i64: 256, 64>}]} {
    %get3A = arith.index_cast %arg0 : i32 to index
    %get3A_0 = memref.load %arg1[%get3A] : memref<587xi32, #tpu.memory_space<smem>>
    %mul3A = arith.constant 256 : i32
    %mul3A_1 = arith.muli %get3A_0, %mul3A : i32
    %get3A_2 = arith.constant 0 : index
    %get3A_3 = arith.constant 0 : index
    %get3A_4 = arith.constant 0 : index
    %get3A_5 = vector.load %arg7[%get3A_2, %get3A_3, %get3A_4] : memref<1x1x2048xi32, #tpu.memory_space<vmem>>, vector<1x1x2048xi32>
    %get3A_6 = vector.shape_cast %get3A_5 : vector<1x1x2048xi32> to vector<1x2048xi32>
    %iota3A = tpu.iota {dimensions = array<i32: 0>} : vector<256x2048xi32>
    %add3A = vector.broadcast %mul3A_1 : i32 to vector<256x2048xi32>
    %add3A_7 = arith.addi %iota3A, %add3A : vector<256x2048xi32>
    %eq3A = vector.broadcast %get3A_6 : vector<1x2048xi32> to vector<256x2048xi32>
    %eq3A_8 = arith.cmpi eq, %add3A_7, %eq3A : vector<256x2048xi32>
    %get3A_9 = arith.index_cast %arg0 : i32 to index
    %get3A_10 = memref.load %arg5[%get3A_9] : memref<587xi32, #tpu.memory_space<smem>>
    %eq3A_11 = arith.constant 1 : i32
    %eq3A_12 = arith.cmpi eq, %get3A_10, %eq3A_11 : i32
    %and3A = vector.broadcast %eq3A_12 : i1 to vector<256x2048xi1>
    %and3A_13 = arith.andi %eq3A_8, %and3A : vector<256x2048xi1>
    %jit3A = arith.constant 1.000000e+00 : f32
    %jit3A_14 = arith.constant 0.000000e+00 : f32
    %broadcast_in_dim3A = vector.broadcast %jit3A : f32 to vector<256x2048xf32>
    %broadcast_in_dim3A_15 = vector.broadcast %jit3A_14 : f32 to vector<256x2048xf32>
    %select_n3A = arith.select %and3A_13, %broadcast_in_dim3A, %broadcast_in_dim3A_15 : vector<256x2048xi1>, vector<256x2048xf32>
    %get3A_16 = arith.constant 0 : index
    %get3A_17 = arith.constant 0 : index
    %get3A_18 = vector.load %arg8[%get3A_16, %get3A_17] : memref<256x1xf32, #tpu.memory_space<vmem>>, vector<256x1xf32>
    %dot_general3A = arith.constant dense<0.000000e+00> : vector<1x2048xf32>
    %dot_general3A_19 = tpu.matmul %get3A_18, %select_n3A, %dot_general3A {dimension_numbers = #tpu.dot_dimension_numbers<[0], [0], [1], [1], [0, 1, 1, 1], [], []>, transpose_lhs_hint = false} : vector<256x1xf32>, vector<256x2048xf32>, vector<1x2048xf32> -> vector<1x2048xf32>
    %get3A_20 = arith.constant 0 : index
    %get3A_21 = arith.constant 0 : index
    %get3A_22 = vector.load %arg6[%get3A_20, %get3A_21] : memref<1x64xf32, #tpu.memory_space<vmem>>, vector<1x64xf32>
    %get3A_23 = arith.constant 0 : index
    %get3A_24 = arith.constant 0 : index
    %get3A_25 = vector.load %arg9[%get3A_23, %get3A_24] : memref<2048x64xf32, #tpu.memory_space<vmem>>, vector<2048x64xf32>
    %dot_general3A_26 = arith.constant dense<0.000000e+00> : vector<1x2048xf32>
    %dot_general3A_27 = tpu.matmul %get3A_22, %get3A_25, %dot_general3A_26 {dimension_numbers = #tpu.dot_dimension_numbers<[1], [1], [0], [0], [0, 0, 1, 0], [], []>, transpose_lhs_hint = false} : vector<1x64xf32>, vector<2048x64xf32>, vector<1x2048xf32> -> vector<1x2048xf32>
    %add3A_28 = arith.addf %dot_general3A_27, %dot_general3A_19 : vector<1x2048xf32>
    %gt3A = arith.constant 0.000000e+00 : f32
    %gt3A_29 = vector.broadcast %gt3A : f32 to vector<1x2048xf32>
    %gt3A_30 = arith.cmpf ogt, %add3A_28, %gt3A_29 : vector<1x2048xf32>
    %mul3A_31 = arith.constant 2.000000e-01 : f32
    %mul3A_32 = vector.broadcast %mul3A_31 : f32 to vector<1x2048xf32>
    %mul3A_33 = arith.mulf %mul3A_32, %add3A_28 : vector<1x2048xf32>
    %select_n3A_34 = arith.select %gt3A_30, %add3A_28, %mul3A_33 : vector<1x2048xi1>, vector<1x2048xf32>
    %get3A_35 = arith.constant 0 : index
    %get3A_36 = arith.constant 0 : index
    %get3A_37 = vector.load %arg10[%get3A_35, %get3A_36] : memref<1x1xf32, #tpu.memory_space<vmem>>, vector<1x1xf32>
    %get3A_38 = vector.extract %get3A_37[0, 0] : f32 from vector<1x1xf32>
    %sub3A = vector.broadcast %get3A_38 : f32 to vector<1x2048xf32>
    %sub3A_39 = arith.subf %select_n3A_34, %sub3A : vector<1x2048xf32>
    %exp3A = math.exp %sub3A_39 : vector<1x2048xf32>
    %mul3A_40 = vector.broadcast %exp3A : vector<1x2048xf32> to vector<256x2048xf32>
    %mul3A_41 = arith.mulf %select_n3A, %mul3A_40 : vector<256x2048xf32>
    %get3A_42 = arith.index_cast %arg0 : i32 to index
    %get3A_43 = memref.load %arg3[%get3A_42] : memref<587xi32, #tpu.memory_space<smem>>
    %eq3A_44 = arith.constant 1 : i32
    %eq3A_45 = arith.cmpi eq, %get3A_43, %eq3A_44 : i32
    %convert_element_type3A = arith.extui %eq3A_45 : i1 to i32
    %cond3A = arith.constant 0 : i32
    %cond3A_46 = arith.cmpi ne, %convert_element_type3A, %cond3A : i32
    scf.if %cond3A_46 {
      %broadcast_in_dim3A_74 = arith.constant 0.000000e+00 : f32
      %broadcast_in_dim3A_75 = vector.broadcast %broadcast_in_dim3A_74 : f32 to vector<256x64xf32>
      %swap3A_76 = arith.constant 0 : index
      %swap3A_77 = arith.constant 0 : index
      %swap3A_78 = vector.load %arg11[%swap3A_76, %swap3A_77] : memref<256x64xf32, #tpu.memory_space<vmem>>, vector<256x64xf32>
      tpu.vector_store %arg11[%swap3A_76, %swap3A_77], %broadcast_in_dim3A_75 {strides = array<i32>} : memref<256x64xf32, #tpu.memory_space<vmem>>, vector<256x64xf32>,
      %broadcast_in_dim3A_79 = arith.constant 0.000000e+00 : f32
      %broadcast_in_dim3A_80 = vector.broadcast %broadcast_in_dim3A_79 : f32 to vector<256x1xf32>
      %swap3A_81 = arith.constant 0 : index
      %swap3A_82 = arith.constant 0 : index
      %swap3A_83 = vector.load %arg12[%swap3A_81, %swap3A_82] : memref<256x1xf32, #tpu.memory_space<vmem>>, vector<256x1xf32>
      tpu.vector_store %arg12[%swap3A_81, %swap3A_82], %broadcast_in_dim3A_80 {strides = array<i32>} : memref<256x1xf32, #tpu.memory_space<vmem>>, vector<256x1xf32>,
    } else {
    }
    %get3A_47 = arith.constant 0 : index
    %get3A_48 = arith.constant 0 : index
    %get3A_49 = vector.load %arg11[%get3A_47, %get3A_48] : memref<256x64xf32, #tpu.memory_space<vmem>>, vector<256x64xf32>
    %get3A_50 = arith.constant 0 : index
    %get3A_51 = arith.constant 0 : index
    %get3A_52 = vector.load %arg9[%get3A_50, %get3A_51] : memref<2048x64xf32, #tpu.memory_space<vmem>>, vector<2048x64xf32>
    %dot_general3A_53 = arith.constant dense<0.000000e+00> : vector<256x64xf32>
    %dot_general3A_54 = tpu.matmul %mul3A_41, %get3A_52, %dot_general3A_53 {dimension_numbers = #tpu.dot_dimension_numbers<[1], [0], [0], [1], [0, 0, 1, 1], [], []>, transpose_lhs_hint = false} : vector<256x2048xf32>, vector<2048x64xf32>, vector<256x64xf32> -> vector<256x64xf32>
    %add3A_55 = arith.addf %get3A_49, %dot_general3A_54 : vector<256x64xf32>
    %swap3A = arith.constant 0 : index
    %swap3A_56 = arith.constant 0 : index
    %swap3A_57 = vector.load %arg11[%swap3A, %swap3A_56] : memref<256x64xf32, #tpu.memory_space<vmem>>, vector<256x64xf32>
    tpu.vector_store %arg11[%swap3A, %swap3A_56], %add3A_55 {strides = array<i32>} : memref<256x64xf32, #tpu.memory_space<vmem>>, vector<256x64xf32>,
    %get3A_58 = arith.constant 0 : index
    %get3A_59 = arith.constant 0 : index
    %get3A_60 = vector.load %arg12[%get3A_58, %get3A_59] : memref<256x1xf32, #tpu.memory_space<vmem>>, vector<256x1xf32>
    %reduce_sum3A = arith.constant dense<0.000000e+00> : vector<256xf32>
    %reduce_sum3A_61 = vector.multi_reduction <add>, %mul3A_41, %reduce_sum3A [1] : vector<256x2048xf32> to vector<256xf32>
    %broadcast_in_dim3A_62 = vector.shape_cast %reduce_sum3A_61 : vector<256xf32> to vector<256x1xf32>
    %add3A_63 = arith.addf %get3A_60, %broadcast_in_dim3A_62 : vector<256x1xf32>
    %swap3A_64 = arith.constant 0 : index
    %swap3A_65 = arith.constant 0 : index
    %swap3A_66 = vector.load %arg12[%swap3A_64, %swap3A_65] : memref<256x1xf32, #tpu.memory_space<vmem>>, vector<256x1xf32>
    tpu.vector_store %arg12[%swap3A_64, %swap3A_65], %add3A_63 {strides = array<i32>} : memref<256x1xf32, #tpu.memory_space<vmem>>, vector<256x1xf32>,
    %get3A_67 = arith.index_cast %arg0 : i32 to index
    %get3A_68 = memref.load %arg4[%get3A_67] : memref<587xi32, #tpu.memory_space<smem>>
    %eq3A_69 = arith.constant 1 : i32
    %eq3A_70 = arith.cmpi eq, %get3A_68, %eq3A_69 : i32
    %convert_element_type3A_71 = arith.extui %eq3A_70 : i1 to i32
    %cond3A_72 = arith.constant 0 : i32
    %cond3A_73 = arith.cmpi ne, %convert_element_type3A_71, %cond3A_72 : i32
    scf.if %cond3A_73 {
      %get3A_74 = arith.constant 0 : index
      %get3A_75 = arith.constant 0 : index
      %get3A_76 = vector.load %arg11[%get3A_74, %get3A_75] : memref<256x64xf32, #tpu.memory_space<vmem>>, vector<256x64xf32>
      %get3A_77 = arith.constant 0 : index
      %get3A_78 = arith.constant 0 : index
      %get3A_79 = vector.load %arg12[%get3A_77, %get3A_78] : memref<256x1xf32, #tpu.memory_space<vmem>>, vector<256x1xf32>
      %add3A_80 = arith.constant 1.000000e-16 : f32
      %add3A_81 = vector.broadcast %add3A_80 : f32 to vector<256x1xf32>
      %add3A_82 = arith.addf %get3A_79, %add3A_81 : vector<256x1xf32>
      %div3A = vector.broadcast %add3A_82 : vector<256x1xf32> to vector<256x64xf32>
      %div3A_83 = arith.divf %get3A_76, %div3A : vector<256x64xf32>
      %swap3A_84 = arith.constant 0 : index
      %swap3A_85 = arith.constant 0 : index
      %swap3A_86 = vector.load %arg11[%swap3A_84, %swap3A_85] : memref<256x64xf32, #tpu.memory_space<vmem>>, vector<256x64xf32>
      tpu.vector_store %arg11[%swap3A_84, %swap3A_85], %div3A_83 {strides = array<i32>} : memref<256x64xf32, #tpu.memory_space<vmem>>, vector<256x64xf32>,
    } else {
    }
    return
  }
  func.func @transform_0(%arg0: i32, %arg1: memref<587xi32, #tpu.memory_space<smem>>, %arg2: memref<587xi32, #tpu.memory_space<smem>>, %arg3: memref<587xi32, #tpu.memory_space<smem>>, %arg4: memref<587xi32, #tpu.memory_space<smem>>, %arg5: memref<587xi32, #tpu.memory_space<smem>>) -> (i32, i32) {
    %c0_i32 = arith.constant 0 : i32
    %c0_i32_0 = arith.constant 0 : i32
    %c0_i32_1 = arith.constant 0 : i32
    return %c0_i32, %c0_i32_0 : i32, i32
  }
  func.func @transform_1(%arg0: i32, %arg1: memref<587xi32, #tpu.memory_space<smem>>, %arg2: memref<587xi32, #tpu.memory_space<smem>>, %arg3: memref<587xi32, #tpu.memory_space<smem>>, %arg4: memref<587xi32, #tpu.memory_space<smem>>, %arg5: memref<587xi32, #tpu.memory_space<smem>>) -> (i32, i32, i32) {
    %get3A = arith.index_cast %arg0 : i32 to index
    %get3A_0 = memref.load %arg2[%get3A] : memref<587xi32, #tpu.memory_space<smem>>
    %c0_i32 = arith.constant 0 : i32
    %c0_i32_1 = arith.constant 0 : i32
    %c0_i32_2 = arith.constant 0 : i32
    return %get3A_0, %c0_i32, %c0_i32_1 : i32, i32, i32
  }
  func.func @transform_2(%arg0: i32, %arg1: memref<587xi32, #tpu.memory_space<smem>>, %arg2: memref<587xi32, #tpu.memory_space<smem>>, %arg3: memref<587xi32, #tpu.memory_space<smem>>, %arg4: memref<587xi32, #tpu.memory_space<smem>>, %arg5: memref<587xi32, #tpu.memory_space<smem>>) -> (i32, i32) {
    %get3A = arith.index_cast %arg0 : i32 to index
    %get3A_0 = memref.load %arg1[%get3A] : memref<587xi32, #tpu.memory_space<smem>>
    %c0_i32 = arith.constant 0 : i32
    %c0_i32_1 = arith.constant 0 : i32
    return %get3A_0, %c0_i32 : i32, i32
  }
  func.func @transform_3(%arg0: i32, %arg1: memref<587xi32, #tpu.memory_space<smem>>, %arg2: memref<587xi32, #tpu.memory_space<smem>>, %arg3: memref<587xi32, #tpu.memory_space<smem>>, %arg4: memref<587xi32, #tpu.memory_space<smem>>, %arg5: memref<587xi32, #tpu.memory_space<smem>>) -> (i32, i32) {
    %get3A = arith.index_cast %arg0 : i32 to index
    %get3A_0 = memref.load %arg2[%get3A] : memref<587xi32, #tpu.memory_space<smem>>
    %c0_i32 = arith.constant 0 : i32
    %c0_i32_1 = arith.constant 0 : i32
    return %get3A_0, %c0_i32 : i32, i32
  }
  func.func @transform_4(%arg0: i32, %arg1: memref<587xi32, #tpu.memory_space<smem>>, %arg2: memref<587xi32, #tpu.memory_space<smem>>, %arg3: memref<587xi32, #tpu.memory_space<smem>>, %arg4: memref<587xi32, #tpu.memory_space<smem>>, %arg5: memref<587xi32, #tpu.memory_space<smem>>) -> (i32, i32) {
    %c0_i32 = arith.constant 0 : i32
    %c0_i32_0 = arith.constant 0 : i32
    %c0_i32_1 = arith.constant 0 : i32
    return %c0_i32, %c0_i32_0 : i32, i32
  }
  func.func @transform_5(%arg0: i32, %arg1: memref<587xi32, #tpu.memory_space<smem>>, %arg2: memref<587xi32, #tpu.memory_space<smem>>, %arg3: memref<587xi32, #tpu.memory_space<smem>>, %arg4: memref<587xi32, #tpu.memory_space<smem>>, %arg5: memref<587xi32, #tpu.memory_space<smem>>) -> (i32, i32) {
    %get3A = arith.index_cast %arg0 : i32 to index
    %get3A_0 = memref.load %arg1[%get3A] : memref<587xi32, #tpu.memory_space<smem>>
    %c0_i32 = arith.constant 0 : i32
    %c0_i32_1 = arith.constant 0 : i32
    return %get3A_0, %c0_i32 : i32, i32
  }
}

module attributes {stable_mosaic.version = 14 : i64} {
  func.func @_pma1_chunk_kernel(%arg0: i32, %arg1: memref<198xi32, #tpu.memory_space<smem>>, %arg2: memref<198xi32, #tpu.memory_space<smem>>, %arg3: memref<198xi32, #tpu.memory_space<smem>>, %arg4: memref<198xi32, #tpu.memory_space<smem>>, %arg5: memref<198xi32, #tpu.memory_space<smem>>, %arg6: memref<512x192xf32, #tpu.memory_space<vmem>>, %arg7: memref<1x1x512xi32, #tpu.memory_space<vmem>>, %arg8: memref<192x192xf32, #tpu.memory_space<vmem>>, %arg9: memref<192x192xf32, #tpu.memory_space<vmem>>, %arg10: memref<4x30x48xf32, #tpu.memory_space<vmem>>, %arg11: memref<1x30x192xf32, #tpu.memory_space<vmem>>, %arg12: memref<30x192xf32, #tpu.memory_space<vmem>>, %arg13: memref<30x4xf32, #tpu.memory_space<vmem>>) attributes {dimension_semantics = [#tpu.dimension_semantics<arbitrary>], iteration_bounds = array<i64: 198>, scalar_prefetch = 5 : i64, scratch_operands = 2 : i64, tpu.core_type = #tpu.core_type<tc>, window_params = [{transform_indices = @transform_0, window_bounds = array<i64: 512, 192>}, {transform_indices = @transform_1, window_bounds = array<i64: 1, 1, 512>}, {pipeline_mode = #tpu.pipeline_mode<synchronous>, transform_indices = @transform_2, window_bounds = array<i64: 192, 192>}, {pipeline_mode = #tpu.pipeline_mode<synchronous>, transform_indices = @transform_3, window_bounds = array<i64: 192, 192>}, {pipeline_mode = #tpu.pipeline_mode<synchronous>, transform_indices = @transform_4, window_bounds = array<i64: 4, 30, 48>}, {transform_indices = @transform_5, window_bounds = array<i64: 1, 30, 192>}]} {
    %get3A = arith.index_cast %arg0 : i32 to index
    %get3A_0 = memref.load %arg1[%get3A] : memref<198xi32, #tpu.memory_space<smem>>
    %get3A_1 = arith.constant 0 : index
    %get3A_2 = arith.constant 0 : index
    %get3A_3 = vector.load %arg6[%get3A_1, %get3A_2] : memref<512x192xf32, #tpu.memory_space<vmem>>, vector<512x192xf32>
    %get3A_4 = arith.constant 0 : index
    %get3A_5 = arith.constant 0 : index
    %get3A_6 = vector.load %arg8[%get3A_4, %get3A_5] : memref<192x192xf32, #tpu.memory_space<vmem>>, vector<192x192xf32>
    %dot_general3A = arith.constant dense<0.000000e+00> : vector<512x192xf32>
    %dot_general3A_7 = tpu.matmul %get3A_3, %get3A_6, %dot_general3A {dimension_numbers = #tpu.dot_dimension_numbers<[1], [0], [0], [1], [0, 0, 1, 1], [], []>, transpose_lhs_hint = false} : vector<512x192xf32>, vector<192x192xf32>, vector<512x192xf32> -> vector<512x192xf32>
    %get3A_8 = arith.constant 0 : index
    %get3A_9 = arith.constant 0 : index
    %get3A_10 = vector.load %arg9[%get3A_8, %get3A_9] : memref<192x192xf32, #tpu.memory_space<vmem>>, vector<192x192xf32>
    %dot_general3A_11 = arith.constant dense<0.000000e+00> : vector<512x192xf32>
    %dot_general3A_12 = tpu.matmul %get3A_3, %get3A_10, %dot_general3A_11 {dimension_numbers = #tpu.dot_dimension_numbers<[1], [0], [0], [1], [0, 0, 1, 1], [], []>, transpose_lhs_hint = false} : vector<512x192xf32>, vector<192x192xf32>, vector<512x192xf32> -> vector<512x192xf32>
    %get3A_13 = arith.constant 0 : index
    %get3A_14 = arith.constant 0 : index
    %get3A_15 = arith.constant 0 : index
    %get3A_16 = vector.load %arg7[%get3A_13, %get3A_14, %get3A_15] : memref<1x1x512xi32, #tpu.memory_space<vmem>>, vector<1x1x512xi32>
    %get3A_17 = vector.shape_cast %get3A_16 : vector<1x1x512xi32> to vector<1x512xi32>
    %eq3A = vector.broadcast %get3A_0 : i32 to vector<1x512xi32>
    %eq3A_18 = arith.cmpi eq, %get3A_17, %eq3A : vector<1x512xi32>
    %get3A_19 = arith.index_cast %arg0 : i32 to index
    %get3A_20 = memref.load %arg5[%get3A_19] : memref<198xi32, #tpu.memory_space<smem>>
    %eq3A_21 = arith.constant 1 : i32
    %eq3A_22 = arith.cmpi eq, %get3A_20, %eq3A_21 : i32
    %and3A = vector.broadcast %eq3A_22 : i1 to vector<1x512xi1>
    %and3A_23 = arith.andi %eq3A_18, %and3A : vector<1x512xi1>
    %jit3A = arith.constant 1.000000e+00 : f32
    %jit3A_24 = arith.constant 0.000000e+00 : f32
    %broadcast_in_dim3A = vector.broadcast %jit3A : f32 to vector<1x512xf32>
    %broadcast_in_dim3A_25 = vector.broadcast %jit3A_24 : f32 to vector<1x512xf32>
    %select_n3A = arith.select %and3A_23, %broadcast_in_dim3A, %broadcast_in_dim3A_25 : vector<1x512xi1>, vector<1x512xf32>
    %get3A_26 = arith.index_cast %arg0 : i32 to index
    %get3A_27 = memref.load %arg3[%get3A_26] : memref<198xi32, #tpu.memory_space<smem>>
    %eq3A_28 = arith.constant 1 : i32
    %eq3A_29 = arith.cmpi eq, %get3A_27, %eq3A_28 : i32
    %convert_element_type3A = arith.extui %eq3A_29 : i1 to i32
    %cond3A = arith.constant 0 : i32
    %cond3A_30 = arith.cmpi ne, %convert_element_type3A, %cond3A : i32
    scf.if %cond3A_30 {
      %broadcast_in_dim3A_168 = arith.constant 0.000000e+00 : f32
      %broadcast_in_dim3A_169 = vector.broadcast %broadcast_in_dim3A_168 : f32 to vector<30x192xf32>
      %swap3A_170 = arith.constant 0 : index
      %swap3A_171 = arith.constant 0 : index
      %swap3A_172 = vector.load %arg12[%swap3A_170, %swap3A_171] : memref<30x192xf32, #tpu.memory_space<vmem>>, vector<30x192xf32>
      tpu.vector_store %arg12[%swap3A_170, %swap3A_171], %broadcast_in_dim3A_169 {strides = array<i32>} : memref<30x192xf32, #tpu.memory_space<vmem>>, vector<30x192xf32>,
      %broadcast_in_dim3A_173 = arith.constant 0.000000e+00 : f32
      %broadcast_in_dim3A_174 = vector.broadcast %broadcast_in_dim3A_173 : f32 to vector<30x4xf32>
      %swap3A_175 = arith.constant 0 : index
      %swap3A_176 = arith.constant 0 : index
      %swap3A_177 = vector.load %arg13[%swap3A_175, %swap3A_176] : memref<30x4xf32, #tpu.memory_space<vmem>>, vector<30x4xf32>
      tpu.vector_store %arg13[%swap3A_175, %swap3A_176], %broadcast_in_dim3A_174 {strides = array<i32>} : memref<30x4xf32, #tpu.memory_space<vmem>>, vector<30x4xf32>,
    } else {
    }
    %get3A_31 = arith.constant 0 : index
    %get3A_32 = arith.constant 0 : index
    %get3A_33 = arith.constant 0 : index
    %get3A_34 = vector.load %arg10[%get3A_31, %get3A_32, %get3A_33] : memref<4x30x48xf32, #tpu.memory_space<vmem>>, vector<1x30x48xf32>
    %get3A_35 = vector.shape_cast %get3A_34 : vector<1x30x48xf32> to vector<30x48xf32>
    %slice3A = vector.extract_strided_slice %dot_general3A_7 {offsets = [0, 0], sizes = [512, 48], strides = [1, 1]} : vector<512x192xf32> to vector<512x48xf32>
    %dot_general3A_36 = arith.constant dense<0.000000e+00> : vector<30x512xf32>
    %dot_general3A_37 = tpu.matmul %get3A_35, %slice3A, %dot_general3A_36 {dimension_numbers = #tpu.dot_dimension_numbers<[1], [1], [0], [0], [0, 0, 1, 0], [], []>, transpose_lhs_hint = false} : vector<30x48xf32>, vector<512x48xf32>, vector<30x512xf32> -> vector<30x512xf32>
    %mul3A = arith.constant 0.144337565 : f32
    %mul3A_38 = vector.broadcast %mul3A : f32 to vector<30x512xf32>
    %mul3A_39 = arith.mulf %dot_general3A_37, %mul3A_38 : vector<30x512xf32>
    %exp3A = math.exp %mul3A_39 : vector<30x512xf32>
    %mul3A_40 = vector.broadcast %select_n3A : vector<1x512xf32> to vector<30x512xf32>
    %mul3A_41 = arith.mulf %exp3A, %mul3A_40 : vector<30x512xf32>
    %get3A_42 = arith.constant 0 : index
    %get3A_43 = arith.constant 0 : index
    %get3A_44 = vector.load %arg13[%get3A_42, %get3A_43] : memref<30x4xf32, #tpu.memory_space<vmem>>, vector<30x1xf32>
    %reduce_sum3A = arith.constant dense<0.000000e+00> : vector<30xf32>
    %reduce_sum3A_45 = vector.multi_reduction <add>, %mul3A_41, %reduce_sum3A [1] : vector<30x512xf32> to vector<30xf32>
    %broadcast_in_dim3A_46 = vector.shape_cast %reduce_sum3A_45 : vector<30xf32> to vector<30x1xf32>
    %add3A = arith.addf %get3A_44, %broadcast_in_dim3A_46 : vector<30x1xf32>
    %swap3A = arith.constant 0 : index
    %swap3A_47 = arith.constant 0 : index
    %swap3A_48 = vector.load %arg13[%swap3A, %swap3A_47] : memref<30x4xf32, #tpu.memory_space<vmem>>, vector<30x1xf32>
    tpu.vector_store %arg13[%swap3A, %swap3A_47], %add3A {strides = array<i32>} : memref<30x4xf32, #tpu.memory_space<vmem>>, vector<30x1xf32>,
    %get3A_49 = arith.constant 0 : index
    %get3A_50 = arith.constant 0 : index
    %get3A_51 = vector.load %arg12[%get3A_49, %get3A_50] : memref<30x192xf32, #tpu.memory_space<vmem>>, vector<30x48xf32>
    %slice3A_52 = vector.extract_strided_slice %dot_general3A_12 {offsets = [0, 0], sizes = [512, 48], strides = [1, 1]} : vector<512x192xf32> to vector<512x48xf32>
    %dot_general3A_53 = arith.constant dense<0.000000e+00> : vector<30x48xf32>
    %dot_general3A_54 = tpu.matmul %mul3A_41, %slice3A_52, %dot_general3A_53 {dimension_numbers = #tpu.dot_dimension_numbers<[1], [0], [0], [1], [0, 0, 1, 1], [], []>, transpose_lhs_hint = false} : vector<30x512xf32>, vector<512x48xf32>, vector<30x48xf32> -> vector<30x48xf32>
    %add3A_55 = arith.addf %get3A_51, %dot_general3A_54 : vector<30x48xf32>
    %swap3A_56 = arith.constant 0 : index
    %swap3A_57 = arith.constant 0 : index
    %swap3A_58 = vector.load %arg12[%swap3A_56, %swap3A_57] : memref<30x192xf32, #tpu.memory_space<vmem>>, vector<30x48xf32>
    tpu.vector_store %arg12[%swap3A_56, %swap3A_57], %add3A_55 {strides = array<i32>} : memref<30x192xf32, #tpu.memory_space<vmem>>, vector<30x48xf32>,
    %get3A_59 = arith.constant 1 : index
    %get3A_60 = arith.constant 0 : index
    %get3A_61 = arith.constant 0 : index
    %get3A_62 = vector.load %arg10[%get3A_59, %get3A_60, %get3A_61] : memref<4x30x48xf32, #tpu.memory_space<vmem>>, vector<1x30x48xf32>
    %get3A_63 = vector.shape_cast %get3A_62 : vector<1x30x48xf32> to vector<30x48xf32>
    %slice3A_64 = vector.extract_strided_slice %dot_general3A_7 {offsets = [0, 48], sizes = [512, 48], strides = [1, 1]} : vector<512x192xf32> to vector<512x48xf32>
    %dot_general3A_65 = arith.constant dense<0.000000e+00> : vector<30x512xf32>
    %dot_general3A_66 = tpu.matmul %get3A_63, %slice3A_64, %dot_general3A_65 {dimension_numbers = #tpu.dot_dimension_numbers<[1], [1], [0], [0], [0, 0, 1, 0], [], []>, transpose_lhs_hint = false} : vector<30x48xf32>, vector<512x48xf32>, vector<30x512xf32> -> vector<30x512xf32>
    %mul3A_67 = arith.constant 0.144337565 : f32
    %mul3A_68 = vector.broadcast %mul3A_67 : f32 to vector<30x512xf32>
    %mul3A_69 = arith.mulf %dot_general3A_66, %mul3A_68 : vector<30x512xf32>
    %exp3A_70 = math.exp %mul3A_69 : vector<30x512xf32>
    %mul3A_71 = vector.broadcast %select_n3A : vector<1x512xf32> to vector<30x512xf32>
    %mul3A_72 = arith.mulf %exp3A_70, %mul3A_71 : vector<30x512xf32>
    %get3A_73 = arith.constant 0 : index
    %get3A_74 = arith.constant 1 : index
    %get3A_75 = vector.load %arg13[%get3A_73, %get3A_74] : memref<30x4xf32, #tpu.memory_space<vmem>>, vector<30x1xf32>
    %reduce_sum3A_76 = arith.constant dense<0.000000e+00> : vector<30xf32>
    %reduce_sum3A_77 = vector.multi_reduction <add>, %mul3A_72, %reduce_sum3A_76 [1] : vector<30x512xf32> to vector<30xf32>
    %broadcast_in_dim3A_78 = vector.shape_cast %reduce_sum3A_77 : vector<30xf32> to vector<30x1xf32>
    %add3A_79 = arith.addf %get3A_75, %broadcast_in_dim3A_78 : vector<30x1xf32>
    %swap3A_80 = arith.constant 0 : index
    %swap3A_81 = arith.constant 1 : index
    %swap3A_82 = vector.load %arg13[%swap3A_80, %swap3A_81] : memref<30x4xf32, #tpu.memory_space<vmem>>, vector<30x1xf32>
    tpu.vector_store %arg13[%swap3A_80, %swap3A_81], %add3A_79 {strides = array<i32>} : memref<30x4xf32, #tpu.memory_space<vmem>>, vector<30x1xf32>,
    %get3A_83 = arith.constant 0 : index
    %get3A_84 = arith.constant 48 : index
    %get3A_85 = vector.load %arg12[%get3A_83, %get3A_84] : memref<30x192xf32, #tpu.memory_space<vmem>>, vector<30x48xf32>
    %slice3A_86 = vector.extract_strided_slice %dot_general3A_12 {offsets = [0, 48], sizes = [512, 48], strides = [1, 1]} : vector<512x192xf32> to vector<512x48xf32>
    %dot_general3A_87 = arith.constant dense<0.000000e+00> : vector<30x48xf32>
    %dot_general3A_88 = tpu.matmul %mul3A_72, %slice3A_86, %dot_general3A_87 {dimension_numbers = #tpu.dot_dimension_numbers<[1], [0], [0], [1], [0, 0, 1, 1], [], []>, transpose_lhs_hint = false} : vector<30x512xf32>, vector<512x48xf32>, vector<30x48xf32> -> vector<30x48xf32>
    %add3A_89 = arith.addf %get3A_85, %dot_general3A_88 : vector<30x48xf32>
    %swap3A_90 = arith.constant 0 : index
    %swap3A_91 = arith.constant 48 : index
    %swap3A_92 = vector.load %arg12[%swap3A_90, %swap3A_91] : memref<30x192xf32, #tpu.memory_space<vmem>>, vector<30x48xf32>
    tpu.vector_store %arg12[%swap3A_90, %swap3A_91], %add3A_89 {strides = array<i32>} : memref<30x192xf32, #tpu.memory_space<vmem>>, vector<30x48xf32>,
    %get3A_93 = arith.constant 2 : index
    %get3A_94 = arith.constant 0 : index
    %get3A_95 = arith.constant 0 : index
    %get3A_96 = vector.load %arg10[%get3A_93, %get3A_94, %get3A_95] : memref<4x30x48xf32, #tpu.memory_space<vmem>>, vector<1x30x48xf32>
    %get3A_97 = vector.shape_cast %get3A_96 : vector<1x30x48xf32> to vector<30x48xf32>
    %slice3A_98 = vector.extract_strided_slice %dot_general3A_7 {offsets = [0, 96], sizes = [512, 48], strides = [1, 1]} : vector<512x192xf32> to vector<512x48xf32>
    %dot_general3A_99 = arith.constant dense<0.000000e+00> : vector<30x512xf32>
    %dot_general3A_100 = tpu.matmul %get3A_97, %slice3A_98, %dot_general3A_99 {dimension_numbers = #tpu.dot_dimension_numbers<[1], [1], [0], [0], [0, 0, 1, 0], [], []>, transpose_lhs_hint = false} : vector<30x48xf32>, vector<512x48xf32>, vector<30x512xf32> -> vector<30x512xf32>
    %mul3A_101 = arith.constant 0.144337565 : f32
    %mul3A_102 = vector.broadcast %mul3A_101 : f32 to vector<30x512xf32>
    %mul3A_103 = arith.mulf %dot_general3A_100, %mul3A_102 : vector<30x512xf32>
    %exp3A_104 = math.exp %mul3A_103 : vector<30x512xf32>
    %mul3A_105 = vector.broadcast %select_n3A : vector<1x512xf32> to vector<30x512xf32>
    %mul3A_106 = arith.mulf %exp3A_104, %mul3A_105 : vector<30x512xf32>
    %get3A_107 = arith.constant 0 : index
    %get3A_108 = arith.constant 2 : index
    %get3A_109 = vector.load %arg13[%get3A_107, %get3A_108] : memref<30x4xf32, #tpu.memory_space<vmem>>, vector<30x1xf32>
    %reduce_sum3A_110 = arith.constant dense<0.000000e+00> : vector<30xf32>
    %reduce_sum3A_111 = vector.multi_reduction <add>, %mul3A_106, %reduce_sum3A_110 [1] : vector<30x512xf32> to vector<30xf32>
    %broadcast_in_dim3A_112 = vector.shape_cast %reduce_sum3A_111 : vector<30xf32> to vector<30x1xf32>
    %add3A_113 = arith.addf %get3A_109, %broadcast_in_dim3A_112 : vector<30x1xf32>
    %swap3A_114 = arith.constant 0 : index
    %swap3A_115 = arith.constant 2 : index
    %swap3A_116 = vector.load %arg13[%swap3A_114, %swap3A_115] : memref<30x4xf32, #tpu.memory_space<vmem>>, vector<30x1xf32>
    tpu.vector_store %arg13[%swap3A_114, %swap3A_115], %add3A_113 {strides = array<i32>} : memref<30x4xf32, #tpu.memory_space<vmem>>, vector<30x1xf32>,
    %get3A_117 = arith.constant 0 : index
    %get3A_118 = arith.constant 96 : index
    %get3A_119 = vector.load %arg12[%get3A_117, %get3A_118] : memref<30x192xf32, #tpu.memory_space<vmem>>, vector<30x48xf32>
    %slice3A_120 = vector.extract_strided_slice %dot_general3A_12 {offsets = [0, 96], sizes = [512, 48], strides = [1, 1]} : vector<512x192xf32> to vector<512x48xf32>
    %dot_general3A_121 = arith.constant dense<0.000000e+00> : vector<30x48xf32>
    %dot_general3A_122 = tpu.matmul %mul3A_106, %slice3A_120, %dot_general3A_121 {dimension_numbers = #tpu.dot_dimension_numbers<[1], [0], [0], [1], [0, 0, 1, 1], [], []>, transpose_lhs_hint = false} : vector<30x512xf32>, vector<512x48xf32>, vector<30x48xf32> -> vector<30x48xf32>
    %add3A_123 = arith.addf %get3A_119, %dot_general3A_122 : vector<30x48xf32>
    %swap3A_124 = arith.constant 0 : index
    %swap3A_125 = arith.constant 96 : index
    %swap3A_126 = vector.load %arg12[%swap3A_124, %swap3A_125] : memref<30x192xf32, #tpu.memory_space<vmem>>, vector<30x48xf32>
    tpu.vector_store %arg12[%swap3A_124, %swap3A_125], %add3A_123 {strides = array<i32>} : memref<30x192xf32, #tpu.memory_space<vmem>>, vector<30x48xf32>,
    %get3A_127 = arith.constant 3 : index
    %get3A_128 = arith.constant 0 : index
    %get3A_129 = arith.constant 0 : index
    %get3A_130 = vector.load %arg10[%get3A_127, %get3A_128, %get3A_129] : memref<4x30x48xf32, #tpu.memory_space<vmem>>, vector<1x30x48xf32>
    %get3A_131 = vector.shape_cast %get3A_130 : vector<1x30x48xf32> to vector<30x48xf32>
    %slice3A_132 = vector.extract_strided_slice %dot_general3A_7 {offsets = [0, 144], sizes = [512, 48], strides = [1, 1]} : vector<512x192xf32> to vector<512x48xf32>
    %dot_general3A_133 = arith.constant dense<0.000000e+00> : vector<30x512xf32>
    %dot_general3A_134 = tpu.matmul %get3A_131, %slice3A_132, %dot_general3A_133 {dimension_numbers = #tpu.dot_dimension_numbers<[1], [1], [0], [0], [0, 0, 1, 0], [], []>, transpose_lhs_hint = false} : vector<30x48xf32>, vector<512x48xf32>, vector<30x512xf32> -> vector<30x512xf32>
    %mul3A_135 = arith.constant 0.144337565 : f32
    %mul3A_136 = vector.broadcast %mul3A_135 : f32 to vector<30x512xf32>
    %mul3A_137 = arith.mulf %dot_general3A_134, %mul3A_136 : vector<30x512xf32>
    %exp3A_138 = math.exp %mul3A_137 : vector<30x512xf32>
    %mul3A_139 = vector.broadcast %select_n3A : vector<1x512xf32> to vector<30x512xf32>
    %mul3A_140 = arith.mulf %exp3A_138, %mul3A_139 : vector<30x512xf32>
    %get3A_141 = arith.constant 0 : index
    %get3A_142 = arith.constant 3 : index
    %get3A_143 = vector.load %arg13[%get3A_141, %get3A_142] : memref<30x4xf32, #tpu.memory_space<vmem>>, vector<30x1xf32>
    %reduce_sum3A_144 = arith.constant dense<0.000000e+00> : vector<30xf32>
    %reduce_sum3A_145 = vector.multi_reduction <add>, %mul3A_140, %reduce_sum3A_144 [1] : vector<30x512xf32> to vector<30xf32>
    %broadcast_in_dim3A_146 = vector.shape_cast %reduce_sum3A_145 : vector<30xf32> to vector<30x1xf32>
    %add3A_147 = arith.addf %get3A_143, %broadcast_in_dim3A_146 : vector<30x1xf32>
    %swap3A_148 = arith.constant 0 : index
    %swap3A_149 = arith.constant 3 : index
    %swap3A_150 = vector.load %arg13[%swap3A_148, %swap3A_149] : memref<30x4xf32, #tpu.memory_space<vmem>>, vector<30x1xf32>
    tpu.vector_store %arg13[%swap3A_148, %swap3A_149], %add3A_147 {strides = array<i32>} : memref<30x4xf32, #tpu.memory_space<vmem>>, vector<30x1xf32>,
    %get3A_151 = arith.constant 0 : index
    %get3A_152 = arith.constant 144 : index
    %get3A_153 = vector.load %arg12[%get3A_151, %get3A_152] : memref<30x192xf32, #tpu.memory_space<vmem>>, vector<30x48xf32>
    %slice3A_154 = vector.extract_strided_slice %dot_general3A_12 {offsets = [0, 144], sizes = [512, 48], strides = [1, 1]} : vector<512x192xf32> to vector<512x48xf32>
    %dot_general3A_155 = arith.constant dense<0.000000e+00> : vector<30x48xf32>
    %dot_general3A_156 = tpu.matmul %mul3A_140, %slice3A_154, %dot_general3A_155 {dimension_numbers = #tpu.dot_dimension_numbers<[1], [0], [0], [1], [0, 0, 1, 1], [], []>, transpose_lhs_hint = false} : vector<30x512xf32>, vector<512x48xf32>, vector<30x48xf32> -> vector<30x48xf32>
    %add3A_157 = arith.addf %get3A_153, %dot_general3A_156 : vector<30x48xf32>
    %swap3A_158 = arith.constant 0 : index
    %swap3A_159 = arith.constant 144 : index
    %swap3A_160 = vector.load %arg12[%swap3A_158, %swap3A_159] : memref<30x192xf32, #tpu.memory_space<vmem>>, vector<30x48xf32>
    tpu.vector_store %arg12[%swap3A_158, %swap3A_159], %add3A_157 {strides = array<i32>} : memref<30x192xf32, #tpu.memory_space<vmem>>, vector<30x48xf32>,
    %get3A_161 = arith.index_cast %arg0 : i32 to index
    %get3A_162 = memref.load %arg4[%get3A_161] : memref<198xi32, #tpu.memory_space<smem>>
    %eq3A_163 = arith.constant 1 : i32
    %eq3A_164 = arith.cmpi eq, %get3A_162, %eq3A_163 : i32
    %convert_element_type3A_165 = arith.extui %eq3A_164 : i1 to i32
    %cond3A_166 = arith.constant 0 : i32
    %cond3A_167 = arith.cmpi ne, %convert_element_type3A_165, %cond3A_166 : i32
    scf.if %cond3A_167 {
      %get3A_168 = arith.constant 0 : index
      %get3A_169 = arith.constant 0 : index
      %get3A_170 = vector.load %arg13[%get3A_168, %get3A_169] : memref<30x4xf32, #tpu.memory_space<vmem>>, vector<30x1xf32>
      %gt3A = arith.constant 0.000000e+00 : f32
      %gt3A_171 = vector.broadcast %gt3A : f32 to vector<30x1xf32>
      %gt3A_172 = arith.cmpf ogt, %get3A_170, %gt3A_171 : vector<30x1xf32>
      %jit3A_173 = arith.constant 1.000000e+00 : f32
      %broadcast_in_dim3A_174 = vector.broadcast %jit3A_173 : f32 to vector<30x1xf32>
      %select_n3A_175 = arith.select %gt3A_172, %get3A_170, %broadcast_in_dim3A_174 : vector<30x1xi1>, vector<30x1xf32>
      %get3A_176 = arith.constant 0 : index
      %get3A_177 = arith.constant 0 : index
      %get3A_178 = vector.load %arg12[%get3A_176, %get3A_177] : memref<30x192xf32, #tpu.memory_space<vmem>>, vector<30x48xf32>
      %div3A = vector.broadcast %select_n3A_175 : vector<30x1xf32> to vector<30x48xf32>
      %div3A_179 = arith.divf %get3A_178, %div3A : vector<30x48xf32>
      %gt3A_180 = arith.constant 0.000000e+00 : f32
      %gt3A_181 = vector.broadcast %gt3A_180 : f32 to vector<30x1xf32>
      %gt3A_182 = arith.cmpf ogt, %get3A_170, %gt3A_181 : vector<30x1xf32>
      %jit3A_183 = arith.constant 1.000000e+00 : f32
      %jit3A_184 = arith.constant 0.000000e+00 : f32
      %broadcast_in_dim3A_185 = vector.broadcast %jit3A_183 : f32 to vector<30x1xf32>
      %broadcast_in_dim3A_186 = vector.broadcast %jit3A_184 : f32 to vector<30x1xf32>
      %select_n3A_187 = arith.select %gt3A_182, %broadcast_in_dim3A_185, %broadcast_in_dim3A_186 : vector<30x1xi1>, vector<30x1xf32>
      %mul3A_188 = vector.broadcast %select_n3A_187 : vector<30x1xf32> to vector<30x48xf32>
      %mul3A_189 = arith.mulf %div3A_179, %mul3A_188 : vector<30x48xf32>
      %swap3A_190 = arith.constant 0 : index
      %swap3A_191 = arith.constant 0 : index
      %swap3A_192 = arith.constant 0 : index
      %swap3A_193 = vector.load %arg11[%swap3A_190, %swap3A_191, %swap3A_192] : memref<1x30x192xf32, #tpu.memory_space<vmem>>, vector<1x30x48xf32>
      %swap3A_194 = vector.shape_cast %swap3A_193 : vector<1x30x48xf32> to vector<30x48xf32>
      %swap3A_195 = vector.shape_cast %mul3A_189 : vector<30x48xf32> to vector<1x30x48xf32>
      tpu.vector_store %arg11[%swap3A_190, %swap3A_191, %swap3A_192], %swap3A_195 {strides = array<i32>} : memref<1x30x192xf32, #tpu.memory_space<vmem>>, vector<1x30x48xf32>,
      %get3A_196 = arith.constant 0 : index
      %get3A_197 = arith.constant 1 : index
      %get3A_198 = vector.load %arg13[%get3A_196, %get3A_197] : memref<30x4xf32, #tpu.memory_space<vmem>>, vector<30x1xf32>
      %gt3A_199 = arith.constant 0.000000e+00 : f32
      %gt3A_200 = vector.broadcast %gt3A_199 : f32 to vector<30x1xf32>
      %gt3A_201 = arith.cmpf ogt, %get3A_198, %gt3A_200 : vector<30x1xf32>
      %jit3A_202 = arith.constant 1.000000e+00 : f32
      %broadcast_in_dim3A_203 = vector.broadcast %jit3A_202 : f32 to vector<30x1xf32>
      %select_n3A_204 = arith.select %gt3A_201, %get3A_198, %broadcast_in_dim3A_203 : vector<30x1xi1>, vector<30x1xf32>
      %get3A_205 = arith.constant 0 : index
      %get3A_206 = arith.constant 48 : index
      %get3A_207 = vector.load %arg12[%get3A_205, %get3A_206] : memref<30x192xf32, #tpu.memory_space<vmem>>, vector<30x48xf32>
      %div3A_208 = vector.broadcast %select_n3A_204 : vector<30x1xf32> to vector<30x48xf32>
      %div3A_209 = arith.divf %get3A_207, %div3A_208 : vector<30x48xf32>
      %gt3A_210 = arith.constant 0.000000e+00 : f32
      %gt3A_211 = vector.broadcast %gt3A_210 : f32 to vector<30x1xf32>
      %gt3A_212 = arith.cmpf ogt, %get3A_198, %gt3A_211 : vector<30x1xf32>
      %jit3A_213 = arith.constant 1.000000e+00 : f32
      %jit3A_214 = arith.constant 0.000000e+00 : f32
      %broadcast_in_dim3A_215 = vector.broadcast %jit3A_213 : f32 to vector<30x1xf32>
      %broadcast_in_dim3A_216 = vector.broadcast %jit3A_214 : f32 to vector<30x1xf32>
      %select_n3A_217 = arith.select %gt3A_212, %broadcast_in_dim3A_215, %broadcast_in_dim3A_216 : vector<30x1xi1>, vector<30x1xf32>
      %mul3A_218 = vector.broadcast %select_n3A_217 : vector<30x1xf32> to vector<30x48xf32>
      %mul3A_219 = arith.mulf %div3A_209, %mul3A_218 : vector<30x48xf32>
      %swap3A_220 = arith.constant 0 : index
      %swap3A_221 = arith.constant 0 : index
      %swap3A_222 = arith.constant 48 : index
      %swap3A_223 = vector.load %arg11[%swap3A_220, %swap3A_221, %swap3A_222] : memref<1x30x192xf32, #tpu.memory_space<vmem>>, vector<1x30x48xf32>
      %swap3A_224 = vector.shape_cast %swap3A_223 : vector<1x30x48xf32> to vector<30x48xf32>
      %swap3A_225 = vector.shape_cast %mul3A_219 : vector<30x48xf32> to vector<1x30x48xf32>
      tpu.vector_store %arg11[%swap3A_220, %swap3A_221, %swap3A_222], %swap3A_225 {strides = array<i32>} : memref<1x30x192xf32, #tpu.memory_space<vmem>>, vector<1x30x48xf32>,
      %get3A_226 = arith.constant 0 : index
      %get3A_227 = arith.constant 2 : index
      %get3A_228 = vector.load %arg13[%get3A_226, %get3A_227] : memref<30x4xf32, #tpu.memory_space<vmem>>, vector<30x1xf32>
      %gt3A_229 = arith.constant 0.000000e+00 : f32
      %gt3A_230 = vector.broadcast %gt3A_229 : f32 to vector<30x1xf32>
      %gt3A_231 = arith.cmpf ogt, %get3A_228, %gt3A_230 : vector<30x1xf32>
      %jit3A_232 = arith.constant 1.000000e+00 : f32
      %broadcast_in_dim3A_233 = vector.broadcast %jit3A_232 : f32 to vector<30x1xf32>
      %select_n3A_234 = arith.select %gt3A_231, %get3A_228, %broadcast_in_dim3A_233 : vector<30x1xi1>, vector<30x1xf32>
      %get3A_235 = arith.constant 0 : index
      %get3A_236 = arith.constant 96 : index
      %get3A_237 = vector.load %arg12[%get3A_235, %get3A_236] : memref<30x192xf32, #tpu.memory_space<vmem>>, vector<30x48xf32>
      %div3A_238 = vector.broadcast %select_n3A_234 : vector<30x1xf32> to vector<30x48xf32>
      %div3A_239 = arith.divf %get3A_237, %div3A_238 : vector<30x48xf32>
      %gt3A_240 = arith.constant 0.000000e+00 : f32
      %gt3A_241 = vector.broadcast %gt3A_240 : f32 to vector<30x1xf32>
      %gt3A_242 = arith.cmpf ogt, %get3A_228, %gt3A_241 : vector<30x1xf32>
      %jit3A_243 = arith.constant 1.000000e+00 : f32
      %jit3A_244 = arith.constant 0.000000e+00 : f32
      %broadcast_in_dim3A_245 = vector.broadcast %jit3A_243 : f32 to vector<30x1xf32>
      %broadcast_in_dim3A_246 = vector.broadcast %jit3A_244 : f32 to vector<30x1xf32>
      %select_n3A_247 = arith.select %gt3A_242, %broadcast_in_dim3A_245, %broadcast_in_dim3A_246 : vector<30x1xi1>, vector<30x1xf32>
      %mul3A_248 = vector.broadcast %select_n3A_247 : vector<30x1xf32> to vector<30x48xf32>
      %mul3A_249 = arith.mulf %div3A_239, %mul3A_248 : vector<30x48xf32>
      %swap3A_250 = arith.constant 0 : index
      %swap3A_251 = arith.constant 0 : index
      %swap3A_252 = arith.constant 96 : index
      %swap3A_253 = vector.load %arg11[%swap3A_250, %swap3A_251, %swap3A_252] : memref<1x30x192xf32, #tpu.memory_space<vmem>>, vector<1x30x48xf32>
      %swap3A_254 = vector.shape_cast %swap3A_253 : vector<1x30x48xf32> to vector<30x48xf32>
      %swap3A_255 = vector.shape_cast %mul3A_249 : vector<30x48xf32> to vector<1x30x48xf32>
      tpu.vector_store %arg11[%swap3A_250, %swap3A_251, %swap3A_252], %swap3A_255 {strides = array<i32>} : memref<1x30x192xf32, #tpu.memory_space<vmem>>, vector<1x30x48xf32>,
      %get3A_256 = arith.constant 0 : index
      %get3A_257 = arith.constant 3 : index
      %get3A_258 = vector.load %arg13[%get3A_256, %get3A_257] : memref<30x4xf32, #tpu.memory_space<vmem>>, vector<30x1xf32>
      %gt3A_259 = arith.constant 0.000000e+00 : f32
      %gt3A_260 = vector.broadcast %gt3A_259 : f32 to vector<30x1xf32>
      %gt3A_261 = arith.cmpf ogt, %get3A_258, %gt3A_260 : vector<30x1xf32>
      %jit3A_262 = arith.constant 1.000000e+00 : f32
      %broadcast_in_dim3A_263 = vector.broadcast %jit3A_262 : f32 to vector<30x1xf32>
      %select_n3A_264 = arith.select %gt3A_261, %get3A_258, %broadcast_in_dim3A_263 : vector<30x1xi1>, vector<30x1xf32>
      %get3A_265 = arith.constant 0 : index
      %get3A_266 = arith.constant 144 : index
      %get3A_267 = vector.load %arg12[%get3A_265, %get3A_266] : memref<30x192xf32, #tpu.memory_space<vmem>>, vector<30x48xf32>
      %div3A_268 = vector.broadcast %select_n3A_264 : vector<30x1xf32> to vector<30x48xf32>
      %div3A_269 = arith.divf %get3A_267, %div3A_268 : vector<30x48xf32>
      %gt3A_270 = arith.constant 0.000000e+00 : f32
      %gt3A_271 = vector.broadcast %gt3A_270 : f32 to vector<30x1xf32>
      %gt3A_272 = arith.cmpf ogt, %get3A_258, %gt3A_271 : vector<30x1xf32>
      %jit3A_273 = arith.constant 1.000000e+00 : f32
      %jit3A_274 = arith.constant 0.000000e+00 : f32
      %broadcast_in_dim3A_275 = vector.broadcast %jit3A_273 : f32 to vector<30x1xf32>
      %broadcast_in_dim3A_276 = vector.broadcast %jit3A_274 : f32 to vector<30x1xf32>
      %select_n3A_277 = arith.select %gt3A_272, %broadcast_in_dim3A_275, %broadcast_in_dim3A_276 : vector<30x1xi1>, vector<30x1xf32>
      %mul3A_278 = vector.broadcast %select_n3A_277 : vector<30x1xf32> to vector<30x48xf32>
      %mul3A_279 = arith.mulf %div3A_269, %mul3A_278 : vector<30x48xf32>
      %swap3A_280 = arith.constant 0 : index
      %swap3A_281 = arith.constant 0 : index
      %swap3A_282 = arith.constant 144 : index
      %swap3A_283 = vector.load %arg11[%swap3A_280, %swap3A_281, %swap3A_282] : memref<1x30x192xf32, #tpu.memory_space<vmem>>, vector<1x30x48xf32>
      %swap3A_284 = vector.shape_cast %swap3A_283 : vector<1x30x48xf32> to vector<30x48xf32>
      %swap3A_285 = vector.shape_cast %mul3A_279 : vector<30x48xf32> to vector<1x30x48xf32>
      tpu.vector_store %arg11[%swap3A_280, %swap3A_281, %swap3A_282], %swap3A_285 {strides = array<i32>} : memref<1x30x192xf32, #tpu.memory_space<vmem>>, vector<1x30x48xf32>,
    } else {
    }
    return
  }
  func.func @transform_0(%arg0: i32, %arg1: memref<198xi32, #tpu.memory_space<smem>>, %arg2: memref<198xi32, #tpu.memory_space<smem>>, %arg3: memref<198xi32, #tpu.memory_space<smem>>, %arg4: memref<198xi32, #tpu.memory_space<smem>>, %arg5: memref<198xi32, #tpu.memory_space<smem>>) -> (i32, i32) {
    %get3A = arith.index_cast %arg0 : i32 to index
    %get3A_0 = memref.load %arg2[%get3A] : memref<198xi32, #tpu.memory_space<smem>>
    %c0_i32 = arith.constant 0 : i32
    %c0_i32_1 = arith.constant 0 : i32
    return %get3A_0, %c0_i32 : i32, i32
  }
  func.func @transform_1(%arg0: i32, %arg1: memref<198xi32, #tpu.memory_space<smem>>, %arg2: memref<198xi32, #tpu.memory_space<smem>>, %arg3: memref<198xi32, #tpu.memory_space<smem>>, %arg4: memref<198xi32, #tpu.memory_space<smem>>, %arg5: memref<198xi32, #tpu.memory_space<smem>>) -> (i32, i32, i32) {
    %get3A = arith.index_cast %arg0 : i32 to index
    %get3A_0 = memref.load %arg2[%get3A] : memref<198xi32, #tpu.memory_space<smem>>
    %c0_i32 = arith.constant 0 : i32
    %c0_i32_1 = arith.constant 0 : i32
    %c0_i32_2 = arith.constant 0 : i32
    return %get3A_0, %c0_i32, %c0_i32_1 : i32, i32, i32
  }
  func.func @transform_2(%arg0: i32, %arg1: memref<198xi32, #tpu.memory_space<smem>>, %arg2: memref<198xi32, #tpu.memory_space<smem>>, %arg3: memref<198xi32, #tpu.memory_space<smem>>, %arg4: memref<198xi32, #tpu.memory_space<smem>>, %arg5: memref<198xi32, #tpu.memory_space<smem>>) -> (i32, i32) {
    %c0_i32 = arith.constant 0 : i32
    %c0_i32_0 = arith.constant 0 : i32
    %c0_i32_1 = arith.constant 0 : i32
    return %c0_i32, %c0_i32_0 : i32, i32
  }
  func.func @transform_3(%arg0: i32, %arg1: memref<198xi32, #tpu.memory_space<smem>>, %arg2: memref<198xi32, #tpu.memory_space<smem>>, %arg3: memref<198xi32, #tpu.memory_space<smem>>, %arg4: memref<198xi32, #tpu.memory_space<smem>>, %arg5: memref<198xi32, #tpu.memory_space<smem>>) -> (i32, i32) {
    %c0_i32 = arith.constant 0 : i32
    %c0_i32_0 = arith.constant 0 : i32
    %c0_i32_1 = arith.constant 0 : i32
    return %c0_i32, %c0_i32_0 : i32, i32
  }
  func.func @transform_4(%arg0: i32, %arg1: memref<198xi32, #tpu.memory_space<smem>>, %arg2: memref<198xi32, #tpu.memory_space<smem>>, %arg3: memref<198xi32, #tpu.memory_space<smem>>, %arg4: memref<198xi32, #tpu.memory_space<smem>>, %arg5: memref<198xi32, #tpu.memory_space<smem>>) -> (i32, i32, i32) {
    %c0_i32 = arith.constant 0 : i32
    %c0_i32_0 = arith.constant 0 : i32
    %c0_i32_1 = arith.constant 0 : i32
    %c0_i32_2 = arith.constant 0 : i32
    return %c0_i32, %c0_i32_0, %c0_i32_1 : i32, i32, i32
  }
  func.func @transform_5(%arg0: i32, %arg1: memref<198xi32, #tpu.memory_space<smem>>, %arg2: memref<198xi32, #tpu.memory_space<smem>>, %arg3: memref<198xi32, #tpu.memory_space<smem>>, %arg4: memref<198xi32, #tpu.memory_space<smem>>, %arg5: memref<198xi32, #tpu.memory_space<smem>>) -> (i32, i32, i32) {
    %get3A = arith.index_cast %arg0 : i32 to index
    %get3A_0 = memref.load %arg1[%get3A] : memref<198xi32, #tpu.memory_space<smem>>
    %c0_i32 = arith.constant 0 : i32
    %c0_i32_1 = arith.constant 0 : i32
    %c0_i32_2 = arith.constant 0 : i32
    return %get3A_0, %c0_i32, %c0_i32_1 : i32, i32, i32
  }
}

module attributes {stable_mosaic.version = 14 : i64} {
  func.func @_tail_kernel(%arg0: i32, %arg1: memref<1x30x192xf32, #tpu.memory_space<vmem>>, %arg2: memref<30x192xf32, #tpu.memory_space<vmem>>, %arg3: memref<192x192xf32, #tpu.memory_space<vmem>>, %arg4: memref<3x192x192xf32, #tpu.memory_space<vmem>>, %arg5: memref<3x192x192xf32, #tpu.memory_space<vmem>>, %arg6: memref<3x192x192xf32, #tpu.memory_space<vmem>>, %arg7: memref<3x192x192xf32, #tpu.memory_space<vmem>>, %arg8: memref<3x192x192xf32, #tpu.memory_space<vmem>>, %arg9: memref<3x192xf32, #tpu.memory_space<vmem>>, %arg10: memref<1x192xf32, #tpu.memory_space<vmem>>, %arg11: memref<192x1024xf32, #tpu.memory_space<vmem>>, %arg12: memref<1x1024xf32, #tpu.memory_space<vmem>>, %arg13: memref<1024x256xf32, #tpu.memory_space<vmem>>, %arg14: memref<1x256xf32, #tpu.memory_space<vmem>>, %arg15: memref<1x1x256xf32, #tpu.memory_space<vmem>>) attributes {dimension_semantics = [#tpu.dimension_semantics<arbitrary>], iteration_bounds = array<i64: 100>, scalar_prefetch = 0 : i64, scratch_operands = 0 : i64, tpu.core_type = #tpu.core_type<tc>, window_params = [{transform_indices = @transform_0, window_bounds = array<i64: 1, 30, 192>}, {pipeline_mode = #tpu.pipeline_mode<synchronous>, transform_indices = @transform_1, window_bounds = array<i64: 30, 192>}, {pipeline_mode = #tpu.pipeline_mode<synchronous>, transform_indices = @transform_2, window_bounds = array<i64: 192, 192>}, {pipeline_mode = #tpu.pipeline_mode<synchronous>, transform_indices = @transform_3, window_bounds = array<i64: 3, 192, 192>}, {pipeline_mode = #tpu.pipeline_mode<synchronous>, transform_indices = @transform_4, window_bounds = array<i64: 3, 192, 192>}, {pipeline_mode = #tpu.pipeline_mode<synchronous>, transform_indices = @transform_5, window_bounds = array<i64: 3, 192, 192>}, {pipeline_mode = #tpu.pipeline_mode<synchronous>, transform_indices = @transform_6, window_bounds = array<i64: 3, 192, 192>}, {pipeline_mode = #tpu.pipeline_mode<synchronous>, transform_indices = @transform_7, window_bounds = array<i64: 3, 192, 192>}, {pipeline_mode = #tpu.pipeline_mode<synchronous>, transform_indices = @transform_8, window_bounds = array<i64: 3, 192>}, {pipeline_mode = #tpu.pipeline_mode<synchronous>, transform_indices = @transform_9, window_bounds = array<i64: 1, 192>}, {pipeline_mode = #tpu.pipeline_mode<synchronous>, transform_indices = @transform_10, window_bounds = array<i64: 192, 1024>}, {pipeline_mode = #tpu.pipeline_mode<synchronous>, transform_indices = @transform_11, window_bounds = array<i64: 1, 1024>}, {pipeline_mode = #tpu.pipeline_mode<synchronous>, transform_indices = @transform_12, window_bounds = array<i64: 1024, 256>}, {pipeline_mode = #tpu.pipeline_mode<synchronous>, transform_indices = @transform_13, window_bounds = array<i64: 1, 256>}, {transform_indices = @transform_14, window_bounds = array<i64: 1, 1, 256>}]} {
    %get3A = arith.constant 0 : index
    %get3A_0 = arith.constant 0 : index
    %get3A_1 = arith.constant 0 : index
    %get3A_2 = vector.load %arg1[%get3A, %get3A_0, %get3A_1] : memref<1x30x192xf32, #tpu.memory_space<vmem>>, vector<1x30x192xf32>
    %get3A_3 = vector.shape_cast %get3A_2 : vector<1x30x192xf32> to vector<30x192xf32>
    %get3A_4 = arith.constant 0 : index
    %get3A_5 = arith.constant 0 : index
    %get3A_6 = vector.load %arg3[%get3A_4, %get3A_5] : memref<192x192xf32, #tpu.memory_space<vmem>>, vector<192x192xf32>
    %dot_general3A = arith.constant dense<0.000000e+00> : vector<30x192xf32>
    %dot_general3A_7 = tpu.matmul %get3A_3, %get3A_6, %dot_general3A {dimension_numbers = #tpu.dot_dimension_numbers<[1], [0], [0], [1], [0, 0, 1, 1], [], []>, transpose_lhs_hint = false} : vector<30x192xf32>, vector<192x192xf32>, vector<30x192xf32> -> vector<30x192xf32>
    %get3A_8 = arith.constant 0 : index
    %get3A_9 = arith.constant 0 : index
    %get3A_10 = vector.load %arg2[%get3A_8, %get3A_9] : memref<30x192xf32, #tpu.memory_space<vmem>>, vector<30x192xf32>
    %add3A = arith.addf %get3A_10, %dot_general3A_7 : vector<30x192xf32>
    %get3A_11 = arith.constant 0 : index
    %get3A_12 = arith.constant 0 : index
    %get3A_13 = arith.constant 0 : index
    %get3A_14 = vector.load %arg8[%get3A_11, %get3A_12, %get3A_13] : memref<3x192x192xf32, #tpu.memory_space<vmem>>, vector<1x192x192xf32>
    %get3A_15 = vector.shape_cast %get3A_14 : vector<1x192x192xf32> to vector<192x192xf32>
    %dot_general3A_16 = arith.constant dense<0.000000e+00> : vector<30x192xf32>
    %dot_general3A_17 = tpu.matmul %add3A, %get3A_15, %dot_general3A_16 {dimension_numbers = #tpu.dot_dimension_numbers<[1], [0], [0], [1], [0, 0, 1, 1], [], []>, transpose_lhs_hint = false} : vector<30x192xf32>, vector<192x192xf32>, vector<30x192xf32> -> vector<30x192xf32>
    %get3A_18 = arith.constant 0 : index
    %get3A_19 = arith.constant 0 : index
    %get3A_20 = vector.load %arg9[%get3A_18, %get3A_19] : memref<3x192xf32, #tpu.memory_space<vmem>>, vector<1x192xf32>
    %add3A_21 = vector.broadcast %get3A_20 : vector<1x192xf32> to vector<30x192xf32>
    %add3A_22 = arith.addf %dot_general3A_17, %add3A_21 : vector<30x192xf32>
    %max3A = arith.constant 0.000000e+00 : f32
    %max3A_23 = vector.broadcast %max3A : f32 to vector<30x192xf32>
    %max3A_24 = arith.maximumf %add3A_22, %max3A_23 : vector<30x192xf32>
    %add3A_25 = arith.addf %add3A, %max3A_24 : vector<30x192xf32>
    %get3A_26 = arith.constant 1 : index
    %get3A_27 = arith.constant 0 : index
    %get3A_28 = arith.constant 0 : index
    %get3A_29 = vector.load %arg4[%get3A_26, %get3A_27, %get3A_28] : memref<3x192x192xf32, #tpu.memory_space<vmem>>, vector<1x192x192xf32>
    %get3A_30 = vector.shape_cast %get3A_29 : vector<1x192x192xf32> to vector<192x192xf32>
    %get3A_31 = arith.constant 1 : index
    %get3A_32 = arith.constant 0 : index
    %get3A_33 = arith.constant 0 : index
    %get3A_34 = vector.load %arg5[%get3A_31, %get3A_32, %get3A_33] : memref<3x192x192xf32, #tpu.memory_space<vmem>>, vector<1x192x192xf32>
    %get3A_35 = vector.shape_cast %get3A_34 : vector<1x192x192xf32> to vector<192x192xf32>
    %get3A_36 = arith.constant 1 : index
    %get3A_37 = arith.constant 0 : index
    %get3A_38 = arith.constant 0 : index
    %get3A_39 = vector.load %arg6[%get3A_36, %get3A_37, %get3A_38] : memref<3x192x192xf32, #tpu.memory_space<vmem>>, vector<1x192x192xf32>
    %get3A_40 = vector.shape_cast %get3A_39 : vector<1x192x192xf32> to vector<192x192xf32>
    %get3A_41 = arith.constant 1 : index
    %get3A_42 = arith.constant 0 : index
    %get3A_43 = arith.constant 0 : index
    %get3A_44 = vector.load %arg7[%get3A_41, %get3A_42, %get3A_43] : memref<3x192x192xf32, #tpu.memory_space<vmem>>, vector<1x192x192xf32>
    %get3A_45 = vector.shape_cast %get3A_44 : vector<1x192x192xf32> to vector<192x192xf32>
    %dot_general3A_46 = arith.constant dense<0.000000e+00> : vector<30x192xf32>
    %dot_general3A_47 = tpu.matmul %add3A_25, %get3A_30, %dot_general3A_46 {dimension_numbers = #tpu.dot_dimension_numbers<[1], [0], [0], [1], [0, 0, 1, 1], [], []>, transpose_lhs_hint = false} : vector<30x192xf32>, vector<192x192xf32>, vector<30x192xf32> -> vector<30x192xf32>
    %dot_general3A_48 = arith.constant dense<0.000000e+00> : vector<30x192xf32>
    %dot_general3A_49 = tpu.matmul %add3A_25, %get3A_35, %dot_general3A_48 {dimension_numbers = #tpu.dot_dimension_numbers<[1], [0], [0], [1], [0, 0, 1, 1], [], []>, transpose_lhs_hint = false} : vector<30x192xf32>, vector<192x192xf32>, vector<30x192xf32> -> vector<30x192xf32>
    %dot_general3A_50 = arith.constant dense<0.000000e+00> : vector<30x192xf32>
    %dot_general3A_51 = tpu.matmul %add3A_25, %get3A_40, %dot_general3A_50 {dimension_numbers = #tpu.dot_dimension_numbers<[1], [0], [0], [1], [0, 0, 1, 1], [], []>, transpose_lhs_hint = false} : vector<30x192xf32>, vector<192x192xf32>, vector<30x192xf32> -> vector<30x192xf32>
    %slice3A = vector.extract_strided_slice %dot_general3A_47 {offsets = [0, 0], sizes = [30, 48], strides = [1, 1]} : vector<30x192xf32> to vector<30x48xf32>
    %slice3A_52 = vector.extract_strided_slice %dot_general3A_49 {offsets = [0, 0], sizes = [30, 48], strides = [1, 1]} : vector<30x192xf32> to vector<30x48xf32>
    %dot_general3A_53 = arith.constant dense<0.000000e+00> : vector<30x30xf32>
    %dot_general3A_54 = tpu.matmul %slice3A, %slice3A_52, %dot_general3A_53 {dimension_numbers = #tpu.dot_dimension_numbers<[1], [1], [0], [0], [0, 0, 1, 0], [], []>, transpose_lhs_hint = false} : vector<30x48xf32>, vector<30x48xf32>, vector<30x30xf32> -> vector<30x30xf32>
    %mul3A = arith.constant 0.144337565 : f32
    %mul3A_55 = vector.broadcast %mul3A : f32 to vector<30x30xf32>
    %mul3A_56 = arith.mulf %dot_general3A_54, %mul3A_55 : vector<30x30xf32>
    %reduce_max3A = arith.constant dense<0xFF800000> : vector<30xf32>
    %reduce_max3A_57 = vector.multi_reduction <maximumf>, %mul3A_56, %reduce_max3A [1] : vector<30x30xf32> to vector<30xf32>
    %broadcast_in_dim3A = vector.shape_cast %reduce_max3A_57 : vector<30xf32> to vector<30x1xf32>
    %sub3A = vector.broadcast %broadcast_in_dim3A : vector<30x1xf32> to vector<30x30xf32>
    %sub3A_58 = arith.subf %mul3A_56, %sub3A : vector<30x30xf32>
    %exp3A = math.exp %sub3A_58 : vector<30x30xf32>
    %reduce_sum3A = arith.constant dense<0.000000e+00> : vector<30xf32>
    %reduce_sum3A_59 = vector.multi_reduction <add>, %exp3A, %reduce_sum3A [1] : vector<30x30xf32> to vector<30xf32>
    %broadcast_in_dim3A_60 = vector.shape_cast %reduce_sum3A_59 : vector<30xf32> to vector<30x1xf32>
    %div3A = vector.broadcast %broadcast_in_dim3A_60 : vector<30x1xf32> to vector<30x30xf32>
    %div3A_61 = arith.divf %exp3A, %div3A : vector<30x30xf32>
    %slice3A_62 = vector.extract_strided_slice %dot_general3A_51 {offsets = [0, 0], sizes = [30, 48], strides = [1, 1]} : vector<30x192xf32> to vector<30x48xf32>
    %dot_general3A_63 = arith.constant dense<0.000000e+00> : vector<30x48xf32>
    %dot_general3A_64 = tpu.matmul %div3A_61, %slice3A_62, %dot_general3A_63 {dimension_numbers = #tpu.dot_dimension_numbers<[1], [0], [0], [1], [0, 0, 1, 1], [], []>, transpose_lhs_hint = false} : vector<30x30xf32>, vector<30x48xf32>, vector<30x48xf32> -> vector<30x48xf32>
    %slice3A_65 = vector.extract_strided_slice %dot_general3A_47 {offsets = [0, 48], sizes = [30, 48], strides = [1, 1]} : vector<30x192xf32> to vector<30x48xf32>
    %slice3A_66 = vector.extract_strided_slice %dot_general3A_49 {offsets = [0, 48], sizes = [30, 48], strides = [1, 1]} : vector<30x192xf32> to vector<30x48xf32>
    %dot_general3A_67 = arith.constant dense<0.000000e+00> : vector<30x30xf32>
    %dot_general3A_68 = tpu.matmul %slice3A_65, %slice3A_66, %dot_general3A_67 {dimension_numbers = #tpu.dot_dimension_numbers<[1], [1], [0], [0], [0, 0, 1, 0], [], []>, transpose_lhs_hint = false} : vector<30x48xf32>, vector<30x48xf32>, vector<30x30xf32> -> vector<30x30xf32>
    %mul3A_69 = arith.constant 0.144337565 : f32
    %mul3A_70 = vector.broadcast %mul3A_69 : f32 to vector<30x30xf32>
    %mul3A_71 = arith.mulf %dot_general3A_68, %mul3A_70 : vector<30x30xf32>
    %reduce_max3A_72 = arith.constant dense<0xFF800000> : vector<30xf32>
    %reduce_max3A_73 = vector.multi_reduction <maximumf>, %mul3A_71, %reduce_max3A_72 [1] : vector<30x30xf32> to vector<30xf32>
    %broadcast_in_dim3A_74 = vector.shape_cast %reduce_max3A_73 : vector<30xf32> to vector<30x1xf32>
    %sub3A_75 = vector.broadcast %broadcast_in_dim3A_74 : vector<30x1xf32> to vector<30x30xf32>
    %sub3A_76 = arith.subf %mul3A_71, %sub3A_75 : vector<30x30xf32>
    %exp3A_77 = math.exp %sub3A_76 : vector<30x30xf32>
    %reduce_sum3A_78 = arith.constant dense<0.000000e+00> : vector<30xf32>
    %reduce_sum3A_79 = vector.multi_reduction <add>, %exp3A_77, %reduce_sum3A_78 [1] : vector<30x30xf32> to vector<30xf32>
    %broadcast_in_dim3A_80 = vector.shape_cast %reduce_sum3A_79 : vector<30xf32> to vector<30x1xf32>
    %div3A_81 = vector.broadcast %broadcast_in_dim3A_80 : vector<30x1xf32> to vector<30x30xf32>
    %div3A_82 = arith.divf %exp3A_77, %div3A_81 : vector<30x30xf32>
    %slice3A_83 = vector.extract_strided_slice %dot_general3A_51 {offsets = [0, 48], sizes = [30, 48], strides = [1, 1]} : vector<30x192xf32> to vector<30x48xf32>
    %dot_general3A_84 = arith.constant dense<0.000000e+00> : vector<30x48xf32>
    %dot_general3A_85 = tpu.matmul %div3A_82, %slice3A_83, %dot_general3A_84 {dimension_numbers = #tpu.dot_dimension_numbers<[1], [0], [0], [1], [0, 0, 1, 1], [], []>, transpose_lhs_hint = false} : vector<30x30xf32>, vector<30x48xf32>, vector<30x48xf32> -> vector<30x48xf32>
    %slice3A_86 = vector.extract_strided_slice %dot_general3A_47 {offsets = [0, 96], sizes = [30, 48], strides = [1, 1]} : vector<30x192xf32> to vector<30x48xf32>
    %slice3A_87 = vector.extract_strided_slice %dot_general3A_49 {offsets = [0, 96], sizes = [30, 48], strides = [1, 1]} : vector<30x192xf32> to vector<30x48xf32>
    %dot_general3A_88 = arith.constant dense<0.000000e+00> : vector<30x30xf32>
    %dot_general3A_89 = tpu.matmul %slice3A_86, %slice3A_87, %dot_general3A_88 {dimension_numbers = #tpu.dot_dimension_numbers<[1], [1], [0], [0], [0, 0, 1, 0], [], []>, transpose_lhs_hint = false} : vector<30x48xf32>, vector<30x48xf32>, vector<30x30xf32> -> vector<30x30xf32>
    %mul3A_90 = arith.constant 0.144337565 : f32
    %mul3A_91 = vector.broadcast %mul3A_90 : f32 to vector<30x30xf32>
    %mul3A_92 = arith.mulf %dot_general3A_89, %mul3A_91 : vector<30x30xf32>
    %reduce_max3A_93 = arith.constant dense<0xFF800000> : vector<30xf32>
    %reduce_max3A_94 = vector.multi_reduction <maximumf>, %mul3A_92, %reduce_max3A_93 [1] : vector<30x30xf32> to vector<30xf32>
    %broadcast_in_dim3A_95 = vector.shape_cast %reduce_max3A_94 : vector<30xf32> to vector<30x1xf32>
    %sub3A_96 = vector.broadcast %broadcast_in_dim3A_95 : vector<30x1xf32> to vector<30x30xf32>
    %sub3A_97 = arith.subf %mul3A_92, %sub3A_96 : vector<30x30xf32>
    %exp3A_98 = math.exp %sub3A_97 : vector<30x30xf32>
    %reduce_sum3A_99 = arith.constant dense<0.000000e+00> : vector<30xf32>
    %reduce_sum3A_100 = vector.multi_reduction <add>, %exp3A_98, %reduce_sum3A_99 [1] : vector<30x30xf32> to vector<30xf32>
    %broadcast_in_dim3A_101 = vector.shape_cast %reduce_sum3A_100 : vector<30xf32> to vector<30x1xf32>
    %div3A_102 = vector.broadcast %broadcast_in_dim3A_101 : vector<30x1xf32> to vector<30x30xf32>
    %div3A_103 = arith.divf %exp3A_98, %div3A_102 : vector<30x30xf32>
    %slice3A_104 = vector.extract_strided_slice %dot_general3A_51 {offsets = [0, 96], sizes = [30, 48], strides = [1, 1]} : vector<30x192xf32> to vector<30x48xf32>
    %dot_general3A_105 = arith.constant dense<0.000000e+00> : vector<30x48xf32>
    %dot_general3A_106 = tpu.matmul %div3A_103, %slice3A_104, %dot_general3A_105 {dimension_numbers = #tpu.dot_dimension_numbers<[1], [0], [0], [1], [0, 0, 1, 1], [], []>, transpose_lhs_hint = false} : vector<30x30xf32>, vector<30x48xf32>, vector<30x48xf32> -> vector<30x48xf32>
    %slice3A_107 = vector.extract_strided_slice %dot_general3A_47 {offsets = [0, 144], sizes = [30, 48], strides = [1, 1]} : vector<30x192xf32> to vector<30x48xf32>
    %slice3A_108 = vector.extract_strided_slice %dot_general3A_49 {offsets = [0, 144], sizes = [30, 48], strides = [1, 1]} : vector<30x192xf32> to vector<30x48xf32>
    %dot_general3A_109 = arith.constant dense<0.000000e+00> : vector<30x30xf32>
    %dot_general3A_110 = tpu.matmul %slice3A_107, %slice3A_108, %dot_general3A_109 {dimension_numbers = #tpu.dot_dimension_numbers<[1], [1], [0], [0], [0, 0, 1, 0], [], []>, transpose_lhs_hint = false} : vector<30x48xf32>, vector<30x48xf32>, vector<30x30xf32> -> vector<30x30xf32>
    %mul3A_111 = arith.constant 0.144337565 : f32
    %mul3A_112 = vector.broadcast %mul3A_111 : f32 to vector<30x30xf32>
    %mul3A_113 = arith.mulf %dot_general3A_110, %mul3A_112 : vector<30x30xf32>
    %reduce_max3A_114 = arith.constant dense<0xFF800000> : vector<30xf32>
    %reduce_max3A_115 = vector.multi_reduction <maximumf>, %mul3A_113, %reduce_max3A_114 [1] : vector<30x30xf32> to vector<30xf32>
    %broadcast_in_dim3A_116 = vector.shape_cast %reduce_max3A_115 : vector<30xf32> to vector<30x1xf32>
    %sub3A_117 = vector.broadcast %broadcast_in_dim3A_116 : vector<30x1xf32> to vector<30x30xf32>
    %sub3A_118 = arith.subf %mul3A_113, %sub3A_117 : vector<30x30xf32>
    %exp3A_119 = math.exp %sub3A_118 : vector<30x30xf32>
    %reduce_sum3A_120 = arith.constant dense<0.000000e+00> : vector<30xf32>
    %reduce_sum3A_121 = vector.multi_reduction <add>, %exp3A_119, %reduce_sum3A_120 [1] : vector<30x30xf32> to vector<30xf32>
    %broadcast_in_dim3A_122 = vector.shape_cast %reduce_sum3A_121 : vector<30xf32> to vector<30x1xf32>
    %div3A_123 = vector.broadcast %broadcast_in_dim3A_122 : vector<30x1xf32> to vector<30x30xf32>
    %div3A_124 = arith.divf %exp3A_119, %div3A_123 : vector<30x30xf32>
    %slice3A_125 = vector.extract_strided_slice %dot_general3A_51 {offsets = [0, 144], sizes = [30, 48], strides = [1, 1]} : vector<30x192xf32> to vector<30x48xf32>
    %dot_general3A_126 = arith.constant dense<0.000000e+00> : vector<30x48xf32>
    %dot_general3A_127 = tpu.matmul %div3A_124, %slice3A_125, %dot_general3A_126 {dimension_numbers = #tpu.dot_dimension_numbers<[1], [0], [0], [1], [0, 0, 1, 1], [], []>, transpose_lhs_hint = false} : vector<30x30xf32>, vector<30x48xf32>, vector<30x48xf32> -> vector<30x48xf32>
    %concatenate3A = tpu.concatenate %dot_general3A_64, %dot_general3A_85, %dot_general3A_106, %dot_general3A_127 in 1 : vector<30x48xf32>, vector<30x48xf32>, vector<30x48xf32>, vector<30x48xf32> -> vector<30x192xf32>
    %dot_general3A_128 = arith.constant dense<0.000000e+00> : vector<30x192xf32>
    %dot_general3A_129 = tpu.matmul %concatenate3A, %get3A_45, %dot_general3A_128 {dimension_numbers = #tpu.dot_dimension_numbers<[1], [0], [0], [1], [0, 0, 1, 1], [], []>, transpose_lhs_hint = false} : vector<30x192xf32>, vector<192x192xf32>, vector<30x192xf32> -> vector<30x192xf32>
    %add3A_130 = arith.addf %add3A_25, %dot_general3A_129 : vector<30x192xf32>
    %get3A_131 = arith.constant 1 : index
    %get3A_132 = arith.constant 0 : index
    %get3A_133 = arith.constant 0 : index
    %get3A_134 = vector.load %arg8[%get3A_131, %get3A_132, %get3A_133] : memref<3x192x192xf32, #tpu.memory_space<vmem>>, vector<1x192x192xf32>
    %get3A_135 = vector.shape_cast %get3A_134 : vector<1x192x192xf32> to vector<192x192xf32>
    %dot_general3A_136 = arith.constant dense<0.000000e+00> : vector<30x192xf32>
    %dot_general3A_137 = tpu.matmul %add3A_130, %get3A_135, %dot_general3A_136 {dimension_numbers = #tpu.dot_dimension_numbers<[1], [0], [0], [1], [0, 0, 1, 1], [], []>, transpose_lhs_hint = false} : vector<30x192xf32>, vector<192x192xf32>, vector<30x192xf32> -> vector<30x192xf32>
    %get3A_138 = arith.constant 1 : index
    %get3A_139 = arith.constant 0 : index
    %get3A_140 = vector.load %arg9[%get3A_138, %get3A_139] : memref<3x192xf32, #tpu.memory_space<vmem>>, vector<1x192xf32>
    %add3A_141 = vector.broadcast %get3A_140 : vector<1x192xf32> to vector<30x192xf32>
    %add3A_142 = arith.addf %dot_general3A_137, %add3A_141 : vector<30x192xf32>
    %max3A_143 = arith.constant 0.000000e+00 : f32
    %max3A_144 = vector.broadcast %max3A_143 : f32 to vector<30x192xf32>
    %max3A_145 = arith.maximumf %add3A_142, %max3A_144 : vector<30x192xf32>
    %add3A_146 = arith.addf %add3A_130, %max3A_145 : vector<30x192xf32>
    %get3A_147 = arith.constant 0 : index
    %get3A_148 = arith.constant 0 : index
    %get3A_149 = vector.load %arg10[%get3A_147, %get3A_148] : memref<1x192xf32, #tpu.memory_space<vmem>>, vector<1x192xf32>
    %get3A_150 = arith.constant 2 : index
    %get3A_151 = arith.constant 0 : index
    %get3A_152 = arith.constant 0 : index
    %get3A_153 = vector.load %arg4[%get3A_150, %get3A_151, %get3A_152] : memref<3x192x192xf32, #tpu.memory_space<vmem>>, vector<1x192x192xf32>
    %get3A_154 = vector.shape_cast %get3A_153 : vector<1x192x192xf32> to vector<192x192xf32>
    %get3A_155 = arith.constant 2 : index
    %get3A_156 = arith.constant 0 : index
    %get3A_157 = arith.constant 0 : index
    %get3A_158 = vector.load %arg5[%get3A_155, %get3A_156, %get3A_157] : memref<3x192x192xf32, #tpu.memory_space<vmem>>, vector<1x192x192xf32>
    %get3A_159 = vector.shape_cast %get3A_158 : vector<1x192x192xf32> to vector<192x192xf32>
    %get3A_160 = arith.constant 2 : index
    %get3A_161 = arith.constant 0 : index
    %get3A_162 = arith.constant 0 : index
    %get3A_163 = vector.load %arg6[%get3A_160, %get3A_161, %get3A_162] : memref<3x192x192xf32, #tpu.memory_space<vmem>>, vector<1x192x192xf32>
    %get3A_164 = vector.shape_cast %get3A_163 : vector<1x192x192xf32> to vector<192x192xf32>
    %get3A_165 = arith.constant 2 : index
    %get3A_166 = arith.constant 0 : index
    %get3A_167 = arith.constant 0 : index
    %get3A_168 = vector.load %arg7[%get3A_165, %get3A_166, %get3A_167] : memref<3x192x192xf32, #tpu.memory_space<vmem>>, vector<1x192x192xf32>
    %get3A_169 = vector.shape_cast %get3A_168 : vector<1x192x192xf32> to vector<192x192xf32>
    %dot_general3A_170 = arith.constant dense<0.000000e+00> : vector<1x192xf32>
    %dot_general3A_171 = tpu.matmul %get3A_149, %get3A_154, %dot_general3A_170 {dimension_numbers = #tpu.dot_dimension_numbers<[1], [0], [0], [1], [0, 0, 1, 1], [], []>, transpose_lhs_hint = false} : vector<1x192xf32>, vector<192x192xf32>, vector<1x192xf32> -> vector<1x192xf32>
    %dot_general3A_172 = arith.constant dense<0.000000e+00> : vector<30x192xf32>
    %dot_general3A_173 = tpu.matmul %add3A_146, %get3A_159, %dot_general3A_172 {dimension_numbers = #tpu.dot_dimension_numbers<[1], [0], [0], [1], [0, 0, 1, 1], [], []>, transpose_lhs_hint = false} : vector<30x192xf32>, vector<192x192xf32>, vector<30x192xf32> -> vector<30x192xf32>
    %dot_general3A_174 = arith.constant dense<0.000000e+00> : vector<30x192xf32>
    %dot_general3A_175 = tpu.matmul %add3A_146, %get3A_164, %dot_general3A_174 {dimension_numbers = #tpu.dot_dimension_numbers<[1], [0], [0], [1], [0, 0, 1, 1], [], []>, transpose_lhs_hint = false} : vector<30x192xf32>, vector<192x192xf32>, vector<30x192xf32> -> vector<30x192xf32>
    %slice3A_176 = vector.extract_strided_slice %dot_general3A_171 {offsets = [0, 0], sizes = [1, 48], strides = [1, 1]} : vector<1x192xf32> to vector<1x48xf32>
    %slice3A_177 = vector.extract_strided_slice %dot_general3A_173 {offsets = [0, 0], sizes = [30, 48], strides = [1, 1]} : vector<30x192xf32> to vector<30x48xf32>
    %dot_general3A_178 = arith.constant dense<0.000000e+00> : vector<1x30xf32>
    %dot_general3A_179 = tpu.matmul %slice3A_176, %slice3A_177, %dot_general3A_178 {dimension_numbers = #tpu.dot_dimension_numbers<[1], [1], [0], [0], [0, 0, 1, 0], [], []>, transpose_lhs_hint = false} : vector<1x48xf32>, vector<30x48xf32>, vector<1x30xf32> -> vector<1x30xf32>
    %mul3A_180 = arith.constant 0.144337565 : f32
    %mul3A_181 = vector.broadcast %mul3A_180 : f32 to vector<1x30xf32>
    %mul3A_182 = arith.mulf %dot_general3A_179, %mul3A_181 : vector<1x30xf32>
    %reduce_max3A_183 = arith.constant dense<0xFF800000> : vector<1xf32>
    %reduce_max3A_184 = vector.multi_reduction <maximumf>, %mul3A_182, %reduce_max3A_183 [1] : vector<1x30xf32> to vector<1xf32>
    %broadcast_in_dim3A_185 = vector.shape_cast %reduce_max3A_184 : vector<1xf32> to vector<1x1xf32>
    %sub3A_186 = vector.broadcast %broadcast_in_dim3A_185 : vector<1x1xf32> to vector<1x30xf32>
    %sub3A_187 = arith.subf %mul3A_182, %sub3A_186 : vector<1x30xf32>
    %exp3A_188 = math.exp %sub3A_187 : vector<1x30xf32>
    %reduce_sum3A_189 = arith.constant dense<0.000000e+00> : vector<1xf32>
    %reduce_sum3A_190 = vector.multi_reduction <add>, %exp3A_188, %reduce_sum3A_189 [1] : vector<1x30xf32> to vector<1xf32>
    %broadcast_in_dim3A_191 = vector.shape_cast %reduce_sum3A_190 : vector<1xf32> to vector<1x1xf32>
    %div3A_192 = vector.broadcast %broadcast_in_dim3A_191 : vector<1x1xf32> to vector<1x30xf32>
    %div3A_193 = arith.divf %exp3A_188, %div3A_192 : vector<1x30xf32>
    %slice3A_194 = vector.extract_strided_slice %dot_general3A_175 {offsets = [0, 0], sizes = [30, 48], strides = [1, 1]} : vector<30x192xf32> to vector<30x48xf32>
    %dot_general3A_195 = arith.constant dense<0.000000e+00> : vector<1x48xf32>
    %dot_general3A_196 = tpu.matmul %div3A_193, %slice3A_194, %dot_general3A_195 {dimension_numbers = #tpu.dot_dimension_numbers<[1], [0], [0], [1], [0, 0, 1, 1], [], []>, transpose_lhs_hint = false} : vector<1x30xf32>, vector<30x48xf32>, vector<1x48xf32> -> vector<1x48xf32>
    %slice3A_197 = vector.extract_strided_slice %dot_general3A_171 {offsets = [0, 48], sizes = [1, 48], strides = [1, 1]} : vector<1x192xf32> to vector<1x48xf32>
    %slice3A_198 = vector.extract_strided_slice %dot_general3A_173 {offsets = [0, 48], sizes = [30, 48], strides = [1, 1]} : vector<30x192xf32> to vector<30x48xf32>
    %dot_general3A_199 = arith.constant dense<0.000000e+00> : vector<1x30xf32>
    %dot_general3A_200 = tpu.matmul %slice3A_197, %slice3A_198, %dot_general3A_199 {dimension_numbers = #tpu.dot_dimension_numbers<[1], [1], [0], [0], [0, 0, 1, 0], [], []>, transpose_lhs_hint = false} : vector<1x48xf32>, vector<30x48xf32>, vector<1x30xf32> -> vector<1x30xf32>
    %mul3A_201 = arith.constant 0.144337565 : f32
    %mul3A_202 = vector.broadcast %mul3A_201 : f32 to vector<1x30xf32>
    %mul3A_203 = arith.mulf %dot_general3A_200, %mul3A_202 : vector<1x30xf32>
    %reduce_max3A_204 = arith.constant dense<0xFF800000> : vector<1xf32>
    %reduce_max3A_205 = vector.multi_reduction <maximumf>, %mul3A_203, %reduce_max3A_204 [1] : vector<1x30xf32> to vector<1xf32>
    %broadcast_in_dim3A_206 = vector.shape_cast %reduce_max3A_205 : vector<1xf32> to vector<1x1xf32>
    %sub3A_207 = vector.broadcast %broadcast_in_dim3A_206 : vector<1x1xf32> to vector<1x30xf32>
    %sub3A_208 = arith.subf %mul3A_203, %sub3A_207 : vector<1x30xf32>
    %exp3A_209 = math.exp %sub3A_208 : vector<1x30xf32>
    %reduce_sum3A_210 = arith.constant dense<0.000000e+00> : vector<1xf32>
    %reduce_sum3A_211 = vector.multi_reduction <add>, %exp3A_209, %reduce_sum3A_210 [1] : vector<1x30xf32> to vector<1xf32>
    %broadcast_in_dim3A_212 = vector.shape_cast %reduce_sum3A_211 : vector<1xf32> to vector<1x1xf32>
    %div3A_213 = vector.broadcast %broadcast_in_dim3A_212 : vector<1x1xf32> to vector<1x30xf32>
    %div3A_214 = arith.divf %exp3A_209, %div3A_213 : vector<1x30xf32>
    %slice3A_215 = vector.extract_strided_slice %dot_general3A_175 {offsets = [0, 48], sizes = [30, 48], strides = [1, 1]} : vector<30x192xf32> to vector<30x48xf32>
    %dot_general3A_216 = arith.constant dense<0.000000e+00> : vector<1x48xf32>
    %dot_general3A_217 = tpu.matmul %div3A_214, %slice3A_215, %dot_general3A_216 {dimension_numbers = #tpu.dot_dimension_numbers<[1], [0], [0], [1], [0, 0, 1, 1], [], []>, transpose_lhs_hint = false} : vector<1x30xf32>, vector<30x48xf32>, vector<1x48xf32> -> vector<1x48xf32>
    %slice3A_218 = vector.extract_strided_slice %dot_general3A_171 {offsets = [0, 96], sizes = [1, 48], strides = [1, 1]} : vector<1x192xf32> to vector<1x48xf32>
    %slice3A_219 = vector.extract_strided_slice %dot_general3A_173 {offsets = [0, 96], sizes = [30, 48], strides = [1, 1]} : vector<30x192xf32> to vector<30x48xf32>
    %dot_general3A_220 = arith.constant dense<0.000000e+00> : vector<1x30xf32>
    %dot_general3A_221 = tpu.matmul %slice3A_218, %slice3A_219, %dot_general3A_220 {dimension_numbers = #tpu.dot_dimension_numbers<[1], [1], [0], [0], [0, 0, 1, 0], [], []>, transpose_lhs_hint = false} : vector<1x48xf32>, vector<30x48xf32>, vector<1x30xf32> -> vector<1x30xf32>
    %mul3A_222 = arith.constant 0.144337565 : f32
    %mul3A_223 = vector.broadcast %mul3A_222 : f32 to vector<1x30xf32>
    %mul3A_224 = arith.mulf %dot_general3A_221, %mul3A_223 : vector<1x30xf32>
    %reduce_max3A_225 = arith.constant dense<0xFF800000> : vector<1xf32>
    %reduce_max3A_226 = vector.multi_reduction <maximumf>, %mul3A_224, %reduce_max3A_225 [1] : vector<1x30xf32> to vector<1xf32>
    %broadcast_in_dim3A_227 = vector.shape_cast %reduce_max3A_226 : vector<1xf32> to vector<1x1xf32>
    %sub3A_228 = vector.broadcast %broadcast_in_dim3A_227 : vector<1x1xf32> to vector<1x30xf32>
    %sub3A_229 = arith.subf %mul3A_224, %sub3A_228 : vector<1x30xf32>
    %exp3A_230 = math.exp %sub3A_229 : vector<1x30xf32>
    %reduce_sum3A_231 = arith.constant dense<0.000000e+00> : vector<1xf32>
    %reduce_sum3A_232 = vector.multi_reduction <add>, %exp3A_230, %reduce_sum3A_231 [1] : vector<1x30xf32> to vector<1xf32>
    %broadcast_in_dim3A_233 = vector.shape_cast %reduce_sum3A_232 : vector<1xf32> to vector<1x1xf32>
    %div3A_234 = vector.broadcast %broadcast_in_dim3A_233 : vector<1x1xf32> to vector<1x30xf32>
    %div3A_235 = arith.divf %exp3A_230, %div3A_234 : vector<1x30xf32>
    %slice3A_236 = vector.extract_strided_slice %dot_general3A_175 {offsets = [0, 96], sizes = [30, 48], strides = [1, 1]} : vector<30x192xf32> to vector<30x48xf32>
    %dot_general3A_237 = arith.constant dense<0.000000e+00> : vector<1x48xf32>
    %dot_general3A_238 = tpu.matmul %div3A_235, %slice3A_236, %dot_general3A_237 {dimension_numbers = #tpu.dot_dimension_numbers<[1], [0], [0], [1], [0, 0, 1, 1], [], []>, transpose_lhs_hint = false} : vector<1x30xf32>, vector<30x48xf32>, vector<1x48xf32> -> vector<1x48xf32>
    %slice3A_239 = vector.extract_strided_slice %dot_general3A_171 {offsets = [0, 144], sizes = [1, 48], strides = [1, 1]} : vector<1x192xf32> to vector<1x48xf32>
    %slice3A_240 = vector.extract_strided_slice %dot_general3A_173 {offsets = [0, 144], sizes = [30, 48], strides = [1, 1]} : vector<30x192xf32> to vector<30x48xf32>
    %dot_general3A_241 = arith.constant dense<0.000000e+00> : vector<1x30xf32>
    %dot_general3A_242 = tpu.matmul %slice3A_239, %slice3A_240, %dot_general3A_241 {dimension_numbers = #tpu.dot_dimension_numbers<[1], [1], [0], [0], [0, 0, 1, 0], [], []>, transpose_lhs_hint = false} : vector<1x48xf32>, vector<30x48xf32>, vector<1x30xf32> -> vector<1x30xf32>
    %mul3A_243 = arith.constant 0.144337565 : f32
    %mul3A_244 = vector.broadcast %mul3A_243 : f32 to vector<1x30xf32>
    %mul3A_245 = arith.mulf %dot_general3A_242, %mul3A_244 : vector<1x30xf32>
    %reduce_max3A_246 = arith.constant dense<0xFF800000> : vector<1xf32>
    %reduce_max3A_247 = vector.multi_reduction <maximumf>, %mul3A_245, %reduce_max3A_246 [1] : vector<1x30xf32> to vector<1xf32>
    %broadcast_in_dim3A_248 = vector.shape_cast %reduce_max3A_247 : vector<1xf32> to vector<1x1xf32>
    %sub3A_249 = vector.broadcast %broadcast_in_dim3A_248 : vector<1x1xf32> to vector<1x30xf32>
    %sub3A_250 = arith.subf %mul3A_245, %sub3A_249 : vector<1x30xf32>
    %exp3A_251 = math.exp %sub3A_250 : vector<1x30xf32>
    %reduce_sum3A_252 = arith.constant dense<0.000000e+00> : vector<1xf32>
    %reduce_sum3A_253 = vector.multi_reduction <add>, %exp3A_251, %reduce_sum3A_252 [1] : vector<1x30xf32> to vector<1xf32>
    %broadcast_in_dim3A_254 = vector.shape_cast %reduce_sum3A_253 : vector<1xf32> to vector<1x1xf32>
    %div3A_255 = vector.broadcast %broadcast_in_dim3A_254 : vector<1x1xf32> to vector<1x30xf32>
    %div3A_256 = arith.divf %exp3A_251, %div3A_255 : vector<1x30xf32>
    %slice3A_257 = vector.extract_strided_slice %dot_general3A_175 {offsets = [0, 144], sizes = [30, 48], strides = [1, 1]} : vector<30x192xf32> to vector<30x48xf32>
    %dot_general3A_258 = arith.constant dense<0.000000e+00> : vector<1x48xf32>
    %dot_general3A_259 = tpu.matmul %div3A_256, %slice3A_257, %dot_general3A_258 {dimension_numbers = #tpu.dot_dimension_numbers<[1], [0], [0], [1], [0, 0, 1, 1], [], []>, transpose_lhs_hint = false} : vector<1x30xf32>, vector<30x48xf32>, vector<1x48xf32> -> vector<1x48xf32>
    %concatenate3A_260 = tpu.concatenate %dot_general3A_196, %dot_general3A_217, %dot_general3A_238, %dot_general3A_259 in 1 : vector<1x48xf32>, vector<1x48xf32>, vector<1x48xf32>, vector<1x48xf32> -> vector<1x192xf32>
    %dot_general3A_261 = arith.constant dense<0.000000e+00> : vector<1x192xf32>
    %dot_general3A_262 = tpu.matmul %concatenate3A_260, %get3A_169, %dot_general3A_261 {dimension_numbers = #tpu.dot_dimension_numbers<[1], [0], [0], [1], [0, 0, 1, 1], [], []>, transpose_lhs_hint = false} : vector<1x192xf32>, vector<192x192xf32>, vector<1x192xf32> -> vector<1x192xf32>
    %get3A_263 = arith.constant 0 : index
    %get3A_264 = arith.constant 0 : index
    %get3A_265 = vector.load %arg10[%get3A_263, %get3A_264] : memref<1x192xf32, #tpu.memory_space<vmem>>, vector<1x192xf32>
    %add3A_266 = arith.addf %get3A_265, %dot_general3A_262 : vector<1x192xf32>
    %get3A_267 = arith.constant 2 : index
    %get3A_268 = arith.constant 0 : index
    %get3A_269 = arith.constant 0 : index
    %get3A_270 = vector.load %arg8[%get3A_267, %get3A_268, %get3A_269] : memref<3x192x192xf32, #tpu.memory_space<vmem>>, vector<1x192x192xf32>
    %get3A_271 = vector.shape_cast %get3A_270 : vector<1x192x192xf32> to vector<192x192xf32>
    %dot_general3A_272 = arith.constant dense<0.000000e+00> : vector<1x192xf32>
    %dot_general3A_273 = tpu.matmul %add3A_266, %get3A_271, %dot_general3A_272 {dimension_numbers = #tpu.dot_dimension_numbers<[1], [0], [0], [1], [0, 0, 1, 1], [], []>, transpose_lhs_hint = false} : vector<1x192xf32>, vector<192x192xf32>, vector<1x192xf32> -> vector<1x192xf32>
    %get3A_274 = arith.constant 2 : index
    %get3A_275 = arith.constant 0 : index
    %get3A_276 = vector.load %arg9[%get3A_274, %get3A_275] : memref<3x192xf32, #tpu.memory_space<vmem>>, vector<1x192xf32>
    %add3A_277 = arith.addf %dot_general3A_273, %get3A_276 : vector<1x192xf32>
    %max3A_278 = arith.constant 0.000000e+00 : f32
    %max3A_279 = vector.broadcast %max3A_278 : f32 to vector<1x192xf32>
    %max3A_280 = arith.maximumf %add3A_277, %max3A_279 : vector<1x192xf32>
    %add3A_281 = arith.addf %add3A_266, %max3A_280 : vector<1x192xf32>
    %get3A_282 = arith.constant 0 : index
    %get3A_283 = arith.constant 0 : index
    %get3A_284 = vector.load %arg11[%get3A_282, %get3A_283] : memref<192x1024xf32, #tpu.memory_space<vmem>>, vector<192x1024xf32>
    %dot_general3A_285 = arith.constant dense<0.000000e+00> : vector<1x1024xf32>
    %dot_general3A_286 = tpu.matmul %add3A_281, %get3A_284, %dot_general3A_285 {dimension_numbers = #tpu.dot_dimension_numbers<[1], [0], [0], [1], [0, 0, 1, 1], [], []>, transpose_lhs_hint = false} : vector<1x192xf32>, vector<192x1024xf32>, vector<1x1024xf32> -> vector<1x1024xf32>
    %get3A_287 = arith.constant 0 : index
    %get3A_288 = arith.constant 0 : index
    %get3A_289 = vector.load %arg12[%get3A_287, %get3A_288] : memref<1x1024xf32, #tpu.memory_space<vmem>>, vector<1x1024xf32>
    %add3A_290 = arith.addf %dot_general3A_286, %get3A_289 : vector<1x1024xf32>
    %max3A_291 = arith.constant 0.000000e+00 : f32
    %max3A_292 = vector.broadcast %max3A_291 : f32 to vector<1x1024xf32>
    %max3A_293 = arith.maximumf %add3A_290, %max3A_292 : vector<1x1024xf32>
    %get3A_294 = arith.constant 0 : index
    %get3A_295 = arith.constant 0 : index
    %get3A_296 = vector.load %arg13[%get3A_294, %get3A_295] : memref<1024x256xf32, #tpu.memory_space<vmem>>, vector<1024x256xf32>
    %dot_general3A_297 = arith.constant dense<0.000000e+00> : vector<1x256xf32>
    %dot_general3A_298 = tpu.matmul %max3A_293, %get3A_296, %dot_general3A_297 {dimension_numbers = #tpu.dot_dimension_numbers<[1], [0], [0], [1], [0, 0, 1, 1], [], []>, transpose_lhs_hint = false} : vector<1x1024xf32>, vector<1024x256xf32>, vector<1x256xf32> -> vector<1x256xf32>
    %get3A_299 = arith.constant 0 : index
    %get3A_300 = arith.constant 0 : index
    %get3A_301 = vector.load %arg14[%get3A_299, %get3A_300] : memref<1x256xf32, #tpu.memory_space<vmem>>, vector<1x256xf32>
    %add3A_302 = arith.addf %dot_general3A_298, %get3A_301 : vector<1x256xf32>
    %max3A_303 = arith.constant 0.000000e+00 : f32
    %max3A_304 = vector.broadcast %max3A_303 : f32 to vector<1x256xf32>
    %max3A_305 = arith.maximumf %add3A_302, %max3A_304 : vector<1x256xf32>
    %swap3A = arith.constant 0 : index
    %swap3A_306 = arith.constant 0 : index
    %swap3A_307 = arith.constant 0 : index
    %swap3A_308 = vector.load %arg15[%swap3A, %swap3A_306, %swap3A_307] : memref<1x1x256xf32, #tpu.memory_space<vmem>>, vector<1x1x256xf32>
    %swap3A_309 = vector.shape_cast %swap3A_308 : vector<1x1x256xf32> to vector<1x256xf32>
    %swap3A_310 = vector.shape_cast %max3A_305 : vector<1x256xf32> to vector<1x1x256xf32>
    tpu.vector_store %arg15[%swap3A, %swap3A_306, %swap3A_307], %swap3A_310 {strides = array<i32>} : memref<1x1x256xf32, #tpu.memory_space<vmem>>, vector<1x1x256xf32>,
    return
  }
  func.func @transform_0(%arg0: i32) -> (i32, i32, i32) {
    %c0_i32 = arith.constant 0 : i32
    %c0_i32_0 = arith.constant 0 : i32
    %c0_i32_1 = arith.constant 0 : i32
    return %arg0, %c0_i32, %c0_i32_0 : i32, i32, i32
  }
  func.func @transform_1(%arg0: i32) -> (i32, i32) {
    %c0_i32 = arith.constant 0 : i32
    %c0_i32_0 = arith.constant 0 : i32
    %c0_i32_1 = arith.constant 0 : i32
    return %c0_i32, %c0_i32_0 : i32, i32
  }
  func.func @transform_2(%arg0: i32) -> (i32, i32) {
    %c0_i32 = arith.constant 0 : i32
    %c0_i32_0 = arith.constant 0 : i32
    %c0_i32_1 = arith.constant 0 : i32
    return %c0_i32, %c0_i32_0 : i32, i32
  }
  func.func @transform_3(%arg0: i32) -> (i32, i32, i32) {
    %c0_i32 = arith.constant 0 : i32
    %c0_i32_0 = arith.constant 0 : i32
    %c0_i32_1 = arith.constant 0 : i32
    %c0_i32_2 = arith.constant 0 : i32
    return %c0_i32, %c0_i32_0, %c0_i32_1 : i32, i32, i32
  }
  func.func @transform_4(%arg0: i32) -> (i32, i32, i32) {
    %c0_i32 = arith.constant 0 : i32
    %c0_i32_0 = arith.constant 0 : i32
    %c0_i32_1 = arith.constant 0 : i32
    %c0_i32_2 = arith.constant 0 : i32
    return %c0_i32, %c0_i32_0, %c0_i32_1 : i32, i32, i32
  }
  func.func @transform_5(%arg0: i32) -> (i32, i32, i32) {
    %c0_i32 = arith.constant 0 : i32
    %c0_i32_0 = arith.constant 0 : i32
    %c0_i32_1 = arith.constant 0 : i32
    %c0_i32_2 = arith.constant 0 : i32
    return %c0_i32, %c0_i32_0, %c0_i32_1 : i32, i32, i32
  }
  func.func @transform_6(%arg0: i32) -> (i32, i32, i32) {
    %c0_i32 = arith.constant 0 : i32
    %c0_i32_0 = arith.constant 0 : i32
    %c0_i32_1 = arith.constant 0 : i32
    %c0_i32_2 = arith.constant 0 : i32
    return %c0_i32, %c0_i32_0, %c0_i32_1 : i32, i32, i32
  }
  func.func @transform_7(%arg0: i32) -> (i32, i32, i32) {
    %c0_i32 = arith.constant 0 : i32
    %c0_i32_0 = arith.constant 0 : i32
    %c0_i32_1 = arith.constant 0 : i32
    %c0_i32_2 = arith.constant 0 : i32
    return %c0_i32, %c0_i32_0, %c0_i32_1 : i32, i32, i32
  }
  func.func @transform_8(%arg0: i32) -> (i32, i32) {
    %c0_i32 = arith.constant 0 : i32
    %c0_i32_0 = arith.constant 0 : i32
    %c0_i32_1 = arith.constant 0 : i32
    return %c0_i32, %c0_i32_0 : i32, i32
  }
  func.func @transform_9(%arg0: i32) -> (i32, i32) {
    %c0_i32 = arith.constant 0 : i32
    %c0_i32_0 = arith.constant 0 : i32
    %c0_i32_1 = arith.constant 0 : i32
    return %c0_i32, %c0_i32_0 : i32, i32
  }
  func.func @transform_10(%arg0: i32) -> (i32, i32) {
    %c0_i32 = arith.constant 0 : i32
    %c0_i32_0 = arith.constant 0 : i32
    %c0_i32_1 = arith.constant 0 : i32
    return %c0_i32, %c0_i32_0 : i32, i32
  }
  func.func @transform_11(%arg0: i32) -> (i32, i32) {
    %c0_i32 = arith.constant 0 : i32
    %c0_i32_0 = arith.constant 0 : i32
    %c0_i32_1 = arith.constant 0 : i32
    return %c0_i32, %c0_i32_0 : i32, i32
  }
  func.func @transform_12(%arg0: i32) -> (i32, i32) {
    %c0_i32 = arith.constant 0 : i32
    %c0_i32_0 = arith.constant 0 : i32
    %c0_i32_1 = arith.constant 0 : i32
    return %c0_i32, %c0_i32_0 : i32, i32
  }
  func.func @transform_13(%arg0: i32) -> (i32, i32) {
    %c0_i32 = arith.constant 0 : i32
    %c0_i32_0 = arith.constant 0 : i32
    %c0_i32_1 = arith.constant 0 : i32
    return %c0_i32, %c0_i32_0 : i32, i32
  }
  func.func @transform_14(%arg0: i32) -> (i32, i32, i32) {
    %c0_i32 = arith.constant 0 : i32
    %c0_i32_0 = arith.constant 0 : i32
    %c0_i32_1 = arith.constant 0 : i32
    return %arg0, %c0_i32, %c0_i32_0 : i32, i32, i32
  }
}

</mosaic_0001>

<sc_bundles>
// kernel: gather_offload_async_start.1
scs
__scs_entry_jumppad:
0x0: {  	(pc) =	sbr.rel $0x88, $3  }
0x1: {  	(tag) =	ssettag $0x0;
	lr =	simm.s32 $0x1  }
0x2: {  	[smem:$0x3F87] =	sst lr;
	_ =	strace $0xD0000000  }
0x3: {  	_ = 	snop  }
0x4: {  	_ = 	snop  }
0x5: {  	_ = 	snop  }
0x6: {  	_ = 	snop  }
0x7: {  	_ = 	snop  }
__scs_overlays_trampoline_lowered:
0x8: {  	[smem:$0x3F96] =	sst s0  }
0x9: {  	[smem:$0x3F97] =	sst s1  }
0xa: {  	[smem:$0x3F98] =	sst s2  }
0xb: {  	[smem:$0x3F99] =	sst s3  }
0xc: {  	[smem:$0x3F9A] =	sst s4  }
0xd: {  	[smem:$0x3F9B] =	sst s5  }
0xe: {  	[smem:$0x3F9C] =	sst s6  }
0xf: {  	[smem:$0x3F9D] =	sst s7  }
0x10: {  	[smem:$0x3F9E] =	sst s8  }
0x11: {  	[smem:$0x3F9F] =	sst s9;
	s0 =	simm.s32 @!p0 $0x0  }
0x12: {  	s1 =	sld [smem:$0x3F85];
	s0 =	simm.s32 @p0 $0x1  }
0x13: {  	[smem:$0x3FA0] =	sst s0;
	s0 =	simm.s32 @!p1 $0x0  }
0x14: {  	s2 =	sld [smem:$0x3F84];
	s0 =	simm.s32 @p1 $0x1  }
0x15: {  	[smem:$0x3FA1] =	sst s0;
	s0 =	simm.s32 @!p2 $0x0  }
0x16: {  	s3 =	sld [smem:$0x3FDB];
	s0 =	simm.s32 @p2 $0x1  }
0x17: {  	s4 =	simm.s32 $0x1BF5;
	[smem:$0x3FA3] =	sst s0  }
0x18: {  	s0 =	sld [smem:$0x3F86];
	_ =	swait.ge [sflag:s4], $0x0  }
0x19: {  	s7 =	sld [smem:$0x3F87]  }
0x1a: {  	s8 =	sadd.s32 $0xFFFFE003, lr  }
0x1b: {  	s9 =	sadd.s32 $0xFFFFFEF7, lr;
	s5 =	simm.s32 $0xFFFFFFFF;
	p2 =	slt.u32 s8, $0xFFFFF086  }
0x1c: {  	p1 =	slt.u32 s9, $0xF7A;
	s5 =	simm.s32 @!p2 $0x0  }
0x1d: {  	s5 =	simm.s32 @p1 $0x1;
	p0 =	seq.s32 s7, s2  }
0x1e: {  	s7 =	smul.u32 @!p0 $0xF7A, s2;
	p2 =	seq.s32 @!p0 s5, $0x0  }
0x1f: {  	s9 =	smul.u32 $0xF7A, s1;
	s8 =	simm.s32 @!p0 $0x1BF5;
	p2 =	por !p2, p0  }
0x20: {  	[sflag:s8] =	ssyncset.s32 @!p0 $0xFFFFF086;
	s6 =	sadd.s32 @!p0 s3, s7;
	s7 =	simm.s32 @!p0 $0x108  }
0x21: {  	s3 =	sadd.s32 s3, s9;
	s6 =	sadd.s32 @!p0 $0x88, s6;
	s7 =	simm.s32 @p2 $0x1082  }
0x22: {  	[simem:s7], [sflag:s8] =	dma.local @!p0 [hbm:s6], $0xF7A  }
0x23: {  	s9 =	sor.u32 $0xD0000000, s2;
	s6 =	simm.s32 $0x108;
	_ =	swait.ge @!p0 [sflag:s8], $0x0  }
0x24: {  	s3 =	sadd.s32 $0x88, s3;
	s6 =	simm.s32 @!p1 $0x1082;
	[sflag:s4] =	ssyncset.s32 $0xFFFFF086  }
0x25: {  	[simem:s6], [sflag:s4] =	dma.local [hbm:s3], $0xF7A  }
0x26: {  	[smem:$0x3F87] =	sst s1;
	(tag) =	ssettag s2;
	_ =	strace s9  }
0x27: {  	s1 =	sld [smem:$0x3F97]  }
0x28: {  	s2 =	sld [smem:$0x3F98]  }
0x29: {  	s4 =	sld [smem:$0x3F9A]  }
0x2a: {  	p0 =	seq.s32 s5, $0x0;
	s5 =	sld [smem:$0x3F9B]  }
0x2b: {  	s6 =	sld [smem:$0x3F9C]  }
0x2c: {  	s7 =	sld [smem:$0x3F9D]  }
0x2d: {  	s3 =	simm.s32 $0x108;
	s8 =	sld [smem:$0x3F9E]  }
0x2e: {  	s3 =	simm.s32 @!p0 $0x1082;
	s9 =	sld [smem:$0x3F9F]  }
0x2f: {  	lr =	sadd.s32 s0, s3;
	s0 =	sld [smem:$0x3F96]  }
0x30: {  	s3 =	sld [smem:$0x3F99]  }
0x31: {  	[smem:$0x3FA2] =	sst s10  }
0x32: {  	s10 =	sld [smem:$0x3FA0];
	_ =	sdelay $0x3  }
0x33: {  	p0 =	seq.s32 s10, $0x1;
	s10 =	sld [smem:$0x3FA2];
	_ =	sdelay $0x3  }
0x34: {  	[smem:$0x3FA2] =	sst s10  }
0x35: {  	s10 =	sld [smem:$0x3FA1];
	_ =	sdelay $0x3  }
0x36: {  	p1 =	seq.s32 s10, $0x1;
	s10 =	sld [smem:$0x3FA2];
	_ =	sdelay $0x3  }
0x37: {  	[smem:$0x3FA2] =	sst s10  }
0x38: {  	s10 =	sld [smem:$0x3FA3]  }
0x39: {  	_ = 	snop;
	(pc) =	sbr.ind lr, $3  }
0x3a: {  	_ = 	snop  }
0x3b: {  	_ = 	snop  }
0x3c: {  	p2 =	seq.s32 s10, $0x1;
	s10 =	sld [smem:$0x3FA2]  }
0x3d: {  	_ =	shalt  }
0x3e: {  	_ =	shalt  }
0x3f: {  	_ =	shalt  }
0x40: {  	_ =	shalt  }
0x41: {  	_ =	shalt  }
0x42: {  	_ =	shalt  }
0x43: {  	_ =	shalt  }
0x44: {  	_ =	shalt  }
0x45: {  	_ =	shalt  }
0x46: {  	_ =	shalt  }
0x47: {  	_ =	shalt  }
0x48: {  	_ =	shalt  }
0x49: {  	_ =	shalt  }
0x4a: {  	_ =	shalt  }
0x4b: {  	_ =	shalt  }
0x4c: {  	_ =	shalt  }
0x4d: {  	_ =	shalt  }
0x4e: {  	_ =	shalt  }
0x4f: {  	_ =	shalt  }
0x50: {  	_ =	shalt  }
0x51: {  	_ =	shalt  }
0x52: {  	_ =	shalt  }
0x53: {  	_ =	shalt  }
0x54: {  	_ =	shalt  }
0x55: {  	_ =	shalt  }
0x56: {  	_ =	shalt  }
0x57: {  	_ =	shalt  }
0x58: {  	_ =	shalt  }
0x59: {  	_ =	shalt  }
0x5a: {  	_ =	shalt  }
0x5b: {  	_ =	shalt  }
0x5c: {  	_ =	shalt  }
0x5d: {  	_ =	shalt  }
0x5e: {  	_ =	shalt  }
0x5f: {  	_ =	shalt  }
0x60: {  	_ =	shalt  }
0x61: {  	_ =	shalt  }
0x62: {  	_ =	shalt  }
0x63: {  	_ =	shalt  }
0x64: {  	_ =	shalt  }
0x65: {  	_ =	shalt  }
0x66: {  	_ =	shalt  }
0x67: {  	_ =	shalt  }
0x68: {  	_ =	shalt  }
0x69: {  	_ =	shalt  }
0x6a: {  	_ =	shalt  }
0x6b: {  	_ =	shalt  }
0x6c: {  	_ =	shalt  }
0x6d: {  	_ =	shalt  }
0x6e: {  	_ =	shalt  }
0x6f: {  	_ =	shalt  }
0x70: {  	_ =	shalt  }
0x71: {  	_ =	shalt  }
0x72: {  	_ =	shalt  }
0x73: {  	_ =	shalt  }
0x74: {  	_ =	shalt  }
0x75: {  	_ =	shalt  }
0x76: {  	_ =	shalt  }
0x77: {  	_ =	shalt  }
0x78: {  	_ =	shalt  }
0x79: {  	_ =	shalt  }
0x7a: {  	_ =	shalt  }
0x7b: {  	_ =	shalt  }
0x7c: {  	_ =	shalt  }
0x7d: {  	_ =	shalt  }
0x7e: {  	_ =	shalt  }
0x7f: {  	_ =	shalt  }
0x80: {  	_ =	shalt  }
0x81: {  	_ =	shalt  }
0x82: {  	_ =	shalt  }
0x83: {  	_ =	shalt  }
0x84: {  	_ =	shalt  }
0x85: {  	_ =	shalt  }
0x86: {  	_ =	shalt  }
0x87: {  	_ =	shalt  }
.Lfunc_end0:
.L_simem_size_0:
called_computation.8_lowered:
.L_overlay_start_0:
0x88: {  	s2 =	sld [smem:$0x3FD9]  }
0x89: {  	s3 =	sld [smem:$0x3FFE];
	_ =	sdelay $0x1  }
0x8a: {  	s1 =	srdreg.scid  }
0x8b: {  	s0 =	sand.u32 $0x1, s1  }
0x8c: {  	s16 =	sshll.u32 s0, $0xA;
	s2 =	sadd.s32 s3, s2  }
0x8d: {  	s2 =	sadd.s32 s2, s16  }
0x8e: {  	[smem:$0x3FAE] =	sst s2  }
0x8f: {  	_ = 	snop  }
0x90: {  	(tm) =	ssettm $0x1  }
0x91: {  	s17 =	sld [smem:$0x3FFB];
	_ =	sdelay $0x3  }
0x92: {  	_ =	strace s17  }
0x93: {  	s2 =	sld [smem:$0x3FFC];
	_ =	sdelay $0x3  }
0x94: {  	_ =	strace s2  }
0x95: {  	s2 =	sld [smem:$0x3FFD];
	_ =	sdelay $0x3  }
0x96: {  	_ =	strace s2  }
0x97: {  	_ =	strace $0x8FFFFFFF  }
0x98: {  	s18 =	sld [smem:$0x3FDB];
	_ =	sdelay $0x1  }
0x99: {  	s19 =	simm.s32 $_scs_section_size  }
0x9a: {  	s4 =	simm.s32 $_size__tile_overlayer_lowered;
	s5 =	simm.s32 $_tile_overlayer_lowered  }
0x9b: {  	s22 =	simm.s32 $0x1BFF;
	s21 =	sshll.u32 s5, $0x1;
	s2 =	sadd.s32 s19, s18  }
0x9c: {  	s6 =	simm.s32 $0x0;
	s20 =	sshll.u32 s4, $0x1;
	s4 =	sadd.s32 s21, s2  }
0x9d: {  	[timem:s6], [sflag:s22] =	dma.local [hbm:s4], s20  }
0x9e: {  	_ =	swait.ge [sflag:s22], s20  }
0x9f: {  	s3 =	ssub.s32 $0x0, s20;
	[sflag:s22] =	ssyncset.done $0x0  }
0xa0: {  	[sflag:s22] =	ssyncadd.s32 s3;
	_ =	sdelay $0x1  }
0xa1: {  	s23 =	simm.s32 $0x1B8B  }
0xa2: {  	_ =	swait.ge [sflag:s23], $0x1  }
0xa3: {  	[sflag:s23] =	ssyncset.done $0x0  }
0xa4: {  	s25 =	simm.s32 $0x1B8E;
	s24 =	sld [smem:$0x3FFE];
	[sflag:s23] =	ssyncadd.s32 $0xFFFFFFFF  }
0xa5: {  	s26 =	simm.s32 $execute0_lowered;
	[smem:$0x3FD2] =	sst s25  }
0xa6: {  	s4 =	sshll.u32 s26, $0x1;
	_ =	strace $0x80000046;
	[dreg:$0x1] =	wrdreg $0xFFFFFFFF  }
0xa7: {  	s28 =	simm.s32 $_size_execute0_lowered;
	s2 =	sadd.s32 s2, s4;
	[dreg:$0x0] =	wrdreg $0x0  }
0xa8: {  	s4 =	sshll.u32 s28, $0x1;
	[dreg:$0x2] =	wrdreg s2  }
0xa9: {  	[dreg:$0x3] =	wrdreg s4  }
0xaa: {  	[dreg:$0x4] =	wrdreg $0xC0  }
0xab: {  	_ =	task [dreg:s6], $0x5FFFF  }
0xac: {  	[dreg:$0x1] =	wrdreg $0xFFFFFFFF  }
0xad: {  	[dreg:$0x0] =	wrdreg $0x60  }
0xae: {  	[dreg:$0x2] =	wrdreg s24  }
0xaf: {  	[dreg:$0x3] =	wrdreg $0x9  }
0xb0: {  	_ =	task.clear_ibuf [dreg:s6], $0x4FFFF;
	_ =	strace $0x90000046  }
0xb1: {  	s29 =	simm.s32 $0x9;
	_ =	strace $0x80000048  }
0xb2: {  	_ =	swait.ge [sflag:s29], $0x1  }
0xb3: {  	[sflag:s29] =	ssyncadd.s32 $0xFFFFFFFF  }
0xb4: {  	_ =	strace $0x90000048  }
0xb5: {  	_ =	sfence  }
0xb6: {  	s30 =	sld [smem:$0x0];
	_ =	sdelay $0x2  }
0xb7: {  	s31 =	sshll.u32 s1, $0xD;
	s1 =	sshrl.u32 s1, $0x2  }
0xb8: {  	s3 =	sand.u32 $0x4000, s31;
	s1 =	sadd.s32 s1, s30  }
0xb9: {  	s0 =	sor.u32 s3, s0;
	s1 =	sshll.u32 s1, $0x11  }
0xba: {  	s0 =	sor.u32 s1, s0  }
0xbb: {  	s0 =	sadd.s32 $0x8F2B, s0  }
0xbc: {  	[sflag:s0] =	ssyncadd.remote.s32 $0x1  }
0xbd: {  	_ =	sfence.sel $0xFFFF  }
0xbe: {  	[dreg:$0x0] =	wrdreg $0xFFFFFFFF;
	(pc) =	sbr.abs _section_cstart, $3  }
0xbf: {  	[dreg:$0x1] =	wrdreg $0xFFFFFFFF  }
0xc0: {  	_ =	task.clear_ibuf [dreg:s6], $0x2FFFF;
	_ =	strace $0x9FFFFFFF  }
0xc1: {  	(tm) =	ssettm $0x7FFFFFFF  }
tec
execute0_lowered:
.L_overlay_start_1:
0x0: {  	(tag) =	ssettag $0x1  }
0x1: {  	s8 =	rddreg [dreg:$0x0];
	s1 =	stileid.u32  }
0x2: {  	s2 =	srdreg.scid;
	s0 =	rddreg [dreg:$0x1]  }
0x3: {  	_ =	strace $0x80000047;
	s5 =	simm.s32 $0x1;
	s9 =	simm.s32 $0x1  }
0x4: {  	s10 =	simm.s32 $0x3;
	s2 =	sand.u32 $0x1, s2;
	s3 =	sshll.u32 s1, $0x1  }
0x5: {  	s13 =	simm.s32 $0x0;
	s12 =	simm.s32 $0x0;
	s6 =	sor.u32 s3, s2  }
0x6: {  	[sflag:s5] =	ssyncpa.u1 $0x0;
	s2 =	sadd.s32 $0x23800, s8;
	s4 =	smul.u32 $0x4E20, s6  }
0x7: {  	s3 =	sadd.s32 $0x3C000, s8;
	p0 =	slt.u32 s6, $0x9;
	s6 =	simm.s32 $0x9C400  }
.Ltmp0:
0x8: {  	s6 =	simm.s32 @!p0 $0x0;
	s7 =	ssub.s32 $0xC3500, s4;
	(pc) =	sbr.rel .LBB2_1-.Ltmp0, $4  }
0x9: {  	s9 =	simm.s32 @!p0 $0x0;
	p0 =	sne.s32 s7, s6;
	s7 =	simm.s32 $0x1  }
0xa: {  	s8 =	sadd.s32 $0x1E3C00, s8;
	s6 =	simm.s32 $0x2;
	s7 =	simm.s32 @!p0 $0x0  }
0xb: {  	s11 =	smov.u32 s4;
	[sflag:s6] =	ssyncpa.u1 $0x0;
	s7 =	sadd.s32 s9, s7  }
0xc: {  	vm0 =	vmmov $0xffff;
	[sflag:s10] =	ssyncpa.u1 $0x0;
	s10 =	simm.s32 $0x0;
	s9 =	sadd.s32 $0x1, s7  }
.LBB2_4:
0xd: {  	v2 =	vnsel vm1, $0x0, v2  }
0xe: {  	vm1 =	vgt.s32 v0, $0x0;
	v2 =	vmin.u32 v2, $0xC34FF  }
0xf: {  	v0 =	vnsel vm1, $0x0, v0  }
0x10: {  	v0 =	vmin.u32 v0, $0xC34FF  }
0x11: {  	[tilespmem:s18], [sflag:$0x1] =	stream.indirect_vreg.gather [hbm4b:s2+s10], $0x1, v1, vm0, $0x4038;
	[tilespmem:$0x13880] =	vst v63  }
0x12: {  	(ifvalue) =	ssetifvalue $0x7FFFFFFF  }
0x13: {  	[tilespmem:s15], [sflag:$0x1] =	stream.indirect_vreg.gather [hbm4b:s2+s10], $0x1, v2, vm0, $0x4038;
	[tilespmem:$0x13880] =	vst v63  }
0x14: {  	s29 =	sadd.s32 $0x10, s15;
	(ifvalue) =	ssetifvalue $0x7FFFFFFF  }
0x15: {  	[tilespmem:s29], [sflag:$0x1] =	stream.indirect_vreg.gather [hbm4b:s2+s10], $0x1, v0, vm0, $0x4038;
	[tilespmem:$0x13880] =	vst v63  }
0x16: {  	_ =	swait.ge [sflag:s5], $0x4E20  }
0x17: {  	s30 =	sshrl.u32 s13, $0x3;
	[sflag:s5] =	ssyncset.done $0x0  }
0x18: {  	s31 =	sand.u32 $0x7, s13;
	s15 =	sadd.s32 s8, s30;
	[sflag:s5] =	ssyncadd.s32 $0xFFFFB1E0  }
0x19: {  	[hbm4b:s15+s31] =	stream.linear.scatter [tilespmem:s14], [sflag:$0x3], $0x4E20, $0x38;
	[tilespmem:$0x13880] =	vst v63  }
.LBB2_5:
0x1a: {  	s15 =	sadd.s32 $0x9C400, s11  }
0x1b: {  	p1 =	sgt.s32 s15, $0xC34FF  }
0x1c: {  	s15 =	smov.u32 @p1 s4;
	p1 =	sne.s32 s12, s9  }
.Ltmp1:
0x1d: {  	p0 =	slt.u32 s12, $0x2;
	(pc) =	sbr.rel @!p1 .LBB2_6-.Ltmp1, $4  }
0x1e: {  	s14 =	simm.s32 @!p0 $0x3  }
0x1f: {  	_ =	swait.ge @!p0 [sflag:s14], $0x4E20  }
0x20: {  	s16 =	sadd.s32 $0x1, s12;
	s13 =	smov.u32 s11;
	[sflag:s14] =	ssyncset.done @!p0 $0x0  }
0x21: {  	s12 =	smov.u32 s16;
	s11 =	smov.u32 s15;
	[sflag:s14] =	ssyncadd.s32 @!p0 $0xFFFFB1E0  }
.LBB2_1:
0x22: {  	p0 =	sge.u32 s12, s7  }
0x23: {  	s14 =	sxor.u32 @!p0 $0x1, s12  }
0x24: {  	s14 =	smul.u32 @!p0 $0x13880, s14  }
0x25: {  	s31 =	sadd.s32 $0xFFFFFFFF, s12;
	s15 =	sshrl.u32 @!p0 s11, $0x3  }
0x26: {  	s16 =	sand.u32 @!p0 $0x7, s11;
	s15 =	sadd.s32 @!p0 s3, s15;
	s14 =	sshra.s32 @!p0 s14, $0x2  }
0x27: {  	[tilespmem:s14], [sflag:$0x2] =	stream.linear.gather @!p0 [hbm4b:s15+s16], $0x4E20, $0x38;
	[tilespmem:$0x13880] =	vst v63  }
0x28: {  	p0 =	sge.u32 s31, s7  }
.Ltmp2:
0x29: {  	_ = 	snop;
	(pc) =	sbr.rel @p0 .LBB2_5-.Ltmp2, $1  }
0x2a: {  	_ =	sdelay $0x3  }
0x2b: {  	s14 =	sand.u32 $0x1, s12  }
0x2c: {  	_ =	swait.ge [sflag:s6], $0x4E20;
	p0 =	seq.s32 s14, $0x1;
	s14 =	simm.s32 $0x4E20  }
0x2d: {  	[sflag:s6] =	ssyncset.done $0x0;
	s14 =	simm.s32 @!p0 $0x0  }
0x2e: {  	[sflag:s6] =	ssyncadd.s32 $0xFFFFB1E0;
	(ifvalue) =	ssetifvalue $0x7FFFFFFF;
	v0 =	vld.msk [tilespmem:s14+$0x0 ss:$0x1], $0xffff;
	_ =	sdelay $0x4  }
0x2f: {  	s15 =	sadd.s32 $0x10, s14;
	vm1 =	vgt.s32 v0, $0x0  }
0x30: {  	v2 =	vld.msk [tilespmem:s15+$0x0 ss:$0x1], $0xffff;
	v1 =	vnsel vm1, $0x0, v0  }
0x31: {  	v1 =	vmin.u32 v1, $0xC34FF;
	_ =	sdelay $0x2  }
0x32: {  	s17 =	simm.s32 $0x20;
	s14 =	sadd.s32 $0x9C40, s14;
	s16 =	sadd.s32 $0x10, s15  }
0x33: {  	s15 =	sadd.s32 $0x10, s14;
	s18 =	smov.u32 s14;
	v0 =	vld.msk [tilespmem:s16+$0x0 ss:$0x1], $0xffff;
	vm1 =	vgt.s32 v2, $0x0;
	(ifvalue) =	ssetifvalue $0x7FFFFFFF  }
.LBB2_3:
0x34: {  	[tilespmem:s18], [sflag:$0x1] =	stream.indirect_vreg.gather [hbm4b:s2+s10], $0x1, v1, vm0, $0x4038;
	[tilespmem:$0x13880] =	vst v63  }
0x35: {  	s17 =	sadd.s32 $0x10, s17  }
0x36: {  	v2 =	vnsel vm1, $0x0, v2;
	p0 =	slt.u32 s17, $0x4E10  }
.Ltmp3:
0x37: {  	s18 =	smov.u32 s15;
	v1 =	vmin.u32 v2, $0xC34FF;
	(pc) =	sbr.rel @p0 .LBB2_3-.Ltmp3, $3  }
0x38: {  	_ =	sdelay $0x1  }
0x39: {  	s16 =	sadd.s32 $0x10, s16  }
0x3a: {  	vm1 =	vgt.s32 v0, $0x0;
	s15 =	sadd.s32 $0x10, s15;
	v2 =	vmov v0;
	(ifvalue) =	ssetifvalue $0x7FFFFFFF;
	v0 =	vld.msk [tilespmem:s16+$0x0 ss:$0x1], $0xffff  }
.Ltmp4:
0x3b: {  	_ = 	snop;
	(pc) =	sbr.rel .LBB2_4-.Ltmp4, $1  }
0x3c: {  	_ =	sdelay $0x3  }
.LBB2_6:
0x3d: {  	_ =	sfence.sel $0x180000  }
0x3e: {  	s2 =	simm.s32 $0x2;
	[bflag:$0x0] =	sbarrier.arrive $0xFFFF  }
0x3f: {  	s30 =	simm.s32 $0x3;
	[sflag:s2] =	ssyncpa.u1 $0x1  }
0x40: {  	s31 =	simm.s32 $0x1;
	[sflag:s30] =	ssyncpa.u1 $0x1  }
0x41: {  	[sflag:s31] =	ssyncpa.u1 $0x1  }
0x42: {  	p0 =	sne.s32 s1, $0x0;
	_ =	strace $0x90000047  }
0x43: {  	s0 =	sadd.s32 @!p0 $0x100000, s0;
	[bflag:$0x2] =	sbarrier.arrive $0xFFFF  }
0x44: {  	[sflag:s0] =	ssyncadd.tile.s32 @!p0 $0x1;
	_ =	shalt  }
.Lfunc_end2:
_tile_overlayer_lowered:
.L_overlay_start_2:
0x45: {  	(tag) =	ssettag $0x2  }
0x46: {  	s0 =	rddreg [dreg:$0x0];
	s2 =	stileid.u32  }
0x47: {  	s1 =	rddreg [dreg:$0x1];
	p0 =	sne.s32 s2, $0x0  }
0x48: {  	s3 =	rddreg [dreg:$0x2];
	[bflag:$0x3] =	sbarrier.arrive $0xFFFF;
	s2 =	simm.s32 @!p0 $0x1C01  }
0x49: {  	[timem:s3], [sflag:s2] =	dma.local @!p0 [hbm:s0], s1  }
0x4a: {  	s0 =	simm.s32 @!p0 $0x1  }
0x4b: {  	_ =	swait.ge @!p0 [sflag:s0], s1  }
0x4c: {  	s1 =	ssub.s32 @!p0 $0x0, s1;
	[sflag:s0] =	ssyncset.done @!p0 $0x0  }
0x4d: {  	[sflag:s0] =	ssyncadd.s32 @!p0 s1  }
0x4e: {  	[bflag:$0x3] =	sbarrier.arrive $0xFFFF  }
0x4f: {  	_ =	shalt  }

// kernel: gather_offload_async_start
scs
__scs_entry_jumppad:
0x0: {  	(pc) =	sbr.rel $0x88, $3  }
0x1: {  	(tag) =	ssettag $0x0;
	lr =	simm.s32 $0x1  }
0x2: {  	[smem:$0x3F87] =	sst lr;
	_ =	strace $0xD0000000  }
0x3: {  	_ = 	snop  }
0x4: {  	_ = 	snop  }
0x5: {  	_ = 	snop  }
0x6: {  	_ = 	snop  }
0x7: {  	_ = 	snop  }
__scs_overlays_trampoline_lowered:
0x8: {  	[smem:$0x3F96] =	sst s0  }
0x9: {  	[smem:$0x3F97] =	sst s1  }
0xa: {  	[smem:$0x3F98] =	sst s2  }
0xb: {  	[smem:$0x3F99] =	sst s3  }
0xc: {  	[smem:$0x3F9A] =	sst s4  }
0xd: {  	[smem:$0x3F9B] =	sst s5  }
0xe: {  	[smem:$0x3F9C] =	sst s6  }
0xf: {  	[smem:$0x3F9D] =	sst s7  }
0x10: {  	[smem:$0x3F9E] =	sst s8  }
0x11: {  	[smem:$0x3F9F] =	sst s9;
	s0 =	simm.s32 @!p0 $0x0  }
0x12: {  	s1 =	sld [smem:$0x3F85];
	s0 =	simm.s32 @p0 $0x1  }
0x13: {  	[smem:$0x3FA0] =	sst s0;
	s0 =	simm.s32 @!p1 $0x0  }
0x14: {  	s2 =	sld [smem:$0x3F84];
	s0 =	simm.s32 @p1 $0x1  }
0x15: {  	[smem:$0x3FA1] =	sst s0;
	s0 =	simm.s32 @!p2 $0x0  }
0x16: {  	s3 =	sld [smem:$0x3FDB];
	s0 =	simm.s32 @p2 $0x1  }
0x17: {  	s4 =	simm.s32 $0x1BF5;
	[smem:$0x3FA3] =	sst s0  }
0x18: {  	s0 =	sld [smem:$0x3F86];
	_ =	swait.ge [sflag:s4], $0x0  }
0x19: {  	s7 =	sld [smem:$0x3F87]  }
0x1a: {  	s8 =	sadd.s32 $0xFFFFE003, lr  }
0x1b: {  	s9 =	sadd.s32 $0xFFFFFEF7, lr;
	s5 =	simm.s32 $0xFFFFFFFF;
	p2 =	slt.u32 s8, $0xFFFFF086  }
0x1c: {  	p1 =	slt.u32 s9, $0xF7A;
	s5 =	simm.s32 @!p2 $0x0  }
0x1d: {  	s5 =	simm.s32 @p1 $0x1;
	p0 =	seq.s32 s7, s2  }
0x1e: {  	s7 =	smul.u32 @!p0 $0xF7A, s2;
	p2 =	seq.s32 @!p0 s5, $0x0  }
0x1f: {  	s9 =	smul.u32 $0xF7A, s1;
	s8 =	simm.s32 @!p0 $0x1BF5;
	p2 =	por !p2, p0  }
0x20: {  	[sflag:s8] =	ssyncset.s32 @!p0 $0xFFFFF086;
	s6 =	sadd.s32 @!p0 s3, s7;
	s7 =	simm.s32 @!p0 $0x108  }
0x21: {  	s3 =	sadd.s32 s3, s9;
	s6 =	sadd.s32 @!p0 $0x88, s6;
	s7 =	simm.s32 @p2 $0x1082  }
0x22: {  	[simem:s7], [sflag:s8] =	dma.local @!p0 [hbm:s6], $0xF7A  }
0x23: {  	s9 =	sor.u32 $0xD0000000, s2;
	s6 =	simm.s32 $0x108;
	_ =	swait.ge @!p0 [sflag:s8], $0x0  }
0x24: {  	s3 =	sadd.s32 $0x88, s3;
	s6 =	simm.s32 @!p1 $0x1082;
	[sflag:s4] =	ssyncset.s32 $0xFFFFF086  }
0x25: {  	[simem:s6], [sflag:s4] =	dma.local [hbm:s3], $0xF7A  }
0x26: {  	[smem:$0x3F87] =	sst s1;
	(tag) =	ssettag s2;
	_ =	strace s9  }
0x27: {  	s1 =	sld [smem:$0x3F97]  }
0x28: {  	s2 =	sld [smem:$0x3F98]  }
0x29: {  	s4 =	sld [smem:$0x3F9A]  }
0x2a: {  	p0 =	seq.s32 s5, $0x0;
	s5 =	sld [smem:$0x3F9B]  }
0x2b: {  	s6 =	sld [smem:$0x3F9C]  }
0x2c: {  	s7 =	sld [smem:$0x3F9D]  }
0x2d: {  	s3 =	simm.s32 $0x108;
	s8 =	sld [smem:$0x3F9E]  }
0x2e: {  	s3 =	simm.s32 @!p0 $0x1082;
	s9 =	sld [smem:$0x3F9F]  }
0x2f: {  	lr =	sadd.s32 s0, s3;
	s0 =	sld [smem:$0x3F96]  }
0x30: {  	s3 =	sld [smem:$0x3F99]  }
0x31: {  	[smem:$0x3FA2] =	sst s10  }
0x32: {  	s10 =	sld [smem:$0x3FA0];
	_ =	sdelay $0x3  }
0x33: {  	p0 =	seq.s32 s10, $0x1;
	s10 =	sld [smem:$0x3FA2];
	_ =	sdelay $0x3  }
0x34: {  	[smem:$0x3FA2] =	sst s10  }
0x35: {  	s10 =	sld [smem:$0x3FA1];
	_ =	sdelay $0x3  }
0x36: {  	p1 =	seq.s32 s10, $0x1;
	s10 =	sld [smem:$0x3FA2];
	_ =	sdelay $0x3  }
0x37: {  	[smem:$0x3FA2] =	sst s10  }
0x38: {  	s10 =	sld [smem:$0x3FA3]  }
0x39: {  	_ = 	snop;
	(pc) =	sbr.ind lr, $3  }
0x3a: {  	_ = 	snop  }
0x3b: {  	_ = 	snop  }
0x3c: {  	p2 =	seq.s32 s10, $0x1;
	s10 =	sld [smem:$0x3FA2]  }
0x3d: {  	_ =	shalt  }
0x3e: {  	_ =	shalt  }
0x3f: {  	_ =	shalt  }
0x40: {  	_ =	shalt  }
0x41: {  	_ =	shalt  }
0x42: {  	_ =	shalt  }
0x43: {  	_ =	shalt  }
0x44: {  	_ =	shalt  }
0x45: {  	_ =	shalt  }
0x46: {  	_ =	shalt  }
0x47: {  	_ =	shalt  }
0x48: {  	_ =	shalt  }
0x49: {  	_ =	shalt  }
0x4a: {  	_ =	shalt  }
0x4b: {  	_ =	shalt  }
0x4c: {  	_ =	shalt  }
0x4d: {  	_ =	shalt  }
0x4e: {  	_ =	shalt  }
0x4f: {  	_ =	shalt  }
0x50: {  	_ =	shalt  }
0x51: {  	_ =	shalt  }
0x52: {  	_ =	shalt  }
0x53: {  	_ =	shalt  }
0x54: {  	_ =	shalt  }
0x55: {  	_ =	shalt  }
0x56: {  	_ =	shalt  }
0x57: {  	_ =	shalt  }
0x58: {  	_ =	shalt  }
0x59: {  	_ =	shalt  }
0x5a: {  	_ =	shalt  }
0x5b: {  	_ =	shalt  }
0x5c: {  	_ =	shalt  }
0x5d: {  	_ =	shalt  }
0x5e: {  	_ =	shalt  }
0x5f: {  	_ =	shalt  }
0x60: {  	_ =	shalt  }
0x61: {  	_ =	shalt  }
0x62: {  	_ =	shalt  }
0x63: {  	_ =	shalt  }
0x64: {  	_ =	shalt  }
0x65: {  	_ =	shalt  }
0x66: {  	_ =	shalt  }
0x67: {  	_ =	shalt  }
0x68: {  	_ =	shalt  }
0x69: {  	_ =	shalt  }
0x6a: {  	_ =	shalt  }
0x6b: {  	_ =	shalt  }
0x6c: {  	_ =	shalt  }
0x6d: {  	_ =	shalt  }
0x6e: {  	_ =	shalt  }
0x6f: {  	_ =	shalt  }
0x70: {  	_ =	shalt  }
0x71: {  	_ =	shalt  }
0x72: {  	_ =	shalt  }
0x73: {  	_ =	shalt  }
0x74: {  	_ =	shalt  }
0x75: {  	_ =	shalt  }
0x76: {  	_ =	shalt  }
0x77: {  	_ =	shalt  }
0x78: {  	_ =	shalt  }
0x79: {  	_ =	shalt  }
0x7a: {  	_ =	shalt  }
0x7b: {  	_ =	shalt  }
0x7c: {  	_ =	shalt  }
0x7d: {  	_ =	shalt  }
0x7e: {  	_ =	shalt  }
0x7f: {  	_ =	shalt  }
0x80: {  	_ =	shalt  }
0x81: {  	_ =	shalt  }
0x82: {  	_ =	shalt  }
0x83: {  	_ =	shalt  }
0x84: {  	_ =	shalt  }
0x85: {  	_ =	shalt  }
0x86: {  	_ =	shalt  }
0x87: {  	_ =	shalt  }
.Lfunc_end0:
.L_simem_size_0:
called_computation.7_lowered:
.L_overlay_start_0:
0x88: {  	s2 =	sld [smem:$0x3FD9]  }
0x89: {  	s3 =	sld [smem:$0x3FFE];
	_ =	sdelay $0x1  }
0x8a: {  	s1 =	srdreg.scid  }
0x8b: {  	s0 =	sand.u32 $0x1, s1  }
0x8c: {  	s16 =	sshll.u32 s0, $0xA;
	s2 =	sadd.s32 s3, s2  }
0x8d: {  	s2 =	sadd.s32 s2, s16  }
0x8e: {  	[smem:$0x3FAE] =	sst s2  }
0x8f: {  	_ = 	snop  }
0x90: {  	(tm) =	ssettm $0x1  }
0x91: {  	s17 =	sld [smem:$0x3FFB];
	_ =	sdelay $0x3  }
0x92: {  	_ =	strace s17  }
0x93: {  	s2 =	sld [smem:$0x3FFC];
	_ =	sdelay $0x3  }
0x94: {  	_ =	strace s2  }
0x95: {  	s2 =	sld [smem:$0x3FFD];
	_ =	sdelay $0x3  }
0x96: {  	_ =	strace s2  }
0x97: {  	_ =	strace $0x8FFFFFFF  }
0x98: {  	s18 =	sld [smem:$0x3FDB];
	_ =	sdelay $0x1  }
0x99: {  	s19 =	simm.s32 $_scs_section_size  }
0x9a: {  	s4 =	simm.s32 $_size__tile_overlayer_lowered;
	s5 =	simm.s32 $_tile_overlayer_lowered  }
0x9b: {  	s22 =	simm.s32 $0x1BFF;
	s21 =	sshll.u32 s5, $0x1;
	s2 =	sadd.s32 s19, s18  }
0x9c: {  	s6 =	simm.s32 $0x0;
	s20 =	sshll.u32 s4, $0x1;
	s4 =	sadd.s32 s21, s2  }
0x9d: {  	[timem:s6], [sflag:s22] =	dma.local [hbm:s4], s20  }
0x9e: {  	_ =	swait.ge [sflag:s22], s20  }
0x9f: {  	s3 =	ssub.s32 $0x0, s20;
	[sflag:s22] =	ssyncset.done $0x0  }
0xa0: {  	[sflag:s22] =	ssyncadd.s32 s3;
	_ =	sdelay $0x1  }
0xa1: {  	s23 =	simm.s32 $0x1B8B  }
0xa2: {  	_ =	swait.ge [sflag:s23], $0x1  }
0xa3: {  	[sflag:s23] =	ssyncset.done $0x0  }
0xa4: {  	s25 =	simm.s32 $0x1B8E;
	s24 =	sld [smem:$0x3FFE];
	[sflag:s23] =	ssyncadd.s32 $0xFFFFFFFF  }
0xa5: {  	s26 =	simm.s32 $execute0_lowered;
	[smem:$0x3FD2] =	sst s25  }
0xa6: {  	s4 =	sshll.u32 s26, $0x1;
	_ =	strace $0x80000049;
	[dreg:$0x1] =	wrdreg $0xFFFFFFFF  }
0xa7: {  	s28 =	simm.s32 $_size_execute0_lowered;
	s2 =	sadd.s32 s2, s4;
	[dreg:$0x0] =	wrdreg $0x0  }
0xa8: {  	s4 =	sshll.u32 s28, $0x1;
	[dreg:$0x2] =	wrdreg s2  }
0xa9: {  	[dreg:$0x3] =	wrdreg s4  }
0xaa: {  	[dreg:$0x4] =	wrdreg $0xC0  }
0xab: {  	_ =	task [dreg:s6], $0x5FFFF  }
0xac: {  	[dreg:$0x1] =	wrdreg $0xFFFFFFFF  }
0xad: {  	[dreg:$0x0] =	wrdreg $0x60  }
0xae: {  	[dreg:$0x2] =	wrdreg s24  }
0xaf: {  	[dreg:$0x3] =	wrdreg $0x9  }
0xb0: {  	_ =	task.clear_ibuf [dreg:s6], $0x4FFFF;
	_ =	strace $0x90000049  }
0xb1: {  	s29 =	simm.s32 $0x9;
	_ =	strace $0x8000004B  }
0xb2: {  	_ =	swait.ge [sflag:s29], $0x1  }
0xb3: {  	[sflag:s29] =	ssyncadd.s32 $0xFFFFFFFF  }
0xb4: {  	_ =	strace $0x9000004B  }
0xb5: {  	_ =	sfence  }
0xb6: {  	s30 =	sld [smem:$0x0];
	_ =	sdelay $0x2  }
0xb7: {  	s31 =	sshll.u32 s1, $0xD;
	s1 =	sshrl.u32 s1, $0x2  }
0xb8: {  	s3 =	sand.u32 $0x4000, s31;
	s1 =	sadd.s32 s1, s30  }
0xb9: {  	s0 =	sor.u32 s3, s0;
	s1 =	sshll.u32 s1, $0x11  }
0xba: {  	s0 =	sor.u32 s1, s0  }
0xbb: {  	s0 =	sadd.s32 $0x8F2B, s0  }
0xbc: {  	[sflag:s0] =	ssyncadd.remote.s32 $0x1  }
0xbd: {  	_ =	sfence.sel $0xFFFF  }
0xbe: {  	[dreg:$0x0] =	wrdreg $0xFFFFFFFF;
	(pc) =	sbr.abs _section_cstart, $3  }
0xbf: {  	[dreg:$0x1] =	wrdreg $0xFFFFFFFF  }
0xc0: {  	_ =	task.clear_ibuf [dreg:s6], $0x2FFFF;
	_ =	strace $0x9FFFFFFF  }
0xc1: {  	(tm) =	ssettm $0x7FFFFFFF  }
tec
execute0_lowered:
.L_overlay_start_1:
0x0: {  	(tag) =	ssettag $0x1  }
0x1: {  	s8 =	rddreg [dreg:$0x0];
	s1 =	stileid.u32  }
0x2: {  	s2 =	srdreg.scid;
	s0 =	rddreg [dreg:$0x1]  }
0x3: {  	_ =	strace $0x8000004A;
	s5 =	simm.s32 $0x1;
	s9 =	simm.s32 $0x1  }
0x4: {  	s10 =	simm.s32 $0x3;
	s2 =	sand.u32 $0x1, s2;
	s3 =	sshll.u32 s1, $0x1  }
0x5: {  	s13 =	simm.s32 $0x0;
	s12 =	simm.s32 $0x0;
	s6 =	sor.u32 s3, s2  }
0x6: {  	[sflag:s5] =	ssyncpa.u1 $0x0;
	s2 =	sadd.s32 $0xB000, s8;
	s4 =	smul.u32 $0x4E20, s6  }
0x7: {  	s3 =	sadd.s32 $0x3C000, s8;
	p0 =	slt.u32 s6, $0x9;
	s6 =	simm.s32 $0x9C400  }
.Ltmp0:
0x8: {  	s6 =	simm.s32 @!p0 $0x0;
	s7 =	ssub.s32 $0xC3500, s4;
	(pc) =	sbr.rel .LBB2_1-.Ltmp0, $4  }
0x9: {  	s9 =	simm.s32 @!p0 $0x0;
	p0 =	sne.s32 s7, s6;
	s7 =	simm.s32 $0x1  }
0xa: {  	s8 =	sadd.s32 $0x23800, s8;
	s6 =	simm.s32 $0x2;
	s7 =	simm.s32 @!p0 $0x0  }
0xb: {  	s11 =	smov.u32 s4;
	[sflag:s6] =	ssyncpa.u1 $0x0;
	s7 =	sadd.s32 s9, s7  }
0xc: {  	vm0 =	vmmov $0xffff;
	[sflag:s10] =	ssyncpa.u1 $0x0;
	s10 =	simm.s32 $0x0;
	s9 =	sadd.s32 $0x1, s7  }
.LBB2_4:
0xd: {  	v2 =	vnsel vm1, $0x0, v2  }
0xe: {  	vm1 =	vgt.s32 v0, $0x0;
	v2 =	vmin.u32 v2, $0xC34FF  }
0xf: {  	v0 =	vnsel vm1, $0x0, v0  }
0x10: {  	v0 =	vmin.u32 v0, $0xC34FF  }
0x11: {  	[tilespmem:s18], [sflag:$0x1] =	stream.indirect_vreg.gather [hbm4b:s2+s10], $0x1, v1, vm0, $0x4038;
	[tilespmem:$0x13880] =	vst v63  }
0x12: {  	(ifvalue) =	ssetifvalue $0x7FFFFFFF  }
0x13: {  	[tilespmem:s15], [sflag:$0x1] =	stream.indirect_vreg.gather [hbm4b:s2+s10], $0x1, v2, vm0, $0x4038;
	[tilespmem:$0x13880] =	vst v63  }
0x14: {  	s29 =	sadd.s32 $0x10, s15;
	(ifvalue) =	ssetifvalue $0x7FFFFFFF  }
0x15: {  	[tilespmem:s29], [sflag:$0x1] =	stream.indirect_vreg.gather [hbm4b:s2+s10], $0x1, v0, vm0, $0x4038;
	[tilespmem:$0x13880] =	vst v63  }
0x16: {  	_ =	swait.ge [sflag:s5], $0x4E20  }
0x17: {  	s30 =	sshrl.u32 s13, $0x3;
	[sflag:s5] =	ssyncset.done $0x0  }
0x18: {  	s31 =	sand.u32 $0x7, s13;
	s15 =	sadd.s32 s8, s30;
	[sflag:s5] =	ssyncadd.s32 $0xFFFFB1E0  }
0x19: {  	[hbm4b:s15+s31] =	stream.linear.scatter [tilespmem:s14], [sflag:$0x3], $0x4E20, $0x38;
	[tilespmem:$0x13880] =	vst v63  }
.LBB2_5:
0x1a: {  	s15 =	sadd.s32 $0x9C400, s11  }
0x1b: {  	p1 =	sgt.s32 s15, $0xC34FF  }
0x1c: {  	s15 =	smov.u32 @p1 s4;
	p1 =	sne.s32 s12, s9  }
.Ltmp1:
0x1d: {  	p0 =	slt.u32 s12, $0x2;
	(pc) =	sbr.rel @!p1 .LBB2_6-.Ltmp1, $4  }
0x1e: {  	s14 =	simm.s32 @!p0 $0x3  }
0x1f: {  	_ =	swait.ge @!p0 [sflag:s14], $0x4E20  }
0x20: {  	s16 =	sadd.s32 $0x1, s12;
	s13 =	smov.u32 s11;
	[sflag:s14] =	ssyncset.done @!p0 $0x0  }
0x21: {  	s12 =	smov.u32 s16;
	s11 =	smov.u32 s15;
	[sflag:s14] =	ssyncadd.s32 @!p0 $0xFFFFB1E0  }
.LBB2_1:
0x22: {  	p0 =	sge.u32 s12, s7  }
0x23: {  	s14 =	sxor.u32 @!p0 $0x1, s12  }
0x24: {  	s14 =	smul.u32 @!p0 $0x13880, s14  }
0x25: {  	s31 =	sadd.s32 $0xFFFFFFFF, s12;
	s15 =	sshrl.u32 @!p0 s11, $0x3  }
0x26: {  	s16 =	sand.u32 @!p0 $0x7, s11;
	s15 =	sadd.s32 @!p0 s3, s15;
	s14 =	sshra.s32 @!p0 s14, $0x2  }
0x27: {  	[tilespmem:s14], [sflag:$0x2] =	stream.linear.gather @!p0 [hbm4b:s15+s16], $0x4E20, $0x38;
	[tilespmem:$0x13880] =	vst v63  }
0x28: {  	p0 =	sge.u32 s31, s7  }
.Ltmp2:
0x29: {  	_ = 	snop;
	(pc) =	sbr.rel @p0 .LBB2_5-.Ltmp2, $1  }
0x2a: {  	_ =	sdelay $0x3  }
0x2b: {  	s14 =	sand.u32 $0x1, s12  }
0x2c: {  	_ =	swait.ge [sflag:s6], $0x4E20;
	p0 =	seq.s32 s14, $0x1;
	s14 =	simm.s32 $0x4E20  }
0x2d: {  	[sflag:s6] =	ssyncset.done $0x0;
	s14 =	simm.s32 @!p0 $0x0  }
0x2e: {  	[sflag:s6] =	ssyncadd.s32 $0xFFFFB1E0;
	(ifvalue) =	ssetifvalue $0x7FFFFFFF;
	v0 =	vld.msk [tilespmem:s14+$0x0 ss:$0x1], $0xffff;
	_ =	sdelay $0x4  }
0x2f: {  	s15 =	sadd.s32 $0x10, s14;
	vm1 =	vgt.s32 v0, $0x0  }
0x30: {  	v2 =	vld.msk [tilespmem:s15+$0x0 ss:$0x1], $0xffff;
	v1 =	vnsel vm1, $0x0, v0  }
0x31: {  	v1 =	vmin.u32 v1, $0xC34FF;
	_ =	sdelay $0x2  }
0x32: {  	s17 =	simm.s32 $0x20;
	s14 =	sadd.s32 $0x9C40, s14;
	s16 =	sadd.s32 $0x10, s15  }
0x33: {  	s15 =	sadd.s32 $0x10, s14;
	s18 =	smov.u32 s14;
	v0 =	vld.msk [tilespmem:s16+$0x0 ss:$0x1], $0xffff;
	vm1 =	vgt.s32 v2, $0x0;
	(ifvalue) =	ssetifvalue $0x7FFFFFFF  }
.LBB2_3:
0x34: {  	[tilespmem:s18], [sflag:$0x1] =	stream.indirect_vreg.gather [hbm4b:s2+s10], $0x1, v1, vm0, $0x4038;
	[tilespmem:$0x13880] =	vst v63  }
0x35: {  	s17 =	sadd.s32 $0x10, s17  }
0x36: {  	v2 =	vnsel vm1, $0x0, v2;
	p0 =	slt.u32 s17, $0x4E10  }
.Ltmp3:
0x37: {  	s18 =	smov.u32 s15;
	v1 =	vmin.u32 v2, $0xC34FF;
	(pc) =	sbr.rel @p0 .LBB2_3-.Ltmp3, $3  }
0x38: {  	_ =	sdelay $0x1  }
0x39: {  	s16 =	sadd.s32 $0x10, s16  }
0x3a: {  	vm1 =	vgt.s32 v0, $0x0;
	s15 =	sadd.s32 $0x10, s15;
	v2 =	vmov v0;
	(ifvalue) =	ssetifvalue $0x7FFFFFFF;
	v0 =	vld.msk [tilespmem:s16+$0x0 ss:$0x1], $0xffff  }
.Ltmp4:
0x3b: {  	_ = 	snop;
	(pc) =	sbr.rel .LBB2_4-.Ltmp4, $1  }
0x3c: {  	_ =	sdelay $0x3  }
.LBB2_6:
0x3d: {  	_ =	sfence.sel $0x180000  }
0x3e: {  	s2 =	simm.s32 $0x2;
	[bflag:$0x0] =	sbarrier.arrive $0xFFFF  }
0x3f: {  	s30 =	simm.s32 $0x3;
	[sflag:s2] =	ssyncpa.u1 $0x1  }
0x40: {  	s31 =	simm.s32 $0x1;
	[sflag:s30] =	ssyncpa.u1 $0x1  }
0x41: {  	[sflag:s31] =	ssyncpa.u1 $0x1  }
0x42: {  	p0 =	sne.s32 s1, $0x0;
	_ =	strace $0x9000004A  }
0x43: {  	s0 =	sadd.s32 @!p0 $0x100000, s0;
	[bflag:$0x2] =	sbarrier.arrive $0xFFFF  }
0x44: {  	[sflag:s0] =	ssyncadd.tile.s32 @!p0 $0x1;
	_ =	shalt  }
.Lfunc_end2:
_tile_overlayer_lowered:
.L_overlay_start_2:
0x45: {  	(tag) =	ssettag $0x2  }
0x46: {  	s0 =	rddreg [dreg:$0x0];
	s2 =	stileid.u32  }
0x47: {  	s1 =	rddreg [dreg:$0x1];
	p0 =	sne.s32 s2, $0x0  }
0x48: {  	s3 =	rddreg [dreg:$0x2];
	[bflag:$0x3] =	sbarrier.arrive $0xFFFF;
	s2 =	simm.s32 @!p0 $0x1C01  }
0x49: {  	[timem:s3], [sflag:s2] =	dma.local @!p0 [hbm:s0], s1  }
0x4a: {  	s0 =	simm.s32 @!p0 $0x1  }
0x4b: {  	_ =	swait.ge @!p0 [sflag:s0], s1  }
0x4c: {  	s1 =	ssub.s32 @!p0 $0x0, s1;
	[sflag:s0] =	ssyncset.done @!p0 $0x0  }
0x4d: {  	[sflag:s0] =	ssyncadd.s32 @!p0 s1  }
0x4e: {  	[bflag:$0x3] =	sbarrier.arrive $0xFFFF  }
0x4f: {  	_ =	shalt  }

// kernel: scatter_offload_async_start.1
scs
__scs_entry_jumppad:
0x0: {  	(pc) =	sbr.rel $0x88, $3  }
0x1: {  	(tag) =	ssettag $0x0;
	lr =	simm.s32 $0x1  }
0x2: {  	[smem:$0x3F87] =	sst lr;
	_ =	strace $0xD0000000  }
0x3: {  	_ = 	snop  }
0x4: {  	_ = 	snop  }
0x5: {  	_ = 	snop  }
0x6: {  	_ = 	snop  }
0x7: {  	_ = 	snop  }
__scs_overlays_trampoline_lowered:
0x8: {  	[smem:$0x3F96] =	sst s0  }
0x9: {  	[smem:$0x3F97] =	sst s1  }
0xa: {  	[smem:$0x3F98] =	sst s2  }
0xb: {  	[smem:$0x3F99] =	sst s3  }
0xc: {  	[smem:$0x3F9A] =	sst s4  }
0xd: {  	[smem:$0x3F9B] =	sst s5  }
0xe: {  	[smem:$0x3F9C] =	sst s6  }
0xf: {  	[smem:$0x3F9D] =	sst s7  }
0x10: {  	[smem:$0x3F9E] =	sst s8  }
0x11: {  	[smem:$0x3F9F] =	sst s9;
	s0 =	simm.s32 @!p0 $0x0  }
0x12: {  	s1 =	sld [smem:$0x3F85];
	s0 =	simm.s32 @p0 $0x1  }
0x13: {  	[smem:$0x3FA0] =	sst s0;
	s0 =	simm.s32 @!p1 $0x0  }
0x14: {  	s2 =	sld [smem:$0x3F84];
	s0 =	simm.s32 @p1 $0x1  }
0x15: {  	[smem:$0x3FA1] =	sst s0;
	s0 =	simm.s32 @!p2 $0x0  }
0x16: {  	s3 =	sld [smem:$0x3FDB];
	s0 =	simm.s32 @p2 $0x1  }
0x17: {  	s4 =	simm.s32 $0x1BF5;
	[smem:$0x3FA3] =	sst s0  }
0x18: {  	s0 =	sld [smem:$0x3F86];
	_ =	swait.ge [sflag:s4], $0x0  }
0x19: {  	s7 =	sld [smem:$0x3F87]  }
0x1a: {  	s8 =	sadd.s32 $0xFFFFE003, lr  }
0x1b: {  	s9 =	sadd.s32 $0xFFFFFEF7, lr;
	s5 =	simm.s32 $0xFFFFFFFF;
	p2 =	slt.u32 s8, $0xFFFFF086  }
0x1c: {  	p1 =	slt.u32 s9, $0xF7A;
	s5 =	simm.s32 @!p2 $0x0  }
0x1d: {  	s5 =	simm.s32 @p1 $0x1;
	p0 =	seq.s32 s7, s2  }
0x1e: {  	s7 =	smul.u32 @!p0 $0xF7A, s2;
	p2 =	seq.s32 @!p0 s5, $0x0  }
0x1f: {  	s9 =	smul.u32 $0xF7A, s1;
	s8 =	simm.s32 @!p0 $0x1BF5;
	p2 =	por !p2, p0  }
0x20: {  	[sflag:s8] =	ssyncset.s32 @!p0 $0xFFFFF086;
	s6 =	sadd.s32 @!p0 s3, s7;
	s7 =	simm.s32 @!p0 $0x108  }
0x21: {  	s3 =	sadd.s32 s3, s9;
	s6 =	sadd.s32 @!p0 $0x88, s6;
	s7 =	simm.s32 @p2 $0x1082  }
0x22: {  	[simem:s7], [sflag:s8] =	dma.local @!p0 [hbm:s6], $0xF7A  }
0x23: {  	s9 =	sor.u32 $0xD0000000, s2;
	s6 =	simm.s32 $0x108;
	_ =	swait.ge @!p0 [sflag:s8], $0x0  }
0x24: {  	s3 =	sadd.s32 $0x88, s3;
	s6 =	simm.s32 @!p1 $0x1082;
	[sflag:s4] =	ssyncset.s32 $0xFFFFF086  }
0x25: {  	[simem:s6], [sflag:s4] =	dma.local [hbm:s3], $0xF7A  }
0x26: {  	[smem:$0x3F87] =	sst s1;
	(tag) =	ssettag s2;
	_ =	strace s9  }
0x27: {  	s1 =	sld [smem:$0x3F97]  }
0x28: {  	s2 =	sld [smem:$0x3F98]  }
0x29: {  	s4 =	sld [smem:$0x3F9A]  }
0x2a: {  	p0 =	seq.s32 s5, $0x0;
	s5 =	sld [smem:$0x3F9B]  }
0x2b: {  	s6 =	sld [smem:$0x3F9C]  }
0x2c: {  	s7 =	sld [smem:$0x3F9D]  }
0x2d: {  	s3 =	simm.s32 $0x108;
	s8 =	sld [smem:$0x3F9E]  }
0x2e: {  	s3 =	simm.s32 @!p0 $0x1082;
	s9 =	sld [smem:$0x3F9F]  }
0x2f: {  	lr =	sadd.s32 s0, s3;
	s0 =	sld [smem:$0x3F96]  }
0x30: {  	s3 =	sld [smem:$0x3F99]  }
0x31: {  	[smem:$0x3FA2] =	sst s10  }
0x32: {  	s10 =	sld [smem:$0x3FA0];
	_ =	sdelay $0x3  }
0x33: {  	p0 =	seq.s32 s10, $0x1;
	s10 =	sld [smem:$0x3FA2];
	_ =	sdelay $0x3  }
0x34: {  	[smem:$0x3FA2] =	sst s10  }
0x35: {  	s10 =	sld [smem:$0x3FA1];
	_ =	sdelay $0x3  }
0x36: {  	p1 =	seq.s32 s10, $0x1;
	s10 =	sld [smem:$0x3FA2];
	_ =	sdelay $0x3  }
0x37: {  	[smem:$0x3FA2] =	sst s10  }
0x38: {  	s10 =	sld [smem:$0x3FA3]  }
0x39: {  	_ = 	snop;
	(pc) =	sbr.ind lr, $3  }
0x3a: {  	_ = 	snop  }
0x3b: {  	_ = 	snop  }
0x3c: {  	p2 =	seq.s32 s10, $0x1;
	s10 =	sld [smem:$0x3FA2]  }
0x3d: {  	_ =	shalt  }
0x3e: {  	_ =	shalt  }
0x3f: {  	_ =	shalt  }
0x40: {  	_ =	shalt  }
0x41: {  	_ =	shalt  }
0x42: {  	_ =	shalt  }
0x43: {  	_ =	shalt  }
0x44: {  	_ =	shalt  }
0x45: {  	_ =	shalt  }
0x46: {  	_ =	shalt  }
0x47: {  	_ =	shalt  }
0x48: {  	_ =	shalt  }
0x49: {  	_ =	shalt  }
0x4a: {  	_ =	shalt  }
0x4b: {  	_ =	shalt  }
0x4c: {  	_ =	shalt  }
0x4d: {  	_ =	shalt  }
0x4e: {  	_ =	shalt  }
0x4f: {  	_ =	shalt  }
0x50: {  	_ =	shalt  }
0x51: {  	_ =	shalt  }
0x52: {  	_ =	shalt  }
0x53: {  	_ =	shalt  }
0x54: {  	_ =	shalt  }
0x55: {  	_ =	shalt  }
0x56: {  	_ =	shalt  }
0x57: {  	_ =	shalt  }
0x58: {  	_ =	shalt  }
0x59: {  	_ =	shalt  }
0x5a: {  	_ =	shalt  }
0x5b: {  	_ =	shalt  }
0x5c: {  	_ =	shalt  }
0x5d: {  	_ =	shalt  }
0x5e: {  	_ =	shalt  }
0x5f: {  	_ =	shalt  }
0x60: {  	_ =	shalt  }
0x61: {  	_ =	shalt  }
0x62: {  	_ =	shalt  }
0x63: {  	_ =	shalt  }
0x64: {  	_ =	shalt  }
0x65: {  	_ =	shalt  }
0x66: {  	_ =	shalt  }
0x67: {  	_ =	shalt  }
0x68: {  	_ =	shalt  }
0x69: {  	_ =	shalt  }
0x6a: {  	_ =	shalt  }
0x6b: {  	_ =	shalt  }
0x6c: {  	_ =	shalt  }
0x6d: {  	_ =	shalt  }
0x6e: {  	_ =	shalt  }
0x6f: {  	_ =	shalt  }
0x70: {  	_ =	shalt  }
0x71: {  	_ =	shalt  }
0x72: {  	_ =	shalt  }
0x73: {  	_ =	shalt  }
0x74: {  	_ =	shalt  }
0x75: {  	_ =	shalt  }
0x76: {  	_ =	shalt  }
0x77: {  	_ =	shalt  }
0x78: {  	_ =	shalt  }
0x79: {  	_ =	shalt  }
0x7a: {  	_ =	shalt  }
0x7b: {  	_ =	shalt  }
0x7c: {  	_ =	shalt  }
0x7d: {  	_ =	shalt  }
0x7e: {  	_ =	shalt  }
0x7f: {  	_ =	shalt  }
0x80: {  	_ =	shalt  }
0x81: {  	_ =	shalt  }
0x82: {  	_ =	shalt  }
0x83: {  	_ =	shalt  }
0x84: {  	_ =	shalt  }
0x85: {  	_ =	shalt  }
0x86: {  	_ =	shalt  }
0x87: {  	_ =	shalt  }
.Lfunc_end0:
.L_simem_size_0:
called_computation.1_lowered:
.L_overlay_start_0:
0x88: {  	s0 =	sld [smem:$0x3FD9]  }
0x89: {  	s1 =	sld [smem:$0x3FFE];
	_ =	sdelay $0x3  }
0x8a: {  	s0 =	sadd.s32 s1, s0  }
0x8b: {  	[smem:$0x3FAE] =	sst s0  }
0x8c: {  	_ = 	snop  }
0x8d: {  	s14 =	sld [smem:$0x3FD0];
	(tm) =	ssettm $0x1  }
0x8e: {  	s15 =	sld [smem:$0x3FFB];
	_ =	sdelay $0x3  }
0x8f: {  	_ =	strace s15  }
0x90: {  	s0 =	sld [smem:$0x3FFC];
	_ =	sdelay $0x3  }
0x91: {  	_ =	strace s0  }
0x92: {  	s0 =	sld [smem:$0x3FFD];
	_ =	sdelay $0x3  }
0x93: {  	_ =	strace s0  }
0x94: {  	_ =	strace $0x8FFFFFFF  }
0x95: {  	s16 =	sld [smem:$0x3FDB];
	_ =	sdelay $0x1  }
0x96: {  	s2 =	simm.s32 $_scs_section_size  }
0x97: {  	s3 =	simm.s32 $_size__tile_overlayer_lowered;
	s4 =	simm.s32 $_tile_overlayer_lowered  }
0x98: {  	s5 =	simm.s32 $0x1BFF;
	s17 =	sshll.u32 s4, $0x1;
	s2 =	sadd.s32 s2, s16  }
0x99: {  	s18 =	simm.s32 $0x0;
	s3 =	sshll.u32 s3, $0x1;
	s4 =	sadd.s32 s17, s2  }
0x9a: {  	[timem:s18], [sflag:s5] =	dma.local [hbm:s4], s3  }
0x9b: {  	_ =	swait.ge [sflag:s5], s3  }
0x9c: {  	s3 =	ssub.s32 $0x0, s3;
	[sflag:s5] =	ssyncset.done $0x0  }
0x9d: {  	[sflag:s5] =	ssyncadd.s32 s3;
	_ =	sdelay $0x1  }
0x9e: {  	s19 =	simm.s32 $0x1B8B  }
0x9f: {  	_ =	swait.ge [sflag:s19], $0x1  }
0xa0: {  	[sflag:s19] =	ssyncset.done $0x0  }
0xa1: {  	s21 =	simm.s32 $0x1B8E;
	s20 =	sld [smem:$0x3FFE];
	[sflag:s19] =	ssyncadd.s32 $0xFFFFFFFF  }
0xa2: {  	s22 =	simm.s32 $execute0_lowered;
	[smem:$0x3FD2] =	sst s21  }
0xa3: {  	s4 =	sshll.u32 s22, $0x1;
	_ =	strace $0x8000004F;
	[dreg:$0x1] =	wrdreg $0xFFFFFFFF  }
0xa4: {  	s23 =	simm.s32 $_size_execute0_lowered;
	s4 =	sadd.s32 s2, s4;
	[dreg:$0x0] =	wrdreg $0x0  }
0xa5: {  	s5 =	sshll.u32 s23, $0x1;
	[dreg:$0x2] =	wrdreg s4  }
0xa6: {  	[dreg:$0x3] =	wrdreg s5  }
0xa7: {  	[dreg:$0x4] =	wrdreg $0xC0  }
0xa8: {  	s24 =	simm.s32 $execute1_lowered;
	_ =	task [dreg:s18], $0x5FFFF  }
0xa9: {  	s4 =	sshll.u32 s24, $0x1;
	[dreg:$0x1] =	wrdreg $0xFFFFFFFF  }
0xaa: {  	s2 =	sadd.s32 s2, s4;
	[dreg:$0x0] =	wrdreg $0x60  }
0xab: {  	[dreg:$0x2] =	wrdreg s2  }
0xac: {  	[dreg:$0x3] =	wrdreg s14  }
0xad: {  	[dreg:$0x4] =	wrdreg s20  }
0xae: {  	[dreg:$0x5] =	wrdreg $0xA  }
0xaf: {  	_ =	task.clear_ibuf [dreg:s18], $0x6FFFF;
	_ =	strace $0x9000004F  }
0xb0: {  	s25 =	simm.s32 $0xA;
	_ =	strace $0x80000051  }
0xb1: {  	_ =	swait.ge [sflag:s25], $0x1  }
0xb2: {  	[sflag:s25] =	ssyncadd.s32 $0xFFFFFFFF  }
0xb3: {  	_ =	strace $0x90000051  }
0xb4: {  	_ =	strace $0x80000052;
	[dreg:$0x1] =	wrdreg $0xFFFFFFFF  }
0xb5: {  	[dreg:$0x0] =	wrdreg $0x2030  }
0xb6: {  	[dreg:$0x2] =	wrdreg s20  }
0xb7: {  	[dreg:$0x3] =	wrdreg $0xB  }
0xb8: {  	_ =	task.clear_ibuf [dreg:s18], $0x4FFFF;
	_ =	strace $0x90000052  }
0xb9: {  	s26 =	simm.s32 $0xB;
	_ =	strace $0x80000054  }
0xba: {  	_ =	swait.ge [sflag:s26], $0x1  }
0xbb: {  	[sflag:s26] =	ssyncadd.s32 $0xFFFFFFFF  }
0xbc: {  	_ =	strace $0x90000054  }
0xbd: {  	_ =	sfence  }
0xbe: {  	s28 =	sld [smem:$0x0];
	_ =	sdelay $0x1  }
0xbf: {  	s29 =	srdreg.scid  }
0xc0: {  	s30 =	sshll.u32 s29, $0xD;
	s31 =	sshrl.u32 s29, $0x2  }
0xc1: {  	s3 =	sand.u32 $0x4000, s30;
	s2 =	sand.u32 $0x1, s29;
	s1 =	sadd.s32 s31, s28  }
0xc2: {  	s2 =	sor.u32 s3, s2;
	s1 =	sshll.u32 s1, $0x11  }
0xc3: {  	s1 =	sor.u32 s1, s2  }
0xc4: {  	s1 =	sadd.s32 $0x8F2B, s1  }
0xc5: {  	[sflag:s1] =	ssyncadd.remote.s32 $0x1  }
0xc6: {  	_ =	sfence.sel $0xFFFF  }
0xc7: {  	[dreg:$0x0] =	wrdreg $0xFFFFFFFF;
	(pc) =	sbr.abs _section_cstart, $3  }
0xc8: {  	[dreg:$0x1] =	wrdreg $0xFFFFFFFF  }
0xc9: {  	_ =	task.clear_ibuf [dreg:s18], $0x2FFFF;
	_ =	strace $0x9FFFFFFF  }
0xca: {  	(tm) =	ssettm $0x7FFFFFFF  }
0xcb: {  	_ =	shalt  }
tec
execute0_lowered:
.L_overlay_start_1:
0x0: {  	(tag) =	ssettag $0x1  }
0x1: {  	s2 =	rddreg [dreg:$0x0]  }
0x2: {  	s8 =	rddreg [dreg:$0x1]  }
0x3: {  	s4 =	rddreg [dreg:$0x2]  }
0x4: {  	s0 =	rddreg [dreg:$0x3]  }
0x5: {  	s7 =	stileid.u32;
	[bflag:$0x3] =	sbarrier.arrive $0xFFFF;
	s1 =	simm.s32 $_size_execute1_lowered  }
0x6: {  	s9 =	simm.s32 $0x2;
	s13 =	simm.s32 $0x0;
	s12 =	simm.s32 $0x0  }
0x7: {  	p0 =	sne.s32 s7, $0x0;
	s1 =	sshll.u32 s1, $0x1;
	s6 =	smul.u32 $0x4F0, s7  }
0x8: {  	s4 =	sadd.s32 $0x26800, s4;
	s3 =	simm.s32 @!p0 $0x1C3F;
	s5 =	simm.s32 @!p0 $0x4060  }
0x9: {  	[timem:s5], [sflag:s3] =	dma.local @!p0 [hbm:s2], s1  }
0xa: {  	s2 =	sshll.u32 s7, $0x4;
	s3 =	simm.s32 $0x1;
	s6 =	sshrl.u32 s6, $0xD  }
0xb: {  	s5 =	ssub.s32 $0x64, s2;
	_ =	strace $0x80000050;
	s10 =	smul.u32 $0x68, s6  }
0xc: {  	s11 =	smax.u32 s2, $0x58;
	s6 =	simm.s32 $0x3;
	p1 =	sgt.s32 s5, $0x0  }
0xd: {  	[sflag:s3] =	ssyncpa.u1 $0x0;
	s11 =	sshll.u32 s11, $0x8;
	s5 =	simm.s32 @!p1 $0x0  }
0xe: {  	s10 =	ssub.s32 s2, s10;
	s11 =	ssub.s32 $0x6800, s11;
	[sflag:s9] =	ssyncpa.u1 $0x0  }
.Ltmp0:
0xf: {  	s9 =	simm.s32 $0x40;
	s5 =	sand.u32 $0xF4, s5;
	(pc) =	sbr.rel .LBB2_1-.Ltmp0, $4  }
0x10: {  	s10 =	sand.u32 $0xF8, s10;
	p1 =	sne.s32 s5, $0x0;
	s5 =	simm.s32 $0x1  }
0x11: {  	s31 =	sshll.u32 s10, $0x4;
	s10 =	simm.s32 $0x80;
	s5 =	simm.s32 @!p1 $0x0  }
0x12: {  	s6 =	simm.s32 @!p1 $0x2;
	p1 =	sgt.u32 s7, $0x6;
	s7 =	sshrl.u32 s11, $0x2  }
0x13: {  	s8 =	sadd.s32 s31, s8;
	s11 =	simm.s32 $0x0;
	s7 =	simm.s32 @p1 $0x0  }
.LBB2_5:
0x14: {  	_ =	sdelay $0x3  }
0x15: {  	[tilespmem:v3+s18+$0x0 ss:$0x1] =	vst.idx.msk $0xffff, v1  }
0x16: {  	[tilespmem:v3+s16+$0x0 ss:$0x1] =	vst.idx.msk $0xffff, v2  }
0x17: {  	[tilespmem:v3+s17+$0x0 ss:$0x1] =	vst.idx.msk $0xffff, v4  }
0x18: {  	[tilespmem:v3+s19+$0x0 ss:$0x1] =	vst.idx.msk $0xffff, v5  }
.LBB2_6:
0x19: {  	s16 =	smulhi.u32 $0x4EC4EC4F, s12;
	_ =	sdelay $0x1  }
0x1a: {  	s16 =	sshrl.u32 s16, $0x5  }
0x1b: {  	s16 =	smul.u32 $0x68, s16;
	_ =	sdelay $0x1  }
0x1c: {  	s16 =	ssub.s32 s12, s16  }
0x1d: {  	s16 =	sshll.u32 s16, $0x4  }
0x1e: {  	s16 =	sadd.s32 s4, s16  }
0x1f: {  	[hbm4b:s16+s9] =	stream.strided.scatter [tilespmem:s15], [sflag:$0x2], s14, s10, s9, $0x38;
	[tilespmem:$0x1000] =	vst v63  }
.LBB2_7:
0x20: {  	p1 =	slt.u32 s11, $0x2  }
0x21: {  	p2 =	sgt.s32 @!p1 s13, $0x58  }
0x22: {  	p2 =	por !p2, p1  }
0x23: {  	p3 =	sgt.s32 @!p1 s13, $0x67;
	s13 =	simm.s32 @p2 $0x58  }
0x24: {  	s13 =	sshll.u32 @!p1 s13, $0x8  }
0x25: {  	s13 =	ssub.s32 @!p1 $0x6800, s13  }
0x26: {  	s11 =	sadd.s32 $0x1, s11;
	p2 =	por !p3, p1;
	s13 =	sshrl.u32 @!p1 s13, $0x2  }
0x27: {  	s13 =	simm.s32 @!p2 $0x0;
	p2 =	sne.s32 s11, s6  }
.Ltmp1:
0x28: {  	_ = 	snop;
	(pc) =	sbr.rel @!p2 .LBB2_8-.Ltmp1, $4  }
0x29: {  	s14 =	simm.s32 @!p1 $0x2  }
0x2a: {  	_ =	swait.ge @!p1 [sflag:s14], s13  }
0x2b: {  	s15 =	ssub.s32 @!p1 $0x0, s13;
	[sflag:s14] =	ssyncset.done @!p1 $0x0  }
0x2c: {  	s13 =	smov.u32 s12;
	s12 =	smov.u32 s2;
	[sflag:s14] =	ssyncadd.s32 @!p1 s15  }
.LBB2_1:
0x2d: {  	p1 =	sge.u32 s11, s5;
	s31 =	sadd.s32 $0xFFFFFFFF, s11  }
0x2e: {  	s14 =	simm.s32 @!p1 $0x40;
	s15 =	simm.s32 @!p1 $0x80;
	s16 =	simm.s32 @!p1 $0x400  }
0x2f: {  	[tilespmem:s16], [sflag:$0x1] =	stream.strided.gather @!p1 [hbm4b:s8+s14], s7, s15, s14, $0x38;
	[tilespmem:$0x1000] =	vst v63  }
0x30: {  	p1 =	sge.u32 s31, s5  }
.Ltmp2:
0x31: {  	_ = 	snop;
	(pc) =	sbr.rel @p1 .LBB2_7-.Ltmp2, $1  }
0x32: {  	_ =	sdelay $0x3  }
0x33: {  	p1 =	sgt.s32 s12, $0x58;
	s14 =	smov.u32 s12  }
0x34: {  	s14 =	simm.s32 @!p1 $0x58  }
0x35: {  	s14 =	sshll.u32 s14, $0x8  }
0x36: {  	s14 =	ssub.s32 $0x6800, s14  }
0x37: {  	p1 =	sgt.u32 s12, $0x67;
	s14 =	sshrl.u32 s14, $0x2  }
0x38: {  	s15 =	smov.u32 s12;
	s14 =	simm.s32 @p1 $0x0;
	p1 =	slt.s32 s12, $0x54  }
0x39: {  	s15 =	simm.s32 @!p1 $0x54  }
0x3a: {  	s17 =	ssub.s32 s15, s12  }
0x3b: {  	p1 =	slt.s32 s17, $0xFFFFFFF1  }
.Ltmp3:
0x3c: {  	_ = 	snop;
	(pc) =	sbr.rel @p1 .LBB2_6-.Ltmp3, $4  }
0x3d: {  	_ = 	snop  }
0x3e: {  	s16 =	sshll.u32 s11, $0xA;
	_ =	swait.ge [sflag:s3], s14  }
0x3f: {  	s16 =	sand.u32 $0x400, s16;
	s18 =	ssub.s32 $0x0, s14;
	[sflag:s3] =	ssyncset.done $0x0  }
0x40: {  	s15 =	sor.u32 $0x800, s16;
	[sflag:s3] =	ssyncadd.s32 s18  }
0x41: {  	v0 =	vmov s16;
	_ =	sdelay $0x1  }
0x42: {  	s20 =	sadd.s32 $0x10, s17  }
0x43: {  	s31 =	simm.s32 $0x0;
	p1 =	sne.s32 s20, $0x1  }
.Ltmp4:
0x44: {  	s18 =	sand.u32 $0x3C0, s31;
	(pc) =	sbr.rel @!p1 .LBB2_5-.Ltmp4, $4  }
0x45: {  	s16 =	sor.u32 $0x30, s18;
	v1 =	vld.idx.msk [tilespmem:v0+s18+$0x0 ss:$0x1], $0xffff  }
0x46: {  	v3 =	vmov s15;
	s17 =	sor.u32 $0x10, s18;
	v2 =	vld.idx.msk [tilespmem:v0+s16+$0x0 ss:$0x1], $0xffff  }
0x47: {  	s19 =	sor.u32 $0x20, s18;
	v4 =	vld.idx.msk [tilespmem:v0+s17+$0x0 ss:$0x1], $0xffff  }
0x48: {  	s21 =	simm.s32 $0x40;
	s20 =	sadd.s32 $0xFFFFFFFF, s20;
	v5 =	vld.idx.msk [tilespmem:v0+s19+$0x0 ss:$0x1], $0xffff  }
.LBB2_4:
0x49: {  	s22 =	sand.u32 $0x3C0, s21  }
0x4a: {  	p1 =	sne.s32 s20, $0x1;
	s20 =	sadd.s32 $0xFFFFFFFF, s20;
	s23 =	sor.u32 $0x10, s22  }
.Ltmp5:
0x4b: {  	s24 =	sor.u32 $0x20, s22;
	s25 =	sor.u32 $0x30, s22;
	[tilespmem:v3+s18+$0x0 ss:$0x1] =	vst.idx.msk $0xffff, v1;
	v1 =	vld.idx.msk [tilespmem:v0+s22+$0x0 ss:$0x1], $0xffff;
	(pc) =	sbr.rel @p1 .LBB2_4-.Ltmp5, $4  }
0x4c: {  	s18 =	smov.u32 s22;
	[tilespmem:v3+s16+$0x0 ss:$0x1] =	vst.idx.msk $0xffff, v2;
	v2 =	vld.idx.msk [tilespmem:v0+s25+$0x0 ss:$0x1], $0xffff;
	s16 =	smov.u32 s25  }
0x4d: {  	[tilespmem:v3+s17+$0x0 ss:$0x1] =	vst.idx.msk $0xffff, v4;
	v4 =	vld.idx.msk [tilespmem:v0+s23+$0x0 ss:$0x1], $0xffff;
	s17 =	smov.u32 s23  }
0x4e: {  	[tilespmem:v3+s19+$0x0 ss:$0x1] =	vst.idx.msk $0xffff, v5;
	v5 =	vld.idx.msk [tilespmem:v0+s24+$0x0 ss:$0x1], $0xffff;
	s19 =	smov.u32 s24  }
0x4f: {  	s21 =	sadd.s32 $0x40, s21  }
.Ltmp6:
0x50: {  	_ = 	snop;
	(pc) =	sbr.rel .LBB2_5-.Ltmp6, $1  }
0x51: {  	_ =	sdelay $0x3  }
.LBB2_8:
0x52: {  	_ =	sfence.sel $0x180000  }
0x53: {  	s2 =	simm.s32 $0x1;
	[bflag:$0x0] =	sbarrier.arrive $0xFFFF  }
0x54: {  	s31 =	simm.s32 $0x2;
	[sflag:s2] =	ssyncpa.u1 $0x1  }
0x55: {  	[sflag:s31] =	ssyncpa.u1 $0x1  }
0x56: {  	_ =	strace $0x90000050  }
0x57: {  	s0 =	sadd.s32 @!p0 $0x100000, s0;
	[bflag:$0x2] =	sbarrier.arrive $0xFFFF  }
0x58: {  	[sflag:s0] =	ssyncadd.tile.s32 @!p0 $0x1;
	s0 =	simm.s32 @!p0 $0x3F  }
0x59: {  	_ =	swait.ge @!p0 [sflag:s0], s1  }
0x5a: {  	s1 =	ssub.s32 @!p0 $0x0, s1;
	[sflag:s0] =	ssyncset.done @!p0 $0x0  }
0x5b: {  	[sflag:s0] =	ssyncadd.s32 @!p0 s1  }
0x5c: {  	[bflag:$0x3] =	sbarrier.arrive $0xFFFF  }
0x5d: {  	_ =	shalt  }
.Lfunc_end2:
execute1_lowered:
.L_overlay_start_2:
0x5e: {  	(tag) =	ssettag $0x2  }
0x5f: {  	s0 =	rddreg [dreg:$0x0];
	_ =	strace $0x80000053;
	s1 =	simm.s32 $0x1  }
0x60: {  	s8 =	simm.s32 $0x88;
	v0 =	vimm.s32 $0x0;
	[sflag:s1] =	ssyncpa.u1 $0x0  }
0x61: {  	[tilespmem:s8+$0x30] =	vst v0  }
0x62: {  	s1 =	sadd.s32 $0x26800, s0;
	s3 =	sadd.s32 $0x1DD200, s0;
	[tilespmem:s8+$0x20] =	vst v0  }
0x63: {  	s4 =	sadd.s32 $0x55600, s0;
	s5 =	sadd.s32 $0x1DEC00, s0;
	s0 =	simm.s32 $0x40;
	[tilespmem:s8+$0x10] =	vst v0  }
.LBB3_1:
0x64: {  	s0 =	sadd.s32 $0x40, s0  }
0x65: {  	[tilespmem:s8+$0x0] =	vst v0;
	s8 =	sadd.s32 $0x40, s8;
	p0 =	slt.u32 s0, $0x5040  }
.Ltmp7:
0x66: {  	(pc) =	sbr.rel @p0 .LBB3_1-.Ltmp7, $4  }
0x67: {  	_ = 	snop  }
0x68: {  	[tilespmem:s8+$0x30] =	vst v0  }
0x69: {  	[tilespmem:s8+$0x20] =	vst v0  }
0x6a: {  	[tilespmem:s8+$0x10] =	vst v0  }
0x6b: {  	s9 =	stileid.u32  }
0x6c: {  	s0 =	smul.u32 $0x9, s9  }
0x6d: {  	s2 =	smin.u32 s9, $0xD  }
0x6e: {  	s0 =	sadd.s32 s2, s0  }
0x6f: {  	p0 =	slt.u32 s9, $0xD;
	s6 =	smul.u32 $0x140, s0;
	s0 =	simm.s32 $0xC80  }
0x70: {  	s0 =	simm.s32 @!p0 $0xB40  }
0x71: {  	s0 =	sadd.s32 s0, s6  }
0x72: {  	s7 =	smin.u32 s0, $0xC350  }
0x73: {  	s0 =	ssub.s32 s7, s6  }
0x74: {  	p0 =	sgt.s32 s0, $0x0  }
0x75: {  	s0 =	simm.s32 @!p0 $0x0  }
0x76: {  	s29 =	simm.s32 $0x2;
	s10 =	simm.s32 $0x7;
	s28 =	smul.u32 $0xCCCD, s0  }
0x77: {  	s31 =	simm.s32 $0x8;
	s11 =	simm.s32 $0x1;
	s15 =	simm.s32 $0x0  }
0x78: {  	p1 =	por $0x0, $0x0;
	s16 =	simm.s32 $0xA;
	s2 =	sshrl.u32 s28, $0x18  }
0x79: {  	s20 =	simm.s32 $0x0;
	s17 =	simm.s32 $0x0;
	s30 =	smul.u32 $0x140, s2  }
.Ltmp8:
0x7a: {  	[tilespmem:s8+$0x0] =	vst v0;
	v0 =	vimm.s32 $0xFFFFFFFF;
	s19 =	simm.s32 $0x0;
	[sflag:s29] =	ssyncpa.u1 $0x0;
	(pc) =	sbr.rel .LBB3_3-.Ltmp8, $4  }
0x7b: {  	[tilespmem:$0xA108] =	vst v0;
	[sflag:s10] =	ssyncpa.u1 $0x0;
	p0 =	sne.s32 s0, s30;
	s0 =	simm.s32 $0x1  }
0x7c: {  	s10 =	simm.s32 $0x9;
	[sflag:s31] =	ssyncpa.u1 $0x0;
	s0 =	simm.s32 @!p0 $0x0  }
0x7d: {  	s13 =	sshll.u32 s9, $0x7;
	[sflag:s10] =	ssyncpa.u1 $0x0;
	s12 =	sadd.s32 s2, s0  }
0x7e: {  	v0 =	vlaneseq.u32;
	s18 =	smov.u32 s6;
	p0 =	por $0x1, $0x1;
	s14 =	sadd.s32 $0x1, s12  }
.LBB3_24:
0x7f: {  	s0 =	sshrl.u32 s29, $0x2  }
.LBB3_26:
0x80: {  	_ =	swait.ge [sflag:s16], s0  }
0x81: {  	s31 =	ssub.s32 $0x0, s0;
	v1 =	vmov s22;
	vm0 =	veq.s32 v0, $0x0;
	[sflag:s16] =	ssyncset.done $0x0  }
0x82: {  	vm15 =	veq.s32 v0, $0x2;
	v1 =	vsel vm0, s28, v1;
	[sflag:s16] =	ssyncadd.s32 s31  }
0x83: {  	v1 =	vsel vm15, s20, v1;
	[sflag:s16] =	ssyncpa.u1 $0x1  }
0x84: {  	[tilespmem:$0xA108] =	vst v1  }
.LBB3_27:
0x85: {  	s0 =	sadd.s32 $0x140, s18  }
0x86: {  	s2 =	smov.u32 s6;
	p2 =	slt.s32 s0, s7  }
0x87: {  	s2 =	smov.u32 @p2 s0;
	p2 =	sne.s32 s19, s14  }
.Ltmp9:
0x88: {  	_ = 	snop;
	(pc) =	sbr.rel @!p2 .LBB3_28-.Ltmp9, $4  }
0x89: {  	_ = 	snop  }
0x8a: {  	s20 =	smov.u32 s17  }
0x8b: {  	s31 =	sadd.s32 $0x1, s19;
	s17 =	smov.u32 s18;
	p0 =	por !p0, !p0  }
0x8c: {  	p1 =	por !p1, !p1;
	s19 =	smov.u32 s31;
	s18 =	smov.u32 s2  }
.LBB3_3:
0x8d: {  	p2 =	sge.u32 s19, s12  }
0x8e: {  	s0 =	smulhi.u32 @!p2 $0xAAAAAAAB, s19  }
0x8f: {  	s2 =	smov.u32 s18;
	p3 =	sgt.s32 @!p2 s18, $0xC210  }
0x90: {  	s8 =	sshra.s32 @!p2 s18, $0x1F;
	p3 =	por !p3, p2;
	s0 =	sshrl.u32 @!p2 s0, $0x1  }
0x91: {  	s8 =	sand.u32 @!p2 s8, s18;
	s2 =	simm.s32 @p3 $0xC210;
	s0 =	smul.u32 @!p2 $0x3, s0  }
0x92: {  	s2 =	ssub.s32 @!p2 s2, s8  }
0x93: {  	s22 =	sadd.s32 $0xFFFFFFFF, s19;
	s2 =	sadd.s32 @!p2 $0xFFFF3DF0, s2;
	s0 =	ssub.s32 @!p2 s19, s0  }
0x94: {  	s8 =	sshll.u32 @!p2 s2, $0x2;
	p3 =	sgt.s32 @!p2 s2, $0x13F;
	s0 =	smul.u32 @!p2 $0x500, s0  }
0x95: {  	s21 =	sand.u32 @!p2 $0x7, s18;
	s2 =	ssub.s32 @!p2 $0x500, s8;
	p3 =	por !p3, p2  }
0x96: {  	s8 =	sshrl.u32 @!p2 s18, $0x3;
	s2 =	sshrl.u32 @!p2 s2, $0x2;
	s0 =	sshrl.u32 @!p2 s0, $0x2  }
0x97: {  	s8 =	sadd.s32 @!p2 s5, s8;
	s2 =	simm.s32 @!p3 $0x0;
	s0 =	sadd.s32 @!p2 $0xA938, s0  }
0x98: {  	[tilespmem:s0], [sflag:$0x8] =	stream.linear.gather @!p2 [hbm4b:s8+s21], s2, $0x38;
	[tilespmem:$0x1EF78] =	vst v63  }
0x99: {  	p2 =	sge.u32 s22, s12  }
0x9a: {  	p3 =	sgt.s32 @!p2 s17, $0xC210  }
0x9b: {  	s0 =	smov.u32 s17;
	s2 =	sshra.s32 @!p2 s17, $0x1F;
	p3 =	por !p3, p2  }
0x9c: {  	s2 =	sand.u32 @!p2 s2, s17;
	s0 =	simm.s32 @p3 $0xC210  }
0x9d: {  	s0 =	ssub.s32 @!p2 s0, s2  }
0x9e: {  	s0 =	sadd.s32 @!p2 $0xFFFF3DF0, s0  }
0x9f: {  	s2 =	sshll.u32 @!p2 s0, $0x2  }
0xa0: {  	p3 =	sgt.s32 @!p2 s0, $0x13F;
	s0 =	ssub.s32 @!p2 $0x500, s2  }
0xa1: {  	p3 =	por !p3, p2;
	s0 =	sshrl.u32 @!p2 s0, $0x2  }
0xa2: {  	s8 =	simm.s32 @!p2 $0x8;
	s2 =	sand.u32 @!p2 $0x1, s22;
	s0 =	simm.s32 @!p3 $0x0  }
0xa3: {  	s2 =	smul.u32 @!p2 $0x500, s2;
	_ =	swait.ge @!p2 [sflag:s8], s0  }
0xa4: {  	s21 =	ssub.s32 @!p2 $0x0, s0;
	[sflag:s8] =	ssyncset.done @!p2 $0x0  }
0xa5: {  	s2 =	sshrl.u32 @!p2 s2, $0x2;
	[sflag:s8] =	ssyncadd.s32 @!p2 s21;
	s8 =	sshrl.u32 @!p2 s17, $0x3  }
0xa6: {  	s2 =	sadd.s32 @!p2 $0xACF8, s2;
	s21 =	sand.u32 @!p2 $0x7, s17;
	s8 =	sadd.s32 @!p2 s3, s8  }
0xa7: {  	[tilespmem:s2], [sflag:$0x9] =	stream.linear.gather @!p2 [hbm4b:s8+s21], s0, $0x38;
	[tilespmem:$0x1EF78] =	vst v63  }
0xa8: {  	s21 =	ssub.s32 @!p2 $0xC350, s17  }
0xa9: {  	p3 =	slt.s32 @!p2 s21, $0x1  }
0xaa: {  	p3 =	por p2, p3  }
.Ltmp10:
0xab: {  	_ = 	snop;
	(pc) =	sbr.rel @p3 .LBB3_9-.Ltmp10, $1  }
0xac: {  	_ =	sdelay $0x3  }
0xad: {  	s0 =	smulhi.u32 $0xAAAAAAAB, s22;
	_ =	sdelay $0x1  }
0xae: {  	s0 =	sshrl.u32 s0, $0x1  }
0xaf: {  	s0 =	smul.u32 $0x3, s0;
	_ =	sdelay $0x1  }
0xb0: {  	s0 =	ssub.s32 s22, s0  }
0xb1: {  	s2 =	simm.s32 $0x1;
	s0 =	smul.u32 $0x500, s0  }
.Ltmp11:
0xb2: {  	s2 =	simm.s32 @!p0 $0x0;
	(pc) =	sbr.rel .LBB3_6-.Ltmp11, $4  }
0xb3: {  	s2 =	smul.u32 $0x28000, s2  }
0xb4: {  	p3 =	slt.s32 @!p2 s21, $0x140;
	s0 =	sshrl.u32 s0, $0x2  }
0xb5: {  	p2 =	por !p3, p2;
	s2 =	sshrl.u32 s2, $0x2;
	s0 =	sadd.s32 $0xA938, s0  }
0xb6: {  	s23 =	simm.s32 $0x0;
	s21 =	simm.s32 @p2 $0x140;
	s22 =	sadd.s32 $0xAF78, s2;
	v1 =	vmov s0  }
.LBB3_5:
0xb7: {  	p2 =	sge.s32 s23, s21  }
.Ltmp12:
0xb8: {  	_ = 	snop;
	(pc) =	sbr.rel @p2 .LBB3_9-.Ltmp12, $2  }
0xb9: {  	_ =	sdelay $0x2  }
0xba: {  	s22 =	sadd.s32 $0x800, s22  }
.LBB3_6:
0xbb: {  	p2 =	sle.s32 s21, s23  }
.Ltmp13:
0xbc: {  	_ = 	snop;
	(pc) =	sbr.rel @p2 .LBB3_5-.Ltmp13, $2  }
0xbd: {  	_ =	sdelay $0x2  }
0xbe: {  	s24 =	smov.u32 s23;
	s23 =	sadd.s32 $0x10, s23  }
0xbf: {  	s0 =	ssub.s32 s21, s24  }
0xc0: {  	p2 =	slt.s32 s0, $0x10  }
0xc1: {  	s0 =	simm.s32 @!p2 $0x10  }
0xc2: {  	v2 =	vmov s0  }
0xc3: {  	vm0 =	vgt.s32 v2, v0;
	_ =	sdelay $0x5  }
0xc4: {  	v2 =	vld.idx.msk [tilespmem:v1+s24+$0x0 ss:$0x1], vm0;
	_ =	sdelay $0x2  }
0xc5: {  	p2 =	slt.s32 s23, s21;
	s0 =	smov.u32 s21  }
0xc6: {  	s2 =	smov.u32 s22;
	s25 =	simm.s32 $0x0;
	s0 =	smov.u32 @p2 s23  }
.LBB3_8:
0xc7: {  	(v2sf) =	vpush v2, s25;
	_ =	sdelay $0xc  }
0xc8: {  	s25 =	sadd.s32 $0x1, s25  }
0xc9: {  	s31 =	sadd.s32 s25, s24  }
0xca: {  	p2 =	slt.s32 s31, s0;
	s8 =	spop (v2sf)  }
.Ltmp14:
0xcb: {  	s8 =	sshll.u32 s8, $0x4;
	(pc) =	sbr.rel @p2 .LBB3_8-.Ltmp14, $4  }
0xcc: {  	s8 =	sand.u32 $0x1FFFFFF0, s8  }
0xcd: {  	s8 =	sadd.s32 s4, s8  }
0xce: {  	[tilespmem:s2], [sflag:$0x7] =	stream.linear.gather [hbm4b:s8+s15], $0x40, $0x38;
	[tilespmem:$0x1EF78] =	vst v63  }
0xcf: {  	s2 =	sadd.s32 $0x80, s2  }
.Ltmp15:
0xd0: {  	_ = 	snop;
	(pc) =	sbr.rel .LBB3_5-.Ltmp15, $1  }
0xd1: {  	_ =	sdelay $0x3  }
.LBB3_9:
0xd2: {  	p2 =	slt.u32 s19, $0x2  }
.Ltmp16:
0xd3: {  	_ = 	snop;
	(pc) =	sbr.rel @p2 .LBB3_27-.Ltmp16, $1  }
0xd4: {  	_ =	sdelay $0x3  }
0xd5: {  	p2 =	sgt.s32 s20, $0xC210;
	s0 =	smov.u32 s20  }
0xd6: {  	s2 =	sshra.s32 s20, $0x1F;
	s8 =	ssub.s32 $0xC350, s20;
	s0 =	simm.s32 @!p2 $0xC210  }
0xd7: {  	s2 =	sand.u32 s2, s20;
	p2 =	slt.s32 s8, $0x140;
	s21 =	smov.u32 s8  }
0xd8: {  	s0 =	ssub.s32 s0, s2;
	s21 =	simm.s32 @!p2 $0x140  }
0xd9: {  	s0 =	sadd.s32 $0xFFFF3DF0, s0;
	s26 =	sshll.u32 s21, $0x6  }
0xda: {  	s9 =	simm.s32 $0x7;
	s29 =	sshll.u32 s0, $0x2;
	s2 =	sand.u32 $0x3FFFFFC0, s26  }
0xdb: {  	p2 =	sgt.s32 s0, $0x13F;
	s30 =	ssub.s32 $0x500, s29;
	_ =	swait.ge [sflag:s9], s2  }
0xdc: {  	s2 =	ssub.s32 $0x0, s2;
	[sflag:s9] =	ssyncset.done $0x0;
	s0 =	sshrl.u32 s30, $0x2  }
0xdd: {  	[sflag:s9] =	ssyncadd.s32 s2;
	s0 =	simm.s32 @p2 $0x0  }
0xde: {  	_ =	swait.ge [sflag:s10], s0  }
0xdf: {  	s0 =	ssub.s32 $0x0, s0;
	[sflag:s10] =	ssyncset.done $0x0  }
0xe0: {  	[sflag:s10] =	ssyncadd.s32 s0  }
0xe1: {  	v1 =	vld [tilespmem:$0xA108];
	_ =	sdelay $0x4  }
0xe2: {  	(v2sf) =	vpush v1, $0x0  }
0xe3: {  	(v2sf) =	vpush v1, $0x1  }
0xe4: {  	(v2sf) =	vpush v1, $0x2;
	_ =	sdelay $0x3  }
0xe5: {  	s0 =	sadd.s32 $0x140, s20  }
0xe6: {  	p2 =	slt.s32 s7, s0  }
0xe7: {  	s0 =	smov.u32 @p2 s7;
	p2 =	sgt.s32 s8, $0x0  }
0xe8: {  	s24 =	ssub.s32 s0, s20;
	s8 =	simm.s32 @!p2 $0x0  }
0xe9: {  	p2 =	slt.s32 s8, s24  }
0xea: {  	s24 =	smov.u32 @p2 s8  }
0xeb: {  	s23 =	simm.s32 $0x1;
	p2 =	slt.s32 s24, $0x1  }
.Ltmp17:
0xec: {  	s23 =	simm.s32 @!p1 $0x0;
	(pc) =	sbr.rel @p2 .LBB3_14-.Ltmp17, $4  }
0xed: {  	s31 =	smul.u32 $0x500, s23  }
0xee: {  	s25 =	spop (v2sf)  }
0xef: {  	s0 =	sshrl.u32 s31, $0x2;
	s28 =	spop (v2sf)  }
0xf0: {  	s21 =	sadd.s32 $0xACF8, s0;
	s20 =	spop (v2sf)  }
0xf1: {  	s0 =	smin.u32 s24, $0x10  }
0xf2: {  	v1 =	vmov s0  }
0xf3: {  	p3 =	sgt.s32 s24, $0x10;
	vm1 =	vgt.u32 v1, v0  }
.Ltmp18:
0xf4: {  	_ = 	snop;
	(pc) =	sbr.rel @!p3 .LBB3_13-.Ltmp18, $2  }
0xf5: {  	_ =	sdelay $0x2  }
0xf6: {  	s26 =	simm.s32 $0x10;
	s29 =	sadd.s32 $0xFFFFFFF0, s24;
	s22 =	smov.u32 s21;
	vm0 =	vmmov vm1  }
.LBB3_12:
0xf7: {  	s0 =	smin.u32 s29, $0x10;
	s26 =	sadd.s32 $0x10, s26;
	v1 =	vld.msk [tilespmem:s22+$0x0 ss:$0x1], vm1  }
0xf8: {  	v2 =	vmov s0;
	p3 =	slt.s32 s26, s24  }
0xf9: {  	vm1 =	vgt.u32 v2, v0  }
.Ltmp19:
0xfa: {  	(pc) =	sbr.rel @p3 .LBB3_12-.Ltmp19, $3  }
0xfb: {  	_ =	sdelay $0x1  }
0xfc: {  	v1 =	vshll.u32 v1, $0x4  }
0xfd: {  	s29 =	sadd.s32 $0xFFFFFFF0, s29;
	[tilespmem:s22+$0x0] =	vst.msk vm0, v1;
	s22 =	sadd.s32 $0x10, s22;
	vm0 =	vmmov vm1  }
.LBB3_13:
0xfe: {  	_ =	sdelay $0x4  }
0xff: {  	v1 =	vld.msk [tilespmem:s22+$0x0 ss:$0x1], vm1;
	_ =	sdelay $0x4  }
0x100: {  	v1 =	vshll.u32 v1, $0x4  }
0x101: {  	[tilespmem:s22+$0x0] =	vst.msk vm0, v1  }
.LBB3_14:
0x102: {  	s0 =	sand.u32 $0x1, s19  }
0x103: {  	s0 =	smul.u32 $0x140, s0  }
0x104: {  	p3 =	sne.s32 s28, $0xFFFFFFFF  }
0x105: {  	v1 =	vld.msk @!p3 [tilespmem:s0+$0xACF8], $0x1;
	_ =	sdelay $0x4  }
0x106: {  	(v2sf) =	vpush @!p3 v1, $0x0;
	_ =	sdelay $0xc  }
.Ltmp20:
0x107: {  	_ = 	snop;
	(pc) =	sbr.rel @p2 .LBB3_25-.Ltmp20, $4  }
0x108: {  	_ = 	snop  }
0x109: {  	s26 =	spop @!p3 (v2sf)  }
0x10a: {  	s20 =	simm.s32 @!p3 $0x0;
	s22 =	smov.u32 s26  }
0x10b: {  	[sflag:s16] =	ssyncpa.u1 $0x0;
	s26 =	smov.u32 @p3 s25;
	s22 =	smov.u32 @p3 s28  }
0x10c: {  	v1 =	vld.msk [tilespmem:s21+$0x0], $0x1;
	_ =	sdelay $0x4  }
0x10d: {  	(v2sf) =	vpush v1, $0x0;
	_ =	sdelay $0xe  }
0x10e: {  	s0 =	smul.u32 $0x28000, s23;
	s30 =	spop (v2sf)  }
0x10f: {  	s24 =	ssub.s32 $0x0, s24;
	p2 =	seq.s32 s26, s30  }
0x110: {  	s28 =	sadd.s32 $0x1, s24;
	s0 =	sshrl.u32 s0, $0x2;
	p3 =	sgt.s32 @!p2 s26, $0x0  }
0x111: {  	s23 =	sadd.s32 $0xAF98, s0;
	s0 =	smov.u32 s26;
	p3 =	por !p3, p2  }
0x112: {  	s0 =	simm.s32 @p3 $0x0;
	p3 =	seq.s32 s28, $0x0  }
.Ltmp21:
0x113: {  	_ = 	snop;
	(pc) =	sbr.rel @p3 .LBB3_17-.Ltmp21, $4  }
0x114: {  	_ = 	snop  }
0x115: {  	s25 =	simm.s32 $0x0;
	s31 =	simm.s32 @!p2 $0x1;
	s2 =	smin.u32 @!p2 s0, $0x678  }
0x116: {  	s29 =	sadd.s32 $0x1, s21;
	s31 =	smov.u32 @p2 s25;
	s8 =	sand.u32 @!p2 $0x7F8, s2  }
0x117: {  	s0 =	simm.s32 @!p2 $0x50C8;
	s2 =	sand.u32 @!p2 $0x7, s2;
	s8 =	sadd.s32 @!p2 s1, s8  }
.LBB3_16:
0x118: {  	s9 =	smov.u32 s31  }
0x119: {  	[tilespmem:s0], [sflag:$0x2] =	stream.linear.gather @!p2 [hbm4b:s8+s2], $0x40, $0x38;
	[tilespmem:$0x1EF78] =	vst v63  }
0x11a: {  	s28 =	sadd.s32 $0x1, s28;
	s2 =	smov.u32 s30;
	v1 =	vld.msk [tilespmem:s29+$0x0], $0x1  }
0x11b: {  	p3 =	seq.s32 s28, $0x0;
	_ =	sdelay $0x3  }
0x11c: {  	(v2sf) =	vpush v1, $0x0;
	_ =	sdelay $0xe  }
0x11d: {  	s30 =	spop (v2sf)  }
0x11e: {  	p2 =	seq.s32 s2, s30  }
0x11f: {  	p4 =	sgt.s32 @!p2 s2, $0x0;
	s0 =	sshll.u32 @!p2 s31, $0x8;
	s31 =	sadd.s32 @!p2 $0x1, s31  }
.Ltmp22:
0x120: {  	p4 =	por !p4, p2;
	s0 =	sshra.s32 @!p2 s0, $0x2;
	(pc) =	sbr.rel @!p3 .LBB3_16-.Ltmp22, $4  }
0x121: {  	s31 =	smov.u32 @p2 s9;
	s2 =	simm.s32 @p4 $0x0;
	s0 =	sadd.s32 @!p2 $0x50C8, s0  }
0x122: {  	s2 =	smin.u32 @!p2 s2, $0x678  }
0x123: {  	s8 =	sand.u32 @!p2 $0x7F8, s2;
	s2 =	sand.u32 @!p2 $0x7, s2  }
0x124: {  	s29 =	sadd.s32 $0x1, s29;
	s8 =	sadd.s32 @!p2 s1, s8  }
.LBB3_17:
0x125: {  	[tilespmem:s0], [sflag:$0x2] =	stream.linear.gather @!p2 [hbm4b:s8+s2], $0x40, $0x38;
	[tilespmem:$0x1EF78] =	vst v63  }
.Ltmp23:
0x126: {  	s30 =	sshll.u32 s31, $0x6;
	(pc) =	sbr.rel .LBB3_18-.Ltmp23, $4  }
0x127: {  	s31 =	simm.s32 $0x2;
	s0 =	sand.u32 $0x3FFFFFC0, s30  }
0x128: {  	_ =	swait.ge [sflag:s31], s0  }
0x129: {  	s0 =	ssub.s32 $0x0, s0;
	[sflag:s31] =	ssyncset.done $0x0  }
0x12a: {  	s29 =	simm.s32 $0x0;
	[sflag:s31] =	ssyncadd.s32 s0  }
.LBB3_19:
0x12b: {  	v1 =	vld [tilespmem:s23+$0xFFFFFFE0];
	_ =	sdelay $0x4  }
0x12c: {  	[tilespmem:s30+$0x88] =	vst.add.f32.msk $0xffff, v1  }
0x12d: {  	v1 =	vld [tilespmem:s23+$0xFFFFFFF0];
	_ =	sdelay $0x4  }
0x12e: {  	[tilespmem:s30+$0x98] =	vst.add.f32.msk $0xffff, v1  }
0x12f: {  	v1 =	vld [tilespmem:s23+$0x0];
	_ =	sdelay $0x4  }
0x130: {  	[tilespmem:s30+$0xA8] =	vst.add.f32.msk $0xffff, v1  }
0x131: {  	v1 =	vld [tilespmem:s23+$0x10];
	_ =	sdelay $0x4  }
0x132: {  	[tilespmem:s30+$0xB8] =	vst.add.f32.msk $0xffff, v1  }
.LBB3_23:
0x133: {  	s24 =	sadd.s32 $0x1, s24  }
0x134: {  	p2 =	seq.s32 s24, $0x0  }
.Ltmp24:
0x135: {  	_ = 	snop;
	(pc) =	sbr.rel @p2 .LBB3_24-.Ltmp24, $2  }
0x136: {  	_ =	sdelay $0x2  }
0x137: {  	s23 =	sadd.s32 $0x80, s23;
	s21 =	sadd.s32 $0x1, s21;
	s26 =	smov.u32 s28  }
.LBB3_18:
0x138: {  	v1 =	vld.msk [tilespmem:s21+$0x0], $0x1;
	_ =	sdelay $0x4  }
0x139: {  	(v2sf) =	vpush v1, $0x0;
	_ =	sdelay $0xe  }
0x13a: {  	s28 =	spop (v2sf)  }
0x13b: {  	p2 =	sne.s32 s26, s28  }
.Ltmp25:
0x13c: {  	_ = 	snop;
	(pc) =	sbr.rel @!p2 .LBB3_19-.Ltmp25, $3  }
0x13d: {  	_ =	sdelay $0x1  }
0x13e: {  	s0 =	sshll.u32 s20, $0x8  }
0x13f: {  	s30 =	sshra.s32 s0, $0x2  }
0x140: {  	p2 =	seq.s32 s26, s22  }
.Ltmp26:
0x141: {  	_ = 	snop;
	(pc) =	sbr.rel @!p2 .LBB3_21-.Ltmp26, $1  }
0x142: {  	_ =	sdelay $0x3  }
.Ltmp27:
0x143: {  	s0 =	sadd.s32 $0x88, s30;
	(pc) =	sbr.rel .LBB3_22-.Ltmp27, $4  }
0x144: {  	[spmem:s13] =	stream.linear.scatter [tilespmem:s0], [sflag:$0x1], $0x40, $0x38;
	[tilespmem:$0x1EF78] =	vst v63  }
0x145: {  	_ =	swait.ge [sflag:s11], $0x40  }
0x146: {  	[sflag:s11] =	ssyncset.done $0x0  }
0x147: {  	[sflag:s11] =	ssyncadd.s32 $0xFFFFFFC0  }
.LBB3_21:
0x148: {  	s0 =	sshll.u32 s25, $0x8  }
0x149: {  	s0 =	sshra.s32 s0, $0x2  }
0x14a: {  	v1 =	vld [tilespmem:s0+$0x50C8];
	_ =	sdelay $0x4  }
0x14b: {  	[tilespmem:s30+$0x88] =	vst.add.f32.msk $0xffff, v1  }
0x14c: {  	v1 =	vld [tilespmem:s0+$0x50D8];
	_ =	sdelay $0x4  }
0x14d: {  	[tilespmem:s30+$0x98] =	vst.add.f32.msk $0xffff, v1  }
0x14e: {  	v1 =	vld [tilespmem:s0+$0x50E8];
	_ =	sdelay $0x4  }
0x14f: {  	[tilespmem:s30+$0xA8] =	vst.add.f32.msk $0xffff, v1  }
0x150: {  	v1 =	vld [tilespmem:s0+$0x50F8];
	_ =	sdelay $0x2  }
0x151: {  	p2 =	sgt.u32 s26, $0x678  }
0x152: {  	s0 =	sand.u32 @!p2 $0x7F8, s26  }
0x153: {  	s2 =	sadd.s32 $0x88, s30;
	s8 =	sand.u32 @!p2 $0x7, s26;
	s0 =	sadd.s32 @!p2 s1, s0;
	[tilespmem:s30+$0xB8] =	vst.add.f32.msk $0xffff, v1  }
0x154: {  	[hbm4b:s0+s8] =	stream.linear.scatter @!p2 [tilespmem:s2], [sflag:$0xA], $0x40, $0x38;
	[tilespmem:$0x1EF78] =	vst v63  }
0x155: {  	s0 =	simm.s32 $0x0  }
0x156: {  	s0 =	simm.s32 @!p2 $0x100  }
0x157: {  	s29 =	sadd.s32 s0, s29  }
.LBB3_22:
0x158: {  	s0 =	sadd.s32 $0x1, s20  }
0x159: {  	s2 =	smulhi.u32 $0xCCCCCCCD, s0;
	_ =	sdelay $0x1  }
0x15a: {  	v1 =	vld [tilespmem:s23+$0xFFFFFFE0];
	s2 =	sshrl.u32 s2, $0x8  }
0x15b: {  	s2 =	smul.u32 $0x140, s2;
	_ =	sdelay $0x1  }
0x15c: {  	s20 =	ssub.s32 s0, s2  }
0x15d: {  	s0 =	sshll.u32 s20, $0x6  }
0x15e: {  	[tilespmem:s0+$0x88] =	vst v1  }
0x15f: {  	v1 =	vld [tilespmem:s23+$0xFFFFFFF0];
	_ =	sdelay $0x4  }
0x160: {  	[tilespmem:s0+$0x98] =	vst v1  }
0x161: {  	v1 =	vld [tilespmem:s23+$0x0];
	_ =	sdelay $0x4  }
0x162: {  	[tilespmem:s0+$0xA8] =	vst v1  }
0x163: {  	v1 =	vld [tilespmem:s23+$0x10]  }
.Ltmp28:
0x164: {  	_ = 	snop;
	(pc) =	sbr.rel .LBB3_23-.Ltmp28, $2  }
0x165: {  	_ =	sdelay $0x2  }
0x166: {  	s25 =	sadd.s32 $0x1, s25;
	[tilespmem:s0+$0xB8] =	vst v1  }
.LBB3_25:
.Ltmp29:
0x167: {  	(pc) =	sbr.rel .LBB3_26-.Ltmp29, $4  }
0x168: {  	_ = 	snop  }
0x169: {  	s0 =	simm.s32 $0x2  }
0x16a: {  	_ =	swait.ge [sflag:s0], $0x0  }
0x16b: {  	s28 =	smov.u32 s26;
	[sflag:s0] =	ssyncset.done $0x0;
	s0 =	simm.s32 $0x0  }
.LBB3_28:
0x16c: {  	_ =	sfence.sel $0x180000  }
0x16d: {  	s0 =	simm.s32 $0x7;
	[bflag:$0x0] =	sbarrier.arrive $0xFFFF  }
0x16e: {  	s25 =	simm.s32 $0x8;
	[sflag:s0] =	ssyncpa.u1 $0x1  }
0x16f: {  	s26 =	simm.s32 $0x9;
	[sflag:s25] =	ssyncpa.u1 $0x1  }
0x170: {  	s28 =	simm.s32 $0x2;
	[sflag:s26] =	ssyncpa.u1 $0x1  }
0x171: {  	[sflag:s28] =	ssyncpa.u1 $0x1  }
0x172: {  	v0 =	vld [tilespmem:$0xA108];
	_ =	sdelay $0x4  }
0x173: {  	(v2sf) =	vpush v0, $0x0  }
0x174: {  	(v2sf) =	vpush v0, $0x1;
	_ =	sdelay $0x1  }
0x175: {  	(v2sf) =	vpush v0, $0x2;
	_ =	sdelay $0xb  }
0x176: {  	s0 =	spop (v2sf)  }
0x177: {  	s2 =	spop (v2sf)  }
0x178: {  	s3 =	smov.u32 s0;
	p0 =	sne.s32 s0, s2  }
0x179: {  	s4 =	spop (v2sf);
	s3 =	simm.s32 @!p0 $0xFFFFFFFF  }
0x17a: {  	v2 =	vimm.s32 $0x1;
	v3 =	vlaneseq.u32;
	p0 =	seq.s32 s4, $0xFFFFFFFF;
	v1 =	vmov s3  }
0x17b: {  	s7 =	stileid.u32;
	v0 =	vperm.xlane v0, v2;
	p1 =	sne.s32 @!p0 s0, s2;
	v1 =	vperm.xlane v1, v3  }
0x17c: {  	vm0 =	vcmask $0x3F04;
	s6 =	simm.s32 $0xA108;
	s0 =	simm.s32 @!p0 $0x1;
	p1 =	por !p1, p0  }
0x17d: {  	s3 =	sshll.u32 s7, $0x1;
	s2 =	sshll.u32 @!p0 s4, $0x8;
	s0 =	simm.s32 @p1 $0x0;
	v0 =	vsel vm0, v1, v0  }
0x17e: {  	s5 =	sor.u32 $0x800, s3;
	s2 =	sshra.s32 @!p0 s2, $0x2;
	s0 =	sor.u32 @!p0 s0, s3;
	[tilespmem:$0xA108] =	vst v0  }
0x17f: {  	[spmem:s5] =	stream.linear.scatter [tilespmem:s6], [sflag:$0x1], $0x2, $0x38;
	[tilespmem:$0x1EF78] =	vst v63  }
0x180: {  	s2 =	sadd.s32 @!p0 $0x88, s2;
	s0 =	sshll.u32 @!p0 s0, $0x6  }
0x181: {  	[spmem:s0] =	stream.linear.scatter @!p0 [tilespmem:s2], [sflag:$0x1], $0x40, $0x38;
	[tilespmem:$0x1EF78] =	vst v63  }
0x182: {  	s2 =	simm.s32 @!p0 $0x42  }
0x183: {  	s0 =	simm.s32 $0x1;
	s2 =	simm.s32 @p0 $0x2  }
0x184: {  	_ =	swait.ge [sflag:s0], s2  }
0x185: {  	s2 =	ssub.s32 $0x0, s2;
	[sflag:s0] =	ssyncset.done $0x0  }
0x186: {  	[sflag:s0] =	ssyncadd.s32 s2  }
0x187: {  	_ =	sfence.stream.spmem  }
0x188: {  	s29 =	simm.s32 $0x3;
	[bflag:$0x0] =	sbarrier.arrive $0xFFFF  }
0x189: {  	s30 =	simm.s32 $0x4;
	[sflag:s29] =	ssyncpa.u1 $0x1  }
0x18a: {  	s31 =	simm.s32 $0x3C;
	[sflag:s30] =	ssyncpa.u1 $0x1  }
0x18b: {  	p0 =	sne.s32 s7, $0x0;
	[sflag:s31] =	ssyncpa.u1 $0x1  }
0x18c: {  	_ =	sfence @p0  }
0x18d: {  	[sflag:s0] =	ssyncpa.u1 @p0 $0x1  }
0x18e: {  	_ =	strace @p0 $0x90000053  }
0x18f: {  	[bflag:$0x2] =	sbarrier.arrive @p0 $0xFFFF  }
0x190: {  	_ =	shalt @p0  }
.LBB3_29:
0x191: {  	_ =	sfence.stream.spmem;
	s0 =	simm.s32 $0x5  }
0x192: {  	s2 =	simm.s32 $0x800;
	s3 =	simm.s32 $0xA118;
	[sflag:s0] =	ssyncpa.u1 $0x0  }
0x193: {  	[tilespmem:s3], [sflag:$0x5] =	stream.linear.gather [spmem:s2], $0x20, $0x38;
	[tilespmem:$0x1EF78] =	vst v63  }
0x194: {  	s30 =	simm.s32 $0xA138;
	s2 =	simm.s32 $0x0  }
0x195: {  	[tilespmem:s30], [sflag:$0x5] =	stream.linear.gather [spmem:s2], $0x800, $0x38;
	[tilespmem:$0x1EF78] =	vst v63  }
.Ltmp30:
0x196: {  	_ = 	snop;
	(pc) =	sbr.rel .LBB3_30-.Ltmp30, $4  }
0x197: {  	_ =	swait.ge [sflag:s0], $0x820  }
0x198: {  	[sflag:s0] =	ssyncset.done $0x0  }
0x199: {  	s31 =	simm.s32 $0x6;
	[sflag:s0] =	ssyncadd.s32 $0xFFFFF7E0  }
0x19a: {  	s3 =	simm.s32 $0x0;
	[sflag:s31] =	ssyncpa.u1 $0x0  }
.LBB3_36:
0x19b: {  	p0 =	slt.u32 s4, $0x679  }
0x19c: {  	s0 =	sand.u32 @p0 $0x7F8, s4  }
0x19d: {  	s4 =	sand.u32 @p0 $0x7, s4;
	s5 =	simm.s32 @p0 $0xA0C8;
	s0 =	sadd.s32 @p0 s1, s0  }
0x19e: {  	[tilespmem:s5], [sflag:$0x6] =	stream.linear.gather @p0 [hbm4b:s0+s4], $0x40, $0x38;
	[tilespmem:$0x1EF78] =	vst v63  }
0x19f: {  	s0 =	simm.s32 @p0 $0x6  }
0x1a0: {  	_ =	swait.ge @p0 [sflag:s0], $0x40  }
0x1a1: {  	[sflag:s0] =	ssyncset.done @p0 $0x0  }
0x1a2: {  	[sflag:s0] =	ssyncadd.s32 @p0 $0xFFFFFFC0  }
0x1a3: {  	v1 =	vld @p0 [tilespmem:$0xA0C8];
	_ =	sdelay $0x2  }
0x1a4: {  	s0 =	sshll.u32 @p0 s3, $0x8  }
0x1a5: {  	s4 =	sshrl.u32 @p0 s0, $0x2  }
0x1a6: {  	[tilespmem:s4+$0xA138] =	vst.add.f32.msk @p0 $0xffff, v1  }
0x1a7: {  	v1 =	vld @p0 [tilespmem:$0xA0D8];
	_ =	sdelay $0x4  }
0x1a8: {  	[tilespmem:s4+$0xA148] =	vst.add.f32.msk @p0 $0xffff, v1  }
0x1a9: {  	v1 =	vld @p0 [tilespmem:$0xA0E8];
	_ =	sdelay $0x4  }
0x1aa: {  	[tilespmem:s4+$0xA158] =	vst.add.f32.msk @p0 $0xffff, v1  }
0x1ab: {  	v1 =	vld @p0 [tilespmem:$0xA0F8];
	_ =	sdelay $0x3  }
0x1ac: {  	s5 =	sshll.u32 @!p0 s3, $0x8  }
0x1ad: {  	s5 =	smov.u32 @p0 s0;
	[tilespmem:s4+$0xA168] =	vst.add.f32.msk @p0 $0xffff, v1  }
0x1ae: {  	s0 =	sshrl.u32 s5, $0x2;
	[tilespmem:s2+$0xA118] =	vst.msk $0x1, v0  }
0x1af: {  	v0 =	vld [tilespmem:s0+$0xA138];
	_ =	sdelay $0x2  }
0x1b0: {  	s31 =	sshll.u32 s2, $0x8  }
0x1b1: {  	s4 =	sshra.s32 s31, $0x2  }
0x1b2: {  	[tilespmem:s4+$0xA138] =	vst v0  }
0x1b3: {  	v0 =	vld [tilespmem:s0+$0xA148];
	_ =	sdelay $0x4  }
0x1b4: {  	[tilespmem:s4+$0xA148] =	vst v0  }
0x1b5: {  	v0 =	vld [tilespmem:s0+$0xA158];
	_ =	sdelay $0x4  }
0x1b6: {  	[tilespmem:s4+$0xA158] =	vst v0  }
0x1b7: {  	v0 =	vld [tilespmem:s0+$0xA168];
	_ =	sdelay $0x4  }
0x1b8: {  	s2 =	sadd.s32 $0x1, s2;
	[tilespmem:s4+$0xA168] =	vst v0  }
.LBB3_37:
0x1b9: {  	s3 =	sadd.s32 $0x1, s3  }
0x1ba: {  	p0 =	sne.s32 s3, $0x20  }
.Ltmp31:
0x1bb: {  	_ = 	snop;
	(pc) =	sbr.rel @!p0 .LBB3_38-.Ltmp31, $1  }
0x1bc: {  	_ =	sdelay $0x3  }
.LBB3_30:
0x1bd: {  	v0 =	vld.msk [tilespmem:s3+$0xA118], $0x1;
	_ =	sdelay $0x4  }
0x1be: {  	(v2sf) =	vpush v0, $0x0;
	_ =	sdelay $0xe  }
0x1bf: {  	s4 =	spop (v2sf)  }
0x1c0: {  	p0 =	seq.s32 s4, $0xFFFFFFFF  }
.Ltmp32:
0x1c1: {  	_ = 	snop;
	(pc) =	sbr.rel @p0 .LBB3_37-.Ltmp32, $1  }
0x1c2: {  	_ =	sdelay $0x3  }
0x1c3: {  	p0 =	slt.s32 s2, $0x1  }
.Ltmp33:
0x1c4: {  	_ = 	snop;
	(pc) =	sbr.rel @p0 .LBB3_36-.Ltmp33, $1  }
0x1c5: {  	_ =	sdelay $0x3  }
0x1c6: {  	s5 =	simm.s32 $0xA118;
	p0 =	por $0x0, $0x0  }
0x1c7: {  	v1 =	vld.msk @!p0 [tilespmem:s5+$0x0], $0x1;
	_ =	sdelay $0x4  }
0x1c8: {  	(v2sf) =	vpush @!p0 v1, $0x0;
	_ =	sdelay $0xd  }
0x1c9: {  	p2 =	sne.s32 s2, $0x1  }
.Ltmp34:
0x1ca: {  	s0 =	spop @!p0 (v2sf);
	(pc) =	sbr.rel @!p2 .LBB3_34-.Ltmp34, $4  }
0x1cb: {  	p1 =	seq.s32 @!p0 s4, s0  }
0x1cc: {  	s6 =	simm.s32 $0x0;
	p1 =	por !p1, p0  }
0x1cd: {  	s0 =	simm.s32 $0xFFFFFFFF;
	s6 =	simm.s32 @p1 $0xFFFFFFFF  }
0x1ce: {  	s7 =	simm.s32 $0x1;
	s6 =	smov.u32 @p0 s0  }
.LBB3_33:
0x1cf: {  	s0 =	smov.u32 s6;
	p0 =	sne.s32 s6, $0xFFFFFFFF  }
0x1d0: {  	s5 =	sadd.s32 $0x1, s5;
	s6 =	smov.u32 s7;
	s7 =	sadd.s32 $0x1, s7  }
0x1d1: {  	p1 =	sne.s32 s2, s7;
	v1 =	vld.msk @!p0 [tilespmem:s5+$0x0], $0x1;
	_ =	sdelay $0x4  }
0x1d2: {  	(v2sf) =	vpush @!p0 v1, $0x0;
	_ =	sdelay $0xe  }
.Ltmp35:
0x1d3: {  	s8 =	spop @!p0 (v2sf);
	(pc) =	sbr.rel @p1 .LBB3_33-.Ltmp35, $4  }
0x1d4: {  	p2 =	seq.s32 @!p0 s4, s8  }
0x1d5: {  	p2 =	por !p2, p0  }
0x1d6: {  	s6 =	simm.s32 @p2 $0xFFFFFFFF  }
0x1d7: {  	s6 =	smov.u32 @p0 s0  }
.LBB3_34:
0x1d8: {  	p0 =	seq.s32 s6, $0xFFFFFFFF  }
.Ltmp36:
0x1d9: {  	_ = 	snop;
	(pc) =	sbr.rel @p0 .LBB3_36-.Ltmp36, $1  }
0x1da: {  	_ =	sdelay $0x3  }
0x1db: {  	s0 =	sshll.u32 s3, $0x6  }
0x1dc: {  	s0 =	sand.u32 $0x3FFFFFC0, s0  }
0x1dd: {  	v0 =	vld [tilespmem:s0+$0xA138];
	_ =	sdelay $0x2  }
0x1de: {  	s4 =	sshll.u32 s6, $0x8  }
0x1df: {  	s4 =	sshra.s32 s4, $0x2  }
0x1e0: {  	[tilespmem:s4+$0xA138] =	vst.add.f32.msk $0xffff, v0  }
0x1e1: {  	v0 =	vld [tilespmem:s0+$0xA148];
	_ =	sdelay $0x4  }
0x1e2: {  	[tilespmem:s4+$0xA148] =	vst.add.f32.msk $0xffff, v0  }
0x1e3: {  	v0 =	vld [tilespmem:s0+$0xA158];
	_ =	sdelay $0x4  }
0x1e4: {  	[tilespmem:s4+$0xA158] =	vst.add.f32.msk $0xffff, v0  }
0x1e5: {  	v0 =	vld [tilespmem:s0+$0xA168]  }
.Ltmp37:
0x1e6: {  	_ = 	snop;
	(pc) =	sbr.rel .LBB3_37-.Ltmp37, $2  }
0x1e7: {  	_ =	sdelay $0x2  }
0x1e8: {  	[tilespmem:s4+$0xA168] =	vst.add.f32.msk $0xffff, v0  }
.LBB3_38:
0x1e9: {  	p0 =	slt.s32 s2, $0x1  }
.Ltmp38:
0x1ea: {  	_ = 	snop;
	(pc) =	sbr.rel @p0 .LBB3_42-.Ltmp38, $3  }
0x1eb: {  	_ =	sdelay $0x1  }
0x1ec: {  	s0 =	simm.s32 $0x6  }
0x1ed: {  	s3 =	simm.s32 $0x0;
	[sflag:s0] =	ssyncpa.u1 $0x1  }
0x1ee: {  	s0 =	simm.s32 $0xA118  }
0x1ef: {  	v0 =	vld.msk [tilespmem:s0+$0x0], $0x1;
	_ =	sdelay $0x4  }
0x1f0: {  	(v2sf) =	vpush v0, $0x0;
	_ =	sdelay $0xe  }
0x1f1: {  	s2 =	sadd.s32 $0xFFFFFFFF, s2;
	s0 =	spop (v2sf)  }
0x1f2: {  	p1 =	sne.s32 s2, $0x0;
	p0 =	sgt.u32 s0, $0x678  }
.Ltmp39:
0x1f3: {  	s5 =	sand.u32 @!p0 $0x7F8, s0;
	(pc) =	sbr.rel @!p1 .LBB3_41-.Ltmp39, $4  }
0x1f4: {  	s4 =	simm.s32 $0xA138;
	s0 =	sand.u32 @!p0 $0x7, s0;
	s5 =	sadd.s32 @!p0 s1, s5  }
0x1f5: {  	[hbm4b:s5+s0] =	stream.linear.scatter @!p0 [tilespmem:s4], [sflag:$0x5], $0x40, $0x38;
	[tilespmem:$0x1EF78] =	vst v63  }
0x1f6: {  	s0 =	simm.s32 $0x0  }
0x1f7: {  	s5 =	simm.s32 $0xA119;
	s0 =	simm.s32 @!p0 $0x100  }
.LBB3_40:
0x1f8: {  	v0 =	vld.msk [tilespmem:s5+$0x0], $0x1;
	s2 =	sadd.s32 $0xFFFFFFFF, s2;
	s3 =	sadd.s32 s3, s0  }
0x1f9: {  	p0 =	sne.s32 s2, $0x0;
	_ =	sdelay $0x3  }
0x1fa: {  	(v2sf) =	vpush v0, $0x0;
	_ =	sdelay $0xe  }
.Ltmp40:
0x1fb: {  	s6 =	spop (v2sf);
	(pc) =	sbr.rel @p0 .LBB3_40-.Ltmp40, $4  }
0x1fc: {  	s0 =	simm.s32 $0x0;
	p1 =	sgt.u32 s6, $0x678  }
0x1fd: {  	s4 =	sadd.s32 $0x40, s4;
	s0 =	simm.s32 @!p1 $0x100;
	s7 =	sand.u32 @!p1 $0x7F8, s6  }
0x1fe: {  	s5 =	sadd.s32 $0x1, s5;
	s6 =	sand.u32 @!p1 $0x7, s6;
	s7 =	sadd.s32 @!p1 s1, s7  }
0x1ff: {  	[hbm4b:s7+s6] =	stream.linear.scatter @!p1 [tilespmem:s4], [sflag:$0x5], $0x40, $0x38;
	[tilespmem:$0x1EF78] =	vst v63  }
.LBB3_41:
0x200: {  	s0 =	sadd.s32 s3, s0  }
0x201: {  	s3 =	sshrl.u32 s0, $0x2  }
.LBB3_42:
0x202: {  	s0 =	simm.s32 $0x5  }
0x203: {  	_ =	swait.ge [sflag:s0], s3  }
0x204: {  	s1 =	ssub.s32 $0x0, s3;
	[sflag:s0] =	ssyncset.done $0x0  }
0x205: {  	[sflag:s0] =	ssyncadd.s32 s1  }
0x206: {  	[sflag:s0] =	ssyncpa.u1 $0x1  }
0x207: {  	s30 =	simm.s32 $0x1;
	_ =	sfence  }
0x208: {  	[sflag:s30] =	ssyncpa.u1 $0x1  }
0x209: {  	_ =	strace $0x90000053  }
0x20a: {  	[bflag:$0x2] =	sbarrier.arrive $0xFFFF  }
0x20b: {  	s31 =	rddreg [dreg:$0x1]  }
0x20c: {  	s0 =	sadd.s32 $0x100000, s31  }
0x20d: {  	[sflag:s0] =	ssyncadd.tile.s32 $0x1;
	_ =	shalt  }
.Lfunc_end3:
_tile_overlayer_lowered:
.L_overlay_start_3:
0x20e: {  	(tag) =	ssettag $0x3  }
0x20f: {  	s0 =	rddreg [dreg:$0x0];
	s2 =	stileid.u32  }
0x210: {  	s1 =	rddreg [dreg:$0x1];
	p0 =	sne.s32 s2, $0x0  }
0x211: {  	s3 =	rddreg [dreg:$0x2];
	[bflag:$0x3] =	sbarrier.arrive $0xFFFF;
	s2 =	simm.s32 @!p0 $0x1C01  }
0x212: {  	[timem:s3], [sflag:s2] =	dma.local @!p0 [hbm:s0], s1  }
0x213: {  	s0 =	simm.s32 @!p0 $0x1  }
0x214: {  	_ =	swait.ge @!p0 [sflag:s0], s1  }
0x215: {  	s1 =	ssub.s32 @!p0 $0x0, s1;
	[sflag:s0] =	ssyncset.done @!p0 $0x0  }
0x216: {  	[sflag:s0] =	ssyncadd.s32 @!p0 s1  }
0x217: {  	[bflag:$0x3] =	sbarrier.arrive $0xFFFF  }
0x218: {  	_ =	shalt  }

// kernel: scatter_offload_async_start.2
scs
__scs_entry_jumppad:
0x0: {  	(pc) =	sbr.rel $0x88, $3  }
0x1: {  	(tag) =	ssettag $0x0;
	lr =	simm.s32 $0x1  }
0x2: {  	[smem:$0x3F87] =	sst lr;
	_ =	strace $0xD0000000  }
0x3: {  	_ = 	snop  }
0x4: {  	_ = 	snop  }
0x5: {  	_ = 	snop  }
0x6: {  	_ = 	snop  }
0x7: {  	_ = 	snop  }
__scs_overlays_trampoline_lowered:
0x8: {  	[smem:$0x3F96] =	sst s0  }
0x9: {  	[smem:$0x3F97] =	sst s1  }
0xa: {  	[smem:$0x3F98] =	sst s2  }
0xb: {  	[smem:$0x3F99] =	sst s3  }
0xc: {  	[smem:$0x3F9A] =	sst s4  }
0xd: {  	[smem:$0x3F9B] =	sst s5  }
0xe: {  	[smem:$0x3F9C] =	sst s6  }
0xf: {  	[smem:$0x3F9D] =	sst s7  }
0x10: {  	[smem:$0x3F9E] =	sst s8  }
0x11: {  	[smem:$0x3F9F] =	sst s9;
	s0 =	simm.s32 @!p0 $0x0  }
0x12: {  	s1 =	sld [smem:$0x3F85];
	s0 =	simm.s32 @p0 $0x1  }
0x13: {  	[smem:$0x3FA0] =	sst s0;
	s0 =	simm.s32 @!p1 $0x0  }
0x14: {  	s2 =	sld [smem:$0x3F84];
	s0 =	simm.s32 @p1 $0x1  }
0x15: {  	[smem:$0x3FA1] =	sst s0;
	s0 =	simm.s32 @!p2 $0x0  }
0x16: {  	s3 =	sld [smem:$0x3FDB];
	s0 =	simm.s32 @p2 $0x1  }
0x17: {  	s4 =	simm.s32 $0x1BF5;
	[smem:$0x3FA3] =	sst s0  }
0x18: {  	s0 =	sld [smem:$0x3F86];
	_ =	swait.ge [sflag:s4], $0x0  }
0x19: {  	s7 =	sld [smem:$0x3F87]  }
0x1a: {  	s8 =	sadd.s32 $0xFFFFE003, lr  }
0x1b: {  	s9 =	sadd.s32 $0xFFFFFEF7, lr;
	s5 =	simm.s32 $0xFFFFFFFF;
	p2 =	slt.u32 s8, $0xFFFFF086  }
0x1c: {  	p1 =	slt.u32 s9, $0xF7A;
	s5 =	simm.s32 @!p2 $0x0  }
0x1d: {  	s5 =	simm.s32 @p1 $0x1;
	p0 =	seq.s32 s7, s2  }
0x1e: {  	s7 =	smul.u32 @!p0 $0xF7A, s2;
	p2 =	seq.s32 @!p0 s5, $0x0  }
0x1f: {  	s9 =	smul.u32 $0xF7A, s1;
	s8 =	simm.s32 @!p0 $0x1BF5;
	p2 =	por !p2, p0  }
0x20: {  	[sflag:s8] =	ssyncset.s32 @!p0 $0xFFFFF086;
	s6 =	sadd.s32 @!p0 s3, s7;
	s7 =	simm.s32 @!p0 $0x108  }
0x21: {  	s3 =	sadd.s32 s3, s9;
	s6 =	sadd.s32 @!p0 $0x88, s6;
	s7 =	simm.s32 @p2 $0x1082  }
0x22: {  	[simem:s7], [sflag:s8] =	dma.local @!p0 [hbm:s6], $0xF7A  }
0x23: {  	s9 =	sor.u32 $0xD0000000, s2;
	s6 =	simm.s32 $0x108;
	_ =	swait.ge @!p0 [sflag:s8], $0x0  }
0x24: {  	s3 =	sadd.s32 $0x88, s3;
	s6 =	simm.s32 @!p1 $0x1082;
	[sflag:s4] =	ssyncset.s32 $0xFFFFF086  }
0x25: {  	[simem:s6], [sflag:s4] =	dma.local [hbm:s3], $0xF7A  }
0x26: {  	[smem:$0x3F87] =	sst s1;
	(tag) =	ssettag s2;
	_ =	strace s9  }
0x27: {  	s1 =	sld [smem:$0x3F97]  }
0x28: {  	s2 =	sld [smem:$0x3F98]  }
0x29: {  	s4 =	sld [smem:$0x3F9A]  }
0x2a: {  	p0 =	seq.s32 s5, $0x0;
	s5 =	sld [smem:$0x3F9B]  }
0x2b: {  	s6 =	sld [smem:$0x3F9C]  }
0x2c: {  	s7 =	sld [smem:$0x3F9D]  }
0x2d: {  	s3 =	simm.s32 $0x108;
	s8 =	sld [smem:$0x3F9E]  }
0x2e: {  	s3 =	simm.s32 @!p0 $0x1082;
	s9 =	sld [smem:$0x3F9F]  }
0x2f: {  	lr =	sadd.s32 s0, s3;
	s0 =	sld [smem:$0x3F96]  }
0x30: {  	s3 =	sld [smem:$0x3F99]  }
0x31: {  	[smem:$0x3FA2] =	sst s10  }
0x32: {  	s10 =	sld [smem:$0x3FA0];
	_ =	sdelay $0x3  }
0x33: {  	p0 =	seq.s32 s10, $0x1;
	s10 =	sld [smem:$0x3FA2];
	_ =	sdelay $0x3  }
0x34: {  	[smem:$0x3FA2] =	sst s10  }
0x35: {  	s10 =	sld [smem:$0x3FA1];
	_ =	sdelay $0x3  }
0x36: {  	p1 =	seq.s32 s10, $0x1;
	s10 =	sld [smem:$0x3FA2];
	_ =	sdelay $0x3  }
0x37: {  	[smem:$0x3FA2] =	sst s10  }
0x38: {  	s10 =	sld [smem:$0x3FA3]  }
0x39: {  	_ = 	snop;
	(pc) =	sbr.ind lr, $3  }
0x3a: {  	_ = 	snop  }
0x3b: {  	_ = 	snop  }
0x3c: {  	p2 =	seq.s32 s10, $0x1;
	s10 =	sld [smem:$0x3FA2]  }
0x3d: {  	_ =	shalt  }
0x3e: {  	_ =	shalt  }
0x3f: {  	_ =	shalt  }
0x40: {  	_ =	shalt  }
0x41: {  	_ =	shalt  }
0x42: {  	_ =	shalt  }
0x43: {  	_ =	shalt  }
0x44: {  	_ =	shalt  }
0x45: {  	_ =	shalt  }
0x46: {  	_ =	shalt  }
0x47: {  	_ =	shalt  }
0x48: {  	_ =	shalt  }
0x49: {  	_ =	shalt  }
0x4a: {  	_ =	shalt  }
0x4b: {  	_ =	shalt  }
0x4c: {  	_ =	shalt  }
0x4d: {  	_ =	shalt  }
0x4e: {  	_ =	shalt  }
0x4f: {  	_ =	shalt  }
0x50: {  	_ =	shalt  }
0x51: {  	_ =	shalt  }
0x52: {  	_ =	shalt  }
0x53: {  	_ =	shalt  }
0x54: {  	_ =	shalt  }
0x55: {  	_ =	shalt  }
0x56: {  	_ =	shalt  }
0x57: {  	_ =	shalt  }
0x58: {  	_ =	shalt  }
0x59: {  	_ =	shalt  }
0x5a: {  	_ =	shalt  }
0x5b: {  	_ =	shalt  }
0x5c: {  	_ =	shalt  }
0x5d: {  	_ =	shalt  }
0x5e: {  	_ =	shalt  }
0x5f: {  	_ =	shalt  }
0x60: {  	_ =	shalt  }
0x61: {  	_ =	shalt  }
0x62: {  	_ =	shalt  }
0x63: {  	_ =	shalt  }
0x64: {  	_ =	shalt  }
0x65: {  	_ =	shalt  }
0x66: {  	_ =	shalt  }
0x67: {  	_ =	shalt  }
0x68: {  	_ =	shalt  }
0x69: {  	_ =	shalt  }
0x6a: {  	_ =	shalt  }
0x6b: {  	_ =	shalt  }
0x6c: {  	_ =	shalt  }
0x6d: {  	_ =	shalt  }
0x6e: {  	_ =	shalt  }
0x6f: {  	_ =	shalt  }
0x70: {  	_ =	shalt  }
0x71: {  	_ =	shalt  }
0x72: {  	_ =	shalt  }
0x73: {  	_ =	shalt  }
0x74: {  	_ =	shalt  }
0x75: {  	_ =	shalt  }
0x76: {  	_ =	shalt  }
0x77: {  	_ =	shalt  }
0x78: {  	_ =	shalt  }
0x79: {  	_ =	shalt  }
0x7a: {  	_ =	shalt  }
0x7b: {  	_ =	shalt  }
0x7c: {  	_ =	shalt  }
0x7d: {  	_ =	shalt  }
0x7e: {  	_ =	shalt  }
0x7f: {  	_ =	shalt  }
0x80: {  	_ =	shalt  }
0x81: {  	_ =	shalt  }
0x82: {  	_ =	shalt  }
0x83: {  	_ =	shalt  }
0x84: {  	_ =	shalt  }
0x85: {  	_ =	shalt  }
0x86: {  	_ =	shalt  }
0x87: {  	_ =	shalt  }
.Lfunc_end0:
.L_simem_size_0:
called_computation.2_lowered:
.L_overlay_start_0:
0x88: {  	s0 =	sld [smem:$0x3FD9]  }
0x89: {  	s1 =	sld [smem:$0x3FFE];
	_ =	sdelay $0x3  }
0x8a: {  	s0 =	sadd.s32 s1, s0  }
0x8b: {  	[smem:$0x3FAE] =	sst s0  }
0x8c: {  	_ = 	snop  }
0x8d: {  	s14 =	sld [smem:$0x3FD0];
	(tm) =	ssettm $0x1  }
0x8e: {  	s15 =	sld [smem:$0x3FFB];
	_ =	sdelay $0x3  }
0x8f: {  	_ =	strace s15  }
0x90: {  	s0 =	sld [smem:$0x3FFC];
	_ =	sdelay $0x3  }
0x91: {  	_ =	strace s0  }
0x92: {  	s0 =	sld [smem:$0x3FFD];
	_ =	sdelay $0x3  }
0x93: {  	_ =	strace s0  }
0x94: {  	_ =	strace $0x8FFFFFFF  }
0x95: {  	s16 =	sld [smem:$0x3FDB];
	_ =	sdelay $0x1  }
0x96: {  	s2 =	simm.s32 $_scs_section_size  }
0x97: {  	s3 =	simm.s32 $_size__tile_overlayer_lowered;
	s4 =	simm.s32 $_tile_overlayer_lowered  }
0x98: {  	s5 =	simm.s32 $0x1BFF;
	s17 =	sshll.u32 s4, $0x1;
	s2 =	sadd.s32 s2, s16  }
0x99: {  	s18 =	simm.s32 $0x0;
	s3 =	sshll.u32 s3, $0x1;
	s4 =	sadd.s32 s17, s2  }
0x9a: {  	[timem:s18], [sflag:s5] =	dma.local [hbm:s4], s3  }
0x9b: {  	_ =	swait.ge [sflag:s5], s3  }
0x9c: {  	s3 =	ssub.s32 $0x0, s3;
	[sflag:s5] =	ssyncset.done $0x0  }
0x9d: {  	[sflag:s5] =	ssyncadd.s32 s3;
	_ =	sdelay $0x1  }
0x9e: {  	s19 =	simm.s32 $0x1B8B  }
0x9f: {  	_ =	swait.ge [sflag:s19], $0x1  }
0xa0: {  	[sflag:s19] =	ssyncset.done $0x0  }
0xa1: {  	s21 =	simm.s32 $0x1B8E;
	s20 =	sld [smem:$0x3FFE];
	[sflag:s19] =	ssyncadd.s32 $0xFFFFFFFF  }
0xa2: {  	s22 =	simm.s32 $execute0_lowered;
	[smem:$0x3FD2] =	sst s21  }
0xa3: {  	s4 =	sshll.u32 s22, $0x1;
	_ =	strace $0x80000055;
	[dreg:$0x1] =	wrdreg $0xFFFFFFFF  }
0xa4: {  	s23 =	simm.s32 $_size_execute0_lowered;
	s4 =	sadd.s32 s2, s4;
	[dreg:$0x0] =	wrdreg $0x0  }
0xa5: {  	s5 =	sshll.u32 s23, $0x1;
	[dreg:$0x2] =	wrdreg s4  }
0xa6: {  	[dreg:$0x3] =	wrdreg s5  }
0xa7: {  	[dreg:$0x4] =	wrdreg $0xC0  }
0xa8: {  	s24 =	simm.s32 $execute1_lowered;
	_ =	task [dreg:s18], $0x5FFFF  }
0xa9: {  	s4 =	sshll.u32 s24, $0x1;
	[dreg:$0x1] =	wrdreg $0xFFFFFFFF  }
0xaa: {  	s2 =	sadd.s32 s2, s4;
	[dreg:$0x0] =	wrdreg $0x60  }
0xab: {  	[dreg:$0x2] =	wrdreg s2  }
0xac: {  	[dreg:$0x3] =	wrdreg s14  }
0xad: {  	[dreg:$0x4] =	wrdreg s20  }
0xae: {  	[dreg:$0x5] =	wrdreg $0x9  }
0xaf: {  	_ =	task.clear_ibuf [dreg:s18], $0x6FFFF;
	_ =	strace $0x90000055  }
0xb0: {  	s25 =	simm.s32 $0x9;
	_ =	strace $0x80000057  }
0xb1: {  	_ =	swait.ge [sflag:s25], $0x1  }
0xb2: {  	[sflag:s25] =	ssyncadd.s32 $0xFFFFFFFF  }
0xb3: {  	_ =	strace $0x90000057  }
0xb4: {  	_ =	strace $0x80000058;
	[dreg:$0x1] =	wrdreg $0xFFFFFFFF  }
0xb5: {  	[dreg:$0x0] =	wrdreg $0x2030  }
0xb6: {  	[dreg:$0x2] =	wrdreg s20  }
0xb7: {  	[dreg:$0x3] =	wrdreg $0xA  }
0xb8: {  	_ =	task.clear_ibuf [dreg:s18], $0x4FFFF;
	_ =	strace $0x90000058  }
0xb9: {  	s26 =	simm.s32 $0xA;
	_ =	strace $0x8000005A  }
0xba: {  	_ =	swait.ge [sflag:s26], $0x1  }
0xbb: {  	[sflag:s26] =	ssyncadd.s32 $0xFFFFFFFF  }
0xbc: {  	_ =	strace $0x9000005A  }
0xbd: {  	_ =	sfence  }
0xbe: {  	s28 =	sld [smem:$0x0];
	_ =	sdelay $0x1  }
0xbf: {  	s29 =	srdreg.scid  }
0xc0: {  	s30 =	sshll.u32 s29, $0xD;
	s31 =	sshrl.u32 s29, $0x2  }
0xc1: {  	s3 =	sand.u32 $0x4000, s30;
	s2 =	sand.u32 $0x1, s29;
	s1 =	sadd.s32 s31, s28  }
0xc2: {  	s2 =	sor.u32 s3, s2;
	s1 =	sshll.u32 s1, $0x11  }
0xc3: {  	s1 =	sor.u32 s1, s2  }
0xc4: {  	s1 =	sadd.s32 $0x8F2B, s1  }
0xc5: {  	[sflag:s1] =	ssyncadd.remote.s32 $0x1  }
0xc6: {  	_ =	sfence.sel $0xFFFF  }
0xc7: {  	[dreg:$0x0] =	wrdreg $0xFFFFFFFF;
	(pc) =	sbr.abs _section_cstart, $3  }
0xc8: {  	[dreg:$0x1] =	wrdreg $0xFFFFFFFF  }
0xc9: {  	_ =	task.clear_ibuf [dreg:s18], $0x2FFFF;
	_ =	strace $0x9FFFFFFF  }
0xca: {  	(tm) =	ssettm $0x7FFFFFFF  }
0xcb: {  	_ =	shalt  }
tec
execute0_lowered:
.L_overlay_start_1:
0x0: {  	(tag) =	ssettag $0x1  }
0x1: {  	s2 =	rddreg [dreg:$0x0]  }
0x2: {  	s8 =	rddreg [dreg:$0x1]  }
0x3: {  	s4 =	rddreg [dreg:$0x2]  }
0x4: {  	s0 =	rddreg [dreg:$0x3]  }
0x5: {  	s7 =	stileid.u32;
	[bflag:$0x3] =	sbarrier.arrive $0xFFFF;
	s1 =	simm.s32 $_size_execute1_lowered  }
0x6: {  	s9 =	simm.s32 $0x2;
	s13 =	simm.s32 $0x0;
	s12 =	simm.s32 $0x0  }
0x7: {  	p0 =	sne.s32 s7, $0x0;
	s1 =	sshll.u32 s1, $0x1;
	s6 =	smul.u32 $0x4F0, s7  }
0x8: {  	s4 =	sadd.s32 $0x26800, s4;
	s3 =	simm.s32 @!p0 $0x1C3F;
	s5 =	simm.s32 @!p0 $0x4060  }
0x9: {  	[timem:s5], [sflag:s3] =	dma.local @!p0 [hbm:s2], s1  }
0xa: {  	s2 =	sshll.u32 s7, $0x4;
	s3 =	simm.s32 $0x1;
	s6 =	sshrl.u32 s6, $0xD  }
0xb: {  	s5 =	ssub.s32 $0x64, s2;
	_ =	strace $0x80000056;
	s10 =	smul.u32 $0x68, s6  }
0xc: {  	s11 =	smax.u32 s2, $0x58;
	s6 =	simm.s32 $0x3;
	p1 =	sgt.s32 s5, $0x0  }
0xd: {  	[sflag:s3] =	ssyncpa.u1 $0x0;
	s11 =	sshll.u32 s11, $0x8;
	s5 =	simm.s32 @!p1 $0x0  }
0xe: {  	s10 =	ssub.s32 s2, s10;
	s11 =	ssub.s32 $0x6800, s11;
	[sflag:s9] =	ssyncpa.u1 $0x0  }
.Ltmp0:
0xf: {  	s9 =	simm.s32 $0x40;
	s5 =	sand.u32 $0xF4, s5;
	(pc) =	sbr.rel .LBB2_1-.Ltmp0, $4  }
0x10: {  	s10 =	sand.u32 $0xF8, s10;
	p1 =	sne.s32 s5, $0x0;
	s5 =	simm.s32 $0x1  }
0x11: {  	s31 =	sshll.u32 s10, $0x4;
	s10 =	simm.s32 $0x80;
	s5 =	simm.s32 @!p1 $0x0  }
0x12: {  	s6 =	simm.s32 @!p1 $0x2;
	p1 =	sgt.u32 s7, $0x6;
	s7 =	sshrl.u32 s11, $0x2  }
0x13: {  	s8 =	sadd.s32 s31, s8;
	s11 =	simm.s32 $0x0;
	s7 =	simm.s32 @p1 $0x0  }
.LBB2_5:
0x14: {  	_ =	sdelay $0x3  }
0x15: {  	[tilespmem:v3+s18+$0x0 ss:$0x1] =	vst.idx.msk $0xffff, v1  }
0x16: {  	[tilespmem:v3+s16+$0x0 ss:$0x1] =	vst.idx.msk $0xffff, v2  }
0x17: {  	[tilespmem:v3+s17+$0x0 ss:$0x1] =	vst.idx.msk $0xffff, v4  }
0x18: {  	[tilespmem:v3+s19+$0x0 ss:$0x1] =	vst.idx.msk $0xffff, v5  }
.LBB2_6:
0x19: {  	s16 =	smulhi.u32 $0x4EC4EC4F, s12;
	_ =	sdelay $0x1  }
0x1a: {  	s16 =	sshrl.u32 s16, $0x5  }
0x1b: {  	s16 =	smul.u32 $0x68, s16;
	_ =	sdelay $0x1  }
0x1c: {  	s16 =	ssub.s32 s12, s16  }
0x1d: {  	s16 =	sshll.u32 s16, $0x4  }
0x1e: {  	s16 =	sadd.s32 s4, s16  }
0x1f: {  	[hbm4b:s16+s9] =	stream.strided.scatter [tilespmem:s15], [sflag:$0x2], s14, s10, s9, $0x38;
	[tilespmem:$0x1000] =	vst v63  }
.LBB2_7:
0x20: {  	p1 =	slt.u32 s11, $0x2  }
0x21: {  	p2 =	sgt.s32 @!p1 s13, $0x58  }
0x22: {  	p2 =	por !p2, p1  }
0x23: {  	p3 =	sgt.s32 @!p1 s13, $0x67;
	s13 =	simm.s32 @p2 $0x58  }
0x24: {  	s13 =	sshll.u32 @!p1 s13, $0x8  }
0x25: {  	s13 =	ssub.s32 @!p1 $0x6800, s13  }
0x26: {  	s11 =	sadd.s32 $0x1, s11;
	p2 =	por !p3, p1;
	s13 =	sshrl.u32 @!p1 s13, $0x2  }
0x27: {  	s13 =	simm.s32 @!p2 $0x0;
	p2 =	sne.s32 s11, s6  }
.Ltmp1:
0x28: {  	_ = 	snop;
	(pc) =	sbr.rel @!p2 .LBB2_8-.Ltmp1, $4  }
0x29: {  	s14 =	simm.s32 @!p1 $0x2  }
0x2a: {  	_ =	swait.ge @!p1 [sflag:s14], s13  }
0x2b: {  	s15 =	ssub.s32 @!p1 $0x0, s13;
	[sflag:s14] =	ssyncset.done @!p1 $0x0  }
0x2c: {  	s13 =	smov.u32 s12;
	s12 =	smov.u32 s2;
	[sflag:s14] =	ssyncadd.s32 @!p1 s15  }
.LBB2_1:
0x2d: {  	p1 =	sge.u32 s11, s5;
	s31 =	sadd.s32 $0xFFFFFFFF, s11  }
0x2e: {  	s14 =	simm.s32 @!p1 $0x40;
	s15 =	simm.s32 @!p1 $0x80;
	s16 =	simm.s32 @!p1 $0x400  }
0x2f: {  	[tilespmem:s16], [sflag:$0x1] =	stream.strided.gather @!p1 [hbm4b:s8+s14], s7, s15, s14, $0x38;
	[tilespmem:$0x1000] =	vst v63  }
0x30: {  	p1 =	sge.u32 s31, s5  }
.Ltmp2:
0x31: {  	_ = 	snop;
	(pc) =	sbr.rel @p1 .LBB2_7-.Ltmp2, $1  }
0x32: {  	_ =	sdelay $0x3  }
0x33: {  	p1 =	sgt.s32 s12, $0x58;
	s14 =	smov.u32 s12  }
0x34: {  	s14 =	simm.s32 @!p1 $0x58  }
0x35: {  	s14 =	sshll.u32 s14, $0x8  }
0x36: {  	s14 =	ssub.s32 $0x6800, s14  }
0x37: {  	p1 =	sgt.u32 s12, $0x67;
	s14 =	sshrl.u32 s14, $0x2  }
0x38: {  	s15 =	smov.u32 s12;
	s14 =	simm.s32 @p1 $0x0;
	p1 =	slt.s32 s12, $0x54  }
0x39: {  	s15 =	simm.s32 @!p1 $0x54  }
0x3a: {  	s17 =	ssub.s32 s15, s12  }
0x3b: {  	p1 =	slt.s32 s17, $0xFFFFFFF1  }
.Ltmp3:
0x3c: {  	_ = 	snop;
	(pc) =	sbr.rel @p1 .LBB2_6-.Ltmp3, $4  }
0x3d: {  	_ = 	snop  }
0x3e: {  	s16 =	sshll.u32 s11, $0xA;
	_ =	swait.ge [sflag:s3], s14  }
0x3f: {  	s16 =	sand.u32 $0x400, s16;
	s18 =	ssub.s32 $0x0, s14;
	[sflag:s3] =	ssyncset.done $0x0  }
0x40: {  	s15 =	sor.u32 $0x800, s16;
	[sflag:s3] =	ssyncadd.s32 s18  }
0x41: {  	v0 =	vmov s16;
	_ =	sdelay $0x1  }
0x42: {  	s20 =	sadd.s32 $0x10, s17  }
0x43: {  	s31 =	simm.s32 $0x0;
	p1 =	sne.s32 s20, $0x1  }
.Ltmp4:
0x44: {  	s18 =	sand.u32 $0x3C0, s31;
	(pc) =	sbr.rel @!p1 .LBB2_5-.Ltmp4, $4  }
0x45: {  	s16 =	sor.u32 $0x30, s18;
	v1 =	vld.idx.msk [tilespmem:v0+s18+$0x0 ss:$0x1], $0xffff  }
0x46: {  	v3 =	vmov s15;
	s17 =	sor.u32 $0x10, s18;
	v2 =	vld.idx.msk [tilespmem:v0+s16+$0x0 ss:$0x1], $0xffff  }
0x47: {  	s19 =	sor.u32 $0x20, s18;
	v4 =	vld.idx.msk [tilespmem:v0+s17+$0x0 ss:$0x1], $0xffff  }
0x48: {  	s21 =	simm.s32 $0x40;
	s20 =	sadd.s32 $0xFFFFFFFF, s20;
	v5 =	vld.idx.msk [tilespmem:v0+s19+$0x0 ss:$0x1], $0xffff  }
.LBB2_4:
0x49: {  	s22 =	sand.u32 $0x3C0, s21  }
0x4a: {  	p1 =	sne.s32 s20, $0x1;
	s20 =	sadd.s32 $0xFFFFFFFF, s20;
	s23 =	sor.u32 $0x10, s22  }
.Ltmp5:
0x4b: {  	s24 =	sor.u32 $0x20, s22;
	s25 =	sor.u32 $0x30, s22;
	[tilespmem:v3+s18+$0x0 ss:$0x1] =	vst.idx.msk $0xffff, v1;
	v1 =	vld.idx.msk [tilespmem:v0+s22+$0x0 ss:$0x1], $0xffff;
	(pc) =	sbr.rel @p1 .LBB2_4-.Ltmp5, $4  }
0x4c: {  	s18 =	smov.u32 s22;
	[tilespmem:v3+s16+$0x0 ss:$0x1] =	vst.idx.msk $0xffff, v2;
	v2 =	vld.idx.msk [tilespmem:v0+s25+$0x0 ss:$0x1], $0xffff;
	s16 =	smov.u32 s25  }
0x4d: {  	[tilespmem:v3+s17+$0x0 ss:$0x1] =	vst.idx.msk $0xffff, v4;
	v4 =	vld.idx.msk [tilespmem:v0+s23+$0x0 ss:$0x1], $0xffff;
	s17 =	smov.u32 s23  }
0x4e: {  	[tilespmem:v3+s19+$0x0 ss:$0x1] =	vst.idx.msk $0xffff, v5;
	v5 =	vld.idx.msk [tilespmem:v0+s24+$0x0 ss:$0x1], $0xffff;
	s19 =	smov.u32 s24  }
0x4f: {  	s21 =	sadd.s32 $0x40, s21  }
.Ltmp6:
0x50: {  	_ = 	snop;
	(pc) =	sbr.rel .LBB2_5-.Ltmp6, $1  }
0x51: {  	_ =	sdelay $0x3  }
.LBB2_8:
0x52: {  	_ =	sfence.sel $0x180000  }
0x53: {  	s2 =	simm.s32 $0x1;
	[bflag:$0x0] =	sbarrier.arrive $0xFFFF  }
0x54: {  	s31 =	simm.s32 $0x2;
	[sflag:s2] =	ssyncpa.u1 $0x1  }
0x55: {  	[sflag:s31] =	ssyncpa.u1 $0x1  }
0x56: {  	_ =	strace $0x90000056  }
0x57: {  	s0 =	sadd.s32 @!p0 $0x100000, s0;
	[bflag:$0x2] =	sbarrier.arrive $0xFFFF  }
0x58: {  	[sflag:s0] =	ssyncadd.tile.s32 @!p0 $0x1;
	s0 =	simm.s32 @!p0 $0x3F  }
0x59: {  	_ =	swait.ge @!p0 [sflag:s0], s1  }
0x5a: {  	s1 =	ssub.s32 @!p0 $0x0, s1;
	[sflag:s0] =	ssyncset.done @!p0 $0x0  }
0x5b: {  	[sflag:s0] =	ssyncadd.s32 @!p0 s1  }
0x5c: {  	[bflag:$0x3] =	sbarrier.arrive $0xFFFF  }
0x5d: {  	_ =	shalt  }
.Lfunc_end2:
execute1_lowered:
.L_overlay_start_2:
0x5e: {  	(tag) =	ssettag $0x2  }
0x5f: {  	s0 =	rddreg [dreg:$0x0];
	_ =	strace $0x80000059;
	s1 =	simm.s32 $0x1  }
0x60: {  	s8 =	simm.s32 $0x88;
	v0 =	vimm.s32 $0x0;
	[sflag:s1] =	ssyncpa.u1 $0x0  }
0x61: {  	[tilespmem:s8+$0x30] =	vst v0  }
0x62: {  	s1 =	sadd.s32 $0x26800, s0;
	s3 =	sadd.s32 $0x1DD200, s0;
	[tilespmem:s8+$0x20] =	vst v0  }
0x63: {  	s4 =	sadd.s32 $0x118C00, s0;
	s5 =	sadd.s32 $0x1DEC00, s0;
	s0 =	simm.s32 $0x40;
	[tilespmem:s8+$0x10] =	vst v0  }
.LBB3_1:
0x64: {  	s0 =	sadd.s32 $0x40, s0  }
0x65: {  	[tilespmem:s8+$0x0] =	vst v0;
	s8 =	sadd.s32 $0x40, s8;
	p0 =	slt.u32 s0, $0x5040  }
.Ltmp7:
0x66: {  	(pc) =	sbr.rel @p0 .LBB3_1-.Ltmp7, $4  }
0x67: {  	_ = 	snop  }
0x68: {  	[tilespmem:s8+$0x30] =	vst v0  }
0x69: {  	[tilespmem:s8+$0x20] =	vst v0  }
0x6a: {  	[tilespmem:s8+$0x10] =	vst v0  }
0x6b: {  	s9 =	stileid.u32  }
0x6c: {  	s0 =	smul.u32 $0x9, s9  }
0x6d: {  	s2 =	smin.u32 s9, $0xD  }
0x6e: {  	s0 =	sadd.s32 s2, s0  }
0x6f: {  	p0 =	slt.u32 s9, $0xD;
	s6 =	smul.u32 $0x140, s0;
	s0 =	simm.s32 $0xC80  }
0x70: {  	s0 =	simm.s32 @!p0 $0xB40  }
0x71: {  	s0 =	sadd.s32 s0, s6  }
0x72: {  	s7 =	smin.u32 s0, $0xC350  }
0x73: {  	s0 =	ssub.s32 s7, s6  }
0x74: {  	p0 =	sgt.s32 s0, $0x0  }
0x75: {  	s0 =	simm.s32 @!p0 $0x0  }
0x76: {  	s29 =	simm.s32 $0x2;
	s10 =	simm.s32 $0x7;
	s28 =	smul.u32 $0xCCCD, s0  }
0x77: {  	s31 =	simm.s32 $0x8;
	s11 =	simm.s32 $0x1;
	s15 =	simm.s32 $0x0  }
0x78: {  	p1 =	por $0x0, $0x0;
	s16 =	simm.s32 $0xA;
	s2 =	sshrl.u32 s28, $0x18  }
0x79: {  	s20 =	simm.s32 $0x0;
	s17 =	simm.s32 $0x0;
	s30 =	smul.u32 $0x140, s2  }
.Ltmp8:
0x7a: {  	[tilespmem:s8+$0x0] =	vst v0;
	v0 =	vimm.s32 $0xFFFFFFFF;
	s19 =	simm.s32 $0x0;
	[sflag:s29] =	ssyncpa.u1 $0x0;
	(pc) =	sbr.rel .LBB3_3-.Ltmp8, $4  }
0x7b: {  	[tilespmem:$0xA108] =	vst v0;
	[sflag:s10] =	ssyncpa.u1 $0x0;
	p0 =	sne.s32 s0, s30;
	s0 =	simm.s32 $0x1  }
0x7c: {  	s10 =	simm.s32 $0x9;
	[sflag:s31] =	ssyncpa.u1 $0x0;
	s0 =	simm.s32 @!p0 $0x0  }
0x7d: {  	s13 =	sshll.u32 s9, $0x7;
	[sflag:s10] =	ssyncpa.u1 $0x0;
	s12 =	sadd.s32 s2, s0  }
0x7e: {  	v0 =	vlaneseq.u32;
	s18 =	smov.u32 s6;
	p0 =	por $0x1, $0x1;
	s14 =	sadd.s32 $0x1, s12  }
.LBB3_24:
0x7f: {  	s0 =	sshrl.u32 s29, $0x2  }
.LBB3_26:
0x80: {  	_ =	swait.ge [sflag:s16], s0  }
0x81: {  	s31 =	ssub.s32 $0x0, s0;
	v1 =	vmov s22;
	vm0 =	veq.s32 v0, $0x0;
	[sflag:s16] =	ssyncset.done $0x0  }
0x82: {  	vm15 =	veq.s32 v0, $0x2;
	v1 =	vsel vm0, s28, v1;
	[sflag:s16] =	ssyncadd.s32 s31  }
0x83: {  	v1 =	vsel vm15, s20, v1;
	[sflag:s16] =	ssyncpa.u1 $0x1  }
0x84: {  	[tilespmem:$0xA108] =	vst v1  }
.LBB3_27:
0x85: {  	s0 =	sadd.s32 $0x140, s18  }
0x86: {  	s2 =	smov.u32 s6;
	p2 =	slt.s32 s0, s7  }
0x87: {  	s2 =	smov.u32 @p2 s0;
	p2 =	sne.s32 s19, s14  }
.Ltmp9:
0x88: {  	_ = 	snop;
	(pc) =	sbr.rel @!p2 .LBB3_28-.Ltmp9, $4  }
0x89: {  	_ = 	snop  }
0x8a: {  	s20 =	smov.u32 s17  }
0x8b: {  	s31 =	sadd.s32 $0x1, s19;
	s17 =	smov.u32 s18;
	p0 =	por !p0, !p0  }
0x8c: {  	p1 =	por !p1, !p1;
	s19 =	smov.u32 s31;
	s18 =	smov.u32 s2  }
.LBB3_3:
0x8d: {  	p2 =	sge.u32 s19, s12  }
0x8e: {  	s0 =	smulhi.u32 @!p2 $0xAAAAAAAB, s19  }
0x8f: {  	s2 =	smov.u32 s18;
	p3 =	sgt.s32 @!p2 s18, $0xC210  }
0x90: {  	s8 =	sshra.s32 @!p2 s18, $0x1F;
	p3 =	por !p3, p2;
	s0 =	sshrl.u32 @!p2 s0, $0x1  }
0x91: {  	s8 =	sand.u32 @!p2 s8, s18;
	s2 =	simm.s32 @p3 $0xC210;
	s0 =	smul.u32 @!p2 $0x3, s0  }
0x92: {  	s2 =	ssub.s32 @!p2 s2, s8  }
0x93: {  	s22 =	sadd.s32 $0xFFFFFFFF, s19;
	s2 =	sadd.s32 @!p2 $0xFFFF3DF0, s2;
	s0 =	ssub.s32 @!p2 s19, s0  }
0x94: {  	s8 =	sshll.u32 @!p2 s2, $0x2;
	p3 =	sgt.s32 @!p2 s2, $0x13F;
	s0 =	smul.u32 @!p2 $0x500, s0  }
0x95: {  	s21 =	sand.u32 @!p2 $0x7, s18;
	s2 =	ssub.s32 @!p2 $0x500, s8;
	p3 =	por !p3, p2  }
0x96: {  	s8 =	sshrl.u32 @!p2 s18, $0x3;
	s2 =	sshrl.u32 @!p2 s2, $0x2;
	s0 =	sshrl.u32 @!p2 s0, $0x2  }
0x97: {  	s8 =	sadd.s32 @!p2 s5, s8;
	s2 =	simm.s32 @!p3 $0x0;
	s0 =	sadd.s32 @!p2 $0xA938, s0  }
0x98: {  	[tilespmem:s0], [sflag:$0x8] =	stream.linear.gather @!p2 [hbm4b:s8+s21], s2, $0x38;
	[tilespmem:$0x1EF78] =	vst v63  }
0x99: {  	p2 =	sge.u32 s22, s12  }
0x9a: {  	p3 =	sgt.s32 @!p2 s17, $0xC210  }
0x9b: {  	s0 =	smov.u32 s17;
	s2 =	sshra.s32 @!p2 s17, $0x1F;
	p3 =	por !p3, p2  }
0x9c: {  	s2 =	sand.u32 @!p2 s2, s17;
	s0 =	simm.s32 @p3 $0xC210  }
0x9d: {  	s0 =	ssub.s32 @!p2 s0, s2  }
0x9e: {  	s0 =	sadd.s32 @!p2 $0xFFFF3DF0, s0  }
0x9f: {  	s2 =	sshll.u32 @!p2 s0, $0x2  }
0xa0: {  	p3 =	sgt.s32 @!p2 s0, $0x13F;
	s0 =	ssub.s32 @!p2 $0x500, s2  }
0xa1: {  	p3 =	por !p3, p2;
	s0 =	sshrl.u32 @!p2 s0, $0x2  }
0xa2: {  	s8 =	simm.s32 @!p2 $0x8;
	s2 =	sand.u32 @!p2 $0x1, s22;
	s0 =	simm.s32 @!p3 $0x0  }
0xa3: {  	s2 =	smul.u32 @!p2 $0x500, s2;
	_ =	swait.ge @!p2 [sflag:s8], s0  }
0xa4: {  	s21 =	ssub.s32 @!p2 $0x0, s0;
	[sflag:s8] =	ssyncset.done @!p2 $0x0  }
0xa5: {  	s2 =	sshrl.u32 @!p2 s2, $0x2;
	[sflag:s8] =	ssyncadd.s32 @!p2 s21;
	s8 =	sshrl.u32 @!p2 s17, $0x3  }
0xa6: {  	s2 =	sadd.s32 @!p2 $0xACF8, s2;
	s21 =	sand.u32 @!p2 $0x7, s17;
	s8 =	sadd.s32 @!p2 s3, s8  }
0xa7: {  	[tilespmem:s2], [sflag:$0x9] =	stream.linear.gather @!p2 [hbm4b:s8+s21], s0, $0x38;
	[tilespmem:$0x1EF78] =	vst v63  }
0xa8: {  	s21 =	ssub.s32 @!p2 $0xC350, s17  }
0xa9: {  	p3 =	slt.s32 @!p2 s21, $0x1  }
0xaa: {  	p3 =	por p2, p3  }
.Ltmp10:
0xab: {  	_ = 	snop;
	(pc) =	sbr.rel @p3 .LBB3_9-.Ltmp10, $1  }
0xac: {  	_ =	sdelay $0x3  }
0xad: {  	s0 =	smulhi.u32 $0xAAAAAAAB, s22;
	_ =	sdelay $0x1  }
0xae: {  	s0 =	sshrl.u32 s0, $0x1  }
0xaf: {  	s0 =	smul.u32 $0x3, s0;
	_ =	sdelay $0x1  }
0xb0: {  	s0 =	ssub.s32 s22, s0  }
0xb1: {  	s2 =	simm.s32 $0x1;
	s0 =	smul.u32 $0x500, s0  }
.Ltmp11:
0xb2: {  	s2 =	simm.s32 @!p0 $0x0;
	(pc) =	sbr.rel .LBB3_6-.Ltmp11, $4  }
0xb3: {  	s2 =	smul.u32 $0x28000, s2  }
0xb4: {  	p3 =	slt.s32 @!p2 s21, $0x140;
	s0 =	sshrl.u32 s0, $0x2  }
0xb5: {  	p2 =	por !p3, p2;
	s2 =	sshrl.u32 s2, $0x2;
	s0 =	sadd.s32 $0xA938, s0  }
0xb6: {  	s23 =	simm.s32 $0x0;
	s21 =	simm.s32 @p2 $0x140;
	s22 =	sadd.s32 $0xAF78, s2;
	v1 =	vmov s0  }
.LBB3_5:
0xb7: {  	p2 =	sge.s32 s23, s21  }
.Ltmp12:
0xb8: {  	_ = 	snop;
	(pc) =	sbr.rel @p2 .LBB3_9-.Ltmp12, $2  }
0xb9: {  	_ =	sdelay $0x2  }
0xba: {  	s22 =	sadd.s32 $0x800, s22  }
.LBB3_6:
0xbb: {  	p2 =	sle.s32 s21, s23  }
.Ltmp13:
0xbc: {  	_ = 	snop;
	(pc) =	sbr.rel @p2 .LBB3_5-.Ltmp13, $2  }
0xbd: {  	_ =	sdelay $0x2  }
0xbe: {  	s24 =	smov.u32 s23;
	s23 =	sadd.s32 $0x10, s23  }
0xbf: {  	s0 =	ssub.s32 s21, s24  }
0xc0: {  	p2 =	slt.s32 s0, $0x10  }
0xc1: {  	s0 =	simm.s32 @!p2 $0x10  }
0xc2: {  	v2 =	vmov s0  }
0xc3: {  	vm0 =	vgt.s32 v2, v0;
	_ =	sdelay $0x5  }
0xc4: {  	v2 =	vld.idx.msk [tilespmem:v1+s24+$0x0 ss:$0x1], vm0;
	_ =	sdelay $0x2  }
0xc5: {  	p2 =	slt.s32 s23, s21;
	s0 =	smov.u32 s21  }
0xc6: {  	s2 =	smov.u32 s22;
	s25 =	simm.s32 $0x0;
	s0 =	smov.u32 @p2 s23  }
.LBB3_8:
0xc7: {  	(v2sf) =	vpush v2, s25;
	_ =	sdelay $0xc  }
0xc8: {  	s25 =	sadd.s32 $0x1, s25  }
0xc9: {  	s31 =	sadd.s32 s25, s24  }
0xca: {  	p2 =	slt.s32 s31, s0;
	s8 =	spop (v2sf)  }
.Ltmp14:
0xcb: {  	s8 =	sshll.u32 s8, $0x4;
	(pc) =	sbr.rel @p2 .LBB3_8-.Ltmp14, $4  }
0xcc: {  	s8 =	sand.u32 $0x1FFFFFF0, s8  }
0xcd: {  	s8 =	sadd.s32 s4, s8  }
0xce: {  	[tilespmem:s2], [sflag:$0x7] =	stream.linear.gather [hbm4b:s8+s15], $0x40, $0x38;
	[tilespmem:$0x1EF78] =	vst v63  }
0xcf: {  	s2 =	sadd.s32 $0x80, s2  }
.Ltmp15:
0xd0: {  	_ = 	snop;
	(pc) =	sbr.rel .LBB3_5-.Ltmp15, $1  }
0xd1: {  	_ =	sdelay $0x3  }
.LBB3_9:
0xd2: {  	p2 =	slt.u32 s19, $0x2  }
.Ltmp16:
0xd3: {  	_ = 	snop;
	(pc) =	sbr.rel @p2 .LBB3_27-.Ltmp16, $1  }
0xd4: {  	_ =	sdelay $0x3  }
0xd5: {  	p2 =	sgt.s32 s20, $0xC210;
	s0 =	smov.u32 s20  }
0xd6: {  	s2 =	sshra.s32 s20, $0x1F;
	s8 =	ssub.s32 $0xC350, s20;
	s0 =	simm.s32 @!p2 $0xC210  }
0xd7: {  	s2 =	sand.u32 s2, s20;
	p2 =	slt.s32 s8, $0x140;
	s21 =	smov.u32 s8  }
0xd8: {  	s0 =	ssub.s32 s0, s2;
	s21 =	simm.s32 @!p2 $0x140  }
0xd9: {  	s0 =	sadd.s32 $0xFFFF3DF0, s0;
	s26 =	sshll.u32 s21, $0x6  }
0xda: {  	s9 =	simm.s32 $0x7;
	s29 =	sshll.u32 s0, $0x2;
	s2 =	sand.u32 $0x3FFFFFC0, s26  }
0xdb: {  	p2 =	sgt.s32 s0, $0x13F;
	s30 =	ssub.s32 $0x500, s29;
	_ =	swait.ge [sflag:s9], s2  }
0xdc: {  	s2 =	ssub.s32 $0x0, s2;
	[sflag:s9] =	ssyncset.done $0x0;
	s0 =	sshrl.u32 s30, $0x2  }
0xdd: {  	[sflag:s9] =	ssyncadd.s32 s2;
	s0 =	simm.s32 @p2 $0x0  }
0xde: {  	_ =	swait.ge [sflag:s10], s0  }
0xdf: {  	s0 =	ssub.s32 $0x0, s0;
	[sflag:s10] =	ssyncset.done $0x0  }
0xe0: {  	[sflag:s10] =	ssyncadd.s32 s0  }
0xe1: {  	v1 =	vld [tilespmem:$0xA108];
	_ =	sdelay $0x4  }
0xe2: {  	(v2sf) =	vpush v1, $0x0  }
0xe3: {  	(v2sf) =	vpush v1, $0x1  }
0xe4: {  	(v2sf) =	vpush v1, $0x2;
	_ =	sdelay $0x3  }
0xe5: {  	s0 =	sadd.s32 $0x140, s20  }
0xe6: {  	p2 =	slt.s32 s7, s0  }
0xe7: {  	s0 =	smov.u32 @p2 s7;
	p2 =	sgt.s32 s8, $0x0  }
0xe8: {  	s24 =	ssub.s32 s0, s20;
	s8 =	simm.s32 @!p2 $0x0  }
0xe9: {  	p2 =	slt.s32 s8, s24  }
0xea: {  	s24 =	smov.u32 @p2 s8  }
0xeb: {  	s23 =	simm.s32 $0x1;
	p2 =	slt.s32 s24, $0x1  }
.Ltmp17:
0xec: {  	s23 =	simm.s32 @!p1 $0x0;
	(pc) =	sbr.rel @p2 .LBB3_14-.Ltmp17, $4  }
0xed: {  	s31 =	smul.u32 $0x500, s23  }
0xee: {  	s25 =	spop (v2sf)  }
0xef: {  	s0 =	sshrl.u32 s31, $0x2;
	s28 =	spop (v2sf)  }
0xf0: {  	s21 =	sadd.s32 $0xACF8, s0;
	s20 =	spop (v2sf)  }
0xf1: {  	s0 =	smin.u32 s24, $0x10  }
0xf2: {  	v1 =	vmov s0  }
0xf3: {  	p3 =	sgt.s32 s24, $0x10;
	vm1 =	vgt.u32 v1, v0  }
.Ltmp18:
0xf4: {  	_ = 	snop;
	(pc) =	sbr.rel @!p3 .LBB3_13-.Ltmp18, $2  }
0xf5: {  	_ =	sdelay $0x2  }
0xf6: {  	s26 =	simm.s32 $0x10;
	s29 =	sadd.s32 $0xFFFFFFF0, s24;
	s22 =	smov.u32 s21;
	vm0 =	vmmov vm1  }
.LBB3_12:
0xf7: {  	s0 =	smin.u32 s29, $0x10;
	s26 =	sadd.s32 $0x10, s26;
	v1 =	vld.msk [tilespmem:s22+$0x0 ss:$0x1], vm1  }
0xf8: {  	v2 =	vmov s0;
	p3 =	slt.s32 s26, s24  }
0xf9: {  	vm1 =	vgt.u32 v2, v0  }
.Ltmp19:
0xfa: {  	(pc) =	sbr.rel @p3 .LBB3_12-.Ltmp19, $3  }
0xfb: {  	_ =	sdelay $0x1  }
0xfc: {  	v1 =	vshll.u32 v1, $0x4  }
0xfd: {  	s29 =	sadd.s32 $0xFFFFFFF0, s29;
	[tilespmem:s22+$0x0] =	vst.msk vm0, v1;
	s22 =	sadd.s32 $0x10, s22;
	vm0 =	vmmov vm1  }
.LBB3_13:
0xfe: {  	_ =	sdelay $0x4  }
0xff: {  	v1 =	vld.msk [tilespmem:s22+$0x0 ss:$0x1], vm1;
	_ =	sdelay $0x4  }
0x100: {  	v1 =	vshll.u32 v1, $0x4  }
0x101: {  	[tilespmem:s22+$0x0] =	vst.msk vm0, v1  }
.LBB3_14:
0x102: {  	s0 =	sand.u32 $0x1, s19  }
0x103: {  	s0 =	smul.u32 $0x140, s0  }
0x104: {  	p3 =	sne.s32 s28, $0xFFFFFFFF  }
0x105: {  	v1 =	vld.msk @!p3 [tilespmem:s0+$0xACF8], $0x1;
	_ =	sdelay $0x4  }
0x106: {  	(v2sf) =	vpush @!p3 v1, $0x0;
	_ =	sdelay $0xc  }
.Ltmp20:
0x107: {  	_ = 	snop;
	(pc) =	sbr.rel @p2 .LBB3_25-.Ltmp20, $4  }
0x108: {  	_ = 	snop  }
0x109: {  	s26 =	spop @!p3 (v2sf)  }
0x10a: {  	s20 =	simm.s32 @!p3 $0x0;
	s22 =	smov.u32 s26  }
0x10b: {  	[sflag:s16] =	ssyncpa.u1 $0x0;
	s26 =	smov.u32 @p3 s25;
	s22 =	smov.u32 @p3 s28  }
0x10c: {  	v1 =	vld.msk [tilespmem:s21+$0x0], $0x1;
	_ =	sdelay $0x4  }
0x10d: {  	(v2sf) =	vpush v1, $0x0;
	_ =	sdelay $0xe  }
0x10e: {  	s0 =	smul.u32 $0x28000, s23;
	s30 =	spop (v2sf)  }
0x10f: {  	s24 =	ssub.s32 $0x0, s24;
	p2 =	seq.s32 s26, s30  }
0x110: {  	s28 =	sadd.s32 $0x1, s24;
	s0 =	sshrl.u32 s0, $0x2;
	p3 =	sgt.s32 @!p2 s26, $0x0  }
0x111: {  	s23 =	sadd.s32 $0xAF98, s0;
	s0 =	smov.u32 s26;
	p3 =	por !p3, p2  }
0x112: {  	s0 =	simm.s32 @p3 $0x0;
	p3 =	seq.s32 s28, $0x0  }
.Ltmp21:
0x113: {  	_ = 	snop;
	(pc) =	sbr.rel @p3 .LBB3_17-.Ltmp21, $4  }
0x114: {  	_ = 	snop  }
0x115: {  	s25 =	simm.s32 $0x0;
	s31 =	simm.s32 @!p2 $0x1;
	s2 =	smin.u32 @!p2 s0, $0x678  }
0x116: {  	s29 =	sadd.s32 $0x1, s21;
	s31 =	smov.u32 @p2 s25;
	s8 =	sand.u32 @!p2 $0x7F8, s2  }
0x117: {  	s0 =	simm.s32 @!p2 $0x50C8;
	s2 =	sand.u32 @!p2 $0x7, s2;
	s8 =	sadd.s32 @!p2 s1, s8  }
.LBB3_16:
0x118: {  	s9 =	smov.u32 s31  }
0x119: {  	[tilespmem:s0], [sflag:$0x2] =	stream.linear.gather @!p2 [hbm4b:s8+s2], $0x40, $0x38;
	[tilespmem:$0x1EF78] =	vst v63  }
0x11a: {  	s28 =	sadd.s32 $0x1, s28;
	s2 =	smov.u32 s30;
	v1 =	vld.msk [tilespmem:s29+$0x0], $0x1  }
0x11b: {  	p3 =	seq.s32 s28, $0x0;
	_ =	sdelay $0x3  }
0x11c: {  	(v2sf) =	vpush v1, $0x0;
	_ =	sdelay $0xe  }
0x11d: {  	s30 =	spop (v2sf)  }
0x11e: {  	p2 =	seq.s32 s2, s30  }
0x11f: {  	p4 =	sgt.s32 @!p2 s2, $0x0;
	s0 =	sshll.u32 @!p2 s31, $0x8;
	s31 =	sadd.s32 @!p2 $0x1, s31  }
.Ltmp22:
0x120: {  	p4 =	por !p4, p2;
	s0 =	sshra.s32 @!p2 s0, $0x2;
	(pc) =	sbr.rel @!p3 .LBB3_16-.Ltmp22, $4  }
0x121: {  	s31 =	smov.u32 @p2 s9;
	s2 =	simm.s32 @p4 $0x0;
	s0 =	sadd.s32 @!p2 $0x50C8, s0  }
0x122: {  	s2 =	smin.u32 @!p2 s2, $0x678  }
0x123: {  	s8 =	sand.u32 @!p2 $0x7F8, s2;
	s2 =	sand.u32 @!p2 $0x7, s2  }
0x124: {  	s29 =	sadd.s32 $0x1, s29;
	s8 =	sadd.s32 @!p2 s1, s8  }
.LBB3_17:
0x125: {  	[tilespmem:s0], [sflag:$0x2] =	stream.linear.gather @!p2 [hbm4b:s8+s2], $0x40, $0x38;
	[tilespmem:$0x1EF78] =	vst v63  }
.Ltmp23:
0x126: {  	s30 =	sshll.u32 s31, $0x6;
	(pc) =	sbr.rel .LBB3_18-.Ltmp23, $4  }
0x127: {  	s31 =	simm.s32 $0x2;
	s0 =	sand.u32 $0x3FFFFFC0, s30  }
0x128: {  	_ =	swait.ge [sflag:s31], s0  }
0x129: {  	s0 =	ssub.s32 $0x0, s0;
	[sflag:s31] =	ssyncset.done $0x0  }
0x12a: {  	s29 =	simm.s32 $0x0;
	[sflag:s31] =	ssyncadd.s32 s0  }
.LBB3_19:
0x12b: {  	v1 =	vld [tilespmem:s23+$0xFFFFFFE0];
	_ =	sdelay $0x4  }
0x12c: {  	[tilespmem:s30+$0x88] =	vst.add.f32.msk $0xffff, v1  }
0x12d: {  	v1 =	vld [tilespmem:s23+$0xFFFFFFF0];
	_ =	sdelay $0x4  }
0x12e: {  	[tilespmem:s30+$0x98] =	vst.add.f32.msk $0xffff, v1  }
0x12f: {  	v1 =	vld [tilespmem:s23+$0x0];
	_ =	sdelay $0x4  }
0x130: {  	[tilespmem:s30+$0xA8] =	vst.add.f32.msk $0xffff, v1  }
0x131: {  	v1 =	vld [tilespmem:s23+$0x10];
	_ =	sdelay $0x4  }
0x132: {  	[tilespmem:s30+$0xB8] =	vst.add.f32.msk $0xffff, v1  }
.LBB3_23:
0x133: {  	s24 =	sadd.s32 $0x1, s24  }
0x134: {  	p2 =	seq.s32 s24, $0x0  }
.Ltmp24:
0x135: {  	_ = 	snop;
	(pc) =	sbr.rel @p2 .LBB3_24-.Ltmp24, $2  }
0x136: {  	_ =	sdelay $0x2  }
0x137: {  	s23 =	sadd.s32 $0x80, s23;
	s21 =	sadd.s32 $0x1, s21;
	s26 =	smov.u32 s28  }
.LBB3_18:
0x138: {  	v1 =	vld.msk [tilespmem:s21+$0x0], $0x1;
	_ =	sdelay $0x4  }
0x139: {  	(v2sf) =	vpush v1, $0x0;
	_ =	sdelay $0xe  }
0x13a: {  	s28 =	spop (v2sf)  }
0x13b: {  	p2 =	sne.s32 s26, s28  }
.Ltmp25:
0x13c: {  	_ = 	snop;
	(pc) =	sbr.rel @!p2 .LBB3_19-.Ltmp25, $3  }
0x13d: {  	_ =	sdelay $0x1  }
0x13e: {  	s0 =	sshll.u32 s20, $0x8  }
0x13f: {  	s30 =	sshra.s32 s0, $0x2  }
0x140: {  	p2 =	seq.s32 s26, s22  }
.Ltmp26:
0x141: {  	_ = 	snop;
	(pc) =	sbr.rel @!p2 .LBB3_21-.Ltmp26, $1  }
0x142: {  	_ =	sdelay $0x3  }
.Ltmp27:
0x143: {  	s0 =	sadd.s32 $0x88, s30;
	(pc) =	sbr.rel .LBB3_22-.Ltmp27, $4  }
0x144: {  	[spmem:s13] =	stream.linear.scatter [tilespmem:s0], [sflag:$0x1], $0x40, $0x38;
	[tilespmem:$0x1EF78] =	vst v63  }
0x145: {  	_ =	swait.ge [sflag:s11], $0x40  }
0x146: {  	[sflag:s11] =	ssyncset.done $0x0  }
0x147: {  	[sflag:s11] =	ssyncadd.s32 $0xFFFFFFC0  }
.LBB3_21:
0x148: {  	s0 =	sshll.u32 s25, $0x8  }
0x149: {  	s0 =	sshra.s32 s0, $0x2  }
0x14a: {  	v1 =	vld [tilespmem:s0+$0x50C8];
	_ =	sdelay $0x4  }
0x14b: {  	[tilespmem:s30+$0x88] =	vst.add.f32.msk $0xffff, v1  }
0x14c: {  	v1 =	vld [tilespmem:s0+$0x50D8];
	_ =	sdelay $0x4  }
0x14d: {  	[tilespmem:s30+$0x98] =	vst.add.f32.msk $0xffff, v1  }
0x14e: {  	v1 =	vld [tilespmem:s0+$0x50E8];
	_ =	sdelay $0x4  }
0x14f: {  	[tilespmem:s30+$0xA8] =	vst.add.f32.msk $0xffff, v1  }
0x150: {  	v1 =	vld [tilespmem:s0+$0x50F8];
	_ =	sdelay $0x2  }
0x151: {  	p2 =	sgt.u32 s26, $0x678  }
0x152: {  	s0 =	sand.u32 @!p2 $0x7F8, s26  }
0x153: {  	s2 =	sadd.s32 $0x88, s30;
	s8 =	sand.u32 @!p2 $0x7, s26;
	s0 =	sadd.s32 @!p2 s1, s0;
	[tilespmem:s30+$0xB8] =	vst.add.f32.msk $0xffff, v1  }
0x154: {  	[hbm4b:s0+s8] =	stream.linear.scatter @!p2 [tilespmem:s2], [sflag:$0xA], $0x40, $0x38;
	[tilespmem:$0x1EF78] =	vst v63  }
0x155: {  	s0 =	simm.s32 $0x0  }
0x156: {  	s0 =	simm.s32 @!p2 $0x100  }
0x157: {  	s29 =	sadd.s32 s0, s29  }
.LBB3_22:
0x158: {  	s0 =	sadd.s32 $0x1, s20  }
0x159: {  	s2 =	smulhi.u32 $0xCCCCCCCD, s0;
	_ =	sdelay $0x1  }
0x15a: {  	v1 =	vld [tilespmem:s23+$0xFFFFFFE0];
	s2 =	sshrl.u32 s2, $0x8  }
0x15b: {  	s2 =	smul.u32 $0x140, s2;
	_ =	sdelay $0x1  }
0x15c: {  	s20 =	ssub.s32 s0, s2  }
0x15d: {  	s0 =	sshll.u32 s20, $0x6  }
0x15e: {  	[tilespmem:s0+$0x88] =	vst v1  }
0x15f: {  	v1 =	vld [tilespmem:s23+$0xFFFFFFF0];
	_ =	sdelay $0x4  }
0x160: {  	[tilespmem:s0+$0x98] =	vst v1  }
0x161: {  	v1 =	vld [tilespmem:s23+$0x0];
	_ =	sdelay $0x4  }
0x162: {  	[tilespmem:s0+$0xA8] =	vst v1  }
0x163: {  	v1 =	vld [tilespmem:s23+$0x10]  }
.Ltmp28:
0x164: {  	_ = 	snop;
	(pc) =	sbr.rel .LBB3_23-.Ltmp28, $2  }
0x165: {  	_ =	sdelay $0x2  }
0x166: {  	s25 =	sadd.s32 $0x1, s25;
	[tilespmem:s0+$0xB8] =	vst v1  }
.LBB3_25:
.Ltmp29:
0x167: {  	(pc) =	sbr.rel .LBB3_26-.Ltmp29, $4  }
0x168: {  	_ = 	snop  }
0x169: {  	s0 =	simm.s32 $0x2  }
0x16a: {  	_ =	swait.ge [sflag:s0], $0x0  }
0x16b: {  	s28 =	smov.u32 s26;
	[sflag:s0] =	ssyncset.done $0x0;
	s0 =	simm.s32 $0x0  }
.LBB3_28:
0x16c: {  	_ =	sfence.sel $0x180000  }
0x16d: {  	s0 =	simm.s32 $0x7;
	[bflag:$0x0] =	sbarrier.arrive $0xFFFF  }
0x16e: {  	s25 =	simm.s32 $0x8;
	[sflag:s0] =	ssyncpa.u1 $0x1  }
0x16f: {  	s26 =	simm.s32 $0x9;
	[sflag:s25] =	ssyncpa.u1 $0x1  }
0x170: {  	s28 =	simm.s32 $0x2;
	[sflag:s26] =	ssyncpa.u1 $0x1  }
0x171: {  	[sflag:s28] =	ssyncpa.u1 $0x1  }
0x172: {  	v0 =	vld [tilespmem:$0xA108];
	_ =	sdelay $0x4  }
0x173: {  	(v2sf) =	vpush v0, $0x0  }
0x174: {  	(v2sf) =	vpush v0, $0x1;
	_ =	sdelay $0x1  }
0x175: {  	(v2sf) =	vpush v0, $0x2;
	_ =	sdelay $0xb  }
0x176: {  	s0 =	spop (v2sf)  }
0x177: {  	s2 =	spop (v2sf)  }
0x178: {  	s3 =	smov.u32 s0;
	p0 =	sne.s32 s0, s2  }
0x179: {  	s4 =	spop (v2sf);
	s3 =	simm.s32 @!p0 $0xFFFFFFFF  }
0x17a: {  	v2 =	vimm.s32 $0x1;
	v3 =	vlaneseq.u32;
	p0 =	seq.s32 s4, $0xFFFFFFFF;
	v1 =	vmov s3  }
0x17b: {  	s7 =	stileid.u32;
	v0 =	vperm.xlane v0, v2;
	p1 =	sne.s32 @!p0 s0, s2;
	v1 =	vperm.xlane v1, v3  }
0x17c: {  	vm0 =	vcmask $0x3F04;
	s6 =	simm.s32 $0xA108;
	s0 =	simm.s32 @!p0 $0x1;
	p1 =	por !p1, p0  }
0x17d: {  	s3 =	sshll.u32 s7, $0x1;
	s2 =	sshll.u32 @!p0 s4, $0x8;
	s0 =	simm.s32 @p1 $0x0;
	v0 =	vsel vm0, v1, v0  }
0x17e: {  	s5 =	sor.u32 $0x800, s3;
	s2 =	sshra.s32 @!p0 s2, $0x2;
	s0 =	sor.u32 @!p0 s0, s3;
	[tilespmem:$0xA108] =	vst v0  }
0x17f: {  	[spmem:s5] =	stream.linear.scatter [tilespmem:s6], [sflag:$0x1], $0x2, $0x38;
	[tilespmem:$0x1EF78] =	vst v63  }
0x180: {  	s2 =	sadd.s32 @!p0 $0x88, s2;
	s0 =	sshll.u32 @!p0 s0, $0x6  }
0x181: {  	[spmem:s0] =	stream.linear.scatter @!p0 [tilespmem:s2], [sflag:$0x1], $0x40, $0x38;
	[tilespmem:$0x1EF78] =	vst v63  }
0x182: {  	s2 =	simm.s32 @!p0 $0x42  }
0x183: {  	s0 =	simm.s32 $0x1;
	s2 =	simm.s32 @p0 $0x2  }
0x184: {  	_ =	swait.ge [sflag:s0], s2  }
0x185: {  	s2 =	ssub.s32 $0x0, s2;
	[sflag:s0] =	ssyncset.done $0x0  }
0x186: {  	[sflag:s0] =	ssyncadd.s32 s2  }
0x187: {  	_ =	sfence.stream.spmem  }
0x188: {  	s29 =	simm.s32 $0x3;
	[bflag:$0x0] =	sbarrier.arrive $0xFFFF  }
0x189: {  	s30 =	simm.s32 $0x4;
	[sflag:s29] =	ssyncpa.u1 $0x1  }
0x18a: {  	s31 =	simm.s32 $0x3C;
	[sflag:s30] =	ssyncpa.u1 $0x1  }
0x18b: {  	p0 =	sne.s32 s7, $0x0;
	[sflag:s31] =	ssyncpa.u1 $0x1  }
0x18c: {  	_ =	sfence @p0  }
0x18d: {  	[sflag:s0] =	ssyncpa.u1 @p0 $0x1  }
0x18e: {  	_ =	strace @p0 $0x90000059  }
0x18f: {  	[bflag:$0x2] =	sbarrier.arrive @p0 $0xFFFF  }
0x190: {  	_ =	shalt @p0  }
.LBB3_29:
0x191: {  	_ =	sfence.stream.spmem;
	s0 =	simm.s32 $0x5  }
0x192: {  	s2 =	simm.s32 $0x800;
	s3 =	simm.s32 $0xA118;
	[sflag:s0] =	ssyncpa.u1 $0x0  }
0x193: {  	[tilespmem:s3], [sflag:$0x5] =	stream.linear.gather [spmem:s2], $0x20, $0x38;
	[tilespmem:$0x1EF78] =	vst v63  }
0x194: {  	s30 =	simm.s32 $0xA138;
	s2 =	simm.s32 $0x0  }
0x195: {  	[tilespmem:s30], [sflag:$0x5] =	stream.linear.gather [spmem:s2], $0x800, $0x38;
	[tilespmem:$0x1EF78] =	vst v63  }
.Ltmp30:
0x196: {  	_ = 	snop;
	(pc) =	sbr.rel .LBB3_30-.Ltmp30, $4  }
0x197: {  	_ =	swait.ge [sflag:s0], $0x820  }
0x198: {  	[sflag:s0] =	ssyncset.done $0x0  }
0x199: {  	s31 =	simm.s32 $0x6;
	[sflag:s0] =	ssyncadd.s32 $0xFFFFF7E0  }
0x19a: {  	s3 =	simm.s32 $0x0;
	[sflag:s31] =	ssyncpa.u1 $0x0  }
.LBB3_36:
0x19b: {  	p0 =	slt.u32 s4, $0x679  }
0x19c: {  	s0 =	sand.u32 @p0 $0x7F8, s4  }
0x19d: {  	s4 =	sand.u32 @p0 $0x7, s4;
	s5 =	simm.s32 @p0 $0xA0C8;
	s0 =	sadd.s32 @p0 s1, s0  }
0x19e: {  	[tilespmem:s5], [sflag:$0x6] =	stream.linear.gather @p0 [hbm4b:s0+s4], $0x40, $0x38;
	[tilespmem:$0x1EF78] =	vst v63  }
0x19f: {  	s0 =	simm.s32 @p0 $0x6  }
0x1a0: {  	_ =	swait.ge @p0 [sflag:s0], $0x40  }
0x1a1: {  	[sflag:s0] =	ssyncset.done @p0 $0x0  }
0x1a2: {  	[sflag:s0] =	ssyncadd.s32 @p0 $0xFFFFFFC0  }
0x1a3: {  	v1 =	vld @p0 [tilespmem:$0xA0C8];
	_ =	sdelay $0x2  }
0x1a4: {  	s0 =	sshll.u32 @p0 s3, $0x8  }
0x1a5: {  	s4 =	sshrl.u32 @p0 s0, $0x2  }
0x1a6: {  	[tilespmem:s4+$0xA138] =	vst.add.f32.msk @p0 $0xffff, v1  }
0x1a7: {  	v1 =	vld @p0 [tilespmem:$0xA0D8];
	_ =	sdelay $0x4  }
0x1a8: {  	[tilespmem:s4+$0xA148] =	vst.add.f32.msk @p0 $0xffff, v1  }
0x1a9: {  	v1 =	vld @p0 [tilespmem:$0xA0E8];
	_ =	sdelay $0x4  }
0x1aa: {  	[tilespmem:s4+$0xA158] =	vst.add.f32.msk @p0 $0xffff, v1  }
0x1ab: {  	v1 =	vld @p0 [tilespmem:$0xA0F8];
	_ =	sdelay $0x3  }
0x1ac: {  	s5 =	sshll.u32 @!p0 s3, $0x8  }
0x1ad: {  	s5 =	smov.u32 @p0 s0;
	[tilespmem:s4+$0xA168] =	vst.add.f32.msk @p0 $0xffff, v1  }
0x1ae: {  	s0 =	sshrl.u32 s5, $0x2;
	[tilespmem:s2+$0xA118] =	vst.msk $0x1, v0  }
0x1af: {  	v0 =	vld [tilespmem:s0+$0xA138];
	_ =	sdelay $0x2  }
0x1b0: {  	s31 =	sshll.u32 s2, $0x8  }
0x1b1: {  	s4 =	sshra.s32 s31, $0x2  }
0x1b2: {  	[tilespmem:s4+$0xA138] =	vst v0  }
0x1b3: {  	v0 =	vld [tilespmem:s0+$0xA148];
	_ =	sdelay $0x4  }
0x1b4: {  	[tilespmem:s4+$0xA148] =	vst v0  }
0x1b5: {  	v0 =	vld [tilespmem:s0+$0xA158];
	_ =	sdelay $0x4  }
0x1b6: {  	[tilespmem:s4+$0xA158] =	vst v0  }
0x1b7: {  	v0 =	vld [tilespmem:s0+$0xA168];
	_ =	sdelay $0x4  }
0x1b8: {  	s2 =	sadd.s32 $0x1, s2;
	[tilespmem:s4+$0xA168] =	vst v0  }
.LBB3_37:
0x1b9: {  	s3 =	sadd.s32 $0x1, s3  }
0x1ba: {  	p0 =	sne.s32 s3, $0x20  }
.Ltmp31:
0x1bb: {  	_ = 	snop;
	(pc) =	sbr.rel @!p0 .LBB3_38-.Ltmp31, $1  }
0x1bc: {  	_ =	sdelay $0x3  }
.LBB3_30:
0x1bd: {  	v0 =	vld.msk [tilespmem:s3+$0xA118], $0x1;
	_ =	sdelay $0x4  }
0x1be: {  	(v2sf) =	vpush v0, $0x0;
	_ =	sdelay $0xe  }
0x1bf: {  	s4 =	spop (v2sf)  }
0x1c0: {  	p0 =	seq.s32 s4, $0xFFFFFFFF  }
.Ltmp32:
0x1c1: {  	_ = 	snop;
	(pc) =	sbr.rel @p0 .LBB3_37-.Ltmp32, $1  }
0x1c2: {  	_ =	sdelay $0x3  }
0x1c3: {  	p0 =	slt.s32 s2, $0x1  }
.Ltmp33:
0x1c4: {  	_ = 	snop;
	(pc) =	sbr.rel @p0 .LBB3_36-.Ltmp33, $1  }
0x1c5: {  	_ =	sdelay $0x3  }
0x1c6: {  	s5 =	simm.s32 $0xA118;
	p0 =	por $0x0, $0x0  }
0x1c7: {  	v1 =	vld.msk @!p0 [tilespmem:s5+$0x0], $0x1;
	_ =	sdelay $0x4  }
0x1c8: {  	(v2sf) =	vpush @!p0 v1, $0x0;
	_ =	sdelay $0xd  }
0x1c9: {  	p2 =	sne.s32 s2, $0x1  }
.Ltmp34:
0x1ca: {  	s0 =	spop @!p0 (v2sf);
	(pc) =	sbr.rel @!p2 .LBB3_34-.Ltmp34, $4  }
0x1cb: {  	p1 =	seq.s32 @!p0 s4, s0  }
0x1cc: {  	s6 =	simm.s32 $0x0;
	p1 =	por !p1, p0  }
0x1cd: {  	s0 =	simm.s32 $0xFFFFFFFF;
	s6 =	simm.s32 @p1 $0xFFFFFFFF  }
0x1ce: {  	s7 =	simm.s32 $0x1;
	s6 =	smov.u32 @p0 s0  }
.LBB3_33:
0x1cf: {  	s0 =	smov.u32 s6;
	p0 =	sne.s32 s6, $0xFFFFFFFF  }
0x1d0: {  	s5 =	sadd.s32 $0x1, s5;
	s6 =	smov.u32 s7;
	s7 =	sadd.s32 $0x1, s7  }
0x1d1: {  	p1 =	sne.s32 s2, s7;
	v1 =	vld.msk @!p0 [tilespmem:s5+$0x0], $0x1;
	_ =	sdelay $0x4  }
0x1d2: {  	(v2sf) =	vpush @!p0 v1, $0x0;
	_ =	sdelay $0xe  }
.Ltmp35:
0x1d3: {  	s8 =	spop @!p0 (v2sf);
	(pc) =	sbr.rel @p1 .LBB3_33-.Ltmp35, $4  }
0x1d4: {  	p2 =	seq.s32 @!p0 s4, s8  }
0x1d5: {  	p2 =	por !p2, p0  }
0x1d6: {  	s6 =	simm.s32 @p2 $0xFFFFFFFF  }
0x1d7: {  	s6 =	smov.u32 @p0 s0  }
.LBB3_34:
0x1d8: {  	p0 =	seq.s32 s6, $0xFFFFFFFF  }
.Ltmp36:
0x1d9: {  	_ = 	snop;
	(pc) =	sbr.rel @p0 .LBB3_36-.Ltmp36, $1  }
0x1da: {  	_ =	sdelay $0x3  }
0x1db: {  	s0 =	sshll.u32 s3, $0x6  }
0x1dc: {  	s0 =	sand.u32 $0x3FFFFFC0, s0  }
0x1dd: {  	v0 =	vld [tilespmem:s0+$0xA138];
	_ =	sdelay $0x2  }
0x1de: {  	s4 =	sshll.u32 s6, $0x8  }
0x1df: {  	s4 =	sshra.s32 s4, $0x2  }
0x1e0: {  	[tilespmem:s4+$0xA138] =	vst.add.f32.msk $0xffff, v0  }
0x1e1: {  	v0 =	vld [tilespmem:s0+$0xA148];
	_ =	sdelay $0x4  }
0x1e2: {  	[tilespmem:s4+$0xA148] =	vst.add.f32.msk $0xffff, v0  }
0x1e3: {  	v0 =	vld [tilespmem:s0+$0xA158];
	_ =	sdelay $0x4  }
0x1e4: {  	[tilespmem:s4+$0xA158] =	vst.add.f32.msk $0xffff, v0  }
0x1e5: {  	v0 =	vld [tilespmem:s0+$0xA168]  }
.Ltmp37:
0x1e6: {  	_ = 	snop;
	(pc) =	sbr.rel .LBB3_37-.Ltmp37, $2  }
0x1e7: {  	_ =	sdelay $0x2  }
0x1e8: {  	[tilespmem:s4+$0xA168] =	vst.add.f32.msk $0xffff, v0  }
.LBB3_38:
0x1e9: {  	p0 =	slt.s32 s2, $0x1  }
.Ltmp38:
0x1ea: {  	_ = 	snop;
	(pc) =	sbr.rel @p0 .LBB3_42-.Ltmp38, $3  }
0x1eb: {  	_ =	sdelay $0x1  }
0x1ec: {  	s0 =	simm.s32 $0x6  }
0x1ed: {  	s3 =	simm.s32 $0x0;
	[sflag:s0] =	ssyncpa.u1 $0x1  }
0x1ee: {  	s0 =	simm.s32 $0xA118  }
0x1ef: {  	v0 =	vld.msk [tilespmem:s0+$0x0], $0x1;
	_ =	sdelay $0x4  }
0x1f0: {  	(v2sf) =	vpush v0, $0x0;
	_ =	sdelay $0xe  }
0x1f1: {  	s2 =	sadd.s32 $0xFFFFFFFF, s2;
	s0 =	spop (v2sf)  }
0x1f2: {  	p1 =	sne.s32 s2, $0x0;
	p0 =	sgt.u32 s0, $0x678  }
.Ltmp39:
0x1f3: {  	s5 =	sand.u32 @!p0 $0x7F8, s0;
	(pc) =	sbr.rel @!p1 .LBB3_41-.Ltmp39, $4  }
0x1f4: {  	s4 =	simm.s32 $0xA138;
	s0 =	sand.u32 @!p0 $0x7, s0;
	s5 =	sadd.s32 @!p0 s1, s5  }
0x1f5: {  	[hbm4b:s5+s0] =	stream.linear.scatter @!p0 [tilespmem:s4], [sflag:$0x5], $0x40, $0x38;
	[tilespmem:$0x1EF78] =	vst v63  }
0x1f6: {  	s0 =	simm.s32 $0x0  }
0x1f7: {  	s5 =	simm.s32 $0xA119;
	s0 =	simm.s32 @!p0 $0x100  }
.LBB3_40:
0x1f8: {  	v0 =	vld.msk [tilespmem:s5+$0x0], $0x1;
	s2 =	sadd.s32 $0xFFFFFFFF, s2;
	s3 =	sadd.s32 s3, s0  }
0x1f9: {  	p0 =	sne.s32 s2, $0x0;
	_ =	sdelay $0x3  }
0x1fa: {  	(v2sf) =	vpush v0, $0x0;
	_ =	sdelay $0xe  }
.Ltmp40:
0x1fb: {  	s6 =	spop (v2sf);
	(pc) =	sbr.rel @p0 .LBB3_40-.Ltmp40, $4  }
0x1fc: {  	s0 =	simm.s32 $0x0;
	p1 =	sgt.u32 s6, $0x678  }
0x1fd: {  	s4 =	sadd.s32 $0x40, s4;
	s0 =	simm.s32 @!p1 $0x100;
	s7 =	sand.u32 @!p1 $0x7F8, s6  }
0x1fe: {  	s5 =	sadd.s32 $0x1, s5;
	s6 =	sand.u32 @!p1 $0x7, s6;
	s7 =	sadd.s32 @!p1 s1, s7  }
0x1ff: {  	[hbm4b:s7+s6] =	stream.linear.scatter @!p1 [tilespmem:s4], [sflag:$0x5], $0x40, $0x38;
	[tilespmem:$0x1EF78] =	vst v63  }
.LBB3_41:
0x200: {  	s0 =	sadd.s32 s3, s0  }
0x201: {  	s3 =	sshrl.u32 s0, $0x2  }
.LBB3_42:
0x202: {  	s0 =	simm.s32 $0x5  }
0x203: {  	_ =	swait.ge [sflag:s0], s3  }
0x204: {  	s1 =	ssub.s32 $0x0, s3;
	[sflag:s0] =	ssyncset.done $0x0  }
0x205: {  	[sflag:s0] =	ssyncadd.s32 s1  }
0x206: {  	[sflag:s0] =	ssyncpa.u1 $0x1  }
0x207: {  	s30 =	simm.s32 $0x1;
	_ =	sfence  }
0x208: {  	[sflag:s30] =	ssyncpa.u1 $0x1  }
0x209: {  	_ =	strace $0x90000059  }
0x20a: {  	[bflag:$0x2] =	sbarrier.arrive $0xFFFF  }
0x20b: {  	s31 =	rddreg [dreg:$0x1]  }
0x20c: {  	s0 =	sadd.s32 $0x100000, s31  }
0x20d: {  	[sflag:s0] =	ssyncadd.tile.s32 $0x1;
	_ =	shalt  }
.Lfunc_end3:
_tile_overlayer_lowered:
.L_overlay_start_3:
0x20e: {  	(tag) =	ssettag $0x3  }
0x20f: {  	s0 =	rddreg [dreg:$0x0];
	s2 =	stileid.u32  }
0x210: {  	s1 =	rddreg [dreg:$0x1];
	p0 =	sne.s32 s2, $0x0  }
0x211: {  	s3 =	rddreg [dreg:$0x2];
	[bflag:$0x3] =	sbarrier.arrive $0xFFFF;
	s2 =	simm.s32 @!p0 $0x1C01  }
0x212: {  	[timem:s3], [sflag:s2] =	dma.local @!p0 [hbm:s0], s1  }
0x213: {  	s0 =	simm.s32 @!p0 $0x1  }
0x214: {  	_ =	swait.ge @!p0 [sflag:s0], s1  }
0x215: {  	s1 =	ssub.s32 @!p0 $0x0, s1;
	[sflag:s0] =	ssyncset.done @!p0 $0x0  }
0x216: {  	[sflag:s0] =	ssyncadd.s32 @!p0 s1  }
0x217: {  	[bflag:$0x3] =	sbarrier.arrive $0xFFFF  }
0x218: {  	_ =	shalt  }

// kernel: scatter_offload_async_start.3
scs
__scs_entry_jumppad:
0x0: {  	(pc) =	sbr.rel $0x88, $3  }
0x1: {  	(tag) =	ssettag $0x0;
	lr =	simm.s32 $0x1  }
0x2: {  	[smem:$0x3F87] =	sst lr;
	_ =	strace $0xD0000000  }
0x3: {  	_ = 	snop  }
0x4: {  	_ = 	snop  }
0x5: {  	_ = 	snop  }
0x6: {  	_ = 	snop  }
0x7: {  	_ = 	snop  }
__scs_overlays_trampoline_lowered:
0x8: {  	[smem:$0x3F96] =	sst s0  }
0x9: {  	[smem:$0x3F97] =	sst s1  }
0xa: {  	[smem:$0x3F98] =	sst s2  }
0xb: {  	[smem:$0x3F99] =	sst s3  }
0xc: {  	[smem:$0x3F9A] =	sst s4  }
0xd: {  	[smem:$0x3F9B] =	sst s5  }
0xe: {  	[smem:$0x3F9C] =	sst s6  }
0xf: {  	[smem:$0x3F9D] =	sst s7  }
0x10: {  	[smem:$0x3F9E] =	sst s8  }
0x11: {  	[smem:$0x3F9F] =	sst s9;
	s0 =	simm.s32 @!p0 $0x0  }
0x12: {  	s1 =	sld [smem:$0x3F85];
	s0 =	simm.s32 @p0 $0x1  }
0x13: {  	[smem:$0x3FA0] =	sst s0;
	s0 =	simm.s32 @!p1 $0x0  }
0x14: {  	s2 =	sld [smem:$0x3F84];
	s0 =	simm.s32 @p1 $0x1  }
0x15: {  	[smem:$0x3FA1] =	sst s0;
	s0 =	simm.s32 @!p2 $0x0  }
0x16: {  	s3 =	sld [smem:$0x3FDB];
	s0 =	simm.s32 @p2 $0x1  }
0x17: {  	s4 =	simm.s32 $0x1BF5;
	[smem:$0x3FA3] =	sst s0  }
0x18: {  	s0 =	sld [smem:$0x3F86];
	_ =	swait.ge [sflag:s4], $0x0  }
0x19: {  	s7 =	sld [smem:$0x3F87]  }
0x1a: {  	s8 =	sadd.s32 $0xFFFFE003, lr  }
0x1b: {  	s9 =	sadd.s32 $0xFFFFFEF7, lr;
	s5 =	simm.s32 $0xFFFFFFFF;
	p2 =	slt.u32 s8, $0xFFFFF086  }
0x1c: {  	p1 =	slt.u32 s9, $0xF7A;
	s5 =	simm.s32 @!p2 $0x0  }
0x1d: {  	s5 =	simm.s32 @p1 $0x1;
	p0 =	seq.s32 s7, s2  }
0x1e: {  	s7 =	smul.u32 @!p0 $0xF7A, s2;
	p2 =	seq.s32 @!p0 s5, $0x0  }
0x1f: {  	s9 =	smul.u32 $0xF7A, s1;
	s8 =	simm.s32 @!p0 $0x1BF5;
	p2 =	por !p2, p0  }
0x20: {  	[sflag:s8] =	ssyncset.s32 @!p0 $0xFFFFF086;
	s6 =	sadd.s32 @!p0 s3, s7;
	s7 =	simm.s32 @!p0 $0x108  }
0x21: {  	s3 =	sadd.s32 s3, s9;
	s6 =	sadd.s32 @!p0 $0x88, s6;
	s7 =	simm.s32 @p2 $0x1082  }
0x22: {  	[simem:s7], [sflag:s8] =	dma.local @!p0 [hbm:s6], $0xF7A  }
0x23: {  	s9 =	sor.u32 $0xD0000000, s2;
	s6 =	simm.s32 $0x108;
	_ =	swait.ge @!p0 [sflag:s8], $0x0  }
0x24: {  	s3 =	sadd.s32 $0x88, s3;
	s6 =	simm.s32 @!p1 $0x1082;
	[sflag:s4] =	ssyncset.s32 $0xFFFFF086  }
0x25: {  	[simem:s6], [sflag:s4] =	dma.local [hbm:s3], $0xF7A  }
0x26: {  	[smem:$0x3F87] =	sst s1;
	(tag) =	ssettag s2;
	_ =	strace s9  }
0x27: {  	s1 =	sld [smem:$0x3F97]  }
0x28: {  	s2 =	sld [smem:$0x3F98]  }
0x29: {  	s4 =	sld [smem:$0x3F9A]  }
0x2a: {  	p0 =	seq.s32 s5, $0x0;
	s5 =	sld [smem:$0x3F9B]  }
0x2b: {  	s6 =	sld [smem:$0x3F9C]  }
0x2c: {  	s7 =	sld [smem:$0x3F9D]  }
0x2d: {  	s3 =	simm.s32 $0x108;
	s8 =	sld [smem:$0x3F9E]  }
0x2e: {  	s3 =	simm.s32 @!p0 $0x1082;
	s9 =	sld [smem:$0x3F9F]  }
0x2f: {  	lr =	sadd.s32 s0, s3;
	s0 =	sld [smem:$0x3F96]  }
0x30: {  	s3 =	sld [smem:$0x3F99]  }
0x31: {  	[smem:$0x3FA2] =	sst s10  }
0x32: {  	s10 =	sld [smem:$0x3FA0];
	_ =	sdelay $0x3  }
0x33: {  	p0 =	seq.s32 s10, $0x1;
	s10 =	sld [smem:$0x3FA2];
	_ =	sdelay $0x3  }
0x34: {  	[smem:$0x3FA2] =	sst s10  }
0x35: {  	s10 =	sld [smem:$0x3FA1];
	_ =	sdelay $0x3  }
0x36: {  	p1 =	seq.s32 s10, $0x1;
	s10 =	sld [smem:$0x3FA2];
	_ =	sdelay $0x3  }
0x37: {  	[smem:$0x3FA2] =	sst s10  }
0x38: {  	s10 =	sld [smem:$0x3FA3]  }
0x39: {  	_ = 	snop;
	(pc) =	sbr.ind lr, $3  }
0x3a: {  	_ = 	snop  }
0x3b: {  	_ = 	snop  }
0x3c: {  	p2 =	seq.s32 s10, $0x1;
	s10 =	sld [smem:$0x3FA2]  }
0x3d: {  	_ =	shalt  }
0x3e: {  	_ =	shalt  }
0x3f: {  	_ =	shalt  }
0x40: {  	_ =	shalt  }
0x41: {  	_ =	shalt  }
0x42: {  	_ =	shalt  }
0x43: {  	_ =	shalt  }
0x44: {  	_ =	shalt  }
0x45: {  	_ =	shalt  }
0x46: {  	_ =	shalt  }
0x47: {  	_ =	shalt  }
0x48: {  	_ =	shalt  }
0x49: {  	_ =	shalt  }
0x4a: {  	_ =	shalt  }
0x4b: {  	_ =	shalt  }
0x4c: {  	_ =	shalt  }
0x4d: {  	_ =	shalt  }
0x4e: {  	_ =	shalt  }
0x4f: {  	_ =	shalt  }
0x50: {  	_ =	shalt  }
0x51: {  	_ =	shalt  }
0x52: {  	_ =	shalt  }
0x53: {  	_ =	shalt  }
0x54: {  	_ =	shalt  }
0x55: {  	_ =	shalt  }
0x56: {  	_ =	shalt  }
0x57: {  	_ =	shalt  }
0x58: {  	_ =	shalt  }
0x59: {  	_ =	shalt  }
0x5a: {  	_ =	shalt  }
0x5b: {  	_ =	shalt  }
0x5c: {  	_ =	shalt  }
0x5d: {  	_ =	shalt  }
0x5e: {  	_ =	shalt  }
0x5f: {  	_ =	shalt  }
0x60: {  	_ =	shalt  }
0x61: {  	_ =	shalt  }
0x62: {  	_ =	shalt  }
0x63: {  	_ =	shalt  }
0x64: {  	_ =	shalt  }
0x65: {  	_ =	shalt  }
0x66: {  	_ =	shalt  }
0x67: {  	_ =	shalt  }
0x68: {  	_ =	shalt  }
0x69: {  	_ =	shalt  }
0x6a: {  	_ =	shalt  }
0x6b: {  	_ =	shalt  }
0x6c: {  	_ =	shalt  }
0x6d: {  	_ =	shalt  }
0x6e: {  	_ =	shalt  }
0x6f: {  	_ =	shalt  }
0x70: {  	_ =	shalt  }
0x71: {  	_ =	shalt  }
0x72: {  	_ =	shalt  }
0x73: {  	_ =	shalt  }
0x74: {  	_ =	shalt  }
0x75: {  	_ =	shalt  }
0x76: {  	_ =	shalt  }
0x77: {  	_ =	shalt  }
0x78: {  	_ =	shalt  }
0x79: {  	_ =	shalt  }
0x7a: {  	_ =	shalt  }
0x7b: {  	_ =	shalt  }
0x7c: {  	_ =	shalt  }
0x7d: {  	_ =	shalt  }
0x7e: {  	_ =	shalt  }
0x7f: {  	_ =	shalt  }
0x80: {  	_ =	shalt  }
0x81: {  	_ =	shalt  }
0x82: {  	_ =	shalt  }
0x83: {  	_ =	shalt  }
0x84: {  	_ =	shalt  }
0x85: {  	_ =	shalt  }
0x86: {  	_ =	shalt  }
0x87: {  	_ =	shalt  }
.Lfunc_end0:
.L_simem_size_0:
called_computation.3_lowered:
.L_overlay_start_0:
0x88: {  	s0 =	sld [smem:$0x3FD9]  }
0x89: {  	s1 =	sld [smem:$0x3FFE];
	_ =	sdelay $0x3  }
0x8a: {  	s0 =	sadd.s32 s1, s0  }
0x8b: {  	[smem:$0x3FAE] =	sst s0  }
0x8c: {  	_ = 	snop  }
0x8d: {  	s14 =	sld [smem:$0x3FD0];
	(tm) =	ssettm $0x1  }
0x8e: {  	s15 =	sld [smem:$0x3FFB];
	_ =	sdelay $0x3  }
0x8f: {  	_ =	strace s15  }
0x90: {  	s0 =	sld [smem:$0x3FFC];
	_ =	sdelay $0x3  }
0x91: {  	_ =	strace s0  }
0x92: {  	s0 =	sld [smem:$0x3FFD];
	_ =	sdelay $0x3  }
0x93: {  	_ =	strace s0  }
0x94: {  	_ =	strace $0x8FFFFFFF  }
0x95: {  	s16 =	sld [smem:$0x3FDB];
	_ =	sdelay $0x1  }
0x96: {  	s2 =	simm.s32 $_scs_section_size  }
0x97: {  	s3 =	simm.s32 $_size__tile_overlayer_lowered;
	s4 =	simm.s32 $_tile_overlayer_lowered  }
0x98: {  	s5 =	simm.s32 $0x1BFF;
	s17 =	sshll.u32 s4, $0x1;
	s2 =	sadd.s32 s2, s16  }
0x99: {  	s18 =	simm.s32 $0x0;
	s3 =	sshll.u32 s3, $0x1;
	s4 =	sadd.s32 s17, s2  }
0x9a: {  	[timem:s18], [sflag:s5] =	dma.local [hbm:s4], s3  }
0x9b: {  	_ =	swait.ge [sflag:s5], s3  }
0x9c: {  	s3 =	ssub.s32 $0x0, s3;
	[sflag:s5] =	ssyncset.done $0x0  }
0x9d: {  	[sflag:s5] =	ssyncadd.s32 s3;
	_ =	sdelay $0x1  }
0x9e: {  	s19 =	simm.s32 $0x1B8B  }
0x9f: {  	_ =	swait.ge [sflag:s19], $0x1  }
0xa0: {  	[sflag:s19] =	ssyncset.done $0x0  }
0xa1: {  	s21 =	simm.s32 $0x1B8E;
	s20 =	sld [smem:$0x3FFE];
	[sflag:s19] =	ssyncadd.s32 $0xFFFFFFFF  }
0xa2: {  	s22 =	simm.s32 $execute0_lowered;
	[smem:$0x3FD2] =	sst s21  }
0xa3: {  	s4 =	sshll.u32 s22, $0x1;
	_ =	strace $0x8000005B;
	[dreg:$0x1] =	wrdreg $0xFFFFFFFF  }
0xa4: {  	s23 =	simm.s32 $_size_execute0_lowered;
	s4 =	sadd.s32 s2, s4;
	[dreg:$0x0] =	wrdreg $0x0  }
0xa5: {  	s5 =	sshll.u32 s23, $0x1;
	[dreg:$0x2] =	wrdreg s4  }
0xa6: {  	[dreg:$0x3] =	wrdreg s5  }
0xa7: {  	[dreg:$0x4] =	wrdreg $0xC0  }
0xa8: {  	s24 =	simm.s32 $execute1_lowered;
	_ =	task [dreg:s18], $0x5FFFF  }
0xa9: {  	s4 =	sshll.u32 s24, $0x1;
	[dreg:$0x1] =	wrdreg $0xFFFFFFFF  }
0xaa: {  	s2 =	sadd.s32 s2, s4;
	[dreg:$0x0] =	wrdreg $0x60  }
0xab: {  	[dreg:$0x2] =	wrdreg s2  }
0xac: {  	[dreg:$0x3] =	wrdreg s14  }
0xad: {  	[dreg:$0x4] =	wrdreg s20  }
0xae: {  	[dreg:$0x5] =	wrdreg $0x9  }
0xaf: {  	_ =	task.clear_ibuf [dreg:s18], $0x6FFFF;
	_ =	strace $0x9000005B  }
0xb0: {  	s25 =	simm.s32 $0x9;
	_ =	strace $0x8000005D  }
0xb1: {  	_ =	swait.ge [sflag:s25], $0x1  }
0xb2: {  	[sflag:s25] =	ssyncadd.s32 $0xFFFFFFFF  }
0xb3: {  	_ =	strace $0x9000005D  }
0xb4: {  	_ =	strace $0x8000005E;
	[dreg:$0x1] =	wrdreg $0xFFFFFFFF  }
0xb5: {  	[dreg:$0x0] =	wrdreg $0x2030  }
0xb6: {  	[dreg:$0x2] =	wrdreg s20  }
0xb7: {  	[dreg:$0x3] =	wrdreg $0xA  }
0xb8: {  	_ =	task.clear_ibuf [dreg:s18], $0x4FFFF;
	_ =	strace $0x9000005E  }
0xb9: {  	s26 =	simm.s32 $0xA;
	_ =	strace $0x80000060  }
0xba: {  	_ =	swait.ge [sflag:s26], $0x1  }
0xbb: {  	[sflag:s26] =	ssyncadd.s32 $0xFFFFFFFF  }
0xbc: {  	_ =	strace $0x90000060  }
0xbd: {  	_ =	sfence  }
0xbe: {  	s28 =	sld [smem:$0x0];
	_ =	sdelay $0x1  }
0xbf: {  	s29 =	srdreg.scid  }
0xc0: {  	s30 =	sshll.u32 s29, $0xD;
	s31 =	sshrl.u32 s29, $0x2  }
0xc1: {  	s3 =	sand.u32 $0x4000, s30;
	s2 =	sand.u32 $0x1, s29;
	s1 =	sadd.s32 s31, s28  }
0xc2: {  	s2 =	sor.u32 s3, s2;
	s1 =	sshll.u32 s1, $0x11  }
0xc3: {  	s1 =	sor.u32 s1, s2  }
0xc4: {  	s1 =	sadd.s32 $0x8F2B, s1  }
0xc5: {  	[sflag:s1] =	ssyncadd.remote.s32 $0x1  }
0xc6: {  	_ =	sfence.sel $0xFFFF  }
0xc7: {  	[dreg:$0x0] =	wrdreg $0xFFFFFFFF;
	(pc) =	sbr.abs _section_cstart, $3  }
0xc8: {  	[dreg:$0x1] =	wrdreg $0xFFFFFFFF  }
0xc9: {  	_ =	task.clear_ibuf [dreg:s18], $0x2FFFF;
	_ =	strace $0x9FFFFFFF  }
0xca: {  	(tm) =	ssettm $0x7FFFFFFF  }
0xcb: {  	_ =	shalt  }
tec
execute0_lowered:
.L_overlay_start_1:
0x0: {  	(tag) =	ssettag $0x1  }
0x1: {  	s2 =	rddreg [dreg:$0x0]  }
0x2: {  	s8 =	rddreg [dreg:$0x1]  }
0x3: {  	s4 =	rddreg [dreg:$0x2]  }
0x4: {  	s0 =	rddreg [dreg:$0x3]  }
0x5: {  	s7 =	stileid.u32;
	[bflag:$0x3] =	sbarrier.arrive $0xFFFF;
	s1 =	simm.s32 $_size_execute1_lowered  }
0x6: {  	s9 =	simm.s32 $0x2;
	s13 =	simm.s32 $0x0;
	s12 =	simm.s32 $0x0  }
0x7: {  	p0 =	sne.s32 s7, $0x0;
	s1 =	sshll.u32 s1, $0x1;
	s6 =	smul.u32 $0x4F0, s7  }
0x8: {  	s4 =	sadd.s32 $0x23400, s4;
	s3 =	simm.s32 @!p0 $0x1C3F;
	s5 =	simm.s32 @!p0 $0x4060  }
0x9: {  	[timem:s5], [sflag:s3] =	dma.local @!p0 [hbm:s2], s1  }
0xa: {  	s2 =	sshll.u32 s7, $0x4;
	s3 =	simm.s32 $0x1;
	s6 =	sshrl.u32 s6, $0xD  }
0xb: {  	s5 =	ssub.s32 $0x64, s2;
	_ =	strace $0x8000005C;
	s10 =	smul.u32 $0x68, s6  }
0xc: {  	s11 =	smax.u32 s2, $0x58;
	s6 =	simm.s32 $0x3;
	p1 =	sgt.s32 s5, $0x0  }
0xd: {  	[sflag:s3] =	ssyncpa.u1 $0x0;
	s11 =	sshll.u32 s11, $0x8;
	s5 =	simm.s32 @!p1 $0x0  }
0xe: {  	s10 =	ssub.s32 s2, s10;
	s11 =	ssub.s32 $0x6800, s11;
	[sflag:s9] =	ssyncpa.u1 $0x0  }
.Ltmp0:
0xf: {  	s9 =	simm.s32 $0x40;
	s5 =	sand.u32 $0xF4, s5;
	(pc) =	sbr.rel .LBB2_1-.Ltmp0, $4  }
0x10: {  	s10 =	sand.u32 $0xF8, s10;
	p1 =	sne.s32 s5, $0x0;
	s5 =	simm.s32 $0x1  }
0x11: {  	s31 =	sshll.u32 s10, $0x4;
	s10 =	simm.s32 $0x80;
	s5 =	simm.s32 @!p1 $0x0  }
0x12: {  	s6 =	simm.s32 @!p1 $0x2;
	p1 =	sgt.u32 s7, $0x6;
	s7 =	sshrl.u32 s11, $0x2  }
0x13: {  	s8 =	sadd.s32 s31, s8;
	s11 =	simm.s32 $0x0;
	s7 =	simm.s32 @p1 $0x0  }
.LBB2_5:
0x14: {  	_ =	sdelay $0x3  }
0x15: {  	[tilespmem:v3+s18+$0x0 ss:$0x1] =	vst.idx.msk $0xffff, v1  }
0x16: {  	[tilespmem:v3+s16+$0x0 ss:$0x1] =	vst.idx.msk $0xffff, v2  }
0x17: {  	[tilespmem:v3+s17+$0x0 ss:$0x1] =	vst.idx.msk $0xffff, v4  }
0x18: {  	[tilespmem:v3+s19+$0x0 ss:$0x1] =	vst.idx.msk $0xffff, v5  }
.LBB2_6:
0x19: {  	s16 =	smulhi.u32 $0x4EC4EC4F, s12;
	_ =	sdelay $0x1  }
0x1a: {  	s16 =	sshrl.u32 s16, $0x5  }
0x1b: {  	s16 =	smul.u32 $0x68, s16;
	_ =	sdelay $0x1  }
0x1c: {  	s16 =	ssub.s32 s12, s16  }
0x1d: {  	s16 =	sshll.u32 s16, $0x4  }
0x1e: {  	s16 =	sadd.s32 s4, s16  }
0x1f: {  	[hbm4b:s16+s9] =	stream.strided.scatter [tilespmem:s15], [sflag:$0x2], s14, s10, s9, $0x38;
	[tilespmem:$0x1000] =	vst v63  }
.LBB2_7:
0x20: {  	p1 =	slt.u32 s11, $0x2  }
0x21: {  	p2 =	sgt.s32 @!p1 s13, $0x58  }
0x22: {  	p2 =	por !p2, p1  }
0x23: {  	p3 =	sgt.s32 @!p1 s13, $0x67;
	s13 =	simm.s32 @p2 $0x58  }
0x24: {  	s13 =	sshll.u32 @!p1 s13, $0x8  }
0x25: {  	s13 =	ssub.s32 @!p1 $0x6800, s13  }
0x26: {  	s11 =	sadd.s32 $0x1, s11;
	p2 =	por !p3, p1;
	s13 =	sshrl.u32 @!p1 s13, $0x2  }
0x27: {  	s13 =	simm.s32 @!p2 $0x0;
	p2 =	sne.s32 s11, s6  }
.Ltmp1:
0x28: {  	_ = 	snop;
	(pc) =	sbr.rel @!p2 .LBB2_8-.Ltmp1, $4  }
0x29: {  	s14 =	simm.s32 @!p1 $0x2  }
0x2a: {  	_ =	swait.ge @!p1 [sflag:s14], s13  }
0x2b: {  	s15 =	ssub.s32 @!p1 $0x0, s13;
	[sflag:s14] =	ssyncset.done @!p1 $0x0  }
0x2c: {  	s13 =	smov.u32 s12;
	s12 =	smov.u32 s2;
	[sflag:s14] =	ssyncadd.s32 @!p1 s15  }
.LBB2_1:
0x2d: {  	p1 =	sge.u32 s11, s5;
	s31 =	sadd.s32 $0xFFFFFFFF, s11  }
0x2e: {  	s14 =	simm.s32 @!p1 $0x40;
	s15 =	simm.s32 @!p1 $0x80;
	s16 =	simm.s32 @!p1 $0x400  }
0x2f: {  	[tilespmem:s16], [sflag:$0x1] =	stream.strided.gather @!p1 [hbm4b:s8+s14], s7, s15, s14, $0x38;
	[tilespmem:$0x1000] =	vst v63  }
0x30: {  	p1 =	sge.u32 s31, s5  }
.Ltmp2:
0x31: {  	_ = 	snop;
	(pc) =	sbr.rel @p1 .LBB2_7-.Ltmp2, $1  }
0x32: {  	_ =	sdelay $0x3  }
0x33: {  	p1 =	sgt.s32 s12, $0x58;
	s14 =	smov.u32 s12  }
0x34: {  	s14 =	simm.s32 @!p1 $0x58  }
0x35: {  	s14 =	sshll.u32 s14, $0x8  }
0x36: {  	s14 =	ssub.s32 $0x6800, s14  }
0x37: {  	p1 =	sgt.u32 s12, $0x67;
	s14 =	sshrl.u32 s14, $0x2  }
0x38: {  	s15 =	smov.u32 s12;
	s14 =	simm.s32 @p1 $0x0;
	p1 =	slt.s32 s12, $0x54  }
0x39: {  	s15 =	simm.s32 @!p1 $0x54  }
0x3a: {  	s17 =	ssub.s32 s15, s12  }
0x3b: {  	p1 =	slt.s32 s17, $0xFFFFFFF1  }
.Ltmp3:
0x3c: {  	_ = 	snop;
	(pc) =	sbr.rel @p1 .LBB2_6-.Ltmp3, $4  }
0x3d: {  	_ = 	snop  }
0x3e: {  	s16 =	sshll.u32 s11, $0xA;
	_ =	swait.ge [sflag:s3], s14  }
0x3f: {  	s16 =	sand.u32 $0x400, s16;
	s18 =	ssub.s32 $0x0, s14;
	[sflag:s3] =	ssyncset.done $0x0  }
0x40: {  	s15 =	sor.u32 $0x800, s16;
	[sflag:s3] =	ssyncadd.s32 s18  }
0x41: {  	v0 =	vmov s16;
	_ =	sdelay $0x1  }
0x42: {  	s20 =	sadd.s32 $0x10, s17  }
0x43: {  	s31 =	simm.s32 $0x0;
	p1 =	sne.s32 s20, $0x1  }
.Ltmp4:
0x44: {  	s18 =	sand.u32 $0x3C0, s31;
	(pc) =	sbr.rel @!p1 .LBB2_5-.Ltmp4, $4  }
0x45: {  	s16 =	sor.u32 $0x30, s18;
	v1 =	vld.idx.msk [tilespmem:v0+s18+$0x0 ss:$0x1], $0xffff  }
0x46: {  	v3 =	vmov s15;
	s17 =	sor.u32 $0x10, s18;
	v2 =	vld.idx.msk [tilespmem:v0+s16+$0x0 ss:$0x1], $0xffff  }
0x47: {  	s19 =	sor.u32 $0x20, s18;
	v4 =	vld.idx.msk [tilespmem:v0+s17+$0x0 ss:$0x1], $0xffff  }
0x48: {  	s21 =	simm.s32 $0x40;
	s20 =	sadd.s32 $0xFFFFFFFF, s20;
	v5 =	vld.idx.msk [tilespmem:v0+s19+$0x0 ss:$0x1], $0xffff  }
.LBB2_4:
0x49: {  	s22 =	sand.u32 $0x3C0, s21  }
0x4a: {  	p1 =	sne.s32 s20, $0x1;
	s20 =	sadd.s32 $0xFFFFFFFF, s20;
	s23 =	sor.u32 $0x10, s22  }
.Ltmp5:
0x4b: {  	s24 =	sor.u32 $0x20, s22;
	s25 =	sor.u32 $0x30, s22;
	[tilespmem:v3+s18+$0x0 ss:$0x1] =	vst.idx.msk $0xffff, v1;
	v1 =	vld.idx.msk [tilespmem:v0+s22+$0x0 ss:$0x1], $0xffff;
	(pc) =	sbr.rel @p1 .LBB2_4-.Ltmp5, $4  }
0x4c: {  	s18 =	smov.u32 s22;
	[tilespmem:v3+s16+$0x0 ss:$0x1] =	vst.idx.msk $0xffff, v2;
	v2 =	vld.idx.msk [tilespmem:v0+s25+$0x0 ss:$0x1], $0xffff;
	s16 =	smov.u32 s25  }
0x4d: {  	[tilespmem:v3+s17+$0x0 ss:$0x1] =	vst.idx.msk $0xffff, v4;
	v4 =	vld.idx.msk [tilespmem:v0+s23+$0x0 ss:$0x1], $0xffff;
	s17 =	smov.u32 s23  }
0x4e: {  	[tilespmem:v3+s19+$0x0 ss:$0x1] =	vst.idx.msk $0xffff, v5;
	v5 =	vld.idx.msk [tilespmem:v0+s24+$0x0 ss:$0x1], $0xffff;
	s19 =	smov.u32 s24  }
0x4f: {  	s21 =	sadd.s32 $0x40, s21  }
.Ltmp6:
0x50: {  	_ = 	snop;
	(pc) =	sbr.rel .LBB2_5-.Ltmp6, $1  }
0x51: {  	_ =	sdelay $0x3  }
.LBB2_8:
0x52: {  	_ =	sfence.sel $0x180000  }
0x53: {  	s2 =	simm.s32 $0x1;
	[bflag:$0x0] =	sbarrier.arrive $0xFFFF  }
0x54: {  	s31 =	simm.s32 $0x2;
	[sflag:s2] =	ssyncpa.u1 $0x1  }
0x55: {  	[sflag:s31] =	ssyncpa.u1 $0x1  }
0x56: {  	_ =	strace $0x9000005C  }
0x57: {  	s0 =	sadd.s32 @!p0 $0x100000, s0;
	[bflag:$0x2] =	sbarrier.arrive $0xFFFF  }
0x58: {  	[sflag:s0] =	ssyncadd.tile.s32 @!p0 $0x1;
	s0 =	simm.s32 @!p0 $0x3F  }
0x59: {  	_ =	swait.ge @!p0 [sflag:s0], s1  }
0x5a: {  	s1 =	ssub.s32 @!p0 $0x0, s1;
	[sflag:s0] =	ssyncset.done @!p0 $0x0  }
0x5b: {  	[sflag:s0] =	ssyncadd.s32 @!p0 s1  }
0x5c: {  	[bflag:$0x3] =	sbarrier.arrive $0xFFFF  }
0x5d: {  	_ =	shalt  }
.Lfunc_end2:
execute1_lowered:
.L_overlay_start_2:
0x5e: {  	(tag) =	ssettag $0x2  }
0x5f: {  	s0 =	rddreg [dreg:$0x0];
	_ =	strace $0x8000005F;
	s1 =	simm.s32 $0x1  }
0x60: {  	s8 =	simm.s32 $0x88;
	v0 =	vimm.s32 $0x0;
	[sflag:s1] =	ssyncpa.u1 $0x0  }
0x61: {  	[tilespmem:s8+$0x30] =	vst v0  }
0x62: {  	s1 =	sadd.s32 $0x23400, s0;
	s3 =	sadd.s32 $0x1DD200, s0;
	[tilespmem:s8+$0x20] =	vst v0  }
0x63: {  	s4 =	sadd.s32 $0x55600, s0;
	s5 =	sadd.s32 $0x1DEC00, s0;
	s0 =	simm.s32 $0x40;
	[tilespmem:s8+$0x10] =	vst v0  }
.LBB3_1:
0x64: {  	s0 =	sadd.s32 $0x40, s0  }
0x65: {  	[tilespmem:s8+$0x0] =	vst v0;
	s8 =	sadd.s32 $0x40, s8;
	p0 =	slt.u32 s0, $0x5040  }
.Ltmp7:
0x66: {  	(pc) =	sbr.rel @p0 .LBB3_1-.Ltmp7, $4  }
0x67: {  	_ = 	snop  }
0x68: {  	[tilespmem:s8+$0x30] =	vst v0  }
0x69: {  	[tilespmem:s8+$0x20] =	vst v0  }
0x6a: {  	[tilespmem:s8+$0x10] =	vst v0  }
0x6b: {  	s9 =	stileid.u32  }
0x6c: {  	s0 =	smul.u32 $0x9, s9  }
0x6d: {  	s2 =	smin.u32 s9, $0xD  }
0x6e: {  	s0 =	sadd.s32 s2, s0  }
0x6f: {  	p0 =	slt.u32 s9, $0xD;
	s6 =	smul.u32 $0x140, s0;
	s0 =	simm.s32 $0xC80  }
0x70: {  	s0 =	simm.s32 @!p0 $0xB40  }
0x71: {  	s0 =	sadd.s32 s0, s6  }
0x72: {  	s7 =	smin.u32 s0, $0xC350  }
0x73: {  	s0 =	ssub.s32 s7, s6  }
0x74: {  	p0 =	sgt.s32 s0, $0x0  }
0x75: {  	s0 =	simm.s32 @!p0 $0x0  }
0x76: {  	s29 =	simm.s32 $0x2;
	s10 =	simm.s32 $0x7;
	s28 =	smul.u32 $0xCCCD, s0  }
0x77: {  	s31 =	simm.s32 $0x8;
	s11 =	simm.s32 $0x1;
	s15 =	simm.s32 $0x0  }
0x78: {  	p1 =	por $0x0, $0x0;
	s16 =	simm.s32 $0xA;
	s2 =	sshrl.u32 s28, $0x18  }
0x79: {  	s20 =	simm.s32 $0x0;
	s17 =	simm.s32 $0x0;
	s30 =	smul.u32 $0x140, s2  }
.Ltmp8:
0x7a: {  	[tilespmem:s8+$0x0] =	vst v0;
	v0 =	vimm.s32 $0xFFFFFFFF;
	s19 =	simm.s32 $0x0;
	[sflag:s29] =	ssyncpa.u1 $0x0;
	(pc) =	sbr.rel .LBB3_3-.Ltmp8, $4  }
0x7b: {  	[tilespmem:$0xA108] =	vst v0;
	[sflag:s10] =	ssyncpa.u1 $0x0;
	p0 =	sne.s32 s0, s30;
	s0 =	simm.s32 $0x1  }
0x7c: {  	s10 =	simm.s32 $0x9;
	[sflag:s31] =	ssyncpa.u1 $0x0;
	s0 =	simm.s32 @!p0 $0x0  }
0x7d: {  	s13 =	sshll.u32 s9, $0x7;
	[sflag:s10] =	ssyncpa.u1 $0x0;
	s12 =	sadd.s32 s2, s0  }
0x7e: {  	v0 =	vlaneseq.u32;
	s18 =	smov.u32 s6;
	p0 =	por $0x1, $0x1;
	s14 =	sadd.s32 $0x1, s12  }
.LBB3_24:
0x7f: {  	s0 =	sshrl.u32 s29, $0x2  }
.LBB3_26:
0x80: {  	_ =	swait.ge [sflag:s16], s0  }
0x81: {  	s31 =	ssub.s32 $0x0, s0;
	v1 =	vmov s22;
	vm0 =	veq.s32 v0, $0x0;
	[sflag:s16] =	ssyncset.done $0x0  }
0x82: {  	vm15 =	veq.s32 v0, $0x2;
	v1 =	vsel vm0, s28, v1;
	[sflag:s16] =	ssyncadd.s32 s31  }
0x83: {  	v1 =	vsel vm15, s20, v1;
	[sflag:s16] =	ssyncpa.u1 $0x1  }
0x84: {  	[tilespmem:$0xA108] =	vst v1  }
.LBB3_27:
0x85: {  	s0 =	sadd.s32 $0x140, s18  }
0x86: {  	s2 =	smov.u32 s6;
	p2 =	slt.s32 s0, s7  }
0x87: {  	s2 =	smov.u32 @p2 s0;
	p2 =	sne.s32 s19, s14  }
.Ltmp9:
0x88: {  	_ = 	snop;
	(pc) =	sbr.rel @!p2 .LBB3_28-.Ltmp9, $4  }
0x89: {  	_ = 	snop  }
0x8a: {  	s20 =	smov.u32 s17  }
0x8b: {  	s31 =	sadd.s32 $0x1, s19;
	s17 =	smov.u32 s18;
	p0 =	por !p0, !p0  }
0x8c: {  	p1 =	por !p1, !p1;
	s19 =	smov.u32 s31;
	s18 =	smov.u32 s2  }
.LBB3_3:
0x8d: {  	p2 =	sge.u32 s19, s12  }
0x8e: {  	s0 =	smulhi.u32 @!p2 $0xAAAAAAAB, s19  }
0x8f: {  	s2 =	smov.u32 s18;
	p3 =	sgt.s32 @!p2 s18, $0xC210  }
0x90: {  	s8 =	sshra.s32 @!p2 s18, $0x1F;
	p3 =	por !p3, p2;
	s0 =	sshrl.u32 @!p2 s0, $0x1  }
0x91: {  	s8 =	sand.u32 @!p2 s8, s18;
	s2 =	simm.s32 @p3 $0xC210;
	s0 =	smul.u32 @!p2 $0x3, s0  }
0x92: {  	s2 =	ssub.s32 @!p2 s2, s8  }
0x93: {  	s22 =	sadd.s32 $0xFFFFFFFF, s19;
	s2 =	sadd.s32 @!p2 $0xFFFF3DF0, s2;
	s0 =	ssub.s32 @!p2 s19, s0  }
0x94: {  	s8 =	sshll.u32 @!p2 s2, $0x2;
	p3 =	sgt.s32 @!p2 s2, $0x13F;
	s0 =	smul.u32 @!p2 $0x500, s0  }
0x95: {  	s21 =	sand.u32 @!p2 $0x7, s18;
	s2 =	ssub.s32 @!p2 $0x500, s8;
	p3 =	por !p3, p2  }
0x96: {  	s8 =	sshrl.u32 @!p2 s18, $0x3;
	s2 =	sshrl.u32 @!p2 s2, $0x2;
	s0 =	sshrl.u32 @!p2 s0, $0x2  }
0x97: {  	s8 =	sadd.s32 @!p2 s5, s8;
	s2 =	simm.s32 @!p3 $0x0;
	s0 =	sadd.s32 @!p2 $0xA938, s0  }
0x98: {  	[tilespmem:s0], [sflag:$0x8] =	stream.linear.gather @!p2 [hbm4b:s8+s21], s2, $0x38;
	[tilespmem:$0x1EF78] =	vst v63  }
0x99: {  	p2 =	sge.u32 s22, s12  }
0x9a: {  	p3 =	sgt.s32 @!p2 s17, $0xC210  }
0x9b: {  	s0 =	smov.u32 s17;
	s2 =	sshra.s32 @!p2 s17, $0x1F;
	p3 =	por !p3, p2  }
0x9c: {  	s2 =	sand.u32 @!p2 s2, s17;
	s0 =	simm.s32 @p3 $0xC210  }
0x9d: {  	s0 =	ssub.s32 @!p2 s0, s2  }
0x9e: {  	s0 =	sadd.s32 @!p2 $0xFFFF3DF0, s0  }
0x9f: {  	s2 =	sshll.u32 @!p2 s0, $0x2  }
0xa0: {  	p3 =	sgt.s32 @!p2 s0, $0x13F;
	s0 =	ssub.s32 @!p2 $0x500, s2  }
0xa1: {  	p3 =	por !p3, p2;
	s0 =	sshrl.u32 @!p2 s0, $0x2  }
0xa2: {  	s8 =	simm.s32 @!p2 $0x8;
	s2 =	sand.u32 @!p2 $0x1, s22;
	s0 =	simm.s32 @!p3 $0x0  }
0xa3: {  	s2 =	smul.u32 @!p2 $0x500, s2;
	_ =	swait.ge @!p2 [sflag:s8], s0  }
0xa4: {  	s21 =	ssub.s32 @!p2 $0x0, s0;
	[sflag:s8] =	ssyncset.done @!p2 $0x0  }
0xa5: {  	s2 =	sshrl.u32 @!p2 s2, $0x2;
	[sflag:s8] =	ssyncadd.s32 @!p2 s21;
	s8 =	sshrl.u32 @!p2 s17, $0x3  }
0xa6: {  	s2 =	sadd.s32 @!p2 $0xACF8, s2;
	s21 =	sand.u32 @!p2 $0x7, s17;
	s8 =	sadd.s32 @!p2 s3, s8  }
0xa7: {  	[tilespmem:s2], [sflag:$0x9] =	stream.linear.gather @!p2 [hbm4b:s8+s21], s0, $0x38;
	[tilespmem:$0x1EF78] =	vst v63  }
0xa8: {  	s21 =	ssub.s32 @!p2 $0xC350, s17  }
0xa9: {  	p3 =	slt.s32 @!p2 s21, $0x1  }
0xaa: {  	p3 =	por p2, p3  }
.Ltmp10:
0xab: {  	_ = 	snop;
	(pc) =	sbr.rel @p3 .LBB3_9-.Ltmp10, $1  }
0xac: {  	_ =	sdelay $0x3  }
0xad: {  	s0 =	smulhi.u32 $0xAAAAAAAB, s22;
	_ =	sdelay $0x1  }
0xae: {  	s0 =	sshrl.u32 s0, $0x1  }
0xaf: {  	s0 =	smul.u32 $0x3, s0;
	_ =	sdelay $0x1  }
0xb0: {  	s0 =	ssub.s32 s22, s0  }
0xb1: {  	s2 =	simm.s32 $0x1;
	s0 =	smul.u32 $0x500, s0  }
.Ltmp11:
0xb2: {  	s2 =	simm.s32 @!p0 $0x0;
	(pc) =	sbr.rel .LBB3_6-.Ltmp11, $4  }
0xb3: {  	s2 =	smul.u32 $0x28000, s2  }
0xb4: {  	p3 =	slt.s32 @!p2 s21, $0x140;
	s0 =	sshrl.u32 s0, $0x2  }
0xb5: {  	p2 =	por !p3, p2;
	s2 =	sshrl.u32 s2, $0x2;
	s0 =	sadd.s32 $0xA938, s0  }
0xb6: {  	s23 =	simm.s32 $0x0;
	s21 =	simm.s32 @p2 $0x140;
	s22 =	sadd.s32 $0xAF78, s2;
	v1 =	vmov s0  }
.LBB3_5:
0xb7: {  	p2 =	sge.s32 s23, s21  }
.Ltmp12:
0xb8: {  	_ = 	snop;
	(pc) =	sbr.rel @p2 .LBB3_9-.Ltmp12, $2  }
0xb9: {  	_ =	sdelay $0x2  }
0xba: {  	s22 =	sadd.s32 $0x800, s22  }
.LBB3_6:
0xbb: {  	p2 =	sle.s32 s21, s23  }
.Ltmp13:
0xbc: {  	_ = 	snop;
	(pc) =	sbr.rel @p2 .LBB3_5-.Ltmp13, $2  }
0xbd: {  	_ =	sdelay $0x2  }
0xbe: {  	s24 =	smov.u32 s23;
	s23 =	sadd.s32 $0x10, s23  }
0xbf: {  	s0 =	ssub.s32 s21, s24  }
0xc0: {  	p2 =	slt.s32 s0, $0x10  }
0xc1: {  	s0 =	simm.s32 @!p2 $0x10  }
0xc2: {  	v2 =	vmov s0  }
0xc3: {  	vm0 =	vgt.s32 v2, v0;
	_ =	sdelay $0x5  }
0xc4: {  	v2 =	vld.idx.msk [tilespmem:v1+s24+$0x0 ss:$0x1], vm0;
	_ =	sdelay $0x2  }
0xc5: {  	p2 =	slt.s32 s23, s21;
	s0 =	smov.u32 s21  }
0xc6: {  	s2 =	smov.u32 s22;
	s25 =	simm.s32 $0x0;
	s0 =	smov.u32 @p2 s23  }
.LBB3_8:
0xc7: {  	(v2sf) =	vpush v2, s25;
	_ =	sdelay $0xc  }
0xc8: {  	s25 =	sadd.s32 $0x1, s25  }
0xc9: {  	s31 =	sadd.s32 s25, s24  }
0xca: {  	p2 =	slt.s32 s31, s0;
	s8 =	spop (v2sf)  }
.Ltmp14:
0xcb: {  	s8 =	sshll.u32 s8, $0x4;
	(pc) =	sbr.rel @p2 .LBB3_8-.Ltmp14, $4  }
0xcc: {  	s8 =	sand.u32 $0x1FFFFFF0, s8  }
0xcd: {  	s8 =	sadd.s32 s4, s8  }
0xce: {  	[tilespmem:s2], [sflag:$0x7] =	stream.linear.gather [hbm4b:s8+s15], $0x40, $0x38;
	[tilespmem:$0x1EF78] =	vst v63  }
0xcf: {  	s2 =	sadd.s32 $0x80, s2  }
.Ltmp15:
0xd0: {  	_ = 	snop;
	(pc) =	sbr.rel .LBB3_5-.Ltmp15, $1  }
0xd1: {  	_ =	sdelay $0x3  }
.LBB3_9:
0xd2: {  	p2 =	slt.u32 s19, $0x2  }
.Ltmp16:
0xd3: {  	_ = 	snop;
	(pc) =	sbr.rel @p2 .LBB3_27-.Ltmp16, $1  }
0xd4: {  	_ =	sdelay $0x3  }
0xd5: {  	p2 =	sgt.s32 s20, $0xC210;
	s0 =	smov.u32 s20  }
0xd6: {  	s2 =	sshra.s32 s20, $0x1F;
	s8 =	ssub.s32 $0xC350, s20;
	s0 =	simm.s32 @!p2 $0xC210  }
0xd7: {  	s2 =	sand.u32 s2, s20;
	p2 =	slt.s32 s8, $0x140;
	s21 =	smov.u32 s8  }
0xd8: {  	s0 =	ssub.s32 s0, s2;
	s21 =	simm.s32 @!p2 $0x140  }
0xd9: {  	s0 =	sadd.s32 $0xFFFF3DF0, s0;
	s26 =	sshll.u32 s21, $0x6  }
0xda: {  	s9 =	simm.s32 $0x7;
	s29 =	sshll.u32 s0, $0x2;
	s2 =	sand.u32 $0x3FFFFFC0, s26  }
0xdb: {  	p2 =	sgt.s32 s0, $0x13F;
	s30 =	ssub.s32 $0x500, s29;
	_ =	swait.ge [sflag:s9], s2  }
0xdc: {  	s2 =	ssub.s32 $0x0, s2;
	[sflag:s9] =	ssyncset.done $0x0;
	s0 =	sshrl.u32 s30, $0x2  }
0xdd: {  	[sflag:s9] =	ssyncadd.s32 s2;
	s0 =	simm.s32 @p2 $0x0  }
0xde: {  	_ =	swait.ge [sflag:s10], s0  }
0xdf: {  	s0 =	ssub.s32 $0x0, s0;
	[sflag:s10] =	ssyncset.done $0x0  }
0xe0: {  	[sflag:s10] =	ssyncadd.s32 s0  }
0xe1: {  	v1 =	vld [tilespmem:$0xA108];
	_ =	sdelay $0x4  }
0xe2: {  	(v2sf) =	vpush v1, $0x0  }
0xe3: {  	(v2sf) =	vpush v1, $0x1  }
0xe4: {  	(v2sf) =	vpush v1, $0x2;
	_ =	sdelay $0x3  }
0xe5: {  	s0 =	sadd.s32 $0x140, s20  }
0xe6: {  	p2 =	slt.s32 s7, s0  }
0xe7: {  	s0 =	smov.u32 @p2 s7;
	p2 =	sgt.s32 s8, $0x0  }
0xe8: {  	s24 =	ssub.s32 s0, s20;
	s8 =	simm.s32 @!p2 $0x0  }
0xe9: {  	p2 =	slt.s32 s8, s24  }
0xea: {  	s24 =	smov.u32 @p2 s8  }
0xeb: {  	s23 =	simm.s32 $0x1;
	p2 =	slt.s32 s24, $0x1  }
.Ltmp17:
0xec: {  	s23 =	simm.s32 @!p1 $0x0;
	(pc) =	sbr.rel @p2 .LBB3_14-.Ltmp17, $4  }
0xed: {  	s31 =	smul.u32 $0x500, s23  }
0xee: {  	s25 =	spop (v2sf)  }
0xef: {  	s0 =	sshrl.u32 s31, $0x2;
	s28 =	spop (v2sf)  }
0xf0: {  	s21 =	sadd.s32 $0xACF8, s0;
	s20 =	spop (v2sf)  }
0xf1: {  	s0 =	smin.u32 s24, $0x10  }
0xf2: {  	v1 =	vmov s0  }
0xf3: {  	p3 =	sgt.s32 s24, $0x10;
	vm1 =	vgt.u32 v1, v0  }
.Ltmp18:
0xf4: {  	_ = 	snop;
	(pc) =	sbr.rel @!p3 .LBB3_13-.Ltmp18, $2  }
0xf5: {  	_ =	sdelay $0x2  }
0xf6: {  	s26 =	simm.s32 $0x10;
	s29 =	sadd.s32 $0xFFFFFFF0, s24;
	s22 =	smov.u32 s21;
	vm0 =	vmmov vm1  }
.LBB3_12:
0xf7: {  	s0 =	smin.u32 s29, $0x10;
	s26 =	sadd.s32 $0x10, s26;
	v1 =	vld.msk [tilespmem:s22+$0x0 ss:$0x1], vm1  }
0xf8: {  	v2 =	vmov s0;
	p3 =	slt.s32 s26, s24  }
0xf9: {  	vm1 =	vgt.u32 v2, v0  }
.Ltmp19:
0xfa: {  	(pc) =	sbr.rel @p3 .LBB3_12-.Ltmp19, $3  }
0xfb: {  	_ =	sdelay $0x1  }
0xfc: {  	v1 =	vshll.u32 v1, $0x4  }
0xfd: {  	s29 =	sadd.s32 $0xFFFFFFF0, s29;
	[tilespmem:s22+$0x0] =	vst.msk vm0, v1;
	s22 =	sadd.s32 $0x10, s22;
	vm0 =	vmmov vm1  }
.LBB3_13:
0xfe: {  	_ =	sdelay $0x4  }
0xff: {  	v1 =	vld.msk [tilespmem:s22+$0x0 ss:$0x1], vm1;
	_ =	sdelay $0x4  }
0x100: {  	v1 =	vshll.u32 v1, $0x4  }
0x101: {  	[tilespmem:s22+$0x0] =	vst.msk vm0, v1  }
.LBB3_14:
0x102: {  	s0 =	sand.u32 $0x1, s19  }
0x103: {  	s0 =	smul.u32 $0x140, s0  }
0x104: {  	p3 =	sne.s32 s28, $0xFFFFFFFF  }
0x105: {  	v1 =	vld.msk @!p3 [tilespmem:s0+$0xACF8], $0x1;
	_ =	sdelay $0x4  }
0x106: {  	(v2sf) =	vpush @!p3 v1, $0x0;
	_ =	sdelay $0xc  }
.Ltmp20:
0x107: {  	_ = 	snop;
	(pc) =	sbr.rel @p2 .LBB3_25-.Ltmp20, $4  }
0x108: {  	_ = 	snop  }
0x109: {  	s26 =	spop @!p3 (v2sf)  }
0x10a: {  	s20 =	simm.s32 @!p3 $0x0;
	s22 =	smov.u32 s26  }
0x10b: {  	[sflag:s16] =	ssyncpa.u1 $0x0;
	s26 =	smov.u32 @p3 s25;
	s22 =	smov.u32 @p3 s28  }
0x10c: {  	v1 =	vld.msk [tilespmem:s21+$0x0], $0x1;
	_ =	sdelay $0x4  }
0x10d: {  	(v2sf) =	vpush v1, $0x0;
	_ =	sdelay $0xe  }
0x10e: {  	s0 =	smul.u32 $0x28000, s23;
	s30 =	spop (v2sf)  }
0x10f: {  	s24 =	ssub.s32 $0x0, s24;
	p2 =	seq.s32 s26, s30  }
0x110: {  	s28 =	sadd.s32 $0x1, s24;
	s0 =	sshrl.u32 s0, $0x2;
	p3 =	sgt.s32 @!p2 s26, $0x0  }
0x111: {  	s23 =	sadd.s32 $0xAF98, s0;
	s0 =	smov.u32 s26;
	p3 =	por !p3, p2  }
0x112: {  	s0 =	simm.s32 @p3 $0x0;
	p3 =	seq.s32 s28, $0x0  }
.Ltmp21:
0x113: {  	_ = 	snop;
	(pc) =	sbr.rel @p3 .LBB3_17-.Ltmp21, $4  }
0x114: {  	_ = 	snop  }
0x115: {  	s25 =	simm.s32 $0x0;
	s31 =	simm.s32 @!p2 $0x1;
	s2 =	smin.u32 @!p2 s0, $0x678  }
0x116: {  	s29 =	sadd.s32 $0x1, s21;
	s31 =	smov.u32 @p2 s25;
	s8 =	sand.u32 @!p2 $0x7F8, s2  }
0x117: {  	s0 =	simm.s32 @!p2 $0x50C8;
	s2 =	sand.u32 @!p2 $0x7, s2;
	s8 =	sadd.s32 @!p2 s1, s8  }
.LBB3_16:
0x118: {  	s9 =	smov.u32 s31  }
0x119: {  	[tilespmem:s0], [sflag:$0x2] =	stream.linear.gather @!p2 [hbm4b:s8+s2], $0x40, $0x38;
	[tilespmem:$0x1EF78] =	vst v63  }
0x11a: {  	s28 =	sadd.s32 $0x1, s28;
	s2 =	smov.u32 s30;
	v1 =	vld.msk [tilespmem:s29+$0x0], $0x1  }
0x11b: {  	p3 =	seq.s32 s28, $0x0;
	_ =	sdelay $0x3  }
0x11c: {  	(v2sf) =	vpush v1, $0x0;
	_ =	sdelay $0xe  }
0x11d: {  	s30 =	spop (v2sf)  }
0x11e: {  	p2 =	seq.s32 s2, s30  }
0x11f: {  	p4 =	sgt.s32 @!p2 s2, $0x0;
	s0 =	sshll.u32 @!p2 s31, $0x8;
	s31 =	sadd.s32 @!p2 $0x1, s31  }
.Ltmp22:
0x120: {  	p4 =	por !p4, p2;
	s0 =	sshra.s32 @!p2 s0, $0x2;
	(pc) =	sbr.rel @!p3 .LBB3_16-.Ltmp22, $4  }
0x121: {  	s31 =	smov.u32 @p2 s9;
	s2 =	simm.s32 @p4 $0x0;
	s0 =	sadd.s32 @!p2 $0x50C8, s0  }
0x122: {  	s2 =	smin.u32 @!p2 s2, $0x678  }
0x123: {  	s8 =	sand.u32 @!p2 $0x7F8, s2;
	s2 =	sand.u32 @!p2 $0x7, s2  }
0x124: {  	s29 =	sadd.s32 $0x1, s29;
	s8 =	sadd.s32 @!p2 s1, s8  }
.LBB3_17:
0x125: {  	[tilespmem:s0], [sflag:$0x2] =	stream.linear.gather @!p2 [hbm4b:s8+s2], $0x40, $0x38;
	[tilespmem:$0x1EF78] =	vst v63  }
.Ltmp23:
0x126: {  	s30 =	sshll.u32 s31, $0x6;
	(pc) =	sbr.rel .LBB3_18-.Ltmp23, $4  }
0x127: {  	s31 =	simm.s32 $0x2;
	s0 =	sand.u32 $0x3FFFFFC0, s30  }
0x128: {  	_ =	swait.ge [sflag:s31], s0  }
0x129: {  	s0 =	ssub.s32 $0x0, s0;
	[sflag:s31] =	ssyncset.done $0x0  }
0x12a: {  	s29 =	simm.s32 $0x0;
	[sflag:s31] =	ssyncadd.s32 s0  }
.LBB3_19:
0x12b: {  	v1 =	vld [tilespmem:s23+$0xFFFFFFE0];
	_ =	sdelay $0x4  }
0x12c: {  	[tilespmem:s30+$0x88] =	vst.add.f32.msk $0xffff, v1  }
0x12d: {  	v1 =	vld [tilespmem:s23+$0xFFFFFFF0];
	_ =	sdelay $0x4  }
0x12e: {  	[tilespmem:s30+$0x98] =	vst.add.f32.msk $0xffff, v1  }
0x12f: {  	v1 =	vld [tilespmem:s23+$0x0];
	_ =	sdelay $0x4  }
0x130: {  	[tilespmem:s30+$0xA8] =	vst.add.f32.msk $0xffff, v1  }
0x131: {  	v1 =	vld [tilespmem:s23+$0x10];
	_ =	sdelay $0x4  }
0x132: {  	[tilespmem:s30+$0xB8] =	vst.add.f32.msk $0xffff, v1  }
.LBB3_23:
0x133: {  	s24 =	sadd.s32 $0x1, s24  }
0x134: {  	p2 =	seq.s32 s24, $0x0  }
.Ltmp24:
0x135: {  	_ = 	snop;
	(pc) =	sbr.rel @p2 .LBB3_24-.Ltmp24, $2  }
0x136: {  	_ =	sdelay $0x2  }
0x137: {  	s23 =	sadd.s32 $0x80, s23;
	s21 =	sadd.s32 $0x1, s21;
	s26 =	smov.u32 s28  }
.LBB3_18:
0x138: {  	v1 =	vld.msk [tilespmem:s21+$0x0], $0x1;
	_ =	sdelay $0x4  }
0x139: {  	(v2sf) =	vpush v1, $0x0;
	_ =	sdelay $0xe  }
0x13a: {  	s28 =	spop (v2sf)  }
0x13b: {  	p2 =	sne.s32 s26, s28  }
.Ltmp25:
0x13c: {  	_ = 	snop;
	(pc) =	sbr.rel @!p2 .LBB3_19-.Ltmp25, $3  }
0x13d: {  	_ =	sdelay $0x1  }
0x13e: {  	s0 =	sshll.u32 s20, $0x8  }
0x13f: {  	s30 =	sshra.s32 s0, $0x2  }
0x140: {  	p2 =	seq.s32 s26, s22  }
.Ltmp26:
0x141: {  	_ = 	snop;
	(pc) =	sbr.rel @!p2 .LBB3_21-.Ltmp26, $1  }
0x142: {  	_ =	sdelay $0x3  }
.Ltmp27:
0x143: {  	s0 =	sadd.s32 $0x88, s30;
	(pc) =	sbr.rel .LBB3_22-.Ltmp27, $4  }
0x144: {  	[spmem:s13] =	stream.linear.scatter [tilespmem:s0], [sflag:$0x1], $0x40, $0x38;
	[tilespmem:$0x1EF78] =	vst v63  }
0x145: {  	_ =	swait.ge [sflag:s11], $0x40  }
0x146: {  	[sflag:s11] =	ssyncset.done $0x0  }
0x147: {  	[sflag:s11] =	ssyncadd.s32 $0xFFFFFFC0  }
.LBB3_21:
0x148: {  	s0 =	sshll.u32 s25, $0x8  }
0x149: {  	s0 =	sshra.s32 s0, $0x2  }
0x14a: {  	v1 =	vld [tilespmem:s0+$0x50C8];
	_ =	sdelay $0x4  }
0x14b: {  	[tilespmem:s30+$0x88] =	vst.add.f32.msk $0xffff, v1  }
0x14c: {  	v1 =	vld [tilespmem:s0+$0x50D8];
	_ =	sdelay $0x4  }
0x14d: {  	[tilespmem:s30+$0x98] =	vst.add.f32.msk $0xffff, v1  }
0x14e: {  	v1 =	vld [tilespmem:s0+$0x50E8];
	_ =	sdelay $0x4  }
0x14f: {  	[tilespmem:s30+$0xA8] =	vst.add.f32.msk $0xffff, v1  }
0x150: {  	v1 =	vld [tilespmem:s0+$0x50F8];
	_ =	sdelay $0x2  }
0x151: {  	p2 =	sgt.u32 s26, $0x678  }
0x152: {  	s0 =	sand.u32 @!p2 $0x7F8, s26  }
0x153: {  	s2 =	sadd.s32 $0x88, s30;
	s8 =	sand.u32 @!p2 $0x7, s26;
	s0 =	sadd.s32 @!p2 s1, s0;
	[tilespmem:s30+$0xB8] =	vst.add.f32.msk $0xffff, v1  }
0x154: {  	[hbm4b:s0+s8] =	stream.linear.scatter @!p2 [tilespmem:s2], [sflag:$0xA], $0x40, $0x38;
	[tilespmem:$0x1EF78] =	vst v63  }
0x155: {  	s0 =	simm.s32 $0x0  }
0x156: {  	s0 =	simm.s32 @!p2 $0x100  }
0x157: {  	s29 =	sadd.s32 s0, s29  }
.LBB3_22:
0x158: {  	s0 =	sadd.s32 $0x1, s20  }
0x159: {  	s2 =	smulhi.u32 $0xCCCCCCCD, s0;
	_ =	sdelay $0x1  }
0x15a: {  	v1 =	vld [tilespmem:s23+$0xFFFFFFE0];
	s2 =	sshrl.u32 s2, $0x8  }
0x15b: {  	s2 =	smul.u32 $0x140, s2;
	_ =	sdelay $0x1  }
0x15c: {  	s20 =	ssub.s32 s0, s2  }
0x15d: {  	s0 =	sshll.u32 s20, $0x6  }
0x15e: {  	[tilespmem:s0+$0x88] =	vst v1  }
0x15f: {  	v1 =	vld [tilespmem:s23+$0xFFFFFFF0];
	_ =	sdelay $0x4  }
0x160: {  	[tilespmem:s0+$0x98] =	vst v1  }
0x161: {  	v1 =	vld [tilespmem:s23+$0x0];
	_ =	sdelay $0x4  }
0x162: {  	[tilespmem:s0+$0xA8] =	vst v1  }
0x163: {  	v1 =	vld [tilespmem:s23+$0x10]  }
.Ltmp28:
0x164: {  	_ = 	snop;
	(pc) =	sbr.rel .LBB3_23-.Ltmp28, $2  }
0x165: {  	_ =	sdelay $0x2  }
0x166: {  	s25 =	sadd.s32 $0x1, s25;
	[tilespmem:s0+$0xB8] =	vst v1  }
.LBB3_25:
.Ltmp29:
0x167: {  	(pc) =	sbr.rel .LBB3_26-.Ltmp29, $4  }
0x168: {  	_ = 	snop  }
0x169: {  	s0 =	simm.s32 $0x2  }
0x16a: {  	_ =	swait.ge [sflag:s0], $0x0  }
0x16b: {  	s28 =	smov.u32 s26;
	[sflag:s0] =	ssyncset.done $0x0;
	s0 =	simm.s32 $0x0  }
.LBB3_28:
0x16c: {  	_ =	sfence.sel $0x180000  }
0x16d: {  	s0 =	simm.s32 $0x7;
	[bflag:$0x0] =	sbarrier.arrive $0xFFFF  }
0x16e: {  	s25 =	simm.s32 $0x8;
	[sflag:s0] =	ssyncpa.u1 $0x1  }
0x16f: {  	s26 =	simm.s32 $0x9;
	[sflag:s25] =	ssyncpa.u1 $0x1  }
0x170: {  	s28 =	simm.s32 $0x2;
	[sflag:s26] =	ssyncpa.u1 $0x1  }
0x171: {  	[sflag:s28] =	ssyncpa.u1 $0x1  }
0x172: {  	v0 =	vld [tilespmem:$0xA108];
	_ =	sdelay $0x4  }
0x173: {  	(v2sf) =	vpush v0, $0x0  }
0x174: {  	(v2sf) =	vpush v0, $0x1;
	_ =	sdelay $0x1  }
0x175: {  	(v2sf) =	vpush v0, $0x2;
	_ =	sdelay $0xb  }
0x176: {  	s0 =	spop (v2sf)  }
0x177: {  	s2 =	spop (v2sf)  }
0x178: {  	s3 =	smov.u32 s0;
	p0 =	sne.s32 s0, s2  }
0x179: {  	s4 =	spop (v2sf);
	s3 =	simm.s32 @!p0 $0xFFFFFFFF  }
0x17a: {  	v2 =	vimm.s32 $0x1;
	v3 =	vlaneseq.u32;
	p0 =	seq.s32 s4, $0xFFFFFFFF;
	v1 =	vmov s3  }
0x17b: {  	s7 =	stileid.u32;
	v0 =	vperm.xlane v0, v2;
	p1 =	sne.s32 @!p0 s0, s2;
	v1 =	vperm.xlane v1, v3  }
0x17c: {  	vm0 =	vcmask $0x3F04;
	s6 =	simm.s32 $0xA108;
	s0 =	simm.s32 @!p0 $0x1;
	p1 =	por !p1, p0  }
0x17d: {  	s3 =	sshll.u32 s7, $0x1;
	s2 =	sshll.u32 @!p0 s4, $0x8;
	s0 =	simm.s32 @p1 $0x0;
	v0 =	vsel vm0, v1, v0  }
0x17e: {  	s5 =	sor.u32 $0x800, s3;
	s2 =	sshra.s32 @!p0 s2, $0x2;
	s0 =	sor.u32 @!p0 s0, s3;
	[tilespmem:$0xA108] =	vst v0  }
0x17f: {  	[spmem:s5] =	stream.linear.scatter [tilespmem:s6], [sflag:$0x1], $0x2, $0x38;
	[tilespmem:$0x1EF78] =	vst v63  }
0x180: {  	s2 =	sadd.s32 @!p0 $0x88, s2;
	s0 =	sshll.u32 @!p0 s0, $0x6  }
0x181: {  	[spmem:s0] =	stream.linear.scatter @!p0 [tilespmem:s2], [sflag:$0x1], $0x40, $0x38;
	[tilespmem:$0x1EF78] =	vst v63  }
0x182: {  	s2 =	simm.s32 @!p0 $0x42  }
0x183: {  	s0 =	simm.s32 $0x1;
	s2 =	simm.s32 @p0 $0x2  }
0x184: {  	_ =	swait.ge [sflag:s0], s2  }
0x185: {  	s2 =	ssub.s32 $0x0, s2;
	[sflag:s0] =	ssyncset.done $0x0  }
0x186: {  	[sflag:s0] =	ssyncadd.s32 s2  }
0x187: {  	_ =	sfence.stream.spmem  }
0x188: {  	s29 =	simm.s32 $0x3;
	[bflag:$0x0] =	sbarrier.arrive $0xFFFF  }
0x189: {  	s30 =	simm.s32 $0x4;
	[sflag:s29] =	ssyncpa.u1 $0x1  }
0x18a: {  	s31 =	simm.s32 $0x3C;
	[sflag:s30] =	ssyncpa.u1 $0x1  }
0x18b: {  	p0 =	sne.s32 s7, $0x0;
	[sflag:s31] =	ssyncpa.u1 $0x1  }
0x18c: {  	_ =	sfence @p0  }
0x18d: {  	[sflag:s0] =	ssyncpa.u1 @p0 $0x1  }
0x18e: {  	_ =	strace @p0 $0x9000005F  }
0x18f: {  	[bflag:$0x2] =	sbarrier.arrive @p0 $0xFFFF  }
0x190: {  	_ =	shalt @p0  }
.LBB3_29:
0x191: {  	_ =	sfence.stream.spmem;
	s0 =	simm.s32 $0x5  }
0x192: {  	s2 =	simm.s32 $0x800;
	s3 =	simm.s32 $0xA118;
	[sflag:s0] =	ssyncpa.u1 $0x0  }
0x193: {  	[tilespmem:s3], [sflag:$0x5] =	stream.linear.gather [spmem:s2], $0x20, $0x38;
	[tilespmem:$0x1EF78] =	vst v63  }
0x194: {  	s30 =	simm.s32 $0xA138;
	s2 =	simm.s32 $0x0  }
0x195: {  	[tilespmem:s30], [sflag:$0x5] =	stream.linear.gather [spmem:s2], $0x800, $0x38;
	[tilespmem:$0x1EF78] =	vst v63  }
.Ltmp30:
0x196: {  	_ = 	snop;
	(pc) =	sbr.rel .LBB3_30-.Ltmp30, $4  }
0x197: {  	_ =	swait.ge [sflag:s0], $0x820  }
0x198: {  	[sflag:s0] =	ssyncset.done $0x0  }
0x199: {  	s31 =	simm.s32 $0x6;
	[sflag:s0] =	ssyncadd.s32 $0xFFFFF7E0  }
0x19a: {  	s3 =	simm.s32 $0x0;
	[sflag:s31] =	ssyncpa.u1 $0x0  }
.LBB3_36:
0x19b: {  	p0 =	slt.u32 s4, $0x679  }
0x19c: {  	s0 =	sand.u32 @p0 $0x7F8, s4  }
0x19d: {  	s4 =	sand.u32 @p0 $0x7, s4;
	s5 =	simm.s32 @p0 $0xA0C8;
	s0 =	sadd.s32 @p0 s1, s0  }
0x19e: {  	[tilespmem:s5], [sflag:$0x6] =	stream.linear.gather @p0 [hbm4b:s0+s4], $0x40, $0x38;
	[tilespmem:$0x1EF78] =	vst v63  }
0x19f: {  	s0 =	simm.s32 @p0 $0x6  }
0x1a0: {  	_ =	swait.ge @p0 [sflag:s0], $0x40  }
0x1a1: {  	[sflag:s0] =	ssyncset.done @p0 $0x0  }
0x1a2: {  	[sflag:s0] =	ssyncadd.s32 @p0 $0xFFFFFFC0  }
0x1a3: {  	v1 =	vld @p0 [tilespmem:$0xA0C8];
	_ =	sdelay $0x2  }
0x1a4: {  	s0 =	sshll.u32 @p0 s3, $0x8  }
0x1a5: {  	s4 =	sshrl.u32 @p0 s0, $0x2  }
0x1a6: {  	[tilespmem:s4+$0xA138] =	vst.add.f32.msk @p0 $0xffff, v1  }
0x1a7: {  	v1 =	vld @p0 [tilespmem:$0xA0D8];
	_ =	sdelay $0x4  }
0x1a8: {  	[tilespmem:s4+$0xA148] =	vst.add.f32.msk @p0 $0xffff, v1  }
0x1a9: {  	v1 =	vld @p0 [tilespmem:$0xA0E8];
	_ =	sdelay $0x4  }
0x1aa: {  	[tilespmem:s4+$0xA158] =	vst.add.f32.msk @p0 $0xffff, v1  }
0x1ab: {  	v1 =	vld @p0 [tilespmem:$0xA0F8];
	_ =	sdelay $0x3  }
0x1ac: {  	s5 =	sshll.u32 @!p0 s3, $0x8  }
0x1ad: {  	s5 =	smov.u32 @p0 s0;
	[tilespmem:s4+$0xA168] =	vst.add.f32.msk @p0 $0xffff, v1  }
0x1ae: {  	s0 =	sshrl.u32 s5, $0x2;
	[tilespmem:s2+$0xA118] =	vst.msk $0x1, v0  }
0x1af: {  	v0 =	vld [tilespmem:s0+$0xA138];
	_ =	sdelay $0x2  }
0x1b0: {  	s31 =	sshll.u32 s2, $0x8  }
0x1b1: {  	s4 =	sshra.s32 s31, $0x2  }
0x1b2: {  	[tilespmem:s4+$0xA138] =	vst v0  }
0x1b3: {  	v0 =	vld [tilespmem:s0+$0xA148];
	_ =	sdelay $0x4  }
0x1b4: {  	[tilespmem:s4+$0xA148] =	vst v0  }
0x1b5: {  	v0 =	vld [tilespmem:s0+$0xA158];
	_ =	sdelay $0x4  }
0x1b6: {  	[tilespmem:s4+$0xA158] =	vst v0  }
0x1b7: {  	v0 =	vld [tilespmem:s0+$0xA168];
	_ =	sdelay $0x4  }
0x1b8: {  	s2 =	sadd.s32 $0x1, s2;
	[tilespmem:s4+$0xA168] =	vst v0  }
.LBB3_37:
0x1b9: {  	s3 =	sadd.s32 $0x1, s3  }
0x1ba: {  	p0 =	sne.s32 s3, $0x20  }
.Ltmp31:
0x1bb: {  	_ = 	snop;
	(pc) =	sbr.rel @!p0 .LBB3_38-.Ltmp31, $1  }
0x1bc: {  	_ =	sdelay $0x3  }
.LBB3_30:
0x1bd: {  	v0 =	vld.msk [tilespmem:s3+$0xA118], $0x1;
	_ =	sdelay $0x4  }
0x1be: {  	(v2sf) =	vpush v0, $0x0;
	_ =	sdelay $0xe  }
0x1bf: {  	s4 =	spop (v2sf)  }
0x1c0: {  	p0 =	seq.s32 s4, $0xFFFFFFFF  }
.Ltmp32:
0x1c1: {  	_ = 	snop;
	(pc) =	sbr.rel @p0 .LBB3_37-.Ltmp32, $1  }
0x1c2: {  	_ =	sdelay $0x3  }
0x1c3: {  	p0 =	slt.s32 s2, $0x1  }
.Ltmp33:
0x1c4: {  	_ = 	snop;
	(pc) =	sbr.rel @p0 .LBB3_36-.Ltmp33, $1  }
0x1c5: {  	_ =	sdelay $0x3  }
0x1c6: {  	s5 =	simm.s32 $0xA118;
	p0 =	por $0x0, $0x0  }
0x1c7: {  	v1 =	vld.msk @!p0 [tilespmem:s5+$0x0], $0x1;
	_ =	sdelay $0x4  }
0x1c8: {  	(v2sf) =	vpush @!p0 v1, $0x0;
	_ =	sdelay $0xd  }
0x1c9: {  	p2 =	sne.s32 s2, $0x1  }
.Ltmp34:
0x1ca: {  	s0 =	spop @!p0 (v2sf);
	(pc) =	sbr.rel @!p2 .LBB3_34-.Ltmp34, $4  }
0x1cb: {  	p1 =	seq.s32 @!p0 s4, s0  }
0x1cc: {  	s6 =	simm.s32 $0x0;
	p1 =	por !p1, p0  }
0x1cd: {  	s0 =	simm.s32 $0xFFFFFFFF;
	s6 =	simm.s32 @p1 $0xFFFFFFFF  }
0x1ce: {  	s7 =	simm.s32 $0x1;
	s6 =	smov.u32 @p0 s0  }
.LBB3_33:
0x1cf: {  	s0 =	smov.u32 s6;
	p0 =	sne.s32 s6, $0xFFFFFFFF  }
0x1d0: {  	s5 =	sadd.s32 $0x1, s5;
	s6 =	smov.u32 s7;
	s7 =	sadd.s32 $0x1, s7  }
0x1d1: {  	p1 =	sne.s32 s2, s7;
	v1 =	vld.msk @!p0 [tilespmem:s5+$0x0], $0x1;
	_ =	sdelay $0x4  }
0x1d2: {  	(v2sf) =	vpush @!p0 v1, $0x0;
	_ =	sdelay $0xe  }
.Ltmp35:
0x1d3: {  	s8 =	spop @!p0 (v2sf);
	(pc) =	sbr.rel @p1 .LBB3_33-.Ltmp35, $4  }
0x1d4: {  	p2 =	seq.s32 @!p0 s4, s8  }
0x1d5: {  	p2 =	por !p2, p0  }
0x1d6: {  	s6 =	simm.s32 @p2 $0xFFFFFFFF  }
0x1d7: {  	s6 =	smov.u32 @p0 s0  }
.LBB3_34:
0x1d8: {  	p0 =	seq.s32 s6, $0xFFFFFFFF  }
.Ltmp36:
0x1d9: {  	_ = 	snop;
	(pc) =	sbr.rel @p0 .LBB3_36-.Ltmp36, $1  }
0x1da: {  	_ =	sdelay $0x3  }
0x1db: {  	s0 =	sshll.u32 s3, $0x6  }
0x1dc: {  	s0 =	sand.u32 $0x3FFFFFC0, s0  }
0x1dd: {  	v0 =	vld [tilespmem:s0+$0xA138];
	_ =	sdelay $0x2  }
0x1de: {  	s4 =	sshll.u32 s6, $0x8  }
0x1df: {  	s4 =	sshra.s32 s4, $0x2  }
0x1e0: {  	[tilespmem:s4+$0xA138] =	vst.add.f32.msk $0xffff, v0  }
0x1e1: {  	v0 =	vld [tilespmem:s0+$0xA148];
	_ =	sdelay $0x4  }
0x1e2: {  	[tilespmem:s4+$0xA148] =	vst.add.f32.msk $0xffff, v0  }
0x1e3: {  	v0 =	vld [tilespmem:s0+$0xA158];
	_ =	sdelay $0x4  }
0x1e4: {  	[tilespmem:s4+$0xA158] =	vst.add.f32.msk $0xffff, v0  }
0x1e5: {  	v0 =	vld [tilespmem:s0+$0xA168]  }
.Ltmp37:
0x1e6: {  	_ = 	snop;
	(pc) =	sbr.rel .LBB3_37-.Ltmp37, $2  }
0x1e7: {  	_ =	sdelay $0x2  }
0x1e8: {  	[tilespmem:s4+$0xA168] =	vst.add.f32.msk $0xffff, v0  }
.LBB3_38:
0x1e9: {  	p0 =	slt.s32 s2, $0x1  }
.Ltmp38:
0x1ea: {  	_ = 	snop;
	(pc) =	sbr.rel @p0 .LBB3_42-.Ltmp38, $3  }
0x1eb: {  	_ =	sdelay $0x1  }
0x1ec: {  	s0 =	simm.s32 $0x6  }
0x1ed: {  	s3 =	simm.s32 $0x0;
	[sflag:s0] =	ssyncpa.u1 $0x1  }
0x1ee: {  	s0 =	simm.s32 $0xA118  }
0x1ef: {  	v0 =	vld.msk [tilespmem:s0+$0x0], $0x1;
	_ =	sdelay $0x4  }
0x1f0: {  	(v2sf) =	vpush v0, $0x0;
	_ =	sdelay $0xe  }
0x1f1: {  	s2 =	sadd.s32 $0xFFFFFFFF, s2;
	s0 =	spop (v2sf)  }
0x1f2: {  	p1 =	sne.s32 s2, $0x0;
	p0 =	sgt.u32 s0, $0x678  }
.Ltmp39:
0x1f3: {  	s5 =	sand.u32 @!p0 $0x7F8, s0;
	(pc) =	sbr.rel @!p1 .LBB3_41-.Ltmp39, $4  }
0x1f4: {  	s4 =	simm.s32 $0xA138;
	s0 =	sand.u32 @!p0 $0x7, s0;
	s5 =	sadd.s32 @!p0 s1, s5  }
0x1f5: {  	[hbm4b:s5+s0] =	stream.linear.scatter @!p0 [tilespmem:s4], [sflag:$0x5], $0x40, $0x38;
	[tilespmem:$0x1EF78] =	vst v63  }
0x1f6: {  	s0 =	simm.s32 $0x0  }
0x1f7: {  	s5 =	simm.s32 $0xA119;
	s0 =	simm.s32 @!p0 $0x100  }
.LBB3_40:
0x1f8: {  	v0 =	vld.msk [tilespmem:s5+$0x0], $0x1;
	s2 =	sadd.s32 $0xFFFFFFFF, s2;
	s3 =	sadd.s32 s3, s0  }
0x1f9: {  	p0 =	sne.s32 s2, $0x0;
	_ =	sdelay $0x3  }
0x1fa: {  	(v2sf) =	vpush v0, $0x0;
	_ =	sdelay $0xe  }
.Ltmp40:
0x1fb: {  	s6 =	spop (v2sf);
	(pc) =	sbr.rel @p0 .LBB3_40-.Ltmp40, $4  }
0x1fc: {  	s0 =	simm.s32 $0x0;
	p1 =	sgt.u32 s6, $0x678  }
0x1fd: {  	s4 =	sadd.s32 $0x40, s4;
	s0 =	simm.s32 @!p1 $0x100;
	s7 =	sand.u32 @!p1 $0x7F8, s6  }
0x1fe: {  	s5 =	sadd.s32 $0x1, s5;
	s6 =	sand.u32 @!p1 $0x7, s6;
	s7 =	sadd.s32 @!p1 s1, s7  }
0x1ff: {  	[hbm4b:s7+s6] =	stream.linear.scatter @!p1 [tilespmem:s4], [sflag:$0x5], $0x40, $0x38;
	[tilespmem:$0x1EF78] =	vst v63  }
.LBB3_41:
0x200: {  	s0 =	sadd.s32 s3, s0  }
0x201: {  	s3 =	sshrl.u32 s0, $0x2  }
.LBB3_42:
0x202: {  	s0 =	simm.s32 $0x5  }
0x203: {  	_ =	swait.ge [sflag:s0], s3  }
0x204: {  	s1 =	ssub.s32 $0x0, s3;
	[sflag:s0] =	ssyncset.done $0x0  }
0x205: {  	[sflag:s0] =	ssyncadd.s32 s1  }
0x206: {  	[sflag:s0] =	ssyncpa.u1 $0x1  }
0x207: {  	s30 =	simm.s32 $0x1;
	_ =	sfence  }
0x208: {  	[sflag:s30] =	ssyncpa.u1 $0x1  }
0x209: {  	_ =	strace $0x9000005F  }
0x20a: {  	[bflag:$0x2] =	sbarrier.arrive $0xFFFF  }
0x20b: {  	s31 =	rddreg [dreg:$0x1]  }
0x20c: {  	s0 =	sadd.s32 $0x100000, s31  }
0x20d: {  	[sflag:s0] =	ssyncadd.tile.s32 $0x1;
	_ =	shalt  }
.Lfunc_end3:
_tile_overlayer_lowered:
.L_overlay_start_3:
0x20e: {  	(tag) =	ssettag $0x3  }
0x20f: {  	s0 =	rddreg [dreg:$0x0];
	s2 =	stileid.u32  }
0x210: {  	s1 =	rddreg [dreg:$0x1];
	p0 =	sne.s32 s2, $0x0  }
0x211: {  	s3 =	rddreg [dreg:$0x2];
	[bflag:$0x3] =	sbarrier.arrive $0xFFFF;
	s2 =	simm.s32 @!p0 $0x1C01  }
0x212: {  	[timem:s3], [sflag:s2] =	dma.local @!p0 [hbm:s0], s1  }
0x213: {  	s0 =	simm.s32 @!p0 $0x1  }
0x214: {  	_ =	swait.ge @!p0 [sflag:s0], s1  }
0x215: {  	s1 =	ssub.s32 @!p0 $0x0, s1;
	[sflag:s0] =	ssyncset.done @!p0 $0x0  }
0x216: {  	[sflag:s0] =	ssyncadd.s32 @!p0 s1  }
0x217: {  	[bflag:$0x3] =	sbarrier.arrive $0xFFFF  }
0x218: {  	_ =	shalt  }

// kernel: scatter_offload_async_start.4
scs
__scs_entry_jumppad:
0x0: {  	(pc) =	sbr.rel $0x88, $3  }
0x1: {  	(tag) =	ssettag $0x0;
	lr =	simm.s32 $0x1  }
0x2: {  	[smem:$0x3F87] =	sst lr;
	_ =	strace $0xD0000000  }
0x3: {  	_ = 	snop  }
0x4: {  	_ = 	snop  }
0x5: {  	_ = 	snop  }
0x6: {  	_ = 	snop  }
0x7: {  	_ = 	snop  }
__scs_overlays_trampoline_lowered:
0x8: {  	[smem:$0x3F96] =	sst s0  }
0x9: {  	[smem:$0x3F97] =	sst s1  }
0xa: {  	[smem:$0x3F98] =	sst s2  }
0xb: {  	[smem:$0x3F99] =	sst s3  }
0xc: {  	[smem:$0x3F9A] =	sst s4  }
0xd: {  	[smem:$0x3F9B] =	sst s5  }
0xe: {  	[smem:$0x3F9C] =	sst s6  }
0xf: {  	[smem:$0x3F9D] =	sst s7  }
0x10: {  	[smem:$0x3F9E] =	sst s8  }
0x11: {  	[smem:$0x3F9F] =	sst s9;
	s0 =	simm.s32 @!p0 $0x0  }
0x12: {  	s1 =	sld [smem:$0x3F85];
	s0 =	simm.s32 @p0 $0x1  }
0x13: {  	[smem:$0x3FA0] =	sst s0;
	s0 =	simm.s32 @!p1 $0x0  }
0x14: {  	s2 =	sld [smem:$0x3F84];
	s0 =	simm.s32 @p1 $0x1  }
0x15: {  	[smem:$0x3FA1] =	sst s0;
	s0 =	simm.s32 @!p2 $0x0  }
0x16: {  	s3 =	sld [smem:$0x3FDB];
	s0 =	simm.s32 @p2 $0x1  }
0x17: {  	s4 =	simm.s32 $0x1BF5;
	[smem:$0x3FA3] =	sst s0  }
0x18: {  	s0 =	sld [smem:$0x3F86];
	_ =	swait.ge [sflag:s4], $0x0  }
0x19: {  	s7 =	sld [smem:$0x3F87]  }
0x1a: {  	s8 =	sadd.s32 $0xFFFFE003, lr  }
0x1b: {  	s9 =	sadd.s32 $0xFFFFFEF7, lr;
	s5 =	simm.s32 $0xFFFFFFFF;
	p2 =	slt.u32 s8, $0xFFFFF086  }
0x1c: {  	p1 =	slt.u32 s9, $0xF7A;
	s5 =	simm.s32 @!p2 $0x0  }
0x1d: {  	s5 =	simm.s32 @p1 $0x1;
	p0 =	seq.s32 s7, s2  }
0x1e: {  	s7 =	smul.u32 @!p0 $0xF7A, s2;
	p2 =	seq.s32 @!p0 s5, $0x0  }
0x1f: {  	s9 =	smul.u32 $0xF7A, s1;
	s8 =	simm.s32 @!p0 $0x1BF5;
	p2 =	por !p2, p0  }
0x20: {  	[sflag:s8] =	ssyncset.s32 @!p0 $0xFFFFF086;
	s6 =	sadd.s32 @!p0 s3, s7;
	s7 =	simm.s32 @!p0 $0x108  }
0x21: {  	s3 =	sadd.s32 s3, s9;
	s6 =	sadd.s32 @!p0 $0x88, s6;
	s7 =	simm.s32 @p2 $0x1082  }
0x22: {  	[simem:s7], [sflag:s8] =	dma.local @!p0 [hbm:s6], $0xF7A  }
0x23: {  	s9 =	sor.u32 $0xD0000000, s2;
	s6 =	simm.s32 $0x108;
	_ =	swait.ge @!p0 [sflag:s8], $0x0  }
0x24: {  	s3 =	sadd.s32 $0x88, s3;
	s6 =	simm.s32 @!p1 $0x1082;
	[sflag:s4] =	ssyncset.s32 $0xFFFFF086  }
0x25: {  	[simem:s6], [sflag:s4] =	dma.local [hbm:s3], $0xF7A  }
0x26: {  	[smem:$0x3F87] =	sst s1;
	(tag) =	ssettag s2;
	_ =	strace s9  }
0x27: {  	s1 =	sld [smem:$0x3F97]  }
0x28: {  	s2 =	sld [smem:$0x3F98]  }
0x29: {  	s4 =	sld [smem:$0x3F9A]  }
0x2a: {  	p0 =	seq.s32 s5, $0x0;
	s5 =	sld [smem:$0x3F9B]  }
0x2b: {  	s6 =	sld [smem:$0x3F9C]  }
0x2c: {  	s7 =	sld [smem:$0x3F9D]  }
0x2d: {  	s3 =	simm.s32 $0x108;
	s8 =	sld [smem:$0x3F9E]  }
0x2e: {  	s3 =	simm.s32 @!p0 $0x1082;
	s9 =	sld [smem:$0x3F9F]  }
0x2f: {  	lr =	sadd.s32 s0, s3;
	s0 =	sld [smem:$0x3F96]  }
0x30: {  	s3 =	sld [smem:$0x3F99]  }
0x31: {  	[smem:$0x3FA2] =	sst s10  }
0x32: {  	s10 =	sld [smem:$0x3FA0];
	_ =	sdelay $0x3  }
0x33: {  	p0 =	seq.s32 s10, $0x1;
	s10 =	sld [smem:$0x3FA2];
	_ =	sdelay $0x3  }
0x34: {  	[smem:$0x3FA2] =	sst s10  }
0x35: {  	s10 =	sld [smem:$0x3FA1];
	_ =	sdelay $0x3  }
0x36: {  	p1 =	seq.s32 s10, $0x1;
	s10 =	sld [smem:$0x3FA2];
	_ =	sdelay $0x3  }
0x37: {  	[smem:$0x3FA2] =	sst s10  }
0x38: {  	s10 =	sld [smem:$0x3FA3]  }
0x39: {  	_ = 	snop;
	(pc) =	sbr.ind lr, $3  }
0x3a: {  	_ = 	snop  }
0x3b: {  	_ = 	snop  }
0x3c: {  	p2 =	seq.s32 s10, $0x1;
	s10 =	sld [smem:$0x3FA2]  }
0x3d: {  	_ =	shalt  }
0x3e: {  	_ =	shalt  }
0x3f: {  	_ =	shalt  }
0x40: {  	_ =	shalt  }
0x41: {  	_ =	shalt  }
0x42: {  	_ =	shalt  }
0x43: {  	_ =	shalt  }
0x44: {  	_ =	shalt  }
0x45: {  	_ =	shalt  }
0x46: {  	_ =	shalt  }
0x47: {  	_ =	shalt  }
0x48: {  	_ =	shalt  }
0x49: {  	_ =	shalt  }
0x4a: {  	_ =	shalt  }
0x4b: {  	_ =	shalt  }
0x4c: {  	_ =	shalt  }
0x4d: {  	_ =	shalt  }
0x4e: {  	_ =	shalt  }
0x4f: {  	_ =	shalt  }
0x50: {  	_ =	shalt  }
0x51: {  	_ =	shalt  }
0x52: {  	_ =	shalt  }
0x53: {  	_ =	shalt  }
0x54: {  	_ =	shalt  }
0x55: {  	_ =	shalt  }
0x56: {  	_ =	shalt  }
0x57: {  	_ =	shalt  }
0x58: {  	_ =	shalt  }
0x59: {  	_ =	shalt  }
0x5a: {  	_ =	shalt  }
0x5b: {  	_ =	shalt  }
0x5c: {  	_ =	shalt  }
0x5d: {  	_ =	shalt  }
0x5e: {  	_ =	shalt  }
0x5f: {  	_ =	shalt  }
0x60: {  	_ =	shalt  }
0x61: {  	_ =	shalt  }
0x62: {  	_ =	shalt  }
0x63: {  	_ =	shalt  }
0x64: {  	_ =	shalt  }
0x65: {  	_ =	shalt  }
0x66: {  	_ =	shalt  }
0x67: {  	_ =	shalt  }
0x68: {  	_ =	shalt  }
0x69: {  	_ =	shalt  }
0x6a: {  	_ =	shalt  }
0x6b: {  	_ =	shalt  }
0x6c: {  	_ =	shalt  }
0x6d: {  	_ =	shalt  }
0x6e: {  	_ =	shalt  }
0x6f: {  	_ =	shalt  }
0x70: {  	_ =	shalt  }
0x71: {  	_ =	shalt  }
0x72: {  	_ =	shalt  }
0x73: {  	_ =	shalt  }
0x74: {  	_ =	shalt  }
0x75: {  	_ =	shalt  }
0x76: {  	_ =	shalt  }
0x77: {  	_ =	shalt  }
0x78: {  	_ =	shalt  }
0x79: {  	_ =	shalt  }
0x7a: {  	_ =	shalt  }
0x7b: {  	_ =	shalt  }
0x7c: {  	_ =	shalt  }
0x7d: {  	_ =	shalt  }
0x7e: {  	_ =	shalt  }
0x7f: {  	_ =	shalt  }
0x80: {  	_ =	shalt  }
0x81: {  	_ =	shalt  }
0x82: {  	_ =	shalt  }
0x83: {  	_ =	shalt  }
0x84: {  	_ =	shalt  }
0x85: {  	_ =	shalt  }
0x86: {  	_ =	shalt  }
0x87: {  	_ =	shalt  }
.Lfunc_end0:
.L_simem_size_0:
called_computation.4_lowered:
.L_overlay_start_0:
0x88: {  	s0 =	sld [smem:$0x3FD9]  }
0x89: {  	s1 =	sld [smem:$0x3FFE];
	_ =	sdelay $0x3  }
0x8a: {  	s0 =	sadd.s32 s1, s0  }
0x8b: {  	[smem:$0x3FAE] =	sst s0  }
0x8c: {  	_ = 	snop  }
0x8d: {  	s14 =	sld [smem:$0x3FD0];
	(tm) =	ssettm $0x1  }
0x8e: {  	s15 =	sld [smem:$0x3FFB];
	_ =	sdelay $0x3  }
0x8f: {  	_ =	strace s15  }
0x90: {  	s0 =	sld [smem:$0x3FFC];
	_ =	sdelay $0x3  }
0x91: {  	_ =	strace s0  }
0x92: {  	s0 =	sld [smem:$0x3FFD];
	_ =	sdelay $0x3  }
0x93: {  	_ =	strace s0  }
0x94: {  	_ =	strace $0x8FFFFFFF  }
0x95: {  	s16 =	sld [smem:$0x3FDB];
	_ =	sdelay $0x1  }
0x96: {  	s2 =	simm.s32 $_scs_section_size  }
0x97: {  	s3 =	simm.s32 $_size__tile_overlayer_lowered;
	s4 =	simm.s32 $_tile_overlayer_lowered  }
0x98: {  	s5 =	simm.s32 $0x1BFF;
	s17 =	sshll.u32 s4, $0x1;
	s2 =	sadd.s32 s2, s16  }
0x99: {  	s18 =	simm.s32 $0x0;
	s3 =	sshll.u32 s3, $0x1;
	s4 =	sadd.s32 s17, s2  }
0x9a: {  	[timem:s18], [sflag:s5] =	dma.local [hbm:s4], s3  }
0x9b: {  	_ =	swait.ge [sflag:s5], s3  }
0x9c: {  	s3 =	ssub.s32 $0x0, s3;
	[sflag:s5] =	ssyncset.done $0x0  }
0x9d: {  	[sflag:s5] =	ssyncadd.s32 s3;
	_ =	sdelay $0x1  }
0x9e: {  	s19 =	simm.s32 $0x1B8B  }
0x9f: {  	_ =	swait.ge [sflag:s19], $0x1  }
0xa0: {  	[sflag:s19] =	ssyncset.done $0x0  }
0xa1: {  	s21 =	simm.s32 $0x1B8E;
	s20 =	sld [smem:$0x3FFE];
	[sflag:s19] =	ssyncadd.s32 $0xFFFFFFFF  }
0xa2: {  	s22 =	simm.s32 $execute0_lowered;
	[smem:$0x3FD2] =	sst s21  }
0xa3: {  	s4 =	sshll.u32 s22, $0x1;
	_ =	strace $0x80000061;
	[dreg:$0x1] =	wrdreg $0xFFFFFFFF  }
0xa4: {  	s23 =	simm.s32 $_size_execute0_lowered;
	s4 =	sadd.s32 s2, s4;
	[dreg:$0x0] =	wrdreg $0x0  }
0xa5: {  	s5 =	sshll.u32 s23, $0x1;
	[dreg:$0x2] =	wrdreg s4  }
0xa6: {  	[dreg:$0x3] =	wrdreg s5  }
0xa7: {  	[dreg:$0x4] =	wrdreg $0xC0  }
0xa8: {  	s24 =	simm.s32 $execute1_lowered;
	_ =	task [dreg:s18], $0x5FFFF  }
0xa9: {  	s4 =	sshll.u32 s24, $0x1;
	[dreg:$0x1] =	wrdreg $0xFFFFFFFF  }
0xaa: {  	s2 =	sadd.s32 s2, s4;
	[dreg:$0x0] =	wrdreg $0x60  }
0xab: {  	[dreg:$0x2] =	wrdreg s2  }
0xac: {  	[dreg:$0x3] =	wrdreg s14  }
0xad: {  	[dreg:$0x4] =	wrdreg s20  }
0xae: {  	[dreg:$0x5] =	wrdreg $0x9  }
0xaf: {  	_ =	task.clear_ibuf [dreg:s18], $0x6FFFF;
	_ =	strace $0x90000061  }
0xb0: {  	s25 =	simm.s32 $0x9;
	_ =	strace $0x80000063  }
0xb1: {  	_ =	swait.ge [sflag:s25], $0x1  }
0xb2: {  	[sflag:s25] =	ssyncadd.s32 $0xFFFFFFFF  }
0xb3: {  	_ =	strace $0x90000063  }
0xb4: {  	_ =	strace $0x80000064;
	[dreg:$0x1] =	wrdreg $0xFFFFFFFF  }
0xb5: {  	[dreg:$0x0] =	wrdreg $0x2030  }
0xb6: {  	[dreg:$0x2] =	wrdreg s20  }
0xb7: {  	[dreg:$0x3] =	wrdreg $0xA  }
0xb8: {  	_ =	task.clear_ibuf [dreg:s18], $0x4FFFF;
	_ =	strace $0x90000064  }
0xb9: {  	s26 =	simm.s32 $0xA;
	_ =	strace $0x80000066  }
0xba: {  	_ =	swait.ge [sflag:s26], $0x1  }
0xbb: {  	[sflag:s26] =	ssyncadd.s32 $0xFFFFFFFF  }
0xbc: {  	_ =	strace $0x90000066  }
0xbd: {  	_ =	sfence  }
0xbe: {  	s28 =	sld [smem:$0x0];
	_ =	sdelay $0x1  }
0xbf: {  	s29 =	srdreg.scid  }
0xc0: {  	s30 =	sshll.u32 s29, $0xD;
	s31 =	sshrl.u32 s29, $0x2  }
0xc1: {  	s3 =	sand.u32 $0x4000, s30;
	s2 =	sand.u32 $0x1, s29;
	s1 =	sadd.s32 s31, s28  }
0xc2: {  	s2 =	sor.u32 s3, s2;
	s1 =	sshll.u32 s1, $0x11  }
0xc3: {  	s1 =	sor.u32 s1, s2  }
0xc4: {  	s1 =	sadd.s32 $0x8F2B, s1  }
0xc5: {  	[sflag:s1] =	ssyncadd.remote.s32 $0x1  }
0xc6: {  	_ =	sfence.sel $0xFFFF  }
0xc7: {  	[dreg:$0x0] =	wrdreg $0xFFFFFFFF;
	(pc) =	sbr.abs _section_cstart, $3  }
0xc8: {  	[dreg:$0x1] =	wrdreg $0xFFFFFFFF  }
0xc9: {  	_ =	task.clear_ibuf [dreg:s18], $0x2FFFF;
	_ =	strace $0x9FFFFFFF  }
0xca: {  	(tm) =	ssettm $0x7FFFFFFF  }
0xcb: {  	_ =	shalt  }
tec
execute0_lowered:
.L_overlay_start_1:
0x0: {  	(tag) =	ssettag $0x1  }
0x1: {  	s2 =	rddreg [dreg:$0x0]  }
0x2: {  	s8 =	rddreg [dreg:$0x1]  }
0x3: {  	s4 =	rddreg [dreg:$0x2]  }
0x4: {  	s0 =	rddreg [dreg:$0x3]  }
0x5: {  	s7 =	stileid.u32;
	[bflag:$0x3] =	sbarrier.arrive $0xFFFF;
	s1 =	simm.s32 $_size_execute1_lowered  }
0x6: {  	s9 =	simm.s32 $0x2;
	s13 =	simm.s32 $0x0;
	s12 =	simm.s32 $0x0  }
0x7: {  	p0 =	sne.s32 s7, $0x0;
	s1 =	sshll.u32 s1, $0x1;
	s6 =	smul.u32 $0x4F0, s7  }
0x8: {  	s4 =	sadd.s32 $0x2C0600, s4;
	s3 =	simm.s32 @!p0 $0x1C3F;
	s5 =	simm.s32 @!p0 $0x4060  }
0x9: {  	[timem:s5], [sflag:s3] =	dma.local @!p0 [hbm:s2], s1  }
0xa: {  	s2 =	sshll.u32 s7, $0x4;
	s3 =	simm.s32 $0x1;
	s6 =	sshrl.u32 s6, $0xD  }
0xb: {  	s5 =	ssub.s32 $0x64, s2;
	_ =	strace $0x80000062;
	s10 =	smul.u32 $0x68, s6  }
0xc: {  	s11 =	smax.u32 s2, $0x58;
	s6 =	simm.s32 $0x3;
	p1 =	sgt.s32 s5, $0x0  }
0xd: {  	[sflag:s3] =	ssyncpa.u1 $0x0;
	s11 =	sshll.u32 s11, $0x8;
	s5 =	simm.s32 @!p1 $0x0  }
0xe: {  	s10 =	ssub.s32 s2, s10;
	s11 =	ssub.s32 $0x6800, s11;
	[sflag:s9] =	ssyncpa.u1 $0x0  }
.Ltmp0:
0xf: {  	s9 =	simm.s32 $0x40;
	s5 =	sand.u32 $0xF4, s5;
	(pc) =	sbr.rel .LBB2_1-.Ltmp0, $4  }
0x10: {  	s10 =	sand.u32 $0xF8, s10;
	p1 =	sne.s32 s5, $0x0;
	s5 =	simm.s32 $0x1  }
0x11: {  	s31 =	sshll.u32 s10, $0x4;
	s10 =	simm.s32 $0x80;
	s5 =	simm.s32 @!p1 $0x0  }
0x12: {  	s6 =	simm.s32 @!p1 $0x2;
	p1 =	sgt.u32 s7, $0x6;
	s7 =	sshrl.u32 s11, $0x2  }
0x13: {  	s8 =	sadd.s32 s31, s8;
	s11 =	simm.s32 $0x0;
	s7 =	simm.s32 @p1 $0x0  }
.LBB2_5:
0x14: {  	_ =	sdelay $0x3  }
0x15: {  	[tilespmem:v3+s18+$0x0 ss:$0x1] =	vst.idx.msk $0xffff, v1  }
0x16: {  	[tilespmem:v3+s16+$0x0 ss:$0x1] =	vst.idx.msk $0xffff, v2  }
0x17: {  	[tilespmem:v3+s17+$0x0 ss:$0x1] =	vst.idx.msk $0xffff, v4  }
0x18: {  	[tilespmem:v3+s19+$0x0 ss:$0x1] =	vst.idx.msk $0xffff, v5  }
.LBB2_6:
0x19: {  	s16 =	smulhi.u32 $0x4EC4EC4F, s12;
	_ =	sdelay $0x1  }
0x1a: {  	s16 =	sshrl.u32 s16, $0x5  }
0x1b: {  	s16 =	smul.u32 $0x68, s16;
	_ =	sdelay $0x1  }
0x1c: {  	s16 =	ssub.s32 s12, s16  }
0x1d: {  	s16 =	sshll.u32 s16, $0x4  }
0x1e: {  	s16 =	sadd.s32 s4, s16  }
0x1f: {  	[hbm4b:s16+s9] =	stream.strided.scatter [tilespmem:s15], [sflag:$0x2], s14, s10, s9, $0x38;
	[tilespmem:$0x1000] =	vst v63  }
.LBB2_7:
0x20: {  	p1 =	slt.u32 s11, $0x2  }
0x21: {  	p2 =	sgt.s32 @!p1 s13, $0x58  }
0x22: {  	p2 =	por !p2, p1  }
0x23: {  	p3 =	sgt.s32 @!p1 s13, $0x67;
	s13 =	simm.s32 @p2 $0x58  }
0x24: {  	s13 =	sshll.u32 @!p1 s13, $0x8  }
0x25: {  	s13 =	ssub.s32 @!p1 $0x6800, s13  }
0x26: {  	s11 =	sadd.s32 $0x1, s11;
	p2 =	por !p3, p1;
	s13 =	sshrl.u32 @!p1 s13, $0x2  }
0x27: {  	s13 =	simm.s32 @!p2 $0x0;
	p2 =	sne.s32 s11, s6  }
.Ltmp1:
0x28: {  	_ = 	snop;
	(pc) =	sbr.rel @!p2 .LBB2_8-.Ltmp1, $4  }
0x29: {  	s14 =	simm.s32 @!p1 $0x2  }
0x2a: {  	_ =	swait.ge @!p1 [sflag:s14], s13  }
0x2b: {  	s15 =	ssub.s32 @!p1 $0x0, s13;
	[sflag:s14] =	ssyncset.done @!p1 $0x0  }
0x2c: {  	s13 =	smov.u32 s12;
	s12 =	smov.u32 s2;
	[sflag:s14] =	ssyncadd.s32 @!p1 s15  }
.LBB2_1:
0x2d: {  	p1 =	sge.u32 s11, s5;
	s31 =	sadd.s32 $0xFFFFFFFF, s11  }
0x2e: {  	s14 =	simm.s32 @!p1 $0x40;
	s15 =	simm.s32 @!p1 $0x80;
	s16 =	simm.s32 @!p1 $0x400  }
0x2f: {  	[tilespmem:s16], [sflag:$0x1] =	stream.strided.gather @!p1 [hbm4b:s8+s14], s7, s15, s14, $0x38;
	[tilespmem:$0x1000] =	vst v63  }
0x30: {  	p1 =	sge.u32 s31, s5  }
.Ltmp2:
0x31: {  	_ = 	snop;
	(pc) =	sbr.rel @p1 .LBB2_7-.Ltmp2, $1  }
0x32: {  	_ =	sdelay $0x3  }
0x33: {  	p1 =	sgt.s32 s12, $0x58;
	s14 =	smov.u32 s12  }
0x34: {  	s14 =	simm.s32 @!p1 $0x58  }
0x35: {  	s14 =	sshll.u32 s14, $0x8  }
0x36: {  	s14 =	ssub.s32 $0x6800, s14  }
0x37: {  	p1 =	sgt.u32 s12, $0x67;
	s14 =	sshrl.u32 s14, $0x2  }
0x38: {  	s15 =	smov.u32 s12;
	s14 =	simm.s32 @p1 $0x0;
	p1 =	slt.s32 s12, $0x54  }
0x39: {  	s15 =	simm.s32 @!p1 $0x54  }
0x3a: {  	s17 =	ssub.s32 s15, s12  }
0x3b: {  	p1 =	slt.s32 s17, $0xFFFFFFF1  }
.Ltmp3:
0x3c: {  	_ = 	snop;
	(pc) =	sbr.rel @p1 .LBB2_6-.Ltmp3, $4  }
0x3d: {  	_ = 	snop  }
0x3e: {  	s16 =	sshll.u32 s11, $0xA;
	_ =	swait.ge [sflag:s3], s14  }
0x3f: {  	s16 =	sand.u32 $0x400, s16;
	s18 =	ssub.s32 $0x0, s14;
	[sflag:s3] =	ssyncset.done $0x0  }
0x40: {  	s15 =	sor.u32 $0x800, s16;
	[sflag:s3] =	ssyncadd.s32 s18  }
0x41: {  	v0 =	vmov s16;
	_ =	sdelay $0x1  }
0x42: {  	s20 =	sadd.s32 $0x10, s17  }
0x43: {  	s31 =	simm.s32 $0x0;
	p1 =	sne.s32 s20, $0x1  }
.Ltmp4:
0x44: {  	s18 =	sand.u32 $0x3C0, s31;
	(pc) =	sbr.rel @!p1 .LBB2_5-.Ltmp4, $4  }
0x45: {  	s16 =	sor.u32 $0x30, s18;
	v1 =	vld.idx.msk [tilespmem:v0+s18+$0x0 ss:$0x1], $0xffff  }
0x46: {  	v3 =	vmov s15;
	s17 =	sor.u32 $0x10, s18;
	v2 =	vld.idx.msk [tilespmem:v0+s16+$0x0 ss:$0x1], $0xffff  }
0x47: {  	s19 =	sor.u32 $0x20, s18;
	v4 =	vld.idx.msk [tilespmem:v0+s17+$0x0 ss:$0x1], $0xffff  }
0x48: {  	s21 =	simm.s32 $0x40;
	s20 =	sadd.s32 $0xFFFFFFFF, s20;
	v5 =	vld.idx.msk [tilespmem:v0+s19+$0x0 ss:$0x1], $0xffff  }
.LBB2_4:
0x49: {  	s22 =	sand.u32 $0x3C0, s21  }
0x4a: {  	p1 =	sne.s32 s20, $0x1;
	s20 =	sadd.s32 $0xFFFFFFFF, s20;
	s23 =	sor.u32 $0x10, s22  }
.Ltmp5:
0x4b: {  	s24 =	sor.u32 $0x20, s22;
	s25 =	sor.u32 $0x30, s22;
	[tilespmem:v3+s18+$0x0 ss:$0x1] =	vst.idx.msk $0xffff, v1;
	v1 =	vld.idx.msk [tilespmem:v0+s22+$0x0 ss:$0x1], $0xffff;
	(pc) =	sbr.rel @p1 .LBB2_4-.Ltmp5, $4  }
0x4c: {  	s18 =	smov.u32 s22;
	[tilespmem:v3+s16+$0x0 ss:$0x1] =	vst.idx.msk $0xffff, v2;
	v2 =	vld.idx.msk [tilespmem:v0+s25+$0x0 ss:$0x1], $0xffff;
	s16 =	smov.u32 s25  }
0x4d: {  	[tilespmem:v3+s17+$0x0 ss:$0x1] =	vst.idx.msk $0xffff, v4;
	v4 =	vld.idx.msk [tilespmem:v0+s23+$0x0 ss:$0x1], $0xffff;
	s17 =	smov.u32 s23  }
0x4e: {  	[tilespmem:v3+s19+$0x0 ss:$0x1] =	vst.idx.msk $0xffff, v5;
	v5 =	vld.idx.msk [tilespmem:v0+s24+$0x0 ss:$0x1], $0xffff;
	s19 =	smov.u32 s24  }
0x4f: {  	s21 =	sadd.s32 $0x40, s21  }
.Ltmp6:
0x50: {  	_ = 	snop;
	(pc) =	sbr.rel .LBB2_5-.Ltmp6, $1  }
0x51: {  	_ =	sdelay $0x3  }
.LBB2_8:
0x52: {  	_ =	sfence.sel $0x180000  }
0x53: {  	s2 =	simm.s32 $0x1;
	[bflag:$0x0] =	sbarrier.arrive $0xFFFF  }
0x54: {  	s31 =	simm.s32 $0x2;
	[sflag:s2] =	ssyncpa.u1 $0x1  }
0x55: {  	[sflag:s31] =	ssyncpa.u1 $0x1  }
0x56: {  	_ =	strace $0x90000062  }
0x57: {  	s0 =	sadd.s32 @!p0 $0x100000, s0;
	[bflag:$0x2] =	sbarrier.arrive $0xFFFF  }
0x58: {  	[sflag:s0] =	ssyncadd.tile.s32 @!p0 $0x1;
	s0 =	simm.s32 @!p0 $0x3F  }
0x59: {  	_ =	swait.ge @!p0 [sflag:s0], s1  }
0x5a: {  	s1 =	ssub.s32 @!p0 $0x0, s1;
	[sflag:s0] =	ssyncset.done @!p0 $0x0  }
0x5b: {  	[sflag:s0] =	ssyncadd.s32 @!p0 s1  }
0x5c: {  	[bflag:$0x3] =	sbarrier.arrive $0xFFFF  }
0x5d: {  	_ =	shalt  }
.Lfunc_end2:
execute1_lowered:
.L_overlay_start_2:
0x5e: {  	(tag) =	ssettag $0x2  }
0x5f: {  	s0 =	rddreg [dreg:$0x0];
	_ =	strace $0x80000065;
	s1 =	simm.s32 $0x1  }
0x60: {  	s8 =	simm.s32 $0x88;
	v0 =	vimm.s32 $0x0;
	[sflag:s1] =	ssyncpa.u1 $0x0  }
0x61: {  	[tilespmem:s8+$0x30] =	vst v0  }
0x62: {  	s1 =	sadd.s32 $0x2C0600, s0;
	s3 =	sadd.s32 $0x1DD200, s0;
	[tilespmem:s8+$0x20] =	vst v0  }
0x63: {  	s4 =	sadd.s32 $0x1FD000, s0;
	s5 =	sadd.s32 $0x1DEC00, s0;
	s0 =	simm.s32 $0x40;
	[tilespmem:s8+$0x10] =	vst v0  }
.LBB3_1:
0x64: {  	s0 =	sadd.s32 $0x40, s0  }
0x65: {  	[tilespmem:s8+$0x0] =	vst v0;
	s8 =	sadd.s32 $0x40, s8;
	p0 =	slt.u32 s0, $0x5040  }
.Ltmp7:
0x66: {  	(pc) =	sbr.rel @p0 .LBB3_1-.Ltmp7, $4  }
0x67: {  	_ = 	snop  }
0x68: {  	[tilespmem:s8+$0x30] =	vst v0  }
0x69: {  	[tilespmem:s8+$0x20] =	vst v0  }
0x6a: {  	[tilespmem:s8+$0x10] =	vst v0  }
0x6b: {  	s9 =	stileid.u32  }
0x6c: {  	s0 =	smul.u32 $0x9, s9  }
0x6d: {  	s2 =	smin.u32 s9, $0xD  }
0x6e: {  	s0 =	sadd.s32 s2, s0  }
0x6f: {  	p0 =	slt.u32 s9, $0xD;
	s6 =	smul.u32 $0x140, s0;
	s0 =	simm.s32 $0xC80  }
0x70: {  	s0 =	simm.s32 @!p0 $0xB40  }
0x71: {  	s0 =	sadd.s32 s0, s6  }
0x72: {  	s7 =	smin.u32 s0, $0xC350  }
0x73: {  	s0 =	ssub.s32 s7, s6  }
0x74: {  	p0 =	sgt.s32 s0, $0x0  }
0x75: {  	s0 =	simm.s32 @!p0 $0x0  }
0x76: {  	s29 =	simm.s32 $0x2;
	s10 =	simm.s32 $0x7;
	s28 =	smul.u32 $0xCCCD, s0  }
0x77: {  	s31 =	simm.s32 $0x8;
	s11 =	simm.s32 $0x1;
	s15 =	simm.s32 $0x0  }
0x78: {  	p1 =	por $0x0, $0x0;
	s16 =	simm.s32 $0xA;
	s2 =	sshrl.u32 s28, $0x18  }
0x79: {  	s20 =	simm.s32 $0x0;
	s17 =	simm.s32 $0x0;
	s30 =	smul.u32 $0x140, s2  }
.Ltmp8:
0x7a: {  	[tilespmem:s8+$0x0] =	vst v0;
	v0 =	vimm.s32 $0xFFFFFFFF;
	s19 =	simm.s32 $0x0;
	[sflag:s29] =	ssyncpa.u1 $0x0;
	(pc) =	sbr.rel .LBB3_3-.Ltmp8, $4  }
0x7b: {  	[tilespmem:$0xA108] =	vst v0;
	[sflag:s10] =	ssyncpa.u1 $0x0;
	p0 =	sne.s32 s0, s30;
	s0 =	simm.s32 $0x1  }
0x7c: {  	s10 =	simm.s32 $0x9;
	[sflag:s31] =	ssyncpa.u1 $0x0;
	s0 =	simm.s32 @!p0 $0x0  }
0x7d: {  	s13 =	sshll.u32 s9, $0x7;
	[sflag:s10] =	ssyncpa.u1 $0x0;
	s12 =	sadd.s32 s2, s0  }
0x7e: {  	v0 =	vlaneseq.u32;
	s18 =	smov.u32 s6;
	p0 =	por $0x1, $0x1;
	s14 =	sadd.s32 $0x1, s12  }
.LBB3_24:
0x7f: {  	s0 =	sshrl.u32 s29, $0x2  }
.LBB3_26:
0x80: {  	_ =	swait.ge [sflag:s16], s0  }
0x81: {  	s31 =	ssub.s32 $0x0, s0;
	v1 =	vmov s22;
	vm0 =	veq.s32 v0, $0x0;
	[sflag:s16] =	ssyncset.done $0x0  }
0x82: {  	vm15 =	veq.s32 v0, $0x2;
	v1 =	vsel vm0, s28, v1;
	[sflag:s16] =	ssyncadd.s32 s31  }
0x83: {  	v1 =	vsel vm15, s20, v1;
	[sflag:s16] =	ssyncpa.u1 $0x1  }
0x84: {  	[tilespmem:$0xA108] =	vst v1  }
.LBB3_27:
0x85: {  	s0 =	sadd.s32 $0x140, s18  }
0x86: {  	s2 =	smov.u32 s6;
	p2 =	slt.s32 s0, s7  }
0x87: {  	s2 =	smov.u32 @p2 s0;
	p2 =	sne.s32 s19, s14  }
.Ltmp9:
0x88: {  	_ = 	snop;
	(pc) =	sbr.rel @!p2 .LBB3_28-.Ltmp9, $4  }
0x89: {  	_ = 	snop  }
0x8a: {  	s20 =	smov.u32 s17  }
0x8b: {  	s31 =	sadd.s32 $0x1, s19;
	s17 =	smov.u32 s18;
	p0 =	por !p0, !p0  }
0x8c: {  	p1 =	por !p1, !p1;
	s19 =	smov.u32 s31;
	s18 =	smov.u32 s2  }
.LBB3_3:
0x8d: {  	p2 =	sge.u32 s19, s12  }
0x8e: {  	s0 =	smulhi.u32 @!p2 $0xAAAAAAAB, s19  }
0x8f: {  	s2 =	smov.u32 s18;
	p3 =	sgt.s32 @!p2 s18, $0xC210  }
0x90: {  	s8 =	sshra.s32 @!p2 s18, $0x1F;
	p3 =	por !p3, p2;
	s0 =	sshrl.u32 @!p2 s0, $0x1  }
0x91: {  	s8 =	sand.u32 @!p2 s8, s18;
	s2 =	simm.s32 @p3 $0xC210;
	s0 =	smul.u32 @!p2 $0x3, s0  }
0x92: {  	s2 =	ssub.s32 @!p2 s2, s8  }
0x93: {  	s22 =	sadd.s32 $0xFFFFFFFF, s19;
	s2 =	sadd.s32 @!p2 $0xFFFF3DF0, s2;
	s0 =	ssub.s32 @!p2 s19, s0  }
0x94: {  	s8 =	sshll.u32 @!p2 s2, $0x2;
	p3 =	sgt.s32 @!p2 s2, $0x13F;
	s0 =	smul.u32 @!p2 $0x500, s0  }
0x95: {  	s21 =	sand.u32 @!p2 $0x7, s18;
	s2 =	ssub.s32 @!p2 $0x500, s8;
	p3 =	por !p3, p2  }
0x96: {  	s8 =	sshrl.u32 @!p2 s18, $0x3;
	s2 =	sshrl.u32 @!p2 s2, $0x2;
	s0 =	sshrl.u32 @!p2 s0, $0x2  }
0x97: {  	s8 =	sadd.s32 @!p2 s5, s8;
	s2 =	simm.s32 @!p3 $0x0;
	s0 =	sadd.s32 @!p2 $0xA938, s0  }
0x98: {  	[tilespmem:s0], [sflag:$0x8] =	stream.linear.gather @!p2 [hbm4b:s8+s21], s2, $0x38;
	[tilespmem:$0x1EF78] =	vst v63  }
0x99: {  	p2 =	sge.u32 s22, s12  }
0x9a: {  	p3 =	sgt.s32 @!p2 s17, $0xC210  }
0x9b: {  	s0 =	smov.u32 s17;
	s2 =	sshra.s32 @!p2 s17, $0x1F;
	p3 =	por !p3, p2  }
0x9c: {  	s2 =	sand.u32 @!p2 s2, s17;
	s0 =	simm.s32 @p3 $0xC210  }
0x9d: {  	s0 =	ssub.s32 @!p2 s0, s2  }
0x9e: {  	s0 =	sadd.s32 @!p2 $0xFFFF3DF0, s0  }
0x9f: {  	s2 =	sshll.u32 @!p2 s0, $0x2  }
0xa0: {  	p3 =	sgt.s32 @!p2 s0, $0x13F;
	s0 =	ssub.s32 @!p2 $0x500, s2  }
0xa1: {  	p3 =	por !p3, p2;
	s0 =	sshrl.u32 @!p2 s0, $0x2  }
0xa2: {  	s8 =	simm.s32 @!p2 $0x8;
	s2 =	sand.u32 @!p2 $0x1, s22;
	s0 =	simm.s32 @!p3 $0x0  }
0xa3: {  	s2 =	smul.u32 @!p2 $0x500, s2;
	_ =	swait.ge @!p2 [sflag:s8], s0  }
0xa4: {  	s21 =	ssub.s32 @!p2 $0x0, s0;
	[sflag:s8] =	ssyncset.done @!p2 $0x0  }
0xa5: {  	s2 =	sshrl.u32 @!p2 s2, $0x2;
	[sflag:s8] =	ssyncadd.s32 @!p2 s21;
	s8 =	sshrl.u32 @!p2 s17, $0x3  }
0xa6: {  	s2 =	sadd.s32 @!p2 $0xACF8, s2;
	s21 =	sand.u32 @!p2 $0x7, s17;
	s8 =	sadd.s32 @!p2 s3, s8  }
0xa7: {  	[tilespmem:s2], [sflag:$0x9] =	stream.linear.gather @!p2 [hbm4b:s8+s21], s0, $0x38;
	[tilespmem:$0x1EF78] =	vst v63  }
0xa8: {  	s21 =	ssub.s32 @!p2 $0xC350, s17  }
0xa9: {  	p3 =	slt.s32 @!p2 s21, $0x1  }
0xaa: {  	p3 =	por p2, p3  }
.Ltmp10:
0xab: {  	_ = 	snop;
	(pc) =	sbr.rel @p3 .LBB3_9-.Ltmp10, $1  }
0xac: {  	_ =	sdelay $0x3  }
0xad: {  	s0 =	smulhi.u32 $0xAAAAAAAB, s22;
	_ =	sdelay $0x1  }
0xae: {  	s0 =	sshrl.u32 s0, $0x1  }
0xaf: {  	s0 =	smul.u32 $0x3, s0;
	_ =	sdelay $0x1  }
0xb0: {  	s0 =	ssub.s32 s22, s0  }
0xb1: {  	s2 =	simm.s32 $0x1;
	s0 =	smul.u32 $0x500, s0  }
.Ltmp11:
0xb2: {  	s2 =	simm.s32 @!p0 $0x0;
	(pc) =	sbr.rel .LBB3_6-.Ltmp11, $4  }
0xb3: {  	s2 =	smul.u32 $0x28000, s2  }
0xb4: {  	p3 =	slt.s32 @!p2 s21, $0x140;
	s0 =	sshrl.u32 s0, $0x2  }
0xb5: {  	p2 =	por !p3, p2;
	s2 =	sshrl.u32 s2, $0x2;
	s0 =	sadd.s32 $0xA938, s0  }
0xb6: {  	s23 =	simm.s32 $0x0;
	s21 =	simm.s32 @p2 $0x140;
	s22 =	sadd.s32 $0xAF78, s2;
	v1 =	vmov s0  }
.LBB3_5:
0xb7: {  	p2 =	sge.s32 s23, s21  }
.Ltmp12:
0xb8: {  	_ = 	snop;
	(pc) =	sbr.rel @p2 .LBB3_9-.Ltmp12, $2  }
0xb9: {  	_ =	sdelay $0x2  }
0xba: {  	s22 =	sadd.s32 $0x800, s22  }
.LBB3_6:
0xbb: {  	p2 =	sle.s32 s21, s23  }
.Ltmp13:
0xbc: {  	_ = 	snop;
	(pc) =	sbr.rel @p2 .LBB3_5-.Ltmp13, $2  }
0xbd: {  	_ =	sdelay $0x2  }
0xbe: {  	s24 =	smov.u32 s23;
	s23 =	sadd.s32 $0x10, s23  }
0xbf: {  	s0 =	ssub.s32 s21, s24  }
0xc0: {  	p2 =	slt.s32 s0, $0x10  }
0xc1: {  	s0 =	simm.s32 @!p2 $0x10  }
0xc2: {  	v2 =	vmov s0  }
0xc3: {  	vm0 =	vgt.s32 v2, v0;
	_ =	sdelay $0x5  }
0xc4: {  	v2 =	vld.idx.msk [tilespmem:v1+s24+$0x0 ss:$0x1], vm0;
	_ =	sdelay $0x2  }
0xc5: {  	p2 =	slt.s32 s23, s21;
	s0 =	smov.u32 s21  }
0xc6: {  	s2 =	smov.u32 s22;
	s25 =	simm.s32 $0x0;
	s0 =	smov.u32 @p2 s23  }
.LBB3_8:
0xc7: {  	(v2sf) =	vpush v2, s25;
	_ =	sdelay $0xc  }
0xc8: {  	s25 =	sadd.s32 $0x1, s25  }
0xc9: {  	s31 =	sadd.s32 s25, s24  }
0xca: {  	p2 =	slt.s32 s31, s0;
	s8 =	spop (v2sf)  }
.Ltmp14:
0xcb: {  	s8 =	sshll.u32 s8, $0x4;
	(pc) =	sbr.rel @p2 .LBB3_8-.Ltmp14, $4  }
0xcc: {  	s8 =	sand.u32 $0x1FFFFFF0, s8  }
0xcd: {  	s8 =	sadd.s32 s4, s8  }
0xce: {  	[tilespmem:s2], [sflag:$0x7] =	stream.linear.gather [hbm4b:s8+s15], $0x40, $0x38;
	[tilespmem:$0x1EF78] =	vst v63  }
0xcf: {  	s2 =	sadd.s32 $0x80, s2  }
.Ltmp15:
0xd0: {  	_ = 	snop;
	(pc) =	sbr.rel .LBB3_5-.Ltmp15, $1  }
0xd1: {  	_ =	sdelay $0x3  }
.LBB3_9:
0xd2: {  	p2 =	slt.u32 s19, $0x2  }
.Ltmp16:
0xd3: {  	_ = 	snop;
	(pc) =	sbr.rel @p2 .LBB3_27-.Ltmp16, $1  }
0xd4: {  	_ =	sdelay $0x3  }
0xd5: {  	p2 =	sgt.s32 s20, $0xC210;
	s0 =	smov.u32 s20  }
0xd6: {  	s2 =	sshra.s32 s20, $0x1F;
	s8 =	ssub.s32 $0xC350, s20;
	s0 =	simm.s32 @!p2 $0xC210  }
0xd7: {  	s2 =	sand.u32 s2, s20;
	p2 =	slt.s32 s8, $0x140;
	s21 =	smov.u32 s8  }
0xd8: {  	s0 =	ssub.s32 s0, s2;
	s21 =	simm.s32 @!p2 $0x140  }
0xd9: {  	s0 =	sadd.s32 $0xFFFF3DF0, s0;
	s26 =	sshll.u32 s21, $0x6  }
0xda: {  	s9 =	simm.s32 $0x7;
	s29 =	sshll.u32 s0, $0x2;
	s2 =	sand.u32 $0x3FFFFFC0, s26  }
0xdb: {  	p2 =	sgt.s32 s0, $0x13F;
	s30 =	ssub.s32 $0x500, s29;
	_ =	swait.ge [sflag:s9], s2  }
0xdc: {  	s2 =	ssub.s32 $0x0, s2;
	[sflag:s9] =	ssyncset.done $0x0;
	s0 =	sshrl.u32 s30, $0x2  }
0xdd: {  	[sflag:s9] =	ssyncadd.s32 s2;
	s0 =	simm.s32 @p2 $0x0  }
0xde: {  	_ =	swait.ge [sflag:s10], s0  }
0xdf: {  	s0 =	ssub.s32 $0x0, s0;
	[sflag:s10] =	ssyncset.done $0x0  }
0xe0: {  	[sflag:s10] =	ssyncadd.s32 s0  }
0xe1: {  	v1 =	vld [tilespmem:$0xA108];
	_ =	sdelay $0x4  }
0xe2: {  	(v2sf) =	vpush v1, $0x0  }
0xe3: {  	(v2sf) =	vpush v1, $0x1  }
0xe4: {  	(v2sf) =	vpush v1, $0x2;
	_ =	sdelay $0x3  }
0xe5: {  	s0 =	sadd.s32 $0x140, s20  }
0xe6: {  	p2 =	slt.s32 s7, s0  }
0xe7: {  	s0 =	smov.u32 @p2 s7;
	p2 =	sgt.s32 s8, $0x0  }
0xe8: {  	s24 =	ssub.s32 s0, s20;
	s8 =	simm.s32 @!p2 $0x0  }
0xe9: {  	p2 =	slt.s32 s8, s24  }
0xea: {  	s24 =	smov.u32 @p2 s8  }
0xeb: {  	s23 =	simm.s32 $0x1;
	p2 =	slt.s32 s24, $0x1  }
.Ltmp17:
0xec: {  	s23 =	simm.s32 @!p1 $0x0;
	(pc) =	sbr.rel @p2 .LBB3_14-.Ltmp17, $4  }
0xed: {  	s31 =	smul.u32 $0x500, s23  }
0xee: {  	s25 =	spop (v2sf)  }
0xef: {  	s0 =	sshrl.u32 s31, $0x2;
	s28 =	spop (v2sf)  }
0xf0: {  	s21 =	sadd.s32 $0xACF8, s0;
	s20 =	spop (v2sf)  }
0xf1: {  	s0 =	smin.u32 s24, $0x10  }
0xf2: {  	v1 =	vmov s0  }
0xf3: {  	p3 =	sgt.s32 s24, $0x10;
	vm1 =	vgt.u32 v1, v0  }
.Ltmp18:
0xf4: {  	_ = 	snop;
	(pc) =	sbr.rel @!p3 .LBB3_13-.Ltmp18, $2  }
0xf5: {  	_ =	sdelay $0x2  }
0xf6: {  	s26 =	simm.s32 $0x10;
	s29 =	sadd.s32 $0xFFFFFFF0, s24;
	s22 =	smov.u32 s21;
	vm0 =	vmmov vm1  }
.LBB3_12:
0xf7: {  	s0 =	smin.u32 s29, $0x10;
	s26 =	sadd.s32 $0x10, s26;
	v1 =	vld.msk [tilespmem:s22+$0x0 ss:$0x1], vm1  }
0xf8: {  	v2 =	vmov s0;
	p3 =	slt.s32 s26, s24  }
0xf9: {  	vm1 =	vgt.u32 v2, v0  }
.Ltmp19:
0xfa: {  	(pc) =	sbr.rel @p3 .LBB3_12-.Ltmp19, $3  }
0xfb: {  	_ =	sdelay $0x1  }
0xfc: {  	v1 =	vshll.u32 v1, $0x4  }
0xfd: {  	s29 =	sadd.s32 $0xFFFFFFF0, s29;
	[tilespmem:s22+$0x0] =	vst.msk vm0, v1;
	s22 =	sadd.s32 $0x10, s22;
	vm0 =	vmmov vm1  }
.LBB3_13:
0xfe: {  	_ =	sdelay $0x4  }
0xff: {  	v1 =	vld.msk [tilespmem:s22+$0x0 ss:$0x1], vm1;
	_ =	sdelay $0x4  }
0x100: {  	v1 =	vshll.u32 v1, $0x4  }
0x101: {  	[tilespmem:s22+$0x0] =	vst.msk vm0, v1  }
.LBB3_14:
0x102: {  	s0 =	sand.u32 $0x1, s19  }
0x103: {  	s0 =	smul.u32 $0x140, s0  }
0x104: {  	p3 =	sne.s32 s28, $0xFFFFFFFF  }
0x105: {  	v1 =	vld.msk @!p3 [tilespmem:s0+$0xACF8], $0x1;
	_ =	sdelay $0x4  }
0x106: {  	(v2sf) =	vpush @!p3 v1, $0x0;
	_ =	sdelay $0xc  }
.Ltmp20:
0x107: {  	_ = 	snop;
	(pc) =	sbr.rel @p2 .LBB3_25-.Ltmp20, $4  }
0x108: {  	_ = 	snop  }
0x109: {  	s26 =	spop @!p3 (v2sf)  }
0x10a: {  	s20 =	simm.s32 @!p3 $0x0;
	s22 =	smov.u32 s26  }
0x10b: {  	[sflag:s16] =	ssyncpa.u1 $0x0;
	s26 =	smov.u32 @p3 s25;
	s22 =	smov.u32 @p3 s28  }
0x10c: {  	v1 =	vld.msk [tilespmem:s21+$0x0], $0x1;
	_ =	sdelay $0x4  }
0x10d: {  	(v2sf) =	vpush v1, $0x0;
	_ =	sdelay $0xe  }
0x10e: {  	s0 =	smul.u32 $0x28000, s23;
	s30 =	spop (v2sf)  }
0x10f: {  	s24 =	ssub.s32 $0x0, s24;
	p2 =	seq.s32 s26, s30  }
0x110: {  	s28 =	sadd.s32 $0x1, s24;
	s0 =	sshrl.u32 s0, $0x2;
	p3 =	sgt.s32 @!p2 s26, $0x0  }
0x111: {  	s23 =	sadd.s32 $0xAF98, s0;
	s0 =	smov.u32 s26;
	p3 =	por !p3, p2  }
0x112: {  	s0 =	simm.s32 @p3 $0x0;
	p3 =	seq.s32 s28, $0x0  }
.Ltmp21:
0x113: {  	_ = 	snop;
	(pc) =	sbr.rel @p3 .LBB3_17-.Ltmp21, $4  }
0x114: {  	_ = 	snop  }
0x115: {  	s25 =	simm.s32 $0x0;
	s31 =	simm.s32 @!p2 $0x1;
	s2 =	smin.u32 @!p2 s0, $0x678  }
0x116: {  	s29 =	sadd.s32 $0x1, s21;
	s31 =	smov.u32 @p2 s25;
	s8 =	sand.u32 @!p2 $0x7F8, s2  }
0x117: {  	s0 =	simm.s32 @!p2 $0x50C8;
	s2 =	sand.u32 @!p2 $0x7, s2;
	s8 =	sadd.s32 @!p2 s1, s8  }
.LBB3_16:
0x118: {  	s9 =	smov.u32 s31  }
0x119: {  	[tilespmem:s0], [sflag:$0x2] =	stream.linear.gather @!p2 [hbm4b:s8+s2], $0x40, $0x38;
	[tilespmem:$0x1EF78] =	vst v63  }
0x11a: {  	s28 =	sadd.s32 $0x1, s28;
	s2 =	smov.u32 s30;
	v1 =	vld.msk [tilespmem:s29+$0x0], $0x1  }
0x11b: {  	p3 =	seq.s32 s28, $0x0;
	_ =	sdelay $0x3  }
0x11c: {  	(v2sf) =	vpush v1, $0x0;
	_ =	sdelay $0xe  }
0x11d: {  	s30 =	spop (v2sf)  }
0x11e: {  	p2 =	seq.s32 s2, s30  }
0x11f: {  	p4 =	sgt.s32 @!p2 s2, $0x0;
	s0 =	sshll.u32 @!p2 s31, $0x8;
	s31 =	sadd.s32 @!p2 $0x1, s31  }
.Ltmp22:
0x120: {  	p4 =	por !p4, p2;
	s0 =	sshra.s32 @!p2 s0, $0x2;
	(pc) =	sbr.rel @!p3 .LBB3_16-.Ltmp22, $4  }
0x121: {  	s31 =	smov.u32 @p2 s9;
	s2 =	simm.s32 @p4 $0x0;
	s0 =	sadd.s32 @!p2 $0x50C8, s0  }
0x122: {  	s2 =	smin.u32 @!p2 s2, $0x678  }
0x123: {  	s8 =	sand.u32 @!p2 $0x7F8, s2;
	s2 =	sand.u32 @!p2 $0x7, s2  }
0x124: {  	s29 =	sadd.s32 $0x1, s29;
	s8 =	sadd.s32 @!p2 s1, s8  }
.LBB3_17:
0x125: {  	[tilespmem:s0], [sflag:$0x2] =	stream.linear.gather @!p2 [hbm4b:s8+s2], $0x40, $0x38;
	[tilespmem:$0x1EF78] =	vst v63  }
.Ltmp23:
0x126: {  	s30 =	sshll.u32 s31, $0x6;
	(pc) =	sbr.rel .LBB3_18-.Ltmp23, $4  }
0x127: {  	s31 =	simm.s32 $0x2;
	s0 =	sand.u32 $0x3FFFFFC0, s30  }
0x128: {  	_ =	swait.ge [sflag:s31], s0  }
0x129: {  	s0 =	ssub.s32 $0x0, s0;
	[sflag:s31] =	ssyncset.done $0x0  }
0x12a: {  	s29 =	simm.s32 $0x0;
	[sflag:s31] =	ssyncadd.s32 s0  }
.LBB3_19:
0x12b: {  	v1 =	vld [tilespmem:s23+$0xFFFFFFE0];
	_ =	sdelay $0x4  }
0x12c: {  	[tilespmem:s30+$0x88] =	vst.add.f32.msk $0xffff, v1  }
0x12d: {  	v1 =	vld [tilespmem:s23+$0xFFFFFFF0];
	_ =	sdelay $0x4  }
0x12e: {  	[tilespmem:s30+$0x98] =	vst.add.f32.msk $0xffff, v1  }
0x12f: {  	v1 =	vld [tilespmem:s23+$0x0];
	_ =	sdelay $0x4  }
0x130: {  	[tilespmem:s30+$0xA8] =	vst.add.f32.msk $0xffff, v1  }
0x131: {  	v1 =	vld [tilespmem:s23+$0x10];
	_ =	sdelay $0x4  }
0x132: {  	[tilespmem:s30+$0xB8] =	vst.add.f32.msk $0xffff, v1  }
.LBB3_23:
0x133: {  	s24 =	sadd.s32 $0x1, s24  }
0x134: {  	p2 =	seq.s32 s24, $0x0  }
.Ltmp24:
0x135: {  	_ = 	snop;
	(pc) =	sbr.rel @p2 .LBB3_24-.Ltmp24, $2  }
0x136: {  	_ =	sdelay $0x2  }
0x137: {  	s23 =	sadd.s32 $0x80, s23;
	s21 =	sadd.s32 $0x1, s21;
	s26 =	smov.u32 s28  }
.LBB3_18:
0x138: {  	v1 =	vld.msk [tilespmem:s21+$0x0], $0x1;
	_ =	sdelay $0x4  }
0x139: {  	(v2sf) =	vpush v1, $0x0;
	_ =	sdelay $0xe  }
0x13a: {  	s28 =	spop (v2sf)  }
0x13b: {  	p2 =	sne.s32 s26, s28  }
.Ltmp25:
0x13c: {  	_ = 	snop;
	(pc) =	sbr.rel @!p2 .LBB3_19-.Ltmp25, $3  }
0x13d: {  	_ =	sdelay $0x1  }
0x13e: {  	s0 =	sshll.u32 s20, $0x8  }
0x13f: {  	s30 =	sshra.s32 s0, $0x2  }
0x140: {  	p2 =	seq.s32 s26, s22  }
.Ltmp26:
0x141: {  	_ = 	snop;
	(pc) =	sbr.rel @!p2 .LBB3_21-.Ltmp26, $1  }
0x142: {  	_ =	sdelay $0x3  }
.Ltmp27:
0x143: {  	s0 =	sadd.s32 $0x88, s30;
	(pc) =	sbr.rel .LBB3_22-.Ltmp27, $4  }
0x144: {  	[spmem:s13] =	stream.linear.scatter [tilespmem:s0], [sflag:$0x1], $0x40, $0x38;
	[tilespmem:$0x1EF78] =	vst v63  }
0x145: {  	_ =	swait.ge [sflag:s11], $0x40  }
0x146: {  	[sflag:s11] =	ssyncset.done $0x0  }
0x147: {  	[sflag:s11] =	ssyncadd.s32 $0xFFFFFFC0  }
.LBB3_21:
0x148: {  	s0 =	sshll.u32 s25, $0x8  }
0x149: {  	s0 =	sshra.s32 s0, $0x2  }
0x14a: {  	v1 =	vld [tilespmem:s0+$0x50C8];
	_ =	sdelay $0x4  }
0x14b: {  	[tilespmem:s30+$0x88] =	vst.add.f32.msk $0xffff, v1  }
0x14c: {  	v1 =	vld [tilespmem:s0+$0x50D8];
	_ =	sdelay $0x4  }
0x14d: {  	[tilespmem:s30+$0x98] =	vst.add.f32.msk $0xffff, v1  }
0x14e: {  	v1 =	vld [tilespmem:s0+$0x50E8];
	_ =	sdelay $0x4  }
0x14f: {  	[tilespmem:s30+$0xA8] =	vst.add.f32.msk $0xffff, v1  }
0x150: {  	v1 =	vld [tilespmem:s0+$0x50F8];
	_ =	sdelay $0x2  }
0x151: {  	p2 =	sgt.u32 s26, $0x678  }
0x152: {  	s0 =	sand.u32 @!p2 $0x7F8, s26  }
0x153: {  	s2 =	sadd.s32 $0x88, s30;
	s8 =	sand.u32 @!p2 $0x7, s26;
	s0 =	sadd.s32 @!p2 s1, s0;
	[tilespmem:s30+$0xB8] =	vst.add.f32.msk $0xffff, v1  }
0x154: {  	[hbm4b:s0+s8] =	stream.linear.scatter @!p2 [tilespmem:s2], [sflag:$0xA], $0x40, $0x38;
	[tilespmem:$0x1EF78] =	vst v63  }
0x155: {  	s0 =	simm.s32 $0x0  }
0x156: {  	s0 =	simm.s32 @!p2 $0x100  }
0x157: {  	s29 =	sadd.s32 s0, s29  }
.LBB3_22:
0x158: {  	s0 =	sadd.s32 $0x1, s20  }
0x159: {  	s2 =	smulhi.u32 $0xCCCCCCCD, s0;
	_ =	sdelay $0x1  }
0x15a: {  	v1 =	vld [tilespmem:s23+$0xFFFFFFE0];
	s2 =	sshrl.u32 s2, $0x8  }
0x15b: {  	s2 =	smul.u32 $0x140, s2;
	_ =	sdelay $0x1  }
0x15c: {  	s20 =	ssub.s32 s0, s2  }
0x15d: {  	s0 =	sshll.u32 s20, $0x6  }
0x15e: {  	[tilespmem:s0+$0x88] =	vst v1  }
0x15f: {  	v1 =	vld [tilespmem:s23+$0xFFFFFFF0];
	_ =	sdelay $0x4  }
0x160: {  	[tilespmem:s0+$0x98] =	vst v1  }
0x161: {  	v1 =	vld [tilespmem:s23+$0x0];
	_ =	sdelay $0x4  }
0x162: {  	[tilespmem:s0+$0xA8] =	vst v1  }
0x163: {  	v1 =	vld [tilespmem:s23+$0x10]  }
.Ltmp28:
0x164: {  	_ = 	snop;
	(pc) =	sbr.rel .LBB3_23-.Ltmp28, $2  }
0x165: {  	_ =	sdelay $0x2  }
0x166: {  	s25 =	sadd.s32 $0x1, s25;
	[tilespmem:s0+$0xB8] =	vst v1  }
.LBB3_25:
.Ltmp29:
0x167: {  	(pc) =	sbr.rel .LBB3_26-.Ltmp29, $4  }
0x168: {  	_ = 	snop  }
0x169: {  	s0 =	simm.s32 $0x2  }
0x16a: {  	_ =	swait.ge [sflag:s0], $0x0  }
0x16b: {  	s28 =	smov.u32 s26;
	[sflag:s0] =	ssyncset.done $0x0;
	s0 =	simm.s32 $0x0  }
.LBB3_28:
0x16c: {  	_ =	sfence.sel $0x180000  }
0x16d: {  	s0 =	simm.s32 $0x7;
	[bflag:$0x0] =	sbarrier.arrive $0xFFFF  }
0x16e: {  	s25 =	simm.s32 $0x8;
	[sflag:s0] =	ssyncpa.u1 $0x1  }
0x16f: {  	s26 =	simm.s32 $0x9;
	[sflag:s25] =	ssyncpa.u1 $0x1  }
0x170: {  	s28 =	simm.s32 $0x2;
	[sflag:s26] =	ssyncpa.u1 $0x1  }
0x171: {  	[sflag:s28] =	ssyncpa.u1 $0x1  }
0x172: {  	v0 =	vld [tilespmem:$0xA108];
	_ =	sdelay $0x4  }
0x173: {  	(v2sf) =	vpush v0, $0x0  }
0x174: {  	(v2sf) =	vpush v0, $0x1;
	_ =	sdelay $0x1  }
0x175: {  	(v2sf) =	vpush v0, $0x2;
	_ =	sdelay $0xb  }
0x176: {  	s0 =	spop (v2sf)  }
0x177: {  	s2 =	spop (v2sf)  }
0x178: {  	s3 =	smov.u32 s0;
	p0 =	sne.s32 s0, s2  }
0x179: {  	s4 =	spop (v2sf);
	s3 =	simm.s32 @!p0 $0xFFFFFFFF  }
0x17a: {  	v2 =	vimm.s32 $0x1;
	v3 =	vlaneseq.u32;
	p0 =	seq.s32 s4, $0xFFFFFFFF;
	v1 =	vmov s3  }
0x17b: {  	s7 =	stileid.u32;
	v0 =	vperm.xlane v0, v2;
	p1 =	sne.s32 @!p0 s0, s2;
	v1 =	vperm.xlane v1, v3  }
0x17c: {  	vm0 =	vcmask $0x3F04;
	s6 =	simm.s32 $0xA108;
	s0 =	simm.s32 @!p0 $0x1;
	p1 =	por !p1, p0  }
0x17d: {  	s3 =	sshll.u32 s7, $0x1;
	s2 =	sshll.u32 @!p0 s4, $0x8;
	s0 =	simm.s32 @p1 $0x0;
	v0 =	vsel vm0, v1, v0  }
0x17e: {  	s5 =	sor.u32 $0x800, s3;
	s2 =	sshra.s32 @!p0 s2, $0x2;
	s0 =	sor.u32 @!p0 s0, s3;
	[tilespmem:$0xA108] =	vst v0  }
0x17f: {  	[spmem:s5] =	stream.linear.scatter [tilespmem:s6], [sflag:$0x1], $0x2, $0x38;
	[tilespmem:$0x1EF78] =	vst v63  }
0x180: {  	s2 =	sadd.s32 @!p0 $0x88, s2;
	s0 =	sshll.u32 @!p0 s0, $0x6  }
0x181: {  	[spmem:s0] =	stream.linear.scatter @!p0 [tilespmem:s2], [sflag:$0x1], $0x40, $0x38;
	[tilespmem:$0x1EF78] =	vst v63  }
0x182: {  	s2 =	simm.s32 @!p0 $0x42  }
0x183: {  	s0 =	simm.s32 $0x1;
	s2 =	simm.s32 @p0 $0x2  }
0x184: {  	_ =	swait.ge [sflag:s0], s2  }
0x185: {  	s2 =	ssub.s32 $0x0, s2;
	[sflag:s0] =	ssyncset.done $0x0  }
0x186: {  	[sflag:s0] =	ssyncadd.s32 s2  }
0x187: {  	_ =	sfence.stream.spmem  }
0x188: {  	s29 =	simm.s32 $0x3;
	[bflag:$0x0] =	sbarrier.arrive $0xFFFF  }
0x189: {  	s30 =	simm.s32 $0x4;
	[sflag:s29] =	ssyncpa.u1 $0x1  }
0x18a: {  	s31 =	simm.s32 $0x3C;
	[sflag:s30] =	ssyncpa.u1 $0x1  }
0x18b: {  	p0 =	sne.s32 s7, $0x0;
	[sflag:s31] =	ssyncpa.u1 $0x1  }
0x18c: {  	_ =	sfence @p0  }
0x18d: {  	[sflag:s0] =	ssyncpa.u1 @p0 $0x1  }
0x18e: {  	_ =	strace @p0 $0x90000065  }
0x18f: {  	[bflag:$0x2] =	sbarrier.arrive @p0 $0xFFFF  }
0x190: {  	_ =	shalt @p0  }
.LBB3_29:
0x191: {  	_ =	sfence.stream.spmem;
	s0 =	simm.s32 $0x5  }
0x192: {  	s2 =	simm.s32 $0x800;
	s3 =	simm.s32 $0xA118;
	[sflag:s0] =	ssyncpa.u1 $0x0  }
0x193: {  	[tilespmem:s3], [sflag:$0x5] =	stream.linear.gather [spmem:s2], $0x20, $0x38;
	[tilespmem:$0x1EF78] =	vst v63  }
0x194: {  	s30 =	simm.s32 $0xA138;
	s2 =	simm.s32 $0x0  }
0x195: {  	[tilespmem:s30], [sflag:$0x5] =	stream.linear.gather [spmem:s2], $0x800, $0x38;
	[tilespmem:$0x1EF78] =	vst v63  }
.Ltmp30:
0x196: {  	_ = 	snop;
	(pc) =	sbr.rel .LBB3_30-.Ltmp30, $4  }
0x197: {  	_ =	swait.ge [sflag:s0], $0x820  }
0x198: {  	[sflag:s0] =	ssyncset.done $0x0  }
0x199: {  	s31 =	simm.s32 $0x6;
	[sflag:s0] =	ssyncadd.s32 $0xFFFFF7E0  }
0x19a: {  	s3 =	simm.s32 $0x0;
	[sflag:s31] =	ssyncpa.u1 $0x0  }
.LBB3_36:
0x19b: {  	p0 =	slt.u32 s4, $0x679  }
0x19c: {  	s0 =	sand.u32 @p0 $0x7F8, s4  }
0x19d: {  	s4 =	sand.u32 @p0 $0x7, s4;
	s5 =	simm.s32 @p0 $0xA0C8;
	s0 =	sadd.s32 @p0 s1, s0  }
0x19e: {  	[tilespmem:s5], [sflag:$0x6] =	stream.linear.gather @p0 [hbm4b:s0+s4], $0x40, $0x38;
	[tilespmem:$0x1EF78] =	vst v63  }
0x19f: {  	s0 =	simm.s32 @p0 $0x6  }
0x1a0: {  	_ =	swait.ge @p0 [sflag:s0], $0x40  }
0x1a1: {  	[sflag:s0] =	ssyncset.done @p0 $0x0  }
0x1a2: {  	[sflag:s0] =	ssyncadd.s32 @p0 $0xFFFFFFC0  }
0x1a3: {  	v1 =	vld @p0 [tilespmem:$0xA0C8];
	_ =	sdelay $0x2  }
0x1a4: {  	s0 =	sshll.u32 @p0 s3, $0x8  }
0x1a5: {  	s4 =	sshrl.u32 @p0 s0, $0x2  }
0x1a6: {  	[tilespmem:s4+$0xA138] =	vst.add.f32.msk @p0 $0xffff, v1  }
0x1a7: {  	v1 =	vld @p0 [tilespmem:$0xA0D8];
	_ =	sdelay $0x4  }
0x1a8: {  	[tilespmem:s4+$0xA148] =	vst.add.f32.msk @p0 $0xffff, v1  }
0x1a9: {  	v1 =	vld @p0 [tilespmem:$0xA0E8];
	_ =	sdelay $0x4  }
0x1aa: {  	[tilespmem:s4+$0xA158] =	vst.add.f32.msk @p0 $0xffff, v1  }
0x1ab: {  	v1 =	vld @p0 [tilespmem:$0xA0F8];
	_ =	sdelay $0x3  }
0x1ac: {  	s5 =	sshll.u32 @!p0 s3, $0x8  }
0x1ad: {  	s5 =	smov.u32 @p0 s0;
	[tilespmem:s4+$0xA168] =	vst.add.f32.msk @p0 $0xffff, v1  }
0x1ae: {  	s0 =	sshrl.u32 s5, $0x2;
	[tilespmem:s2+$0xA118] =	vst.msk $0x1, v0  }
0x1af: {  	v0 =	vld [tilespmem:s0+$0xA138];
	_ =	sdelay $0x2  }
0x1b0: {  	s31 =	sshll.u32 s2, $0x8  }
0x1b1: {  	s4 =	sshra.s32 s31, $0x2  }
0x1b2: {  	[tilespmem:s4+$0xA138] =	vst v0  }
0x1b3: {  	v0 =	vld [tilespmem:s0+$0xA148];
	_ =	sdelay $0x4  }
0x1b4: {  	[tilespmem:s4+$0xA148] =	vst v0  }
0x1b5: {  	v0 =	vld [tilespmem:s0+$0xA158];
	_ =	sdelay $0x4  }
0x1b6: {  	[tilespmem:s4+$0xA158] =	vst v0  }
0x1b7: {  	v0 =	vld [tilespmem:s0+$0xA168];
	_ =	sdelay $0x4  }
0x1b8: {  	s2 =	sadd.s32 $0x1, s2;
	[tilespmem:s4+$0xA168] =	vst v0  }
.LBB3_37:
0x1b9: {  	s3 =	sadd.s32 $0x1, s3  }
0x1ba: {  	p0 =	sne.s32 s3, $0x20  }
.Ltmp31:
0x1bb: {  	_ = 	snop;
	(pc) =	sbr.rel @!p0 .LBB3_38-.Ltmp31, $1  }
0x1bc: {  	_ =	sdelay $0x3  }
.LBB3_30:
0x1bd: {  	v0 =	vld.msk [tilespmem:s3+$0xA118], $0x1;
	_ =	sdelay $0x4  }
0x1be: {  	(v2sf) =	vpush v0, $0x0;
	_ =	sdelay $0xe  }
0x1bf: {  	s4 =	spop (v2sf)  }
0x1c0: {  	p0 =	seq.s32 s4, $0xFFFFFFFF  }
.Ltmp32:
0x1c1: {  	_ = 	snop;
	(pc) =	sbr.rel @p0 .LBB3_37-.Ltmp32, $1  }
0x1c2: {  	_ =	sdelay $0x3  }
0x1c3: {  	p0 =	slt.s32 s2, $0x1  }
.Ltmp33:
0x1c4: {  	_ = 	snop;
	(pc) =	sbr.rel @p0 .LBB3_36-.Ltmp33, $1  }
0x1c5: {  	_ =	sdelay $0x3  }
0x1c6: {  	s5 =	simm.s32 $0xA118;
	p0 =	por $0x0, $0x0  }
0x1c7: {  	v1 =	vld.msk @!p0 [tilespmem:s5+$0x0], $0x1;
	_ =	sdelay $0x4  }
0x1c8: {  	(v2sf) =	vpush @!p0 v1, $0x0;
	_ =	sdelay $0xd  }
0x1c9: {  	p2 =	sne.s32 s2, $0x1  }
.Ltmp34:
0x1ca: {  	s0 =	spop @!p0 (v2sf);
	(pc) =	sbr.rel @!p2 .LBB3_34-.Ltmp34, $4  }
0x1cb: {  	p1 =	seq.s32 @!p0 s4, s0  }
0x1cc: {  	s6 =	simm.s32 $0x0;
	p1 =	por !p1, p0  }
0x1cd: {  	s0 =	simm.s32 $0xFFFFFFFF;
	s6 =	simm.s32 @p1 $0xFFFFFFFF  }
0x1ce: {  	s7 =	simm.s32 $0x1;
	s6 =	smov.u32 @p0 s0  }
.LBB3_33:
0x1cf: {  	s0 =	smov.u32 s6;
	p0 =	sne.s32 s6, $0xFFFFFFFF  }
0x1d0: {  	s5 =	sadd.s32 $0x1, s5;
	s6 =	smov.u32 s7;
	s7 =	sadd.s32 $0x1, s7  }
0x1d1: {  	p1 =	sne.s32 s2, s7;
	v1 =	vld.msk @!p0 [tilespmem:s5+$0x0], $0x1;
	_ =	sdelay $0x4  }
0x1d2: {  	(v2sf) =	vpush @!p0 v1, $0x0;
	_ =	sdelay $0xe  }
.Ltmp35:
0x1d3: {  	s8 =	spop @!p0 (v2sf);
	(pc) =	sbr.rel @p1 .LBB3_33-.Ltmp35, $4  }
0x1d4: {  	p2 =	seq.s32 @!p0 s4, s8  }
0x1d5: {  	p2 =	por !p2, p0  }
0x1d6: {  	s6 =	simm.s32 @p2 $0xFFFFFFFF  }
0x1d7: {  	s6 =	smov.u32 @p0 s0  }
.LBB3_34:
0x1d8: {  	p0 =	seq.s32 s6, $0xFFFFFFFF  }
.Ltmp36:
0x1d9: {  	_ = 	snop;
	(pc) =	sbr.rel @p0 .LBB3_36-.Ltmp36, $1  }
0x1da: {  	_ =	sdelay $0x3  }
0x1db: {  	s0 =	sshll.u32 s3, $0x6  }
0x1dc: {  	s0 =	sand.u32 $0x3FFFFFC0, s0  }
0x1dd: {  	v0 =	vld [tilespmem:s0+$0xA138];
	_ =	sdelay $0x2  }
0x1de: {  	s4 =	sshll.u32 s6, $0x8  }
0x1df: {  	s4 =	sshra.s32 s4, $0x2  }
0x1e0: {  	[tilespmem:s4+$0xA138] =	vst.add.f32.msk $0xffff, v0  }
0x1e1: {  	v0 =	vld [tilespmem:s0+$0xA148];
	_ =	sdelay $0x4  }
0x1e2: {  	[tilespmem:s4+$0xA148] =	vst.add.f32.msk $0xffff, v0  }
0x1e3: {  	v0 =	vld [tilespmem:s0+$0xA158];
	_ =	sdelay $0x4  }
0x1e4: {  	[tilespmem:s4+$0xA158] =	vst.add.f32.msk $0xffff, v0  }
0x1e5: {  	v0 =	vld [tilespmem:s0+$0xA168]  }
.Ltmp37:
0x1e6: {  	_ = 	snop;
	(pc) =	sbr.rel .LBB3_37-.Ltmp37, $2  }
0x1e7: {  	_ =	sdelay $0x2  }
0x1e8: {  	[tilespmem:s4+$0xA168] =	vst.add.f32.msk $0xffff, v0  }
.LBB3_38:
0x1e9: {  	p0 =	slt.s32 s2, $0x1  }
.Ltmp38:
0x1ea: {  	_ = 	snop;
	(pc) =	sbr.rel @p0 .LBB3_42-.Ltmp38, $3  }
0x1eb: {  	_ =	sdelay $0x1  }
0x1ec: {  	s0 =	simm.s32 $0x6  }
0x1ed: {  	s3 =	simm.s32 $0x0;
	[sflag:s0] =	ssyncpa.u1 $0x1  }
0x1ee: {  	s0 =	simm.s32 $0xA118  }
0x1ef: {  	v0 =	vld.msk [tilespmem:s0+$0x0], $0x1;
	_ =	sdelay $0x4  }
0x1f0: {  	(v2sf) =	vpush v0, $0x0;
	_ =	sdelay $0xe  }
0x1f1: {  	s2 =	sadd.s32 $0xFFFFFFFF, s2;
	s0 =	spop (v2sf)  }
0x1f2: {  	p1 =	sne.s32 s2, $0x0;
	p0 =	sgt.u32 s0, $0x678  }
.Ltmp39:
0x1f3: {  	s5 =	sand.u32 @!p0 $0x7F8, s0;
	(pc) =	sbr.rel @!p1 .LBB3_41-.Ltmp39, $4  }
0x1f4: {  	s4 =	simm.s32 $0xA138;
	s0 =	sand.u32 @!p0 $0x7, s0;
	s5 =	sadd.s32 @!p0 s1, s5  }
0x1f5: {  	[hbm4b:s5+s0] =	stream.linear.scatter @!p0 [tilespmem:s4], [sflag:$0x5], $0x40, $0x38;
	[tilespmem:$0x1EF78] =	vst v63  }
0x1f6: {  	s0 =	simm.s32 $0x0  }
0x1f7: {  	s5 =	simm.s32 $0xA119;
	s0 =	simm.s32 @!p0 $0x100  }
.LBB3_40:
0x1f8: {  	v0 =	vld.msk [tilespmem:s5+$0x0], $0x1;
	s2 =	sadd.s32 $0xFFFFFFFF, s2;
	s3 =	sadd.s32 s3, s0  }
0x1f9: {  	p0 =	sne.s32 s2, $0x0;
	_ =	sdelay $0x3  }
0x1fa: {  	(v2sf) =	vpush v0, $0x0;
	_ =	sdelay $0xe  }
.Ltmp40:
0x1fb: {  	s6 =	spop (v2sf);
	(pc) =	sbr.rel @p0 .LBB3_40-.Ltmp40, $4  }
0x1fc: {  	s0 =	simm.s32 $0x0;
	p1 =	sgt.u32 s6, $0x678  }
0x1fd: {  	s4 =	sadd.s32 $0x40, s4;
	s0 =	simm.s32 @!p1 $0x100;
	s7 =	sand.u32 @!p1 $0x7F8, s6  }
0x1fe: {  	s5 =	sadd.s32 $0x1, s5;
	s6 =	sand.u32 @!p1 $0x7, s6;
	s7 =	sadd.s32 @!p1 s1, s7  }
0x1ff: {  	[hbm4b:s7+s6] =	stream.linear.scatter @!p1 [tilespmem:s4], [sflag:$0x5], $0x40, $0x38;
	[tilespmem:$0x1EF78] =	vst v63  }
.LBB3_41:
0x200: {  	s0 =	sadd.s32 s3, s0  }
0x201: {  	s3 =	sshrl.u32 s0, $0x2  }
.LBB3_42:
0x202: {  	s0 =	simm.s32 $0x5  }
0x203: {  	_ =	swait.ge [sflag:s0], s3  }
0x204: {  	s1 =	ssub.s32 $0x0, s3;
	[sflag:s0] =	ssyncset.done $0x0  }
0x205: {  	[sflag:s0] =	ssyncadd.s32 s1  }
0x206: {  	[sflag:s0] =	ssyncpa.u1 $0x1  }
0x207: {  	s30 =	simm.s32 $0x1;
	_ =	sfence  }
0x208: {  	[sflag:s30] =	ssyncpa.u1 $0x1  }
0x209: {  	_ =	strace $0x90000065  }
0x20a: {  	[bflag:$0x2] =	sbarrier.arrive $0xFFFF  }
0x20b: {  	s31 =	rddreg [dreg:$0x1]  }
0x20c: {  	s0 =	sadd.s32 $0x100000, s31  }
0x20d: {  	[sflag:s0] =	ssyncadd.tile.s32 $0x1;
	_ =	shalt  }
.Lfunc_end3:
_tile_overlayer_lowered:
.L_overlay_start_3:
0x20e: {  	(tag) =	ssettag $0x3  }
0x20f: {  	s0 =	rddreg [dreg:$0x0];
	s2 =	stileid.u32  }
0x210: {  	s1 =	rddreg [dreg:$0x1];
	p0 =	sne.s32 s2, $0x0  }
0x211: {  	s3 =	rddreg [dreg:$0x2];
	[bflag:$0x3] =	sbarrier.arrive $0xFFFF;
	s2 =	simm.s32 @!p0 $0x1C01  }
0x212: {  	[timem:s3], [sflag:s2] =	dma.local @!p0 [hbm:s0], s1  }
0x213: {  	s0 =	simm.s32 @!p0 $0x1  }
0x214: {  	_ =	swait.ge @!p0 [sflag:s0], s1  }
0x215: {  	s1 =	ssub.s32 @!p0 $0x0, s1;
	[sflag:s0] =	ssyncset.done @!p0 $0x0  }
0x216: {  	[sflag:s0] =	ssyncadd.s32 @!p0 s1  }
0x217: {  	[bflag:$0x3] =	sbarrier.arrive $0xFFFF  }
0x218: {  	_ =	shalt  }

// kernel: scatter_offload_async_start.5
scs
__scs_entry_jumppad:
0x0: {  	(pc) =	sbr.rel $0x88, $3  }
0x1: {  	(tag) =	ssettag $0x0;
	lr =	simm.s32 $0x1  }
0x2: {  	[smem:$0x3F87] =	sst lr;
	_ =	strace $0xD0000000  }
0x3: {  	_ = 	snop  }
0x4: {  	_ = 	snop  }
0x5: {  	_ = 	snop  }
0x6: {  	_ = 	snop  }
0x7: {  	_ = 	snop  }
__scs_overlays_trampoline_lowered:
0x8: {  	[smem:$0x3F96] =	sst s0  }
0x9: {  	[smem:$0x3F97] =	sst s1  }
0xa: {  	[smem:$0x3F98] =	sst s2  }
0xb: {  	[smem:$0x3F99] =	sst s3  }
0xc: {  	[smem:$0x3F9A] =	sst s4  }
0xd: {  	[smem:$0x3F9B] =	sst s5  }
0xe: {  	[smem:$0x3F9C] =	sst s6  }
0xf: {  	[smem:$0x3F9D] =	sst s7  }
0x10: {  	[smem:$0x3F9E] =	sst s8  }
0x11: {  	[smem:$0x3F9F] =	sst s9;
	s0 =	simm.s32 @!p0 $0x0  }
0x12: {  	s1 =	sld [smem:$0x3F85];
	s0 =	simm.s32 @p0 $0x1  }
0x13: {  	[smem:$0x3FA0] =	sst s0;
	s0 =	simm.s32 @!p1 $0x0  }
0x14: {  	s2 =	sld [smem:$0x3F84];
	s0 =	simm.s32 @p1 $0x1  }
0x15: {  	[smem:$0x3FA1] =	sst s0;
	s0 =	simm.s32 @!p2 $0x0  }
0x16: {  	s3 =	sld [smem:$0x3FDB];
	s0 =	simm.s32 @p2 $0x1  }
0x17: {  	s4 =	simm.s32 $0x1BF5;
	[smem:$0x3FA3] =	sst s0  }
0x18: {  	s0 =	sld [smem:$0x3F86];
	_ =	swait.ge [sflag:s4], $0x0  }
0x19: {  	s7 =	sld [smem:$0x3F87]  }
0x1a: {  	s8 =	sadd.s32 $0xFFFFE003, lr  }
0x1b: {  	s9 =	sadd.s32 $0xFFFFFEF7, lr;
	s5 =	simm.s32 $0xFFFFFFFF;
	p2 =	slt.u32 s8, $0xFFFFF086  }
0x1c: {  	p1 =	slt.u32 s9, $0xF7A;
	s5 =	simm.s32 @!p2 $0x0  }
0x1d: {  	s5 =	simm.s32 @p1 $0x1;
	p0 =	seq.s32 s7, s2  }
0x1e: {  	s7 =	smul.u32 @!p0 $0xF7A, s2;
	p2 =	seq.s32 @!p0 s5, $0x0  }
0x1f: {  	s9 =	smul.u32 $0xF7A, s1;
	s8 =	simm.s32 @!p0 $0x1BF5;
	p2 =	por !p2, p0  }
0x20: {  	[sflag:s8] =	ssyncset.s32 @!p0 $0xFFFFF086;
	s6 =	sadd.s32 @!p0 s3, s7;
	s7 =	simm.s32 @!p0 $0x108  }
0x21: {  	s3 =	sadd.s32 s3, s9;
	s6 =	sadd.s32 @!p0 $0x88, s6;
	s7 =	simm.s32 @p2 $0x1082  }
0x22: {  	[simem:s7], [sflag:s8] =	dma.local @!p0 [hbm:s6], $0xF7A  }
0x23: {  	s9 =	sor.u32 $0xD0000000, s2;
	s6 =	simm.s32 $0x108;
	_ =	swait.ge @!p0 [sflag:s8], $0x0  }
0x24: {  	s3 =	sadd.s32 $0x88, s3;
	s6 =	simm.s32 @!p1 $0x1082;
	[sflag:s4] =	ssyncset.s32 $0xFFFFF086  }
0x25: {  	[simem:s6], [sflag:s4] =	dma.local [hbm:s3], $0xF7A  }
0x26: {  	[smem:$0x3F87] =	sst s1;
	(tag) =	ssettag s2;
	_ =	strace s9  }
0x27: {  	s1 =	sld [smem:$0x3F97]  }
0x28: {  	s2 =	sld [smem:$0x3F98]  }
0x29: {  	s4 =	sld [smem:$0x3F9A]  }
0x2a: {  	p0 =	seq.s32 s5, $0x0;
	s5 =	sld [smem:$0x3F9B]  }
0x2b: {  	s6 =	sld [smem:$0x3F9C]  }
0x2c: {  	s7 =	sld [smem:$0x3F9D]  }
0x2d: {  	s3 =	simm.s32 $0x108;
	s8 =	sld [smem:$0x3F9E]  }
0x2e: {  	s3 =	simm.s32 @!p0 $0x1082;
	s9 =	sld [smem:$0x3F9F]  }
0x2f: {  	lr =	sadd.s32 s0, s3;
	s0 =	sld [smem:$0x3F96]  }
0x30: {  	s3 =	sld [smem:$0x3F99]  }
0x31: {  	[smem:$0x3FA2] =	sst s10  }
0x32: {  	s10 =	sld [smem:$0x3FA0];
	_ =	sdelay $0x3  }
0x33: {  	p0 =	seq.s32 s10, $0x1;
	s10 =	sld [smem:$0x3FA2];
	_ =	sdelay $0x3  }
0x34: {  	[smem:$0x3FA2] =	sst s10  }
0x35: {  	s10 =	sld [smem:$0x3FA1];
	_ =	sdelay $0x3  }
0x36: {  	p1 =	seq.s32 s10, $0x1;
	s10 =	sld [smem:$0x3FA2];
	_ =	sdelay $0x3  }
0x37: {  	[smem:$0x3FA2] =	sst s10  }
0x38: {  	s10 =	sld [smem:$0x3FA3]  }
0x39: {  	_ = 	snop;
	(pc) =	sbr.ind lr, $3  }
0x3a: {  	_ = 	snop  }
0x3b: {  	_ = 	snop  }
0x3c: {  	p2 =	seq.s32 s10, $0x1;
	s10 =	sld [smem:$0x3FA2]  }
0x3d: {  	_ =	shalt  }
0x3e: {  	_ =	shalt  }
0x3f: {  	_ =	shalt  }
0x40: {  	_ =	shalt  }
0x41: {  	_ =	shalt  }
0x42: {  	_ =	shalt  }
0x43: {  	_ =	shalt  }
0x44: {  	_ =	shalt  }
0x45: {  	_ =	shalt  }
0x46: {  	_ =	shalt  }
0x47: {  	_ =	shalt  }
0x48: {  	_ =	shalt  }
0x49: {  	_ =	shalt  }
0x4a: {  	_ =	shalt  }
0x4b: {  	_ =	shalt  }
0x4c: {  	_ =	shalt  }
0x4d: {  	_ =	shalt  }
0x4e: {  	_ =	shalt  }
0x4f: {  	_ =	shalt  }
0x50: {  	_ =	shalt  }
0x51: {  	_ =	shalt  }
0x52: {  	_ =	shalt  }
0x53: {  	_ =	shalt  }
0x54: {  	_ =	shalt  }
0x55: {  	_ =	shalt  }
0x56: {  	_ =	shalt  }
0x57: {  	_ =	shalt  }
0x58: {  	_ =	shalt  }
0x59: {  	_ =	shalt  }
0x5a: {  	_ =	shalt  }
0x5b: {  	_ =	shalt  }
0x5c: {  	_ =	shalt  }
0x5d: {  	_ =	shalt  }
0x5e: {  	_ =	shalt  }
0x5f: {  	_ =	shalt  }
0x60: {  	_ =	shalt  }
0x61: {  	_ =	shalt  }
0x62: {  	_ =	shalt  }
0x63: {  	_ =	shalt  }
0x64: {  	_ =	shalt  }
0x65: {  	_ =	shalt  }
0x66: {  	_ =	shalt  }
0x67: {  	_ =	shalt  }
0x68: {  	_ =	shalt  }
0x69: {  	_ =	shalt  }
0x6a: {  	_ =	shalt  }
0x6b: {  	_ =	shalt  }
0x6c: {  	_ =	shalt  }
0x6d: {  	_ =	shalt  }
0x6e: {  	_ =	shalt  }
0x6f: {  	_ =	shalt  }
0x70: {  	_ =	shalt  }
0x71: {  	_ =	shalt  }
0x72: {  	_ =	shalt  }
0x73: {  	_ =	shalt  }
0x74: {  	_ =	shalt  }
0x75: {  	_ =	shalt  }
0x76: {  	_ =	shalt  }
0x77: {  	_ =	shalt  }
0x78: {  	_ =	shalt  }
0x79: {  	_ =	shalt  }
0x7a: {  	_ =	shalt  }
0x7b: {  	_ =	shalt  }
0x7c: {  	_ =	shalt  }
0x7d: {  	_ =	shalt  }
0x7e: {  	_ =	shalt  }
0x7f: {  	_ =	shalt  }
0x80: {  	_ =	shalt  }
0x81: {  	_ =	shalt  }
0x82: {  	_ =	shalt  }
0x83: {  	_ =	shalt  }
0x84: {  	_ =	shalt  }
0x85: {  	_ =	shalt  }
0x86: {  	_ =	shalt  }
0x87: {  	_ =	shalt  }
.Lfunc_end0:
.L_simem_size_0:
called_computation.5_lowered:
.L_overlay_start_0:
0x88: {  	s0 =	sld [smem:$0x3FD9]  }
0x89: {  	s1 =	sld [smem:$0x3FFE];
	_ =	sdelay $0x3  }
0x8a: {  	s0 =	sadd.s32 s1, s0  }
0x8b: {  	[smem:$0x3FAE] =	sst s0  }
0x8c: {  	_ = 	snop  }
0x8d: {  	s14 =	sld [smem:$0x3FD0];
	(tm) =	ssettm $0x1  }
0x8e: {  	s15 =	sld [smem:$0x3FFB];
	_ =	sdelay $0x3  }
0x8f: {  	_ =	strace s15  }
0x90: {  	s0 =	sld [smem:$0x3FFC];
	_ =	sdelay $0x3  }
0x91: {  	_ =	strace s0  }
0x92: {  	s0 =	sld [smem:$0x3FFD];
	_ =	sdelay $0x3  }
0x93: {  	_ =	strace s0  }
0x94: {  	_ =	strace $0x8FFFFFFF  }
0x95: {  	s16 =	sld [smem:$0x3FDB];
	_ =	sdelay $0x1  }
0x96: {  	s2 =	simm.s32 $_scs_section_size  }
0x97: {  	s3 =	simm.s32 $_size__tile_overlayer_lowered;
	s4 =	simm.s32 $_tile_overlayer_lowered  }
0x98: {  	s5 =	simm.s32 $0x1BFF;
	s17 =	sshll.u32 s4, $0x1;
	s2 =	sadd.s32 s2, s16  }
0x99: {  	s18 =	simm.s32 $0x0;
	s3 =	sshll.u32 s3, $0x1;
	s4 =	sadd.s32 s17, s2  }
0x9a: {  	[timem:s18], [sflag:s5] =	dma.local [hbm:s4], s3  }
0x9b: {  	_ =	swait.ge [sflag:s5], s3  }
0x9c: {  	s3 =	ssub.s32 $0x0, s3;
	[sflag:s5] =	ssyncset.done $0x0  }
0x9d: {  	[sflag:s5] =	ssyncadd.s32 s3;
	_ =	sdelay $0x1  }
0x9e: {  	s19 =	simm.s32 $0x1B8B  }
0x9f: {  	_ =	swait.ge [sflag:s19], $0x1  }
0xa0: {  	[sflag:s19] =	ssyncset.done $0x0  }
0xa1: {  	s21 =	simm.s32 $0x1B8E;
	s20 =	sld [smem:$0x3FFE];
	[sflag:s19] =	ssyncadd.s32 $0xFFFFFFFF  }
0xa2: {  	s22 =	simm.s32 $execute0_lowered;
	[smem:$0x3FD2] =	sst s21  }
0xa3: {  	s4 =	sshll.u32 s22, $0x1;
	_ =	strace $0x80000067;
	[dreg:$0x1] =	wrdreg $0xFFFFFFFF  }
0xa4: {  	s23 =	simm.s32 $_size_execute0_lowered;
	s4 =	sadd.s32 s2, s4;
	[dreg:$0x0] =	wrdreg $0x0  }
0xa5: {  	s5 =	sshll.u32 s23, $0x1;
	[dreg:$0x2] =	wrdreg s4  }
0xa6: {  	[dreg:$0x3] =	wrdreg s5  }
0xa7: {  	[dreg:$0x4] =	wrdreg $0xC0  }
0xa8: {  	s24 =	simm.s32 $execute1_lowered;
	_ =	task [dreg:s18], $0x5FFFF  }
0xa9: {  	s4 =	sshll.u32 s24, $0x1;
	[dreg:$0x1] =	wrdreg $0xFFFFFFFF  }
0xaa: {  	s2 =	sadd.s32 s2, s4;
	[dreg:$0x0] =	wrdreg $0x60  }
0xab: {  	[dreg:$0x2] =	wrdreg s2  }
0xac: {  	[dreg:$0x3] =	wrdreg s14  }
0xad: {  	[dreg:$0x4] =	wrdreg s20  }
0xae: {  	[dreg:$0x5] =	wrdreg $0x9  }
0xaf: {  	_ =	task.clear_ibuf [dreg:s18], $0x6FFFF;
	_ =	strace $0x90000067  }
0xb0: {  	s25 =	simm.s32 $0x9;
	_ =	strace $0x80000069  }
0xb1: {  	_ =	swait.ge [sflag:s25], $0x1  }
0xb2: {  	[sflag:s25] =	ssyncadd.s32 $0xFFFFFFFF  }
0xb3: {  	_ =	strace $0x90000069  }
0xb4: {  	_ =	strace $0x8000006A;
	[dreg:$0x1] =	wrdreg $0xFFFFFFFF  }
0xb5: {  	[dreg:$0x0] =	wrdreg $0x2030  }
0xb6: {  	[dreg:$0x2] =	wrdreg s20  }
0xb7: {  	[dreg:$0x3] =	wrdreg $0xA  }
0xb8: {  	_ =	task.clear_ibuf [dreg:s18], $0x4FFFF;
	_ =	strace $0x9000006A  }
0xb9: {  	s26 =	simm.s32 $0xA;
	_ =	strace $0x8000006C  }
0xba: {  	_ =	swait.ge [sflag:s26], $0x1  }
0xbb: {  	[sflag:s26] =	ssyncadd.s32 $0xFFFFFFFF  }
0xbc: {  	_ =	strace $0x9000006C  }
0xbd: {  	_ =	sfence  }
0xbe: {  	s28 =	sld [smem:$0x0];
	_ =	sdelay $0x1  }
0xbf: {  	s29 =	srdreg.scid  }
0xc0: {  	s30 =	sshll.u32 s29, $0xD;
	s31 =	sshrl.u32 s29, $0x2  }
0xc1: {  	s3 =	sand.u32 $0x4000, s30;
	s2 =	sand.u32 $0x1, s29;
	s1 =	sadd.s32 s31, s28  }
0xc2: {  	s2 =	sor.u32 s3, s2;
	s1 =	sshll.u32 s1, $0x11  }
0xc3: {  	s1 =	sor.u32 s1, s2  }
0xc4: {  	s1 =	sadd.s32 $0x8F2B, s1  }
0xc5: {  	[sflag:s1] =	ssyncadd.remote.s32 $0x1  }
0xc6: {  	_ =	sfence.sel $0xFFFF  }
0xc7: {  	[dreg:$0x0] =	wrdreg $0xFFFFFFFF;
	(pc) =	sbr.abs _section_cstart, $3  }
0xc8: {  	[dreg:$0x1] =	wrdreg $0xFFFFFFFF  }
0xc9: {  	_ =	task.clear_ibuf [dreg:s18], $0x2FFFF;
	_ =	strace $0x9FFFFFFF  }
0xca: {  	(tm) =	ssettm $0x7FFFFFFF  }
0xcb: {  	_ =	shalt  }
tec
execute0_lowered:
.L_overlay_start_1:
0x0: {  	(tag) =	ssettag $0x1  }
0x1: {  	s2 =	rddreg [dreg:$0x0]  }
0x2: {  	s8 =	rddreg [dreg:$0x1]  }
0x3: {  	s4 =	rddreg [dreg:$0x2]  }
0x4: {  	s0 =	rddreg [dreg:$0x3]  }
0x5: {  	s7 =	stileid.u32;
	[bflag:$0x3] =	sbarrier.arrive $0xFFFF;
	s1 =	simm.s32 $_size_execute1_lowered  }
0x6: {  	s9 =	simm.s32 $0x2;
	s13 =	simm.s32 $0x0;
	s12 =	simm.s32 $0x0  }
0x7: {  	p0 =	sne.s32 s7, $0x0;
	s1 =	sshll.u32 s1, $0x1;
	s6 =	smul.u32 $0x4F0, s7  }
0x8: {  	s4 =	sadd.s32 $0x1E3A00, s4;
	s3 =	simm.s32 @!p0 $0x1C3F;
	s5 =	simm.s32 @!p0 $0x4060  }
0x9: {  	[timem:s5], [sflag:s3] =	dma.local @!p0 [hbm:s2], s1  }
0xa: {  	s2 =	sshll.u32 s7, $0x4;
	s3 =	simm.s32 $0x1;
	s6 =	sshrl.u32 s6, $0xD  }
0xb: {  	s5 =	ssub.s32 $0x64, s2;
	_ =	strace $0x80000068;
	s10 =	smul.u32 $0x68, s6  }
0xc: {  	s11 =	smax.u32 s2, $0x58;
	s6 =	simm.s32 $0x3;
	p1 =	sgt.s32 s5, $0x0  }
0xd: {  	[sflag:s3] =	ssyncpa.u1 $0x0;
	s11 =	sshll.u32 s11, $0x8;
	s5 =	simm.s32 @!p1 $0x0  }
0xe: {  	s10 =	ssub.s32 s2, s10;
	s11 =	ssub.s32 $0x6800, s11;
	[sflag:s9] =	ssyncpa.u1 $0x0  }
.Ltmp0:
0xf: {  	s9 =	simm.s32 $0x40;
	s5 =	sand.u32 $0xF4, s5;
	(pc) =	sbr.rel .LBB2_1-.Ltmp0, $4  }
0x10: {  	s10 =	sand.u32 $0xF8, s10;
	p1 =	sne.s32 s5, $0x0;
	s5 =	simm.s32 $0x1  }
0x11: {  	s31 =	sshll.u32 s10, $0x4;
	s10 =	simm.s32 $0x80;
	s5 =	simm.s32 @!p1 $0x0  }
0x12: {  	s6 =	simm.s32 @!p1 $0x2;
	p1 =	sgt.u32 s7, $0x6;
	s7 =	sshrl.u32 s11, $0x2  }
0x13: {  	s8 =	sadd.s32 s31, s8;
	s11 =	simm.s32 $0x0;
	s7 =	simm.s32 @p1 $0x0  }
.LBB2_5:
0x14: {  	_ =	sdelay $0x3  }
0x15: {  	[tilespmem:v3+s18+$0x0 ss:$0x1] =	vst.idx.msk $0xffff, v1  }
0x16: {  	[tilespmem:v3+s16+$0x0 ss:$0x1] =	vst.idx.msk $0xffff, v2  }
0x17: {  	[tilespmem:v3+s17+$0x0 ss:$0x1] =	vst.idx.msk $0xffff, v4  }
0x18: {  	[tilespmem:v3+s19+$0x0 ss:$0x1] =	vst.idx.msk $0xffff, v5  }
.LBB2_6:
0x19: {  	s16 =	smulhi.u32 $0x4EC4EC4F, s12;
	_ =	sdelay $0x1  }
0x1a: {  	s16 =	sshrl.u32 s16, $0x5  }
0x1b: {  	s16 =	smul.u32 $0x68, s16;
	_ =	sdelay $0x1  }
0x1c: {  	s16 =	ssub.s32 s12, s16  }
0x1d: {  	s16 =	sshll.u32 s16, $0x4  }
0x1e: {  	s16 =	sadd.s32 s4, s16  }
0x1f: {  	[hbm4b:s16+s9] =	stream.strided.scatter [tilespmem:s15], [sflag:$0x2], s14, s10, s9, $0x38;
	[tilespmem:$0x1000] =	vst v63  }
.LBB2_7:
0x20: {  	p1 =	slt.u32 s11, $0x2  }
0x21: {  	p2 =	sgt.s32 @!p1 s13, $0x58  }
0x22: {  	p2 =	por !p2, p1  }
0x23: {  	p3 =	sgt.s32 @!p1 s13, $0x67;
	s13 =	simm.s32 @p2 $0x58  }
0x24: {  	s13 =	sshll.u32 @!p1 s13, $0x8  }
0x25: {  	s13 =	ssub.s32 @!p1 $0x6800, s13  }
0x26: {  	s11 =	sadd.s32 $0x1, s11;
	p2 =	por !p3, p1;
	s13 =	sshrl.u32 @!p1 s13, $0x2  }
0x27: {  	s13 =	simm.s32 @!p2 $0x0;
	p2 =	sne.s32 s11, s6  }
.Ltmp1:
0x28: {  	_ = 	snop;
	(pc) =	sbr.rel @!p2 .LBB2_8-.Ltmp1, $4  }
0x29: {  	s14 =	simm.s32 @!p1 $0x2  }
0x2a: {  	_ =	swait.ge @!p1 [sflag:s14], s13  }
0x2b: {  	s15 =	ssub.s32 @!p1 $0x0, s13;
	[sflag:s14] =	ssyncset.done @!p1 $0x0  }
0x2c: {  	s13 =	smov.u32 s12;
	s12 =	smov.u32 s2;
	[sflag:s14] =	ssyncadd.s32 @!p1 s15  }
.LBB2_1:
0x2d: {  	p1 =	sge.u32 s11, s5;
	s31 =	sadd.s32 $0xFFFFFFFF, s11  }
0x2e: {  	s14 =	simm.s32 @!p1 $0x40;
	s15 =	simm.s32 @!p1 $0x80;
	s16 =	simm.s32 @!p1 $0x400  }
0x2f: {  	[tilespmem:s16], [sflag:$0x1] =	stream.strided.gather @!p1 [hbm4b:s8+s14], s7, s15, s14, $0x38;
	[tilespmem:$0x1000] =	vst v63  }
0x30: {  	p1 =	sge.u32 s31, s5  }
.Ltmp2:
0x31: {  	_ = 	snop;
	(pc) =	sbr.rel @p1 .LBB2_7-.Ltmp2, $1  }
0x32: {  	_ =	sdelay $0x3  }
0x33: {  	p1 =	sgt.s32 s12, $0x58;
	s14 =	smov.u32 s12  }
0x34: {  	s14 =	simm.s32 @!p1 $0x58  }
0x35: {  	s14 =	sshll.u32 s14, $0x8  }
0x36: {  	s14 =	ssub.s32 $0x6800, s14  }
0x37: {  	p1 =	sgt.u32 s12, $0x67;
	s14 =	sshrl.u32 s14, $0x2  }
0x38: {  	s15 =	smov.u32 s12;
	s14 =	simm.s32 @p1 $0x0;
	p1 =	slt.s32 s12, $0x54  }
0x39: {  	s15 =	simm.s32 @!p1 $0x54  }
0x3a: {  	s17 =	ssub.s32 s15, s12  }
0x3b: {  	p1 =	slt.s32 s17, $0xFFFFFFF1  }
.Ltmp3:
0x3c: {  	_ = 	snop;
	(pc) =	sbr.rel @p1 .LBB2_6-.Ltmp3, $4  }
0x3d: {  	_ = 	snop  }
0x3e: {  	s16 =	sshll.u32 s11, $0xA;
	_ =	swait.ge [sflag:s3], s14  }
0x3f: {  	s16 =	sand.u32 $0x400, s16;
	s18 =	ssub.s32 $0x0, s14;
	[sflag:s3] =	ssyncset.done $0x0  }
0x40: {  	s15 =	sor.u32 $0x800, s16;
	[sflag:s3] =	ssyncadd.s32 s18  }
0x41: {  	v0 =	vmov s16;
	_ =	sdelay $0x1  }
0x42: {  	s20 =	sadd.s32 $0x10, s17  }
0x43: {  	s31 =	simm.s32 $0x0;
	p1 =	sne.s32 s20, $0x1  }
.Ltmp4:
0x44: {  	s18 =	sand.u32 $0x3C0, s31;
	(pc) =	sbr.rel @!p1 .LBB2_5-.Ltmp4, $4  }
0x45: {  	s16 =	sor.u32 $0x30, s18;
	v1 =	vld.idx.msk [tilespmem:v0+s18+$0x0 ss:$0x1], $0xffff  }
0x46: {  	v3 =	vmov s15;
	s17 =	sor.u32 $0x10, s18;
	v2 =	vld.idx.msk [tilespmem:v0+s16+$0x0 ss:$0x1], $0xffff  }
0x47: {  	s19 =	sor.u32 $0x20, s18;
	v4 =	vld.idx.msk [tilespmem:v0+s17+$0x0 ss:$0x1], $0xffff  }
0x48: {  	s21 =	simm.s32 $0x40;
	s20 =	sadd.s32 $0xFFFFFFFF, s20;
	v5 =	vld.idx.msk [tilespmem:v0+s19+$0x0 ss:$0x1], $0xffff  }
.LBB2_4:
0x49: {  	s22 =	sand.u32 $0x3C0, s21  }
0x4a: {  	p1 =	sne.s32 s20, $0x1;
	s20 =	sadd.s32 $0xFFFFFFFF, s20;
	s23 =	sor.u32 $0x10, s22  }
.Ltmp5:
0x4b: {  	s24 =	sor.u32 $0x20, s22;
	s25 =	sor.u32 $0x30, s22;
	[tilespmem:v3+s18+$0x0 ss:$0x1] =	vst.idx.msk $0xffff, v1;
	v1 =	vld.idx.msk [tilespmem:v0+s22+$0x0 ss:$0x1], $0xffff;
	(pc) =	sbr.rel @p1 .LBB2_4-.Ltmp5, $4  }
0x4c: {  	s18 =	smov.u32 s22;
	[tilespmem:v3+s16+$0x0 ss:$0x1] =	vst.idx.msk $0xffff, v2;
	v2 =	vld.idx.msk [tilespmem:v0+s25+$0x0 ss:$0x1], $0xffff;
	s16 =	smov.u32 s25  }
0x4d: {  	[tilespmem:v3+s17+$0x0 ss:$0x1] =	vst.idx.msk $0xffff, v4;
	v4 =	vld.idx.msk [tilespmem:v0+s23+$0x0 ss:$0x1], $0xffff;
	s17 =	smov.u32 s23  }
0x4e: {  	[tilespmem:v3+s19+$0x0 ss:$0x1] =	vst.idx.msk $0xffff, v5;
	v5 =	vld.idx.msk [tilespmem:v0+s24+$0x0 ss:$0x1], $0xffff;
	s19 =	smov.u32 s24  }
0x4f: {  	s21 =	sadd.s32 $0x40, s21  }
.Ltmp6:
0x50: {  	_ = 	snop;
	(pc) =	sbr.rel .LBB2_5-.Ltmp6, $1  }
0x51: {  	_ =	sdelay $0x3  }
.LBB2_8:
0x52: {  	_ =	sfence.sel $0x180000  }
0x53: {  	s2 =	simm.s32 $0x1;
	[bflag:$0x0] =	sbarrier.arrive $0xFFFF  }
0x54: {  	s31 =	simm.s32 $0x2;
	[sflag:s2] =	ssyncpa.u1 $0x1  }
0x55: {  	[sflag:s31] =	ssyncpa.u1 $0x1  }
0x56: {  	_ =	strace $0x90000068  }
0x57: {  	s0 =	sadd.s32 @!p0 $0x100000, s0;
	[bflag:$0x2] =	sbarrier.arrive $0xFFFF  }
0x58: {  	[sflag:s0] =	ssyncadd.tile.s32 @!p0 $0x1;
	s0 =	simm.s32 @!p0 $0x3F  }
0x59: {  	_ =	swait.ge @!p0 [sflag:s0], s1  }
0x5a: {  	s1 =	ssub.s32 @!p0 $0x0, s1;
	[sflag:s0] =	ssyncset.done @!p0 $0x0  }
0x5b: {  	[sflag:s0] =	ssyncadd.s32 @!p0 s1  }
0x5c: {  	[bflag:$0x3] =	sbarrier.arrive $0xFFFF  }
0x5d: {  	_ =	shalt  }
.Lfunc_end2:
execute1_lowered:
.L_overlay_start_2:
0x5e: {  	(tag) =	ssettag $0x2  }
0x5f: {  	s0 =	rddreg [dreg:$0x0];
	_ =	strace $0x8000006B;
	s1 =	simm.s32 $0x1  }
0x60: {  	s8 =	simm.s32 $0x88;
	v0 =	vimm.s32 $0x0;
	[sflag:s1] =	ssyncpa.u1 $0x0  }
0x61: {  	[tilespmem:s8+$0x30] =	vst v0  }
0x62: {  	s1 =	sadd.s32 $0x1E3A00, s0;
	s3 =	sadd.s32 $0x1DD200, s0;
	[tilespmem:s8+$0x20] =	vst v0  }
0x63: {  	s4 =	sadd.s32 $0x2C0600, s0;
	s5 =	sadd.s32 $0x1DEC00, s0;
	s0 =	simm.s32 $0x40;
	[tilespmem:s8+$0x10] =	vst v0  }
.LBB3_1:
0x64: {  	s0 =	sadd.s32 $0x40, s0  }
0x65: {  	[tilespmem:s8+$0x0] =	vst v0;
	s8 =	sadd.s32 $0x40, s8;
	p0 =	slt.u32 s0, $0x5040  }
.Ltmp7:
0x66: {  	(pc) =	sbr.rel @p0 .LBB3_1-.Ltmp7, $4  }
0x67: {  	_ = 	snop  }
0x68: {  	[tilespmem:s8+$0x30] =	vst v0  }
0x69: {  	[tilespmem:s8+$0x20] =	vst v0  }
0x6a: {  	[tilespmem:s8+$0x10] =	vst v0  }
0x6b: {  	s9 =	stileid.u32  }
0x6c: {  	s0 =	smul.u32 $0x9, s9  }
0x6d: {  	s2 =	smin.u32 s9, $0xD  }
0x6e: {  	s0 =	sadd.s32 s2, s0  }
0x6f: {  	p0 =	slt.u32 s9, $0xD;
	s6 =	smul.u32 $0x140, s0;
	s0 =	simm.s32 $0xC80  }
0x70: {  	s0 =	simm.s32 @!p0 $0xB40  }
0x71: {  	s0 =	sadd.s32 s0, s6  }
0x72: {  	s7 =	smin.u32 s0, $0xC350  }
0x73: {  	s0 =	ssub.s32 s7, s6  }
0x74: {  	p0 =	sgt.s32 s0, $0x0  }
0x75: {  	s0 =	simm.s32 @!p0 $0x0  }
0x76: {  	s29 =	simm.s32 $0x2;
	s10 =	simm.s32 $0x7;
	s28 =	smul.u32 $0xCCCD, s0  }
0x77: {  	s31 =	simm.s32 $0x8;
	s11 =	simm.s32 $0x1;
	s15 =	simm.s32 $0x0  }
0x78: {  	p1 =	por $0x0, $0x0;
	s16 =	simm.s32 $0xA;
	s2 =	sshrl.u32 s28, $0x18  }
0x79: {  	s20 =	simm.s32 $0x0;
	s17 =	simm.s32 $0x0;
	s30 =	smul.u32 $0x140, s2  }
.Ltmp8:
0x7a: {  	[tilespmem:s8+$0x0] =	vst v0;
	v0 =	vimm.s32 $0xFFFFFFFF;
	s19 =	simm.s32 $0x0;
	[sflag:s29] =	ssyncpa.u1 $0x0;
	(pc) =	sbr.rel .LBB3_3-.Ltmp8, $4  }
0x7b: {  	[tilespmem:$0xA108] =	vst v0;
	[sflag:s10] =	ssyncpa.u1 $0x0;
	p0 =	sne.s32 s0, s30;
	s0 =	simm.s32 $0x1  }
0x7c: {  	s10 =	simm.s32 $0x9;
	[sflag:s31] =	ssyncpa.u1 $0x0;
	s0 =	simm.s32 @!p0 $0x0  }
0x7d: {  	s13 =	sshll.u32 s9, $0x7;
	[sflag:s10] =	ssyncpa.u1 $0x0;
	s12 =	sadd.s32 s2, s0  }
0x7e: {  	v0 =	vlaneseq.u32;
	s18 =	smov.u32 s6;
	p0 =	por $0x1, $0x1;
	s14 =	sadd.s32 $0x1, s12  }
.LBB3_24:
0x7f: {  	s0 =	sshrl.u32 s29, $0x2  }
.LBB3_26:
0x80: {  	_ =	swait.ge [sflag:s16], s0  }
0x81: {  	s31 =	ssub.s32 $0x0, s0;
	v1 =	vmov s22;
	vm0 =	veq.s32 v0, $0x0;
	[sflag:s16] =	ssyncset.done $0x0  }
0x82: {  	vm15 =	veq.s32 v0, $0x2;
	v1 =	vsel vm0, s28, v1;
	[sflag:s16] =	ssyncadd.s32 s31  }
0x83: {  	v1 =	vsel vm15, s20, v1;
	[sflag:s16] =	ssyncpa.u1 $0x1  }
0x84: {  	[tilespmem:$0xA108] =	vst v1  }
.LBB3_27:
0x85: {  	s0 =	sadd.s32 $0x140, s18  }
0x86: {  	s2 =	smov.u32 s6;
	p2 =	slt.s32 s0, s7  }
0x87: {  	s2 =	smov.u32 @p2 s0;
	p2 =	sne.s32 s19, s14  }
.Ltmp9:
0x88: {  	_ = 	snop;
	(pc) =	sbr.rel @!p2 .LBB3_28-.Ltmp9, $4  }
0x89: {  	_ = 	snop  }
0x8a: {  	s20 =	smov.u32 s17  }
0x8b: {  	s31 =	sadd.s32 $0x1, s19;
	s17 =	smov.u32 s18;
	p0 =	por !p0, !p0  }
0x8c: {  	p1 =	por !p1, !p1;
	s19 =	smov.u32 s31;
	s18 =	smov.u32 s2  }
.LBB3_3:
0x8d: {  	p2 =	sge.u32 s19, s12  }
0x8e: {  	s0 =	smulhi.u32 @!p2 $0xAAAAAAAB, s19  }
0x8f: {  	s2 =	smov.u32 s18;
	p3 =	sgt.s32 @!p2 s18, $0xC210  }
0x90: {  	s8 =	sshra.s32 @!p2 s18, $0x1F;
	p3 =	por !p3, p2;
	s0 =	sshrl.u32 @!p2 s0, $0x1  }
0x91: {  	s8 =	sand.u32 @!p2 s8, s18;
	s2 =	simm.s32 @p3 $0xC210;
	s0 =	smul.u32 @!p2 $0x3, s0  }
0x92: {  	s2 =	ssub.s32 @!p2 s2, s8  }
0x93: {  	s22 =	sadd.s32 $0xFFFFFFFF, s19;
	s2 =	sadd.s32 @!p2 $0xFFFF3DF0, s2;
	s0 =	ssub.s32 @!p2 s19, s0  }
0x94: {  	s8 =	sshll.u32 @!p2 s2, $0x2;
	p3 =	sgt.s32 @!p2 s2, $0x13F;
	s0 =	smul.u32 @!p2 $0x500, s0  }
0x95: {  	s21 =	sand.u32 @!p2 $0x7, s18;
	s2 =	ssub.s32 @!p2 $0x500, s8;
	p3 =	por !p3, p2  }
0x96: {  	s8 =	sshrl.u32 @!p2 s18, $0x3;
	s2 =	sshrl.u32 @!p2 s2, $0x2;
	s0 =	sshrl.u32 @!p2 s0, $0x2  }
0x97: {  	s8 =	sadd.s32 @!p2 s5, s8;
	s2 =	simm.s32 @!p3 $0x0;
	s0 =	sadd.s32 @!p2 $0xA938, s0  }
0x98: {  	[tilespmem:s0], [sflag:$0x8] =	stream.linear.gather @!p2 [hbm4b:s8+s21], s2, $0x38;
	[tilespmem:$0x1EF78] =	vst v63  }
0x99: {  	p2 =	sge.u32 s22, s12  }
0x9a: {  	p3 =	sgt.s32 @!p2 s17, $0xC210  }
0x9b: {  	s0 =	smov.u32 s17;
	s2 =	sshra.s32 @!p2 s17, $0x1F;
	p3 =	por !p3, p2  }
0x9c: {  	s2 =	sand.u32 @!p2 s2, s17;
	s0 =	simm.s32 @p3 $0xC210  }
0x9d: {  	s0 =	ssub.s32 @!p2 s0, s2  }
0x9e: {  	s0 =	sadd.s32 @!p2 $0xFFFF3DF0, s0  }
0x9f: {  	s2 =	sshll.u32 @!p2 s0, $0x2  }
0xa0: {  	p3 =	sgt.s32 @!p2 s0, $0x13F;
	s0 =	ssub.s32 @!p2 $0x500, s2  }
0xa1: {  	p3 =	por !p3, p2;
	s0 =	sshrl.u32 @!p2 s0, $0x2  }
0xa2: {  	s8 =	simm.s32 @!p2 $0x8;
	s2 =	sand.u32 @!p2 $0x1, s22;
	s0 =	simm.s32 @!p3 $0x0  }
0xa3: {  	s2 =	smul.u32 @!p2 $0x500, s2;
	_ =	swait.ge @!p2 [sflag:s8], s0  }
0xa4: {  	s21 =	ssub.s32 @!p2 $0x0, s0;
	[sflag:s8] =	ssyncset.done @!p2 $0x0  }
0xa5: {  	s2 =	sshrl.u32 @!p2 s2, $0x2;
	[sflag:s8] =	ssyncadd.s32 @!p2 s21;
	s8 =	sshrl.u32 @!p2 s17, $0x3  }
0xa6: {  	s2 =	sadd.s32 @!p2 $0xACF8, s2;
	s21 =	sand.u32 @!p2 $0x7, s17;
	s8 =	sadd.s32 @!p2 s3, s8  }
0xa7: {  	[tilespmem:s2], [sflag:$0x9] =	stream.linear.gather @!p2 [hbm4b:s8+s21], s0, $0x38;
	[tilespmem:$0x1EF78] =	vst v63  }
0xa8: {  	s21 =	ssub.s32 @!p2 $0xC350, s17  }
0xa9: {  	p3 =	slt.s32 @!p2 s21, $0x1  }
0xaa: {  	p3 =	por p2, p3  }
.Ltmp10:
0xab: {  	_ = 	snop;
	(pc) =	sbr.rel @p3 .LBB3_9-.Ltmp10, $1  }
0xac: {  	_ =	sdelay $0x3  }
0xad: {  	s0 =	smulhi.u32 $0xAAAAAAAB, s22;
	_ =	sdelay $0x1  }
0xae: {  	s0 =	sshrl.u32 s0, $0x1  }
0xaf: {  	s0 =	smul.u32 $0x3, s0;
	_ =	sdelay $0x1  }
0xb0: {  	s0 =	ssub.s32 s22, s0  }
0xb1: {  	s2 =	simm.s32 $0x1;
	s0 =	smul.u32 $0x500, s0  }
.Ltmp11:
0xb2: {  	s2 =	simm.s32 @!p0 $0x0;
	(pc) =	sbr.rel .LBB3_6-.Ltmp11, $4  }
0xb3: {  	s2 =	smul.u32 $0x28000, s2  }
0xb4: {  	p3 =	slt.s32 @!p2 s21, $0x140;
	s0 =	sshrl.u32 s0, $0x2  }
0xb5: {  	p2 =	por !p3, p2;
	s2 =	sshrl.u32 s2, $0x2;
	s0 =	sadd.s32 $0xA938, s0  }
0xb6: {  	s23 =	simm.s32 $0x0;
	s21 =	simm.s32 @p2 $0x140;
	s22 =	sadd.s32 $0xAF78, s2;
	v1 =	vmov s0  }
.LBB3_5:
0xb7: {  	p2 =	sge.s32 s23, s21  }
.Ltmp12:
0xb8: {  	_ = 	snop;
	(pc) =	sbr.rel @p2 .LBB3_9-.Ltmp12, $2  }
0xb9: {  	_ =	sdelay $0x2  }
0xba: {  	s22 =	sadd.s32 $0x800, s22  }
.LBB3_6:
0xbb: {  	p2 =	sle.s32 s21, s23  }
.Ltmp13:
0xbc: {  	_ = 	snop;
	(pc) =	sbr.rel @p2 .LBB3_5-.Ltmp13, $2  }
0xbd: {  	_ =	sdelay $0x2  }
0xbe: {  	s24 =	smov.u32 s23;
	s23 =	sadd.s32 $0x10, s23  }
0xbf: {  	s0 =	ssub.s32 s21, s24  }
0xc0: {  	p2 =	slt.s32 s0, $0x10  }
0xc1: {  	s0 =	simm.s32 @!p2 $0x10  }
0xc2: {  	v2 =	vmov s0  }
0xc3: {  	vm0 =	vgt.s32 v2, v0;
	_ =	sdelay $0x5  }
0xc4: {  	v2 =	vld.idx.msk [tilespmem:v1+s24+$0x0 ss:$0x1], vm0;
	_ =	sdelay $0x2  }
0xc5: {  	p2 =	slt.s32 s23, s21;
	s0 =	smov.u32 s21  }
0xc6: {  	s2 =	smov.u32 s22;
	s25 =	simm.s32 $0x0;
	s0 =	smov.u32 @p2 s23  }
.LBB3_8:
0xc7: {  	(v2sf) =	vpush v2, s25;
	_ =	sdelay $0xc  }
0xc8: {  	s25 =	sadd.s32 $0x1, s25  }
0xc9: {  	s31 =	sadd.s32 s25, s24  }
0xca: {  	p2 =	slt.s32 s31, s0;
	s8 =	spop (v2sf)  }
.Ltmp14:
0xcb: {  	s8 =	sshll.u32 s8, $0x4;
	(pc) =	sbr.rel @p2 .LBB3_8-.Ltmp14, $4  }
0xcc: {  	s8 =	sand.u32 $0x1FFFFFF0, s8  }
0xcd: {  	s8 =	sadd.s32 s4, s8  }
0xce: {  	[tilespmem:s2], [sflag:$0x7] =	stream.linear.gather [hbm4b:s8+s15], $0x40, $0x38;
	[tilespmem:$0x1EF78] =	vst v63  }
0xcf: {  	s2 =	sadd.s32 $0x80, s2  }
.Ltmp15:
0xd0: {  	_ = 	snop;
	(pc) =	sbr.rel .LBB3_5-.Ltmp15, $1  }
0xd1: {  	_ =	sdelay $0x3  }
.LBB3_9:
0xd2: {  	p2 =	slt.u32 s19, $0x2  }
.Ltmp16:
0xd3: {  	_ = 	snop;
	(pc) =	sbr.rel @p2 .LBB3_27-.Ltmp16, $1  }
0xd4: {  	_ =	sdelay $0x3  }
0xd5: {  	p2 =	sgt.s32 s20, $0xC210;
	s0 =	smov.u32 s20  }
0xd6: {  	s2 =	sshra.s32 s20, $0x1F;
	s8 =	ssub.s32 $0xC350, s20;
	s0 =	simm.s32 @!p2 $0xC210  }
0xd7: {  	s2 =	sand.u32 s2, s20;
	p2 =	slt.s32 s8, $0x140;
	s21 =	smov.u32 s8  }
0xd8: {  	s0 =	ssub.s32 s0, s2;
	s21 =	simm.s32 @!p2 $0x140  }
0xd9: {  	s0 =	sadd.s32 $0xFFFF3DF0, s0;
	s26 =	sshll.u32 s21, $0x6  }
0xda: {  	s9 =	simm.s32 $0x7;
	s29 =	sshll.u32 s0, $0x2;
	s2 =	sand.u32 $0x3FFFFFC0, s26  }
0xdb: {  	p2 =	sgt.s32 s0, $0x13F;
	s30 =	ssub.s32 $0x500, s29;
	_ =	swait.ge [sflag:s9], s2  }
0xdc: {  	s2 =	ssub.s32 $0x0, s2;
	[sflag:s9] =	ssyncset.done $0x0;
	s0 =	sshrl.u32 s30, $0x2  }
0xdd: {  	[sflag:s9] =	ssyncadd.s32 s2;
	s0 =	simm.s32 @p2 $0x0  }
0xde: {  	_ =	swait.ge [sflag:s10], s0  }
0xdf: {  	s0 =	ssub.s32 $0x0, s0;
	[sflag:s10] =	ssyncset.done $0x0  }
0xe0: {  	[sflag:s10] =	ssyncadd.s32 s0  }
0xe1: {  	v1 =	vld [tilespmem:$0xA108];
	_ =	sdelay $0x4  }
0xe2: {  	(v2sf) =	vpush v1, $0x0  }
0xe3: {  	(v2sf) =	vpush v1, $0x1  }
0xe4: {  	(v2sf) =	vpush v1, $0x2;
	_ =	sdelay $0x3  }
0xe5: {  	s0 =	sadd.s32 $0x140, s20  }
0xe6: {  	p2 =	slt.s32 s7, s0  }
0xe7: {  	s0 =	smov.u32 @p2 s7;
	p2 =	sgt.s32 s8, $0x0  }
0xe8: {  	s24 =	ssub.s32 s0, s20;
	s8 =	simm.s32 @!p2 $0x0  }
0xe9: {  	p2 =	slt.s32 s8, s24  }
0xea: {  	s24 =	smov.u32 @p2 s8  }
0xeb: {  	s23 =	simm.s32 $0x1;
	p2 =	slt.s32 s24, $0x1  }
.Ltmp17:
0xec: {  	s23 =	simm.s32 @!p1 $0x0;
	(pc) =	sbr.rel @p2 .LBB3_14-.Ltmp17, $4  }
0xed: {  	s31 =	smul.u32 $0x500, s23  }
0xee: {  	s25 =	spop (v2sf)  }
0xef: {  	s0 =	sshrl.u32 s31, $0x2;
	s28 =	spop (v2sf)  }
0xf0: {  	s21 =	sadd.s32 $0xACF8, s0;
	s20 =	spop (v2sf)  }
0xf1: {  	s0 =	smin.u32 s24, $0x10  }
0xf2: {  	v1 =	vmov s0  }
0xf3: {  	p3 =	sgt.s32 s24, $0x10;
	vm1 =	vgt.u32 v1, v0  }
.Ltmp18:
0xf4: {  	_ = 	snop;
	(pc) =	sbr.rel @!p3 .LBB3_13-.Ltmp18, $2  }
0xf5: {  	_ =	sdelay $0x2  }
0xf6: {  	s26 =	simm.s32 $0x10;
	s29 =	sadd.s32 $0xFFFFFFF0, s24;
	s22 =	smov.u32 s21;
	vm0 =	vmmov vm1  }
.LBB3_12:
0xf7: {  	s0 =	smin.u32 s29, $0x10;
	s26 =	sadd.s32 $0x10, s26;
	v1 =	vld.msk [tilespmem:s22+$0x0 ss:$0x1], vm1  }
0xf8: {  	v2 =	vmov s0;
	p3 =	slt.s32 s26, s24  }
0xf9: {  	vm1 =	vgt.u32 v2, v0  }
.Ltmp19:
0xfa: {  	(pc) =	sbr.rel @p3 .LBB3_12-.Ltmp19, $3  }
0xfb: {  	_ =	sdelay $0x1  }
0xfc: {  	v1 =	vshll.u32 v1, $0x4  }
0xfd: {  	s29 =	sadd.s32 $0xFFFFFFF0, s29;
	[tilespmem:s22+$0x0] =	vst.msk vm0, v1;
	s22 =	sadd.s32 $0x10, s22;
	vm0 =	vmmov vm1  }
.LBB3_13:
0xfe: {  	_ =	sdelay $0x4  }
0xff: {  	v1 =	vld.msk [tilespmem:s22+$0x0 ss:$0x1], vm1;
	_ =	sdelay $0x4  }
0x100: {  	v1 =	vshll.u32 v1, $0x4  }
0x101: {  	[tilespmem:s22+$0x0] =	vst.msk vm0, v1  }
.LBB3_14:
0x102: {  	s0 =	sand.u32 $0x1, s19  }
0x103: {  	s0 =	smul.u32 $0x140, s0  }
0x104: {  	p3 =	sne.s32 s28, $0xFFFFFFFF  }
0x105: {  	v1 =	vld.msk @!p3 [tilespmem:s0+$0xACF8], $0x1;
	_ =	sdelay $0x4  }
0x106: {  	(v2sf) =	vpush @!p3 v1, $0x0;
	_ =	sdelay $0xc  }
.Ltmp20:
0x107: {  	_ = 	snop;
	(pc) =	sbr.rel @p2 .LBB3_25-.Ltmp20, $4  }
0x108: {  	_ = 	snop  }
0x109: {  	s26 =	spop @!p3 (v2sf)  }
0x10a: {  	s20 =	simm.s32 @!p3 $0x0;
	s22 =	smov.u32 s26  }
0x10b: {  	[sflag:s16] =	ssyncpa.u1 $0x0;
	s26 =	smov.u32 @p3 s25;
	s22 =	smov.u32 @p3 s28  }
0x10c: {  	v1 =	vld.msk [tilespmem:s21+$0x0], $0x1;
	_ =	sdelay $0x4  }
0x10d: {  	(v2sf) =	vpush v1, $0x0;
	_ =	sdelay $0xe  }
0x10e: {  	s0 =	smul.u32 $0x28000, s23;
	s30 =	spop (v2sf)  }
0x10f: {  	s24 =	ssub.s32 $0x0, s24;
	p2 =	seq.s32 s26, s30  }
0x110: {  	s28 =	sadd.s32 $0x1, s24;
	s0 =	sshrl.u32 s0, $0x2;
	p3 =	sgt.s32 @!p2 s26, $0x0  }
0x111: {  	s23 =	sadd.s32 $0xAF98, s0;
	s0 =	smov.u32 s26;
	p3 =	por !p3, p2  }
0x112: {  	s0 =	simm.s32 @p3 $0x0;
	p3 =	seq.s32 s28, $0x0  }
.Ltmp21:
0x113: {  	_ = 	snop;
	(pc) =	sbr.rel @p3 .LBB3_17-.Ltmp21, $4  }
0x114: {  	_ = 	snop  }
0x115: {  	s25 =	simm.s32 $0x0;
	s31 =	simm.s32 @!p2 $0x1;
	s2 =	smin.u32 @!p2 s0, $0x678  }
0x116: {  	s29 =	sadd.s32 $0x1, s21;
	s31 =	smov.u32 @p2 s25;
	s8 =	sand.u32 @!p2 $0x7F8, s2  }
0x117: {  	s0 =	simm.s32 @!p2 $0x50C8;
	s2 =	sand.u32 @!p2 $0x7, s2;
	s8 =	sadd.s32 @!p2 s1, s8  }
.LBB3_16:
0x118: {  	s9 =	smov.u32 s31  }
0x119: {  	[tilespmem:s0], [sflag:$0x2] =	stream.linear.gather @!p2 [hbm4b:s8+s2], $0x40, $0x38;
	[tilespmem:$0x1EF78] =	vst v63  }
0x11a: {  	s28 =	sadd.s32 $0x1, s28;
	s2 =	smov.u32 s30;
	v1 =	vld.msk [tilespmem:s29+$0x0], $0x1  }
0x11b: {  	p3 =	seq.s32 s28, $0x0;
	_ =	sdelay $0x3  }
0x11c: {  	(v2sf) =	vpush v1, $0x0;
	_ =	sdelay $0xe  }
0x11d: {  	s30 =	spop (v2sf)  }
0x11e: {  	p2 =	seq.s32 s2, s30  }
0x11f: {  	p4 =	sgt.s32 @!p2 s2, $0x0;
	s0 =	sshll.u32 @!p2 s31, $0x8;
	s31 =	sadd.s32 @!p2 $0x1, s31  }
.Ltmp22:
0x120: {  	p4 =	por !p4, p2;
	s0 =	sshra.s32 @!p2 s0, $0x2;
	(pc) =	sbr.rel @!p3 .LBB3_16-.Ltmp22, $4  }
0x121: {  	s31 =	smov.u32 @p2 s9;
	s2 =	simm.s32 @p4 $0x0;
	s0 =	sadd.s32 @!p2 $0x50C8, s0  }
0x122: {  	s2 =	smin.u32 @!p2 s2, $0x678  }
0x123: {  	s8 =	sand.u32 @!p2 $0x7F8, s2;
	s2 =	sand.u32 @!p2 $0x7, s2  }
0x124: {  	s29 =	sadd.s32 $0x1, s29;
	s8 =	sadd.s32 @!p2 s1, s8  }
.LBB3_17:
0x125: {  	[tilespmem:s0], [sflag:$0x2] =	stream.linear.gather @!p2 [hbm4b:s8+s2], $0x40, $0x38;
	[tilespmem:$0x1EF78] =	vst v63  }
.Ltmp23:
0x126: {  	s30 =	sshll.u32 s31, $0x6;
	(pc) =	sbr.rel .LBB3_18-.Ltmp23, $4  }
0x127: {  	s31 =	simm.s32 $0x2;
	s0 =	sand.u32 $0x3FFFFFC0, s30  }
0x128: {  	_ =	swait.ge [sflag:s31], s0  }
0x129: {  	s0 =	ssub.s32 $0x0, s0;
	[sflag:s31] =	ssyncset.done $0x0  }
0x12a: {  	s29 =	simm.s32 $0x0;
	[sflag:s31] =	ssyncadd.s32 s0  }
.LBB3_19:
0x12b: {  	v1 =	vld [tilespmem:s23+$0xFFFFFFE0];
	_ =	sdelay $0x4  }
0x12c: {  	[tilespmem:s30+$0x88] =	vst.add.f32.msk $0xffff, v1  }
0x12d: {  	v1 =	vld [tilespmem:s23+$0xFFFFFFF0];
	_ =	sdelay $0x4  }
0x12e: {  	[tilespmem:s30+$0x98] =	vst.add.f32.msk $0xffff, v1  }
0x12f: {  	v1 =	vld [tilespmem:s23+$0x0];
	_ =	sdelay $0x4  }
0x130: {  	[tilespmem:s30+$0xA8] =	vst.add.f32.msk $0xffff, v1  }
0x131: {  	v1 =	vld [tilespmem:s23+$0x10];
	_ =	sdelay $0x4  }
0x132: {  	[tilespmem:s30+$0xB8] =	vst.add.f32.msk $0xffff, v1  }
.LBB3_23:
0x133: {  	s24 =	sadd.s32 $0x1, s24  }
0x134: {  	p2 =	seq.s32 s24, $0x0  }
.Ltmp24:
0x135: {  	_ = 	snop;
	(pc) =	sbr.rel @p2 .LBB3_24-.Ltmp24, $2  }
0x136: {  	_ =	sdelay $0x2  }
0x137: {  	s23 =	sadd.s32 $0x80, s23;
	s21 =	sadd.s32 $0x1, s21;
	s26 =	smov.u32 s28  }
.LBB3_18:
0x138: {  	v1 =	vld.msk [tilespmem:s21+$0x0], $0x1;
	_ =	sdelay $0x4  }
0x139: {  	(v2sf) =	vpush v1, $0x0;
	_ =	sdelay $0xe  }
0x13a: {  	s28 =	spop (v2sf)  }
0x13b: {  	p2 =	sne.s32 s26, s28  }
.Ltmp25:
0x13c: {  	_ = 	snop;
	(pc) =	sbr.rel @!p2 .LBB3_19-.Ltmp25, $3  }
0x13d: {  	_ =	sdelay $0x1  }
0x13e: {  	s0 =	sshll.u32 s20, $0x8  }
0x13f: {  	s30 =	sshra.s32 s0, $0x2  }
0x140: {  	p2 =	seq.s32 s26, s22  }
.Ltmp26:
0x141: {  	_ = 	snop;
	(pc) =	sbr.rel @!p2 .LBB3_21-.Ltmp26, $1  }
0x142: {  	_ =	sdelay $0x3  }
.Ltmp27:
0x143: {  	s0 =	sadd.s32 $0x88, s30;
	(pc) =	sbr.rel .LBB3_22-.Ltmp27, $4  }
0x144: {  	[spmem:s13] =	stream.linear.scatter [tilespmem:s0], [sflag:$0x1], $0x40, $0x38;
	[tilespmem:$0x1EF78] =	vst v63  }
0x145: {  	_ =	swait.ge [sflag:s11], $0x40  }
0x146: {  	[sflag:s11] =	ssyncset.done $0x0  }
0x147: {  	[sflag:s11] =	ssyncadd.s32 $0xFFFFFFC0  }
.LBB3_21:
0x148: {  	s0 =	sshll.u32 s25, $0x8  }
0x149: {  	s0 =	sshra.s32 s0, $0x2  }
0x14a: {  	v1 =	vld [tilespmem:s0+$0x50C8];
	_ =	sdelay $0x4  }
0x14b: {  	[tilespmem:s30+$0x88] =	vst.add.f32.msk $0xffff, v1  }
0x14c: {  	v1 =	vld [tilespmem:s0+$0x50D8];
	_ =	sdelay $0x4  }
0x14d: {  	[tilespmem:s30+$0x98] =	vst.add.f32.msk $0xffff, v1  }
0x14e: {  	v1 =	vld [tilespmem:s0+$0x50E8];
	_ =	sdelay $0x4  }
0x14f: {  	[tilespmem:s30+$0xA8] =	vst.add.f32.msk $0xffff, v1  }
0x150: {  	v1 =	vld [tilespmem:s0+$0x50F8];
	_ =	sdelay $0x2  }
0x151: {  	p2 =	sgt.u32 s26, $0x678  }
0x152: {  	s0 =	sand.u32 @!p2 $0x7F8, s26  }
0x153: {  	s2 =	sadd.s32 $0x88, s30;
	s8 =	sand.u32 @!p2 $0x7, s26;
	s0 =	sadd.s32 @!p2 s1, s0;
	[tilespmem:s30+$0xB8] =	vst.add.f32.msk $0xffff, v1  }
0x154: {  	[hbm4b:s0+s8] =	stream.linear.scatter @!p2 [tilespmem:s2], [sflag:$0xA], $0x40, $0x38;
	[tilespmem:$0x1EF78] =	vst v63  }
0x155: {  	s0 =	simm.s32 $0x0  }
0x156: {  	s0 =	simm.s32 @!p2 $0x100  }
0x157: {  	s29 =	sadd.s32 s0, s29  }
.LBB3_22:
0x158: {  	s0 =	sadd.s32 $0x1, s20  }
0x159: {  	s2 =	smulhi.u32 $0xCCCCCCCD, s0;
	_ =	sdelay $0x1  }
0x15a: {  	v1 =	vld [tilespmem:s23+$0xFFFFFFE0];
	s2 =	sshrl.u32 s2, $0x8  }
0x15b: {  	s2 =	smul.u32 $0x140, s2;
	_ =	sdelay $0x1  }
0x15c: {  	s20 =	ssub.s32 s0, s2  }
0x15d: {  	s0 =	sshll.u32 s20, $0x6  }
0x15e: {  	[tilespmem:s0+$0x88] =	vst v1  }
0x15f: {  	v1 =	vld [tilespmem:s23+$0xFFFFFFF0];
	_ =	sdelay $0x4  }
0x160: {  	[tilespmem:s0+$0x98] =	vst v1  }
0x161: {  	v1 =	vld [tilespmem:s23+$0x0];
	_ =	sdelay $0x4  }
0x162: {  	[tilespmem:s0+$0xA8] =	vst v1  }
0x163: {  	v1 =	vld [tilespmem:s23+$0x10]  }
.Ltmp28:
0x164: {  	_ = 	snop;
	(pc) =	sbr.rel .LBB3_23-.Ltmp28, $2  }
0x165: {  	_ =	sdelay $0x2  }
0x166: {  	s25 =	sadd.s32 $0x1, s25;
	[tilespmem:s0+$0xB8] =	vst v1  }
.LBB3_25:
.Ltmp29:
0x167: {  	(pc) =	sbr.rel .LBB3_26-.Ltmp29, $4  }
0x168: {  	_ = 	snop  }
0x169: {  	s0 =	simm.s32 $0x2  }
0x16a: {  	_ =	swait.ge [sflag:s0], $0x0  }
0x16b: {  	s28 =	smov.u32 s26;
	[sflag:s0] =	ssyncset.done $0x0;
	s0 =	simm.s32 $0x0  }
.LBB3_28:
0x16c: {  	_ =	sfence.sel $0x180000  }
0x16d: {  	s0 =	simm.s32 $0x7;
	[bflag:$0x0] =	sbarrier.arrive $0xFFFF  }
0x16e: {  	s25 =	simm.s32 $0x8;
	[sflag:s0] =	ssyncpa.u1 $0x1  }
0x16f: {  	s26 =	simm.s32 $0x9;
	[sflag:s25] =	ssyncpa.u1 $0x1  }
0x170: {  	s28 =	simm.s32 $0x2;
	[sflag:s26] =	ssyncpa.u1 $0x1  }
0x171: {  	[sflag:s28] =	ssyncpa.u1 $0x1  }
0x172: {  	v0 =	vld [tilespmem:$0xA108];
	_ =	sdelay $0x4  }
0x173: {  	(v2sf) =	vpush v0, $0x0  }
0x174: {  	(v2sf) =	vpush v0, $0x1;
	_ =	sdelay $0x1  }
0x175: {  	(v2sf) =	vpush v0, $0x2;
	_ =	sdelay $0xb  }
0x176: {  	s0 =	spop (v2sf)  }
0x177: {  	s2 =	spop (v2sf)  }
0x178: {  	s3 =	smov.u32 s0;
	p0 =	sne.s32 s0, s2  }
0x179: {  	s4 =	spop (v2sf);
	s3 =	simm.s32 @!p0 $0xFFFFFFFF  }
0x17a: {  	v2 =	vimm.s32 $0x1;
	v3 =	vlaneseq.u32;
	p0 =	seq.s32 s4, $0xFFFFFFFF;
	v1 =	vmov s3  }
0x17b: {  	s7 =	stileid.u32;
	v0 =	vperm.xlane v0, v2;
	p1 =	sne.s32 @!p0 s0, s2;
	v1 =	vperm.xlane v1, v3  }
0x17c: {  	vm0 =	vcmask $0x3F04;
	s6 =	simm.s32 $0xA108;
	s0 =	simm.s32 @!p0 $0x1;
	p1 =	por !p1, p0  }
0x17d: {  	s3 =	sshll.u32 s7, $0x1;
	s2 =	sshll.u32 @!p0 s4, $0x8;
	s0 =	simm.s32 @p1 $0x0;
	v0 =	vsel vm0, v1, v0  }
0x17e: {  	s5 =	sor.u32 $0x800, s3;
	s2 =	sshra.s32 @!p0 s2, $0x2;
	s0 =	sor.u32 @!p0 s0, s3;
	[tilespmem:$0xA108] =	vst v0  }
0x17f: {  	[spmem:s5] =	stream.linear.scatter [tilespmem:s6], [sflag:$0x1], $0x2, $0x38;
	[tilespmem:$0x1EF78] =	vst v63  }
0x180: {  	s2 =	sadd.s32 @!p0 $0x88, s2;
	s0 =	sshll.u32 @!p0 s0, $0x6  }
0x181: {  	[spmem:s0] =	stream.linear.scatter @!p0 [tilespmem:s2], [sflag:$0x1], $0x40, $0x38;
	[tilespmem:$0x1EF78] =	vst v63  }
0x182: {  	s2 =	simm.s32 @!p0 $0x42  }
0x183: {  	s0 =	simm.s32 $0x1;
	s2 =	simm.s32 @p0 $0x2  }
0x184: {  	_ =	swait.ge [sflag:s0], s2  }
0x185: {  	s2 =	ssub.s32 $0x0, s2;
	[sflag:s0] =	ssyncset.done $0x0  }
0x186: {  	[sflag:s0] =	ssyncadd.s32 s2  }
0x187: {  	_ =	sfence.stream.spmem  }
0x188: {  	s29 =	simm.s32 $0x3;
	[bflag:$0x0] =	sbarrier.arrive $0xFFFF  }
0x189: {  	s30 =	simm.s32 $0x4;
	[sflag:s29] =	ssyncpa.u1 $0x1  }
0x18a: {  	s31 =	simm.s32 $0x3C;
	[sflag:s30] =	ssyncpa.u1 $0x1  }
0x18b: {  	p0 =	sne.s32 s7, $0x0;
	[sflag:s31] =	ssyncpa.u1 $0x1  }
0x18c: {  	_ =	sfence @p0  }
0x18d: {  	[sflag:s0] =	ssyncpa.u1 @p0 $0x1  }
0x18e: {  	_ =	strace @p0 $0x9000006B  }
0x18f: {  	[bflag:$0x2] =	sbarrier.arrive @p0 $0xFFFF  }
0x190: {  	_ =	shalt @p0  }
.LBB3_29:
0x191: {  	_ =	sfence.stream.spmem;
	s0 =	simm.s32 $0x5  }
0x192: {  	s2 =	simm.s32 $0x800;
	s3 =	simm.s32 $0xA118;
	[sflag:s0] =	ssyncpa.u1 $0x0  }
0x193: {  	[tilespmem:s3], [sflag:$0x5] =	stream.linear.gather [spmem:s2], $0x20, $0x38;
	[tilespmem:$0x1EF78] =	vst v63  }
0x194: {  	s30 =	simm.s32 $0xA138;
	s2 =	simm.s32 $0x0  }
0x195: {  	[tilespmem:s30], [sflag:$0x5] =	stream.linear.gather [spmem:s2], $0x800, $0x38;
	[tilespmem:$0x1EF78] =	vst v63  }
.Ltmp30:
0x196: {  	_ = 	snop;
	(pc) =	sbr.rel .LBB3_30-.Ltmp30, $4  }
0x197: {  	_ =	swait.ge [sflag:s0], $0x820  }
0x198: {  	[sflag:s0] =	ssyncset.done $0x0  }
0x199: {  	s31 =	simm.s32 $0x6;
	[sflag:s0] =	ssyncadd.s32 $0xFFFFF7E0  }
0x19a: {  	s3 =	simm.s32 $0x0;
	[sflag:s31] =	ssyncpa.u1 $0x0  }
.LBB3_36:
0x19b: {  	p0 =	slt.u32 s4, $0x679  }
0x19c: {  	s0 =	sand.u32 @p0 $0x7F8, s4  }
0x19d: {  	s4 =	sand.u32 @p0 $0x7, s4;
	s5 =	simm.s32 @p0 $0xA0C8;
	s0 =	sadd.s32 @p0 s1, s0  }
0x19e: {  	[tilespmem:s5], [sflag:$0x6] =	stream.linear.gather @p0 [hbm4b:s0+s4], $0x40, $0x38;
	[tilespmem:$0x1EF78] =	vst v63  }
0x19f: {  	s0 =	simm.s32 @p0 $0x6  }
0x1a0: {  	_ =	swait.ge @p0 [sflag:s0], $0x40  }
0x1a1: {  	[sflag:s0] =	ssyncset.done @p0 $0x0  }
0x1a2: {  	[sflag:s0] =	ssyncadd.s32 @p0 $0xFFFFFFC0  }
0x1a3: {  	v1 =	vld @p0 [tilespmem:$0xA0C8];
	_ =	sdelay $0x2  }
0x1a4: {  	s0 =	sshll.u32 @p0 s3, $0x8  }
0x1a5: {  	s4 =	sshrl.u32 @p0 s0, $0x2  }
0x1a6: {  	[tilespmem:s4+$0xA138] =	vst.add.f32.msk @p0 $0xffff, v1  }
0x1a7: {  	v1 =	vld @p0 [tilespmem:$0xA0D8];
	_ =	sdelay $0x4  }
0x1a8: {  	[tilespmem:s4+$0xA148] =	vst.add.f32.msk @p0 $0xffff, v1  }
0x1a9: {  	v1 =	vld @p0 [tilespmem:$0xA0E8];
	_ =	sdelay $0x4  }
0x1aa: {  	[tilespmem:s4+$0xA158] =	vst.add.f32.msk @p0 $0xffff, v1  }
0x1ab: {  	v1 =	vld @p0 [tilespmem:$0xA0F8];
	_ =	sdelay $0x3  }
0x1ac: {  	s5 =	sshll.u32 @!p0 s3, $0x8  }
0x1ad: {  	s5 =	smov.u32 @p0 s0;
	[tilespmem:s4+$0xA168] =	vst.add.f32.msk @p0 $0xffff, v1  }
0x1ae: {  	s0 =	sshrl.u32 s5, $0x2;
	[tilespmem:s2+$0xA118] =	vst.msk $0x1, v0  }
0x1af: {  	v0 =	vld [tilespmem:s0+$0xA138];
	_ =	sdelay $0x2  }
0x1b0: {  	s31 =	sshll.u32 s2, $0x8  }
0x1b1: {  	s4 =	sshra.s32 s31, $0x2  }
0x1b2: {  	[tilespmem:s4+$0xA138] =	vst v0  }
0x1b3: {  	v0 =	vld [tilespmem:s0+$0xA148];
	_ =	sdelay $0x4  }
0x1b4: {  	[tilespmem:s4+$0xA148] =	vst v0  }
0x1b5: {  	v0 =	vld [tilespmem:s0+$0xA158];
	_ =	sdelay $0x4  }
0x1b6: {  	[tilespmem:s4+$0xA158] =	vst v0  }
0x1b7: {  	v0 =	vld [tilespmem:s0+$0xA168];
	_ =	sdelay $0x4  }
0x1b8: {  	s2 =	sadd.s32 $0x1, s2;
	[tilespmem:s4+$0xA168] =	vst v0  }
.LBB3_37:
0x1b9: {  	s3 =	sadd.s32 $0x1, s3  }
0x1ba: {  	p0 =	sne.s32 s3, $0x20  }
.Ltmp31:
0x1bb: {  	_ = 	snop;
	(pc) =	sbr.rel @!p0 .LBB3_38-.Ltmp31, $1  }
0x1bc: {  	_ =	sdelay $0x3  }
.LBB3_30:
0x1bd: {  	v0 =	vld.msk [tilespmem:s3+$0xA118], $0x1;
	_ =	sdelay $0x4  }
0x1be: {  	(v2sf) =	vpush v0, $0x0;
	_ =	sdelay $0xe  }
0x1bf: {  	s4 =	spop (v2sf)  }
0x1c0: {  	p0 =	seq.s32 s4, $0xFFFFFFFF  }
.Ltmp32:
0x1c1: {  	_ = 	snop;
	(pc) =	sbr.rel @p0 .LBB3_37-.Ltmp32, $1  }
0x1c2: {  	_ =	sdelay $0x3  }
0x1c3: {  	p0 =	slt.s32 s2, $0x1  }
.Ltmp33:
0x1c4: {  	_ = 	snop;
	(pc) =	sbr.rel @p0 .LBB3_36-.Ltmp33, $1  }
0x1c5: {  	_ =	sdelay $0x3  }
0x1c6: {  	s5 =	simm.s32 $0xA118;
	p0 =	por $0x0, $0x0  }
0x1c7: {  	v1 =	vld.msk @!p0 [tilespmem:s5+$0x0], $0x1;
	_ =	sdelay $0x4  }
0x1c8: {  	(v2sf) =	vpush @!p0 v1, $0x0;
	_ =	sdelay $0xd  }
0x1c9: {  	p2 =	sne.s32 s2, $0x1  }
.Ltmp34:
0x1ca: {  	s0 =	spop @!p0 (v2sf);
	(pc) =	sbr.rel @!p2 .LBB3_34-.Ltmp34, $4  }
0x1cb: {  	p1 =	seq.s32 @!p0 s4, s0  }
0x1cc: {  	s6 =	simm.s32 $0x0;
	p1 =	por !p1, p0  }
0x1cd: {  	s0 =	simm.s32 $0xFFFFFFFF;
	s6 =	simm.s32 @p1 $0xFFFFFFFF  }
0x1ce: {  	s7 =	simm.s32 $0x1;
	s6 =	smov.u32 @p0 s0  }
.LBB3_33:
0x1cf: {  	s0 =	smov.u32 s6;
	p0 =	sne.s32 s6, $0xFFFFFFFF  }
0x1d0: {  	s5 =	sadd.s32 $0x1, s5;
	s6 =	smov.u32 s7;
	s7 =	sadd.s32 $0x1, s7  }
0x1d1: {  	p1 =	sne.s32 s2, s7;
	v1 =	vld.msk @!p0 [tilespmem:s5+$0x0], $0x1;
	_ =	sdelay $0x4  }
0x1d2: {  	(v2sf) =	vpush @!p0 v1, $0x0;
	_ =	sdelay $0xe  }
.Ltmp35:
0x1d3: {  	s8 =	spop @!p0 (v2sf);
	(pc) =	sbr.rel @p1 .LBB3_33-.Ltmp35, $4  }
0x1d4: {  	p2 =	seq.s32 @!p0 s4, s8  }
0x1d5: {  	p2 =	por !p2, p0  }
0x1d6: {  	s6 =	simm.s32 @p2 $0xFFFFFFFF  }
0x1d7: {  	s6 =	smov.u32 @p0 s0  }
.LBB3_34:
0x1d8: {  	p0 =	seq.s32 s6, $0xFFFFFFFF  }
.Ltmp36:
0x1d9: {  	_ = 	snop;
	(pc) =	sbr.rel @p0 .LBB3_36-.Ltmp36, $1  }
0x1da: {  	_ =	sdelay $0x3  }
0x1db: {  	s0 =	sshll.u32 s3, $0x6  }
0x1dc: {  	s0 =	sand.u32 $0x3FFFFFC0, s0  }
0x1dd: {  	v0 =	vld [tilespmem:s0+$0xA138];
	_ =	sdelay $0x2  }
0x1de: {  	s4 =	sshll.u32 s6, $0x8  }
0x1df: {  	s4 =	sshra.s32 s4, $0x2  }
0x1e0: {  	[tilespmem:s4+$0xA138] =	vst.add.f32.msk $0xffff, v0  }
0x1e1: {  	v0 =	vld [tilespmem:s0+$0xA148];
	_ =	sdelay $0x4  }
0x1e2: {  	[tilespmem:s4+$0xA148] =	vst.add.f32.msk $0xffff, v0  }
0x1e3: {  	v0 =	vld [tilespmem:s0+$0xA158];
	_ =	sdelay $0x4  }
0x1e4: {  	[tilespmem:s4+$0xA158] =	vst.add.f32.msk $0xffff, v0  }
0x1e5: {  	v0 =	vld [tilespmem:s0+$0xA168]  }
.Ltmp37:
0x1e6: {  	_ = 	snop;
	(pc) =	sbr.rel .LBB3_37-.Ltmp37, $2  }
0x1e7: {  	_ =	sdelay $0x2  }
0x1e8: {  	[tilespmem:s4+$0xA168] =	vst.add.f32.msk $0xffff, v0  }
.LBB3_38:
0x1e9: {  	p0 =	slt.s32 s2, $0x1  }
.Ltmp38:
0x1ea: {  	_ = 	snop;
	(pc) =	sbr.rel @p0 .LBB3_42-.Ltmp38, $3  }
0x1eb: {  	_ =	sdelay $0x1  }
0x1ec: {  	s0 =	simm.s32 $0x6  }
0x1ed: {  	s3 =	simm.s32 $0x0;
	[sflag:s0] =	ssyncpa.u1 $0x1  }
0x1ee: {  	s0 =	simm.s32 $0xA118  }
0x1ef: {  	v0 =	vld.msk [tilespmem:s0+$0x0], $0x1;
	_ =	sdelay $0x4  }
0x1f0: {  	(v2sf) =	vpush v0, $0x0;
	_ =	sdelay $0xe  }
0x1f1: {  	s2 =	sadd.s32 $0xFFFFFFFF, s2;
	s0 =	spop (v2sf)  }
0x1f2: {  	p1 =	sne.s32 s2, $0x0;
	p0 =	sgt.u32 s0, $0x678  }
.Ltmp39:
0x1f3: {  	s5 =	sand.u32 @!p0 $0x7F8, s0;
	(pc) =	sbr.rel @!p1 .LBB3_41-.Ltmp39, $4  }
0x1f4: {  	s4 =	simm.s32 $0xA138;
	s0 =	sand.u32 @!p0 $0x7, s0;
	s5 =	sadd.s32 @!p0 s1, s5  }
0x1f5: {  	[hbm4b:s5+s0] =	stream.linear.scatter @!p0 [tilespmem:s4], [sflag:$0x5], $0x40, $0x38;
	[tilespmem:$0x1EF78] =	vst v63  }
0x1f6: {  	s0 =	simm.s32 $0x0  }
0x1f7: {  	s5 =	simm.s32 $0xA119;
	s0 =	simm.s32 @!p0 $0x100  }
.LBB3_40:
0x1f8: {  	v0 =	vld.msk [tilespmem:s5+$0x0], $0x1;
	s2 =	sadd.s32 $0xFFFFFFFF, s2;
	s3 =	sadd.s32 s3, s0  }
0x1f9: {  	p0 =	sne.s32 s2, $0x0;
	_ =	sdelay $0x3  }
0x1fa: {  	(v2sf) =	vpush v0, $0x0;
	_ =	sdelay $0xe  }
.Ltmp40:
0x1fb: {  	s6 =	spop (v2sf);
	(pc) =	sbr.rel @p0 .LBB3_40-.Ltmp40, $4  }
0x1fc: {  	s0 =	simm.s32 $0x0;
	p1 =	sgt.u32 s6, $0x678  }
0x1fd: {  	s4 =	sadd.s32 $0x40, s4;
	s0 =	simm.s32 @!p1 $0x100;
	s7 =	sand.u32 @!p1 $0x7F8, s6  }
0x1fe: {  	s5 =	sadd.s32 $0x1, s5;
	s6 =	sand.u32 @!p1 $0x7, s6;
	s7 =	sadd.s32 @!p1 s1, s7  }
0x1ff: {  	[hbm4b:s7+s6] =	stream.linear.scatter @!p1 [tilespmem:s4], [sflag:$0x5], $0x40, $0x38;
	[tilespmem:$0x1EF78] =	vst v63  }
.LBB3_41:
0x200: {  	s0 =	sadd.s32 s3, s0  }
0x201: {  	s3 =	sshrl.u32 s0, $0x2  }
.LBB3_42:
0x202: {  	s0 =	simm.s32 $0x5  }
0x203: {  	_ =	swait.ge [sflag:s0], s3  }
0x204: {  	s1 =	ssub.s32 $0x0, s3;
	[sflag:s0] =	ssyncset.done $0x0  }
0x205: {  	[sflag:s0] =	ssyncadd.s32 s1  }
0x206: {  	[sflag:s0] =	ssyncpa.u1 $0x1  }
0x207: {  	s30 =	simm.s32 $0x1;
	_ =	sfence  }
0x208: {  	[sflag:s30] =	ssyncpa.u1 $0x1  }
0x209: {  	_ =	strace $0x9000006B  }
0x20a: {  	[bflag:$0x2] =	sbarrier.arrive $0xFFFF  }
0x20b: {  	s31 =	rddreg [dreg:$0x1]  }
0x20c: {  	s0 =	sadd.s32 $0x100000, s31  }
0x20d: {  	[sflag:s0] =	ssyncadd.tile.s32 $0x1;
	_ =	shalt  }
.Lfunc_end3:
_tile_overlayer_lowered:
.L_overlay_start_3:
0x20e: {  	(tag) =	ssettag $0x3  }
0x20f: {  	s0 =	rddreg [dreg:$0x0];
	s2 =	stileid.u32  }
0x210: {  	s1 =	rddreg [dreg:$0x1];
	p0 =	sne.s32 s2, $0x0  }
0x211: {  	s3 =	rddreg [dreg:$0x2];
	[bflag:$0x3] =	sbarrier.arrive $0xFFFF;
	s2 =	simm.s32 @!p0 $0x1C01  }
0x212: {  	[timem:s3], [sflag:s2] =	dma.local @!p0 [hbm:s0], s1  }
0x213: {  	s0 =	simm.s32 @!p0 $0x1  }
0x214: {  	_ =	swait.ge @!p0 [sflag:s0], s1  }
0x215: {  	s1 =	ssub.s32 @!p0 $0x0, s1;
	[sflag:s0] =	ssyncset.done @!p0 $0x0  }
0x216: {  	[sflag:s0] =	ssyncadd.s32 @!p0 s1  }
0x217: {  	[bflag:$0x3] =	sbarrier.arrive $0xFFFF  }
0x218: {  	_ =	shalt  }

// kernel: scatter_offload_async_start.6
scs
__scs_entry_jumppad:
0x0: {  	(pc) =	sbr.rel $0x88, $3  }
0x1: {  	(tag) =	ssettag $0x0;
	lr =	simm.s32 $0x1  }
0x2: {  	[smem:$0x3F87] =	sst lr;
	_ =	strace $0xD0000000  }
0x3: {  	_ = 	snop  }
0x4: {  	_ = 	snop  }
0x5: {  	_ = 	snop  }
0x6: {  	_ = 	snop  }
0x7: {  	_ = 	snop  }
__scs_overlays_trampoline_lowered:
0x8: {  	[smem:$0x3F96] =	sst s0  }
0x9: {  	[smem:$0x3F97] =	sst s1  }
0xa: {  	[smem:$0x3F98] =	sst s2  }
0xb: {  	[smem:$0x3F99] =	sst s3  }
0xc: {  	[smem:$0x3F9A] =	sst s4  }
0xd: {  	[smem:$0x3F9B] =	sst s5  }
0xe: {  	[smem:$0x3F9C] =	sst s6  }
0xf: {  	[smem:$0x3F9D] =	sst s7  }
0x10: {  	[smem:$0x3F9E] =	sst s8  }
0x11: {  	[smem:$0x3F9F] =	sst s9;
	s0 =	simm.s32 @!p0 $0x0  }
0x12: {  	s1 =	sld [smem:$0x3F85];
	s0 =	simm.s32 @p0 $0x1  }
0x13: {  	[smem:$0x3FA0] =	sst s0;
	s0 =	simm.s32 @!p1 $0x0  }
0x14: {  	s2 =	sld [smem:$0x3F84];
	s0 =	simm.s32 @p1 $0x1  }
0x15: {  	[smem:$0x3FA1] =	sst s0;
	s0 =	simm.s32 @!p2 $0x0  }
0x16: {  	s3 =	sld [smem:$0x3FDB];
	s0 =	simm.s32 @p2 $0x1  }
0x17: {  	s4 =	simm.s32 $0x1BF5;
	[smem:$0x3FA3] =	sst s0  }
0x18: {  	s0 =	sld [smem:$0x3F86];
	_ =	swait.ge [sflag:s4], $0x0  }
0x19: {  	s7 =	sld [smem:$0x3F87]  }
0x1a: {  	s8 =	sadd.s32 $0xFFFFE003, lr  }
0x1b: {  	s9 =	sadd.s32 $0xFFFFFEF7, lr;
	s5 =	simm.s32 $0xFFFFFFFF;
	p2 =	slt.u32 s8, $0xFFFFF086  }
0x1c: {  	p1 =	slt.u32 s9, $0xF7A;
	s5 =	simm.s32 @!p2 $0x0  }
0x1d: {  	s5 =	simm.s32 @p1 $0x1;
	p0 =	seq.s32 s7, s2  }
0x1e: {  	s7 =	smul.u32 @!p0 $0xF7A, s2;
	p2 =	seq.s32 @!p0 s5, $0x0  }
0x1f: {  	s9 =	smul.u32 $0xF7A, s1;
	s8 =	simm.s32 @!p0 $0x1BF5;
	p2 =	por !p2, p0  }
0x20: {  	[sflag:s8] =	ssyncset.s32 @!p0 $0xFFFFF086;
	s6 =	sadd.s32 @!p0 s3, s7;
	s7 =	simm.s32 @!p0 $0x108  }
0x21: {  	s3 =	sadd.s32 s3, s9;
	s6 =	sadd.s32 @!p0 $0x88, s6;
	s7 =	simm.s32 @p2 $0x1082  }
0x22: {  	[simem:s7], [sflag:s8] =	dma.local @!p0 [hbm:s6], $0xF7A  }
0x23: {  	s9 =	sor.u32 $0xD0000000, s2;
	s6 =	simm.s32 $0x108;
	_ =	swait.ge @!p0 [sflag:s8], $0x0  }
0x24: {  	s3 =	sadd.s32 $0x88, s3;
	s6 =	simm.s32 @!p1 $0x1082;
	[sflag:s4] =	ssyncset.s32 $0xFFFFF086  }
0x25: {  	[simem:s6], [sflag:s4] =	dma.local [hbm:s3], $0xF7A  }
0x26: {  	[smem:$0x3F87] =	sst s1;
	(tag) =	ssettag s2;
	_ =	strace s9  }
0x27: {  	s1 =	sld [smem:$0x3F97]  }
0x28: {  	s2 =	sld [smem:$0x3F98]  }
0x29: {  	s4 =	sld [smem:$0x3F9A]  }
0x2a: {  	p0 =	seq.s32 s5, $0x0;
	s5 =	sld [smem:$0x3F9B]  }
0x2b: {  	s6 =	sld [smem:$0x3F9C]  }
0x2c: {  	s7 =	sld [smem:$0x3F9D]  }
0x2d: {  	s3 =	simm.s32 $0x108;
	s8 =	sld [smem:$0x3F9E]  }
0x2e: {  	s3 =	simm.s32 @!p0 $0x1082;
	s9 =	sld [smem:$0x3F9F]  }
0x2f: {  	lr =	sadd.s32 s0, s3;
	s0 =	sld [smem:$0x3F96]  }
0x30: {  	s3 =	sld [smem:$0x3F99]  }
0x31: {  	[smem:$0x3FA2] =	sst s10  }
0x32: {  	s10 =	sld [smem:$0x3FA0];
	_ =	sdelay $0x3  }
0x33: {  	p0 =	seq.s32 s10, $0x1;
	s10 =	sld [smem:$0x3FA2];
	_ =	sdelay $0x3  }
0x34: {  	[smem:$0x3FA2] =	sst s10  }
0x35: {  	s10 =	sld [smem:$0x3FA1];
	_ =	sdelay $0x3  }
0x36: {  	p1 =	seq.s32 s10, $0x1;
	s10 =	sld [smem:$0x3FA2];
	_ =	sdelay $0x3  }
0x37: {  	[smem:$0x3FA2] =	sst s10  }
0x38: {  	s10 =	sld [smem:$0x3FA3]  }
0x39: {  	_ = 	snop;
	(pc) =	sbr.ind lr, $3  }
0x3a: {  	_ = 	snop  }
0x3b: {  	_ = 	snop  }
0x3c: {  	p2 =	seq.s32 s10, $0x1;
	s10 =	sld [smem:$0x3FA2]  }
0x3d: {  	_ =	shalt  }
0x3e: {  	_ =	shalt  }
0x3f: {  	_ =	shalt  }
0x40: {  	_ =	shalt  }
0x41: {  	_ =	shalt  }
0x42: {  	_ =	shalt  }
0x43: {  	_ =	shalt  }
0x44: {  	_ =	shalt  }
0x45: {  	_ =	shalt  }
0x46: {  	_ =	shalt  }
0x47: {  	_ =	shalt  }
0x48: {  	_ =	shalt  }
0x49: {  	_ =	shalt  }
0x4a: {  	_ =	shalt  }
0x4b: {  	_ =	shalt  }
0x4c: {  	_ =	shalt  }
0x4d: {  	_ =	shalt  }
0x4e: {  	_ =	shalt  }
0x4f: {  	_ =	shalt  }
0x50: {  	_ =	shalt  }
0x51: {  	_ =	shalt  }
0x52: {  	_ =	shalt  }
0x53: {  	_ =	shalt  }
0x54: {  	_ =	shalt  }
0x55: {  	_ =	shalt  }
0x56: {  	_ =	shalt  }
0x57: {  	_ =	shalt  }
0x58: {  	_ =	shalt  }
0x59: {  	_ =	shalt  }
0x5a: {  	_ =	shalt  }
0x5b: {  	_ =	shalt  }
0x5c: {  	_ =	shalt  }
0x5d: {  	_ =	shalt  }
0x5e: {  	_ =	shalt  }
0x5f: {  	_ =	shalt  }
0x60: {  	_ =	shalt  }
0x61: {  	_ =	shalt  }
0x62: {  	_ =	shalt  }
0x63: {  	_ =	shalt  }
0x64: {  	_ =	shalt  }
0x65: {  	_ =	shalt  }
0x66: {  	_ =	shalt  }
0x67: {  	_ =	shalt  }
0x68: {  	_ =	shalt  }
0x69: {  	_ =	shalt  }
0x6a: {  	_ =	shalt  }
0x6b: {  	_ =	shalt  }
0x6c: {  	_ =	shalt  }
0x6d: {  	_ =	shalt  }
0x6e: {  	_ =	shalt  }
0x6f: {  	_ =	shalt  }
0x70: {  	_ =	shalt  }
0x71: {  	_ =	shalt  }
0x72: {  	_ =	shalt  }
0x73: {  	_ =	shalt  }
0x74: {  	_ =	shalt  }
0x75: {  	_ =	shalt  }
0x76: {  	_ =	shalt  }
0x77: {  	_ =	shalt  }
0x78: {  	_ =	shalt  }
0x79: {  	_ =	shalt  }
0x7a: {  	_ =	shalt  }
0x7b: {  	_ =	shalt  }
0x7c: {  	_ =	shalt  }
0x7d: {  	_ =	shalt  }
0x7e: {  	_ =	shalt  }
0x7f: {  	_ =	shalt  }
0x80: {  	_ =	shalt  }
0x81: {  	_ =	shalt  }
0x82: {  	_ =	shalt  }
0x83: {  	_ =	shalt  }
0x84: {  	_ =	shalt  }
0x85: {  	_ =	shalt  }
0x86: {  	_ =	shalt  }
0x87: {  	_ =	shalt  }
.Lfunc_end0:
.L_simem_size_0:
called_computation.6_lowered:
.L_overlay_start_0:
0x88: {  	s0 =	sld [smem:$0x3FD9]  }
0x89: {  	s1 =	sld [smem:$0x3FFE];
	_ =	sdelay $0x3  }
0x8a: {  	s0 =	sadd.s32 s1, s0  }
0x8b: {  	[smem:$0x3FAE] =	sst s0  }
0x8c: {  	_ = 	snop  }
0x8d: {  	s0 =	sld [smem:$0x3FD0];
	(tm) =	ssettm $0x1  }
0x8e: {  	s16 =	sld [smem:$0x3FFB];
	_ =	sdelay $0x3  }
0x8f: {  	_ =	strace s16  }
0x90: {  	s1 =	sld [smem:$0x3FFC];
	_ =	sdelay $0x3  }
0x91: {  	_ =	strace s1  }
0x92: {  	s1 =	sld [smem:$0x3FFD];
	_ =	sdelay $0x3  }
0x93: {  	_ =	strace s1  }
0x94: {  	_ =	strace $0x8FFFFFFF  }
0x95: {  	s17 =	sld [smem:$0x3FDB];
	_ =	sdelay $0x1  }
0x96: {  	s2 =	simm.s32 $_scs_section_size  }
0x97: {  	s3 =	simm.s32 $_size__tile_overlayer_lowered;
	s4 =	simm.s32 $_tile_overlayer_lowered  }
0x98: {  	s20 =	simm.s32 $0x1BFF;
	s19 =	sshll.u32 s4, $0x1;
	s1 =	sadd.s32 s2, s17  }
0x99: {  	s5 =	simm.s32 $0x0;
	s18 =	sshll.u32 s3, $0x1;
	s3 =	sadd.s32 s19, s1  }
0x9a: {  	[timem:s5], [sflag:s20] =	dma.local [hbm:s3], s18  }
0x9b: {  	_ =	swait.ge [sflag:s20], s18  }
0x9c: {  	s2 =	ssub.s32 $0x0, s18;
	[sflag:s20] =	ssyncset.done $0x0  }
0x9d: {  	[sflag:s20] =	ssyncadd.s32 s2;
	_ =	sdelay $0x1  }
0x9e: {  	s21 =	simm.s32 $0x1B8B  }
0x9f: {  	_ =	swait.ge [sflag:s21], $0x1  }
0xa0: {  	[sflag:s21] =	ssyncset.done $0x0  }
0xa1: {  	s23 =	simm.s32 $0x1B8E;
	s22 =	sld [smem:$0x3FFE];
	[sflag:s21] =	ssyncadd.s32 $0xFFFFFFFF  }
0xa2: {  	s24 =	simm.s32 $execute0_lowered;
	[smem:$0x3FD2] =	sst s23  }
0xa3: {  	s3 =	sshll.u32 s24, $0x1;
	_ =	strace $0x8000006D;
	[dreg:$0x1] =	wrdreg $0xFFFFFFFF  }
0xa4: {  	s25 =	simm.s32 $_size_execute0_lowered;
	s1 =	sadd.s32 s1, s3;
	[dreg:$0x0] =	wrdreg $0x0  }
0xa5: {  	s3 =	sshll.u32 s25, $0x1;
	[dreg:$0x2] =	wrdreg s1  }
0xa6: {  	[dreg:$0x3] =	wrdreg s3  }
0xa7: {  	[dreg:$0x4] =	wrdreg $0xC0  }
0xa8: {  	_ =	task [dreg:s5], $0x5FFFF  }
0xa9: {  	[dreg:$0x1] =	wrdreg $0xFFFFFFFF  }
0xaa: {  	[dreg:$0x0] =	wrdreg $0x60  }
0xab: {  	[dreg:$0x2] =	wrdreg s0  }
0xac: {  	[dreg:$0x3] =	wrdreg s22  }
0xad: {  	[dreg:$0x4] =	wrdreg $0x9  }
0xae: {  	_ =	task.clear_ibuf [dreg:s5], $0x5FFFF;
	_ =	strace $0x9000006D  }
0xaf: {  	s26 =	simm.s32 $0x9;
	_ =	strace $0x8000006F  }
0xb0: {  	_ =	swait.ge [sflag:s26], $0x1  }
0xb1: {  	[sflag:s26] =	ssyncadd.s32 $0xFFFFFFFF  }
0xb2: {  	_ =	strace $0x9000006F  }
0xb3: {  	_ =	sfence  }
0xb4: {  	s28 =	sld [smem:$0x0];
	_ =	sdelay $0x1  }
0xb5: {  	s29 =	srdreg.scid  }
0xb6: {  	s30 =	sshll.u32 s29, $0xD;
	s31 =	sshrl.u32 s29, $0x2  }
0xb7: {  	s2 =	sand.u32 $0x4000, s30;
	s1 =	sand.u32 $0x1, s29;
	s0 =	sadd.s32 s31, s28  }
0xb8: {  	s1 =	sor.u32 s2, s1;
	s0 =	sshll.u32 s0, $0x11  }
0xb9: {  	s0 =	sor.u32 s0, s1  }
0xba: {  	s0 =	sadd.s32 $0x8F2B, s0  }
0xbb: {  	[sflag:s0] =	ssyncadd.remote.s32 $0x1  }
0xbc: {  	_ =	sfence.sel $0xFFFF  }
0xbd: {  	[dreg:$0x0] =	wrdreg $0xFFFFFFFF;
	(pc) =	sbr.abs _section_cstart, $3  }
0xbe: {  	[dreg:$0x1] =	wrdreg $0xFFFFFFFF  }
0xbf: {  	_ =	task.clear_ibuf [dreg:s5], $0x2FFFF;
	_ =	strace $0x9FFFFFFF  }
0xc0: {  	(tm) =	ssettm $0x7FFFFFFF  }
0xc1: {  	_ =	shalt  }
tec
execute0_lowered:
.L_overlay_start_1:
0x0: {  	(tag) =	ssettag $0x1  }
0x1: {  	s1 =	rddreg [dreg:$0x0]  }
0x2: {  	s0 =	rddreg [dreg:$0x1];
	_ =	strace $0x8000006E;
	s2 =	simm.s32 $0x1  }
0x3: {  	s8 =	simm.s32 $0x88;
	v0 =	vimm.s32 $0x0;
	[sflag:s2] =	ssyncpa.u1 $0x0  }
0x4: {  	[tilespmem:s8+$0x30] =	vst v0  }
0x5: {  	s3 =	sadd.s32 $0x1DD200, s0;
	[tilespmem:s8+$0x20] =	vst v0  }
0x6: {  	s4 =	sadd.s32 $0x383C00, s0;
	s5 =	sadd.s32 $0x1DEC00, s0;
	s0 =	simm.s32 $0x40;
	[tilespmem:s8+$0x10] =	vst v0  }
.LBB2_1:
0x7: {  	s0 =	sadd.s32 $0x40, s0  }
0x8: {  	[tilespmem:s8+$0x0] =	vst v0;
	s8 =	sadd.s32 $0x40, s8;
	p0 =	slt.u32 s0, $0x5040  }
.Ltmp0:
0x9: {  	(pc) =	sbr.rel @p0 .LBB2_1-.Ltmp0, $4  }
0xa: {  	_ = 	snop  }
0xb: {  	[tilespmem:s8+$0x30] =	vst v0  }
0xc: {  	[tilespmem:s8+$0x20] =	vst v0  }
0xd: {  	[tilespmem:s8+$0x10] =	vst v0  }
0xe: {  	s9 =	stileid.u32  }
0xf: {  	s0 =	smul.u32 $0x9, s9  }
0x10: {  	s2 =	smin.u32 s9, $0xD  }
0x11: {  	s0 =	sadd.s32 s2, s0  }
0x12: {  	p0 =	slt.u32 s9, $0xD;
	s6 =	smul.u32 $0x140, s0;
	s0 =	simm.s32 $0xC80  }
0x13: {  	s0 =	simm.s32 @!p0 $0xB40  }
0x14: {  	s0 =	sadd.s32 s0, s6  }
0x15: {  	s7 =	smin.u32 s0, $0xC350  }
0x16: {  	s0 =	ssub.s32 s7, s6  }
0x17: {  	p0 =	sgt.s32 s0, $0x0  }
0x18: {  	s0 =	simm.s32 @!p0 $0x0  }
0x19: {  	s29 =	simm.s32 $0x2;
	s10 =	simm.s32 $0x7;
	s28 =	smul.u32 $0xCCCD, s0  }
0x1a: {  	s31 =	simm.s32 $0x8;
	s11 =	simm.s32 $0x1;
	s15 =	simm.s32 $0x0  }
0x1b: {  	p1 =	por $0x0, $0x0;
	s16 =	simm.s32 $0xA;
	s2 =	sshrl.u32 s28, $0x18  }
0x1c: {  	s20 =	simm.s32 $0x0;
	s17 =	simm.s32 $0x0;
	s30 =	smul.u32 $0x140, s2  }
.Ltmp1:
0x1d: {  	[tilespmem:s8+$0x0] =	vst v0;
	v0 =	vimm.s32 $0xFFFFFFFF;
	s19 =	simm.s32 $0x0;
	[sflag:s29] =	ssyncpa.u1 $0x0;
	(pc) =	sbr.rel .LBB2_3-.Ltmp1, $4  }
0x1e: {  	[tilespmem:$0xA108] =	vst v0;
	[sflag:s10] =	ssyncpa.u1 $0x0;
	p0 =	sne.s32 s0, s30;
	s0 =	simm.s32 $0x1  }
0x1f: {  	s10 =	simm.s32 $0x9;
	[sflag:s31] =	ssyncpa.u1 $0x0;
	s0 =	simm.s32 @!p0 $0x0  }
0x20: {  	s13 =	sshll.u32 s9, $0x7;
	[sflag:s10] =	ssyncpa.u1 $0x0;
	s12 =	sadd.s32 s2, s0  }
0x21: {  	v0 =	vlaneseq.u32;
	s18 =	smov.u32 s6;
	p0 =	por $0x1, $0x1;
	s14 =	sadd.s32 $0x1, s12  }
.LBB2_24:
0x22: {  	s0 =	sshrl.u32 s29, $0x2  }
.LBB2_26:
0x23: {  	_ =	swait.ge [sflag:s16], s0  }
0x24: {  	s31 =	ssub.s32 $0x0, s0;
	v1 =	vmov s22;
	vm0 =	veq.s32 v0, $0x0;
	[sflag:s16] =	ssyncset.done $0x0  }
0x25: {  	vm15 =	veq.s32 v0, $0x2;
	v1 =	vsel vm0, s28, v1;
	[sflag:s16] =	ssyncadd.s32 s31  }
0x26: {  	v1 =	vsel vm15, s20, v1;
	[sflag:s16] =	ssyncpa.u1 $0x1  }
0x27: {  	[tilespmem:$0xA108] =	vst v1  }
.LBB2_27:
0x28: {  	s0 =	sadd.s32 $0x140, s18  }
0x29: {  	s2 =	smov.u32 s6;
	p2 =	slt.s32 s0, s7  }
0x2a: {  	s2 =	smov.u32 @p2 s0;
	p2 =	sne.s32 s19, s14  }
.Ltmp2:
0x2b: {  	_ = 	snop;
	(pc) =	sbr.rel @!p2 .LBB2_28-.Ltmp2, $4  }
0x2c: {  	_ = 	snop  }
0x2d: {  	s20 =	smov.u32 s17  }
0x2e: {  	s31 =	sadd.s32 $0x1, s19;
	s17 =	smov.u32 s18;
	p0 =	por !p0, !p0  }
0x2f: {  	p1 =	por !p1, !p1;
	s19 =	smov.u32 s31;
	s18 =	smov.u32 s2  }
.LBB2_3:
0x30: {  	p2 =	sge.u32 s19, s12  }
0x31: {  	s0 =	smulhi.u32 @!p2 $0xAAAAAAAB, s19  }
0x32: {  	s2 =	smov.u32 s18;
	p3 =	sgt.s32 @!p2 s18, $0xC210  }
0x33: {  	s8 =	sshra.s32 @!p2 s18, $0x1F;
	p3 =	por !p3, p2;
	s0 =	sshrl.u32 @!p2 s0, $0x1  }
0x34: {  	s8 =	sand.u32 @!p2 s8, s18;
	s2 =	simm.s32 @p3 $0xC210;
	s0 =	smul.u32 @!p2 $0x3, s0  }
0x35: {  	s2 =	ssub.s32 @!p2 s2, s8  }
0x36: {  	s22 =	sadd.s32 $0xFFFFFFFF, s19;
	s2 =	sadd.s32 @!p2 $0xFFFF3DF0, s2;
	s0 =	ssub.s32 @!p2 s19, s0  }
0x37: {  	s8 =	sshll.u32 @!p2 s2, $0x2;
	p3 =	sgt.s32 @!p2 s2, $0x13F;
	s0 =	smul.u32 @!p2 $0x500, s0  }
0x38: {  	s21 =	sand.u32 @!p2 $0x7, s18;
	s2 =	ssub.s32 @!p2 $0x500, s8;
	p3 =	por !p3, p2  }
0x39: {  	s8 =	sshrl.u32 @!p2 s18, $0x3;
	s2 =	sshrl.u32 @!p2 s2, $0x2;
	s0 =	sshrl.u32 @!p2 s0, $0x2  }
0x3a: {  	s8 =	sadd.s32 @!p2 s5, s8;
	s2 =	simm.s32 @!p3 $0x0;
	s0 =	sadd.s32 @!p2 $0xA938, s0  }
0x3b: {  	[tilespmem:s0], [sflag:$0x8] =	stream.linear.gather @!p2 [hbm4b:s8+s21], s2, $0x38;
	[tilespmem:$0x1EF78] =	vst v63  }
0x3c: {  	p2 =	sge.u32 s22, s12  }
0x3d: {  	p3 =	sgt.s32 @!p2 s17, $0xC210  }
0x3e: {  	s0 =	smov.u32 s17;
	s2 =	sshra.s32 @!p2 s17, $0x1F;
	p3 =	por !p3, p2  }
0x3f: {  	s2 =	sand.u32 @!p2 s2, s17;
	s0 =	simm.s32 @p3 $0xC210  }
0x40: {  	s0 =	ssub.s32 @!p2 s0, s2  }
0x41: {  	s0 =	sadd.s32 @!p2 $0xFFFF3DF0, s0  }
0x42: {  	s2 =	sshll.u32 @!p2 s0, $0x2  }
0x43: {  	p3 =	sgt.s32 @!p2 s0, $0x13F;
	s0 =	ssub.s32 @!p2 $0x500, s2  }
0x44: {  	p3 =	por !p3, p2;
	s0 =	sshrl.u32 @!p2 s0, $0x2  }
0x45: {  	s8 =	simm.s32 @!p2 $0x8;
	s2 =	sand.u32 @!p2 $0x1, s22;
	s0 =	simm.s32 @!p3 $0x0  }
0x46: {  	s2 =	smul.u32 @!p2 $0x500, s2;
	_ =	swait.ge @!p2 [sflag:s8], s0  }
0x47: {  	s21 =	ssub.s32 @!p2 $0x0, s0;
	[sflag:s8] =	ssyncset.done @!p2 $0x0  }
0x48: {  	s2 =	sshrl.u32 @!p2 s2, $0x2;
	[sflag:s8] =	ssyncadd.s32 @!p2 s21;
	s8 =	sshrl.u32 @!p2 s17, $0x3  }
0x49: {  	s2 =	sadd.s32 @!p2 $0xACF8, s2;
	s21 =	sand.u32 @!p2 $0x7, s17;
	s8 =	sadd.s32 @!p2 s3, s8  }
0x4a: {  	[tilespmem:s2], [sflag:$0x9] =	stream.linear.gather @!p2 [hbm4b:s8+s21], s0, $0x38;
	[tilespmem:$0x1EF78] =	vst v63  }
0x4b: {  	s21 =	ssub.s32 @!p2 $0xC350, s17  }
0x4c: {  	p3 =	slt.s32 @!p2 s21, $0x1  }
0x4d: {  	p3 =	por p2, p3  }
.Ltmp3:
0x4e: {  	_ = 	snop;
	(pc) =	sbr.rel @p3 .LBB2_9-.Ltmp3, $1  }
0x4f: {  	_ =	sdelay $0x3  }
0x50: {  	s0 =	smulhi.u32 $0xAAAAAAAB, s22;
	_ =	sdelay $0x1  }
0x51: {  	s0 =	sshrl.u32 s0, $0x1  }
0x52: {  	s0 =	smul.u32 $0x3, s0;
	_ =	sdelay $0x1  }
0x53: {  	s0 =	ssub.s32 s22, s0  }
0x54: {  	s2 =	simm.s32 $0x1;
	s0 =	smul.u32 $0x500, s0  }
.Ltmp4:
0x55: {  	s2 =	simm.s32 @!p0 $0x0;
	(pc) =	sbr.rel .LBB2_6-.Ltmp4, $4  }
0x56: {  	s2 =	smul.u32 $0x28000, s2  }
0x57: {  	p3 =	slt.s32 @!p2 s21, $0x140;
	s0 =	sshrl.u32 s0, $0x2  }
0x58: {  	p2 =	por !p3, p2;
	s2 =	sshrl.u32 s2, $0x2;
	s0 =	sadd.s32 $0xA938, s0  }
0x59: {  	s23 =	simm.s32 $0x0;
	s21 =	simm.s32 @p2 $0x140;
	s22 =	sadd.s32 $0xAF78, s2;
	v1 =	vmov s0  }
.LBB2_5:
0x5a: {  	p2 =	sge.s32 s23, s21  }
.Ltmp5:
0x5b: {  	_ = 	snop;
	(pc) =	sbr.rel @p2 .LBB2_9-.Ltmp5, $2  }
0x5c: {  	_ =	sdelay $0x2  }
0x5d: {  	s22 =	sadd.s32 $0x800, s22  }
.LBB2_6:
0x5e: {  	p2 =	sle.s32 s21, s23  }
.Ltmp6:
0x5f: {  	_ = 	snop;
	(pc) =	sbr.rel @p2 .LBB2_5-.Ltmp6, $2  }
0x60: {  	_ =	sdelay $0x2  }
0x61: {  	s24 =	smov.u32 s23;
	s23 =	sadd.s32 $0x10, s23  }
0x62: {  	s0 =	ssub.s32 s21, s24  }
0x63: {  	p2 =	slt.s32 s0, $0x10  }
0x64: {  	s0 =	simm.s32 @!p2 $0x10  }
0x65: {  	v2 =	vmov s0  }
0x66: {  	vm0 =	vgt.s32 v2, v0;
	_ =	sdelay $0x5  }
0x67: {  	v2 =	vld.idx.msk [tilespmem:v1+s24+$0x0 ss:$0x1], vm0;
	_ =	sdelay $0x2  }
0x68: {  	p2 =	slt.s32 s23, s21;
	s0 =	smov.u32 s21  }
0x69: {  	s2 =	smov.u32 s22;
	s25 =	simm.s32 $0x0;
	s0 =	smov.u32 @p2 s23  }
.LBB2_8:
0x6a: {  	(v2sf) =	vpush v2, s25;
	_ =	sdelay $0xc  }
0x6b: {  	s25 =	sadd.s32 $0x1, s25  }
0x6c: {  	s31 =	sadd.s32 s25, s24  }
0x6d: {  	p2 =	slt.s32 s31, s0;
	s8 =	spop (v2sf)  }
.Ltmp7:
0x6e: {  	s8 =	sshll.u32 s8, $0x4;
	(pc) =	sbr.rel @p2 .LBB2_8-.Ltmp7, $4  }
0x6f: {  	s8 =	sand.u32 $0x1FFFFFF0, s8  }
0x70: {  	s8 =	sadd.s32 s4, s8  }
0x71: {  	[tilespmem:s2], [sflag:$0x7] =	stream.linear.gather [hbm4b:s8+s15], $0x40, $0x38;
	[tilespmem:$0x1EF78] =	vst v63  }
0x72: {  	s2 =	sadd.s32 $0x80, s2  }
.Ltmp8:
0x73: {  	_ = 	snop;
	(pc) =	sbr.rel .LBB2_5-.Ltmp8, $1  }
0x74: {  	_ =	sdelay $0x3  }
.LBB2_9:
0x75: {  	p2 =	slt.u32 s19, $0x2  }
.Ltmp9:
0x76: {  	_ = 	snop;
	(pc) =	sbr.rel @p2 .LBB2_27-.Ltmp9, $1  }
0x77: {  	_ =	sdelay $0x3  }
0x78: {  	p2 =	sgt.s32 s20, $0xC210;
	s0 =	smov.u32 s20  }
0x79: {  	s2 =	sshra.s32 s20, $0x1F;
	s8 =	ssub.s32 $0xC350, s20;
	s0 =	simm.s32 @!p2 $0xC210  }
0x7a: {  	s2 =	sand.u32 s2, s20;
	p2 =	slt.s32 s8, $0x140;
	s21 =	smov.u32 s8  }
0x7b: {  	s0 =	ssub.s32 s0, s2;
	s21 =	simm.s32 @!p2 $0x140  }
0x7c: {  	s0 =	sadd.s32 $0xFFFF3DF0, s0;
	s26 =	sshll.u32 s21, $0x6  }
0x7d: {  	s9 =	simm.s32 $0x7;
	s29 =	sshll.u32 s0, $0x2;
	s2 =	sand.u32 $0x3FFFFFC0, s26  }
0x7e: {  	p2 =	sgt.s32 s0, $0x13F;
	s30 =	ssub.s32 $0x500, s29;
	_ =	swait.ge [sflag:s9], s2  }
0x7f: {  	s2 =	ssub.s32 $0x0, s2;
	[sflag:s9] =	ssyncset.done $0x0;
	s0 =	sshrl.u32 s30, $0x2  }
0x80: {  	[sflag:s9] =	ssyncadd.s32 s2;
	s0 =	simm.s32 @p2 $0x0  }
0x81: {  	_ =	swait.ge [sflag:s10], s0  }
0x82: {  	s0 =	ssub.s32 $0x0, s0;
	[sflag:s10] =	ssyncset.done $0x0  }
0x83: {  	[sflag:s10] =	ssyncadd.s32 s0  }
0x84: {  	v1 =	vld [tilespmem:$0xA108];
	_ =	sdelay $0x4  }
0x85: {  	(v2sf) =	vpush v1, $0x0  }
0x86: {  	(v2sf) =	vpush v1, $0x1  }
0x87: {  	(v2sf) =	vpush v1, $0x2;
	_ =	sdelay $0x3  }
0x88: {  	s0 =	sadd.s32 $0x140, s20  }
0x89: {  	p2 =	slt.s32 s7, s0  }
0x8a: {  	s0 =	smov.u32 @p2 s7;
	p2 =	sgt.s32 s8, $0x0  }
0x8b: {  	s24 =	ssub.s32 s0, s20;
	s8 =	simm.s32 @!p2 $0x0  }
0x8c: {  	p2 =	slt.s32 s8, s24  }
0x8d: {  	s24 =	smov.u32 @p2 s8  }
0x8e: {  	s23 =	simm.s32 $0x1;
	p2 =	slt.s32 s24, $0x1  }
.Ltmp10:
0x8f: {  	s23 =	simm.s32 @!p1 $0x0;
	(pc) =	sbr.rel @p2 .LBB2_14-.Ltmp10, $4  }
0x90: {  	s31 =	smul.u32 $0x500, s23  }
0x91: {  	s25 =	spop (v2sf)  }
0x92: {  	s0 =	sshrl.u32 s31, $0x2;
	s28 =	spop (v2sf)  }
0x93: {  	s21 =	sadd.s32 $0xACF8, s0;
	s20 =	spop (v2sf)  }
0x94: {  	s0 =	smin.u32 s24, $0x10  }
0x95: {  	v1 =	vmov s0  }
0x96: {  	p3 =	sgt.s32 s24, $0x10;
	vm1 =	vgt.u32 v1, v0  }
.Ltmp11:
0x97: {  	_ = 	snop;
	(pc) =	sbr.rel @!p3 .LBB2_13-.Ltmp11, $2  }
0x98: {  	_ =	sdelay $0x2  }
0x99: {  	s26 =	simm.s32 $0x10;
	s29 =	sadd.s32 $0xFFFFFFF0, s24;
	s22 =	smov.u32 s21;
	vm0 =	vmmov vm1  }
.LBB2_12:
0x9a: {  	s0 =	smin.u32 s29, $0x10;
	s26 =	sadd.s32 $0x10, s26;
	v1 =	vld.msk [tilespmem:s22+$0x0 ss:$0x1], vm1  }
0x9b: {  	v2 =	vmov s0;
	p3 =	slt.s32 s26, s24  }
0x9c: {  	vm1 =	vgt.u32 v2, v0  }
.Ltmp12:
0x9d: {  	(pc) =	sbr.rel @p3 .LBB2_12-.Ltmp12, $3  }
0x9e: {  	_ =	sdelay $0x1  }
0x9f: {  	v1 =	vshll.u32 v1, $0x4  }
0xa0: {  	s29 =	sadd.s32 $0xFFFFFFF0, s29;
	[tilespmem:s22+$0x0] =	vst.msk vm0, v1;
	s22 =	sadd.s32 $0x10, s22;
	vm0 =	vmmov vm1  }
.LBB2_13:
0xa1: {  	_ =	sdelay $0x4  }
0xa2: {  	v1 =	vld.msk [tilespmem:s22+$0x0 ss:$0x1], vm1;
	_ =	sdelay $0x4  }
0xa3: {  	v1 =	vshll.u32 v1, $0x4  }
0xa4: {  	[tilespmem:s22+$0x0] =	vst.msk vm0, v1  }
.LBB2_14:
0xa5: {  	s0 =	sand.u32 $0x1, s19  }
0xa6: {  	s0 =	smul.u32 $0x140, s0  }
0xa7: {  	p3 =	sne.s32 s28, $0xFFFFFFFF  }
0xa8: {  	v1 =	vld.msk @!p3 [tilespmem:s0+$0xACF8], $0x1;
	_ =	sdelay $0x4  }
0xa9: {  	(v2sf) =	vpush @!p3 v1, $0x0;
	_ =	sdelay $0xc  }
.Ltmp13:
0xaa: {  	_ = 	snop;
	(pc) =	sbr.rel @p2 .LBB2_25-.Ltmp13, $4  }
0xab: {  	_ = 	snop  }
0xac: {  	s26 =	spop @!p3 (v2sf)  }
0xad: {  	s20 =	simm.s32 @!p3 $0x0;
	s22 =	smov.u32 s26  }
0xae: {  	[sflag:s16] =	ssyncpa.u1 $0x0;
	s26 =	smov.u32 @p3 s25;
	s22 =	smov.u32 @p3 s28  }
0xaf: {  	v1 =	vld.msk [tilespmem:s21+$0x0], $0x1;
	_ =	sdelay $0x4  }
0xb0: {  	(v2sf) =	vpush v1, $0x0;
	_ =	sdelay $0xe  }
0xb1: {  	s0 =	smul.u32 $0x28000, s23;
	s30 =	spop (v2sf)  }
0xb2: {  	s24 =	ssub.s32 $0x0, s24;
	p2 =	seq.s32 s26, s30  }
0xb3: {  	s28 =	sadd.s32 $0x1, s24;
	s0 =	sshrl.u32 s0, $0x2;
	p3 =	sgt.s32 @!p2 s26, $0x0  }
0xb4: {  	s23 =	sadd.s32 $0xAF98, s0;
	s0 =	smov.u32 s26;
	p3 =	por !p3, p2  }
0xb5: {  	s0 =	simm.s32 @p3 $0x0;
	p3 =	seq.s32 s28, $0x0  }
.Ltmp14:
0xb6: {  	_ = 	snop;
	(pc) =	sbr.rel @p3 .LBB2_17-.Ltmp14, $4  }
0xb7: {  	_ = 	snop  }
0xb8: {  	s25 =	simm.s32 $0x0;
	s31 =	simm.s32 @!p2 $0x1;
	s2 =	smin.u32 @!p2 s0, $0x678  }
0xb9: {  	s29 =	sadd.s32 $0x1, s21;
	s31 =	smov.u32 @p2 s25;
	s8 =	sand.u32 @!p2 $0x7F8, s2  }
0xba: {  	s0 =	simm.s32 @!p2 $0x50C8;
	s2 =	sand.u32 @!p2 $0x7, s2;
	s8 =	sadd.s32 @!p2 s1, s8  }
.LBB2_16:
0xbb: {  	s9 =	smov.u32 s31  }
0xbc: {  	[tilespmem:s0], [sflag:$0x2] =	stream.linear.gather @!p2 [hbm4b:s8+s2], $0x40, $0x38;
	[tilespmem:$0x1EF78] =	vst v63  }
0xbd: {  	s28 =	sadd.s32 $0x1, s28;
	s2 =	smov.u32 s30;
	v1 =	vld.msk [tilespmem:s29+$0x0], $0x1  }
0xbe: {  	p3 =	seq.s32 s28, $0x0;
	_ =	sdelay $0x3  }
0xbf: {  	(v2sf) =	vpush v1, $0x0;
	_ =	sdelay $0xe  }
0xc0: {  	s30 =	spop (v2sf)  }
0xc1: {  	p2 =	seq.s32 s2, s30  }
0xc2: {  	p4 =	sgt.s32 @!p2 s2, $0x0;
	s0 =	sshll.u32 @!p2 s31, $0x8;
	s31 =	sadd.s32 @!p2 $0x1, s31  }
.Ltmp15:
0xc3: {  	p4 =	por !p4, p2;
	s0 =	sshra.s32 @!p2 s0, $0x2;
	(pc) =	sbr.rel @!p3 .LBB2_16-.Ltmp15, $4  }
0xc4: {  	s31 =	smov.u32 @p2 s9;
	s2 =	simm.s32 @p4 $0x0;
	s0 =	sadd.s32 @!p2 $0x50C8, s0  }
0xc5: {  	s2 =	smin.u32 @!p2 s2, $0x678  }
0xc6: {  	s8 =	sand.u32 @!p2 $0x7F8, s2;
	s2 =	sand.u32 @!p2 $0x7, s2  }
0xc7: {  	s29 =	sadd.s32 $0x1, s29;
	s8 =	sadd.s32 @!p2 s1, s8  }
.LBB2_17:
0xc8: {  	[tilespmem:s0], [sflag:$0x2] =	stream.linear.gather @!p2 [hbm4b:s8+s2], $0x40, $0x38;
	[tilespmem:$0x1EF78] =	vst v63  }
.Ltmp16:
0xc9: {  	s30 =	sshll.u32 s31, $0x6;
	(pc) =	sbr.rel .LBB2_18-.Ltmp16, $4  }
0xca: {  	s31 =	simm.s32 $0x2;
	s0 =	sand.u32 $0x3FFFFFC0, s30  }
0xcb: {  	_ =	swait.ge [sflag:s31], s0  }
0xcc: {  	s0 =	ssub.s32 $0x0, s0;
	[sflag:s31] =	ssyncset.done $0x0  }
0xcd: {  	s29 =	simm.s32 $0x0;
	[sflag:s31] =	ssyncadd.s32 s0  }
.LBB2_19:
0xce: {  	v1 =	vld [tilespmem:s23+$0xFFFFFFE0];
	_ =	sdelay $0x4  }
0xcf: {  	[tilespmem:s30+$0x88] =	vst.add.f32.msk $0xffff, v1  }
0xd0: {  	v1 =	vld [tilespmem:s23+$0xFFFFFFF0];
	_ =	sdelay $0x4  }
0xd1: {  	[tilespmem:s30+$0x98] =	vst.add.f32.msk $0xffff, v1  }
0xd2: {  	v1 =	vld [tilespmem:s23+$0x0];
	_ =	sdelay $0x4  }
0xd3: {  	[tilespmem:s30+$0xA8] =	vst.add.f32.msk $0xffff, v1  }
0xd4: {  	v1 =	vld [tilespmem:s23+$0x10];
	_ =	sdelay $0x4  }
0xd5: {  	[tilespmem:s30+$0xB8] =	vst.add.f32.msk $0xffff, v1  }
.LBB2_23:
0xd6: {  	s24 =	sadd.s32 $0x1, s24  }
0xd7: {  	p2 =	seq.s32 s24, $0x0  }
.Ltmp17:
0xd8: {  	_ = 	snop;
	(pc) =	sbr.rel @p2 .LBB2_24-.Ltmp17, $2  }
0xd9: {  	_ =	sdelay $0x2  }
0xda: {  	s23 =	sadd.s32 $0x80, s23;
	s21 =	sadd.s32 $0x1, s21;
	s26 =	smov.u32 s28  }
.LBB2_18:
0xdb: {  	v1 =	vld.msk [tilespmem:s21+$0x0], $0x1;
	_ =	sdelay $0x4  }
0xdc: {  	(v2sf) =	vpush v1, $0x0;
	_ =	sdelay $0xe  }
0xdd: {  	s28 =	spop (v2sf)  }
0xde: {  	p2 =	sne.s32 s26, s28  }
.Ltmp18:
0xdf: {  	_ = 	snop;
	(pc) =	sbr.rel @!p2 .LBB2_19-.Ltmp18, $3  }
0xe0: {  	_ =	sdelay $0x1  }
0xe1: {  	s0 =	sshll.u32 s20, $0x8  }
0xe2: {  	s30 =	sshra.s32 s0, $0x2  }
0xe3: {  	p2 =	seq.s32 s26, s22  }
.Ltmp19:
0xe4: {  	_ = 	snop;
	(pc) =	sbr.rel @!p2 .LBB2_21-.Ltmp19, $1  }
0xe5: {  	_ =	sdelay $0x3  }
.Ltmp20:
0xe6: {  	s0 =	sadd.s32 $0x88, s30;
	(pc) =	sbr.rel .LBB2_22-.Ltmp20, $4  }
0xe7: {  	[spmem:s13] =	stream.linear.scatter [tilespmem:s0], [sflag:$0x1], $0x40, $0x38;
	[tilespmem:$0x1EF78] =	vst v63  }
0xe8: {  	_ =	swait.ge [sflag:s11], $0x40  }
0xe9: {  	[sflag:s11] =	ssyncset.done $0x0  }
0xea: {  	[sflag:s11] =	ssyncadd.s32 $0xFFFFFFC0  }
.LBB2_21:
0xeb: {  	s0 =	sshll.u32 s25, $0x8  }
0xec: {  	s0 =	sshra.s32 s0, $0x2  }
0xed: {  	v1 =	vld [tilespmem:s0+$0x50C8];
	_ =	sdelay $0x4  }
0xee: {  	[tilespmem:s30+$0x88] =	vst.add.f32.msk $0xffff, v1  }
0xef: {  	v1 =	vld [tilespmem:s0+$0x50D8];
	_ =	sdelay $0x4  }
0xf0: {  	[tilespmem:s30+$0x98] =	vst.add.f32.msk $0xffff, v1  }
0xf1: {  	v1 =	vld [tilespmem:s0+$0x50E8];
	_ =	sdelay $0x4  }
0xf2: {  	[tilespmem:s30+$0xA8] =	vst.add.f32.msk $0xffff, v1  }
0xf3: {  	v1 =	vld [tilespmem:s0+$0x50F8];
	_ =	sdelay $0x2  }
0xf4: {  	p2 =	sgt.u32 s26, $0x678  }
0xf5: {  	s0 =	sand.u32 @!p2 $0x7F8, s26  }
0xf6: {  	s2 =	sadd.s32 $0x88, s30;
	s8 =	sand.u32 @!p2 $0x7, s26;
	s0 =	sadd.s32 @!p2 s1, s0;
	[tilespmem:s30+$0xB8] =	vst.add.f32.msk $0xffff, v1  }
0xf7: {  	[hbm4b:s0+s8] =	stream.linear.scatter @!p2 [tilespmem:s2], [sflag:$0xA], $0x40, $0x38;
	[tilespmem:$0x1EF78] =	vst v63  }
0xf8: {  	s0 =	simm.s32 $0x0  }
0xf9: {  	s0 =	simm.s32 @!p2 $0x100  }
0xfa: {  	s29 =	sadd.s32 s0, s29  }
.LBB2_22:
0xfb: {  	s0 =	sadd.s32 $0x1, s20  }
0xfc: {  	s2 =	smulhi.u32 $0xCCCCCCCD, s0;
	_ =	sdelay $0x1  }
0xfd: {  	v1 =	vld [tilespmem:s23+$0xFFFFFFE0];
	s2 =	sshrl.u32 s2, $0x8  }
0xfe: {  	s2 =	smul.u32 $0x140, s2;
	_ =	sdelay $0x1  }
0xff: {  	s20 =	ssub.s32 s0, s2  }
0x100: {  	s0 =	sshll.u32 s20, $0x6  }
0x101: {  	[tilespmem:s0+$0x88] =	vst v1  }
0x102: {  	v1 =	vld [tilespmem:s23+$0xFFFFFFF0];
	_ =	sdelay $0x4  }
0x103: {  	[tilespmem:s0+$0x98] =	vst v1  }
0x104: {  	v1 =	vld [tilespmem:s23+$0x0];
	_ =	sdelay $0x4  }
0x105: {  	[tilespmem:s0+$0xA8] =	vst v1  }
0x106: {  	v1 =	vld [tilespmem:s23+$0x10]  }
.Ltmp21:
0x107: {  	_ = 	snop;
	(pc) =	sbr.rel .LBB2_23-.Ltmp21, $2  }
0x108: {  	_ =	sdelay $0x2  }
0x109: {  	s25 =	sadd.s32 $0x1, s25;
	[tilespmem:s0+$0xB8] =	vst v1  }
.LBB2_25:
.Ltmp22:
0x10a: {  	(pc) =	sbr.rel .LBB2_26-.Ltmp22, $4  }
0x10b: {  	_ = 	snop  }
0x10c: {  	s0 =	simm.s32 $0x2  }
0x10d: {  	_ =	swait.ge [sflag:s0], $0x0  }
0x10e: {  	s28 =	smov.u32 s26;
	[sflag:s0] =	ssyncset.done $0x0;
	s0 =	simm.s32 $0x0  }
.LBB2_28:
0x10f: {  	_ =	sfence.sel $0x180000  }
0x110: {  	s0 =	simm.s32 $0x7;
	[bflag:$0x0] =	sbarrier.arrive $0xFFFF  }
0x111: {  	s25 =	simm.s32 $0x8;
	[sflag:s0] =	ssyncpa.u1 $0x1  }
0x112: {  	s26 =	simm.s32 $0x9;
	[sflag:s25] =	ssyncpa.u1 $0x1  }
0x113: {  	s28 =	simm.s32 $0x2;
	[sflag:s26] =	ssyncpa.u1 $0x1  }
0x114: {  	[sflag:s28] =	ssyncpa.u1 $0x1  }
0x115: {  	v0 =	vld [tilespmem:$0xA108];
	_ =	sdelay $0x4  }
0x116: {  	(v2sf) =	vpush v0, $0x0  }
0x117: {  	(v2sf) =	vpush v0, $0x1;
	_ =	sdelay $0x1  }
0x118: {  	(v2sf) =	vpush v0, $0x2;
	_ =	sdelay $0xb  }
0x119: {  	s0 =	spop (v2sf)  }
0x11a: {  	s2 =	spop (v2sf)  }
0x11b: {  	s3 =	smov.u32 s0;
	p0 =	sne.s32 s0, s2  }
0x11c: {  	s4 =	spop (v2sf);
	s3 =	simm.s32 @!p0 $0xFFFFFFFF  }
0x11d: {  	v2 =	vimm.s32 $0x1;
	v3 =	vlaneseq.u32;
	p0 =	seq.s32 s4, $0xFFFFFFFF;
	v1 =	vmov s3  }
0x11e: {  	s7 =	stileid.u32;
	v0 =	vperm.xlane v0, v2;
	p1 =	sne.s32 @!p0 s0, s2;
	v1 =	vperm.xlane v1, v3  }
0x11f: {  	vm0 =	vcmask $0x3F04;
	s6 =	simm.s32 $0xA108;
	s0 =	simm.s32 @!p0 $0x1;
	p1 =	por !p1, p0  }
0x120: {  	s3 =	sshll.u32 s7, $0x1;
	s2 =	sshll.u32 @!p0 s4, $0x8;
	s0 =	simm.s32 @p1 $0x0;
	v0 =	vsel vm0, v1, v0  }
0x121: {  	s5 =	sor.u32 $0x800, s3;
	s2 =	sshra.s32 @!p0 s2, $0x2;
	s0 =	sor.u32 @!p0 s0, s3;
	[tilespmem:$0xA108] =	vst v0  }
0x122: {  	[spmem:s5] =	stream.linear.scatter [tilespmem:s6], [sflag:$0x1], $0x2, $0x38;
	[tilespmem:$0x1EF78] =	vst v63  }
0x123: {  	s2 =	sadd.s32 @!p0 $0x88, s2;
	s0 =	sshll.u32 @!p0 s0, $0x6  }
0x124: {  	[spmem:s0] =	stream.linear.scatter @!p0 [tilespmem:s2], [sflag:$0x1], $0x40, $0x38;
	[tilespmem:$0x1EF78] =	vst v63  }
0x125: {  	s2 =	simm.s32 @!p0 $0x42  }
0x126: {  	s0 =	simm.s32 $0x1;
	s2 =	simm.s32 @p0 $0x2  }
0x127: {  	_ =	swait.ge [sflag:s0], s2  }
0x128: {  	s2 =	ssub.s32 $0x0, s2;
	[sflag:s0] =	ssyncset.done $0x0  }
0x129: {  	[sflag:s0] =	ssyncadd.s32 s2  }
0x12a: {  	_ =	sfence.stream.spmem  }
0x12b: {  	s29 =	simm.s32 $0x3;
	[bflag:$0x0] =	sbarrier.arrive $0xFFFF  }
0x12c: {  	s30 =	simm.s32 $0x4;
	[sflag:s29] =	ssyncpa.u1 $0x1  }
0x12d: {  	s31 =	simm.s32 $0x3C;
	[sflag:s30] =	ssyncpa.u1 $0x1  }
0x12e: {  	p0 =	sne.s32 s7, $0x0;
	[sflag:s31] =	ssyncpa.u1 $0x1  }
0x12f: {  	_ =	sfence @p0  }
0x130: {  	[sflag:s0] =	ssyncpa.u1 @p0 $0x1  }
0x131: {  	_ =	strace @p0 $0x9000006E  }
0x132: {  	[bflag:$0x2] =	sbarrier.arrive @p0 $0xFFFF  }
0x133: {  	_ =	shalt @p0  }
.LBB2_29:
0x134: {  	_ =	sfence.stream.spmem;
	s0 =	simm.s32 $0x5  }
0x135: {  	s2 =	simm.s32 $0x800;
	s3 =	simm.s32 $0xA118;
	[sflag:s0] =	ssyncpa.u1 $0x0  }
0x136: {  	[tilespmem:s3], [sflag:$0x5] =	stream.linear.gather [spmem:s2], $0x20, $0x38;
	[tilespmem:$0x1EF78] =	vst v63  }
0x137: {  	s30 =	simm.s32 $0xA138;
	s2 =	simm.s32 $0x0  }
0x138: {  	[tilespmem:s30], [sflag:$0x5] =	stream.linear.gather [spmem:s2], $0x800, $0x38;
	[tilespmem:$0x1EF78] =	vst v63  }
.Ltmp23:
0x139: {  	_ = 	snop;
	(pc) =	sbr.rel .LBB2_30-.Ltmp23, $4  }
0x13a: {  	_ =	swait.ge [sflag:s0], $0x820  }
0x13b: {  	[sflag:s0] =	ssyncset.done $0x0  }
0x13c: {  	s31 =	simm.s32 $0x6;
	[sflag:s0] =	ssyncadd.s32 $0xFFFFF7E0  }
0x13d: {  	s3 =	simm.s32 $0x0;
	[sflag:s31] =	ssyncpa.u1 $0x0  }
.LBB2_36:
0x13e: {  	p0 =	slt.u32 s4, $0x679  }
0x13f: {  	s0 =	sand.u32 @p0 $0x7F8, s4  }
0x140: {  	s4 =	sand.u32 @p0 $0x7, s4;
	s5 =	simm.s32 @p0 $0xA0C8;
	s0 =	sadd.s32 @p0 s1, s0  }
0x141: {  	[tilespmem:s5], [sflag:$0x6] =	stream.linear.gather @p0 [hbm4b:s0+s4], $0x40, $0x38;
	[tilespmem:$0x1EF78] =	vst v63  }
0x142: {  	s0 =	simm.s32 @p0 $0x6  }
0x143: {  	_ =	swait.ge @p0 [sflag:s0], $0x40  }
0x144: {  	[sflag:s0] =	ssyncset.done @p0 $0x0  }
0x145: {  	[sflag:s0] =	ssyncadd.s32 @p0 $0xFFFFFFC0  }
0x146: {  	v1 =	vld @p0 [tilespmem:$0xA0C8];
	_ =	sdelay $0x2  }
0x147: {  	s0 =	sshll.u32 @p0 s3, $0x8  }
0x148: {  	s4 =	sshrl.u32 @p0 s0, $0x2  }
0x149: {  	[tilespmem:s4+$0xA138] =	vst.add.f32.msk @p0 $0xffff, v1  }
0x14a: {  	v1 =	vld @p0 [tilespmem:$0xA0D8];
	_ =	sdelay $0x4  }
0x14b: {  	[tilespmem:s4+$0xA148] =	vst.add.f32.msk @p0 $0xffff, v1  }
0x14c: {  	v1 =	vld @p0 [tilespmem:$0xA0E8];
	_ =	sdelay $0x4  }
0x14d: {  	[tilespmem:s4+$0xA158] =	vst.add.f32.msk @p0 $0xffff, v1  }
0x14e: {  	v1 =	vld @p0 [tilespmem:$0xA0F8];
	_ =	sdelay $0x3  }
0x14f: {  	s5 =	sshll.u32 @!p0 s3, $0x8  }
0x150: {  	s5 =	smov.u32 @p0 s0;
	[tilespmem:s4+$0xA168] =	vst.add.f32.msk @p0 $0xffff, v1  }
0x151: {  	s0 =	sshrl.u32 s5, $0x2;
	[tilespmem:s2+$0xA118] =	vst.msk $0x1, v0  }
0x152: {  	v0 =	vld [tilespmem:s0+$0xA138];
	_ =	sdelay $0x2  }
0x153: {  	s31 =	sshll.u32 s2, $0x8  }
0x154: {  	s4 =	sshra.s32 s31, $0x2  }
0x155: {  	[tilespmem:s4+$0xA138] =	vst v0  }
0x156: {  	v0 =	vld [tilespmem:s0+$0xA148];
	_ =	sdelay $0x4  }
0x157: {  	[tilespmem:s4+$0xA148] =	vst v0  }
0x158: {  	v0 =	vld [tilespmem:s0+$0xA158];
	_ =	sdelay $0x4  }
0x159: {  	[tilespmem:s4+$0xA158] =	vst v0  }
0x15a: {  	v0 =	vld [tilespmem:s0+$0xA168];
	_ =	sdelay $0x4  }
0x15b: {  	s2 =	sadd.s32 $0x1, s2;
	[tilespmem:s4+$0xA168] =	vst v0  }
.LBB2_37:
0x15c: {  	s3 =	sadd.s32 $0x1, s3  }
0x15d: {  	p0 =	sne.s32 s3, $0x20  }
.Ltmp24:
0x15e: {  	_ = 	snop;
	(pc) =	sbr.rel @!p0 .LBB2_38-.Ltmp24, $1  }
0x15f: {  	_ =	sdelay $0x3  }
.LBB2_30:
0x160: {  	v0 =	vld.msk [tilespmem:s3+$0xA118], $0x1;
	_ =	sdelay $0x4  }
0x161: {  	(v2sf) =	vpush v0, $0x0;
	_ =	sdelay $0xe  }
0x162: {  	s4 =	spop (v2sf)  }
0x163: {  	p0 =	seq.s32 s4, $0xFFFFFFFF  }
.Ltmp25:
0x164: {  	_ = 	snop;
	(pc) =	sbr.rel @p0 .LBB2_37-.Ltmp25, $1  }
0x165: {  	_ =	sdelay $0x3  }
0x166: {  	p0 =	slt.s32 s2, $0x1  }
.Ltmp26:
0x167: {  	_ = 	snop;
	(pc) =	sbr.rel @p0 .LBB2_36-.Ltmp26, $1  }
0x168: {  	_ =	sdelay $0x3  }
0x169: {  	s5 =	simm.s32 $0xA118;
	p0 =	por $0x0, $0x0  }
0x16a: {  	v1 =	vld.msk @!p0 [tilespmem:s5+$0x0], $0x1;
	_ =	sdelay $0x4  }
0x16b: {  	(v2sf) =	vpush @!p0 v1, $0x0;
	_ =	sdelay $0xd  }
0x16c: {  	p2 =	sne.s32 s2, $0x1  }
.Ltmp27:
0x16d: {  	s0 =	spop @!p0 (v2sf);
	(pc) =	sbr.rel @!p2 .LBB2_34-.Ltmp27, $4  }
0x16e: {  	p1 =	seq.s32 @!p0 s4, s0  }
0x16f: {  	s6 =	simm.s32 $0x0;
	p1 =	por !p1, p0  }
0x170: {  	s0 =	simm.s32 $0xFFFFFFFF;
	s6 =	simm.s32 @p1 $0xFFFFFFFF  }
0x171: {  	s7 =	simm.s32 $0x1;
	s6 =	smov.u32 @p0 s0  }
.LBB2_33:
0x172: {  	s0 =	smov.u32 s6;
	p0 =	sne.s32 s6, $0xFFFFFFFF  }
0x173: {  	s5 =	sadd.s32 $0x1, s5;
	s6 =	smov.u32 s7;
	s7 =	sadd.s32 $0x1, s7  }
0x174: {  	p1 =	sne.s32 s2, s7;
	v1 =	vld.msk @!p0 [tilespmem:s5+$0x0], $0x1;
	_ =	sdelay $0x4  }
0x175: {  	(v2sf) =	vpush @!p0 v1, $0x0;
	_ =	sdelay $0xe  }
.Ltmp28:
0x176: {  	s8 =	spop @!p0 (v2sf);
	(pc) =	sbr.rel @p1 .LBB2_33-.Ltmp28, $4  }
0x177: {  	p2 =	seq.s32 @!p0 s4, s8  }
0x178: {  	p2 =	por !p2, p0  }
0x179: {  	s6 =	simm.s32 @p2 $0xFFFFFFFF  }
0x17a: {  	s6 =	smov.u32 @p0 s0  }
.LBB2_34:
0x17b: {  	p0 =	seq.s32 s6, $0xFFFFFFFF  }
.Ltmp29:
0x17c: {  	_ = 	snop;
	(pc) =	sbr.rel @p0 .LBB2_36-.Ltmp29, $1  }
0x17d: {  	_ =	sdelay $0x3  }
0x17e: {  	s0 =	sshll.u32 s3, $0x6  }
0x17f: {  	s0 =	sand.u32 $0x3FFFFFC0, s0  }
0x180: {  	v0 =	vld [tilespmem:s0+$0xA138];
	_ =	sdelay $0x2  }
0x181: {  	s4 =	sshll.u32 s6, $0x8  }
0x182: {  	s4 =	sshra.s32 s4, $0x2  }
0x183: {  	[tilespmem:s4+$0xA138] =	vst.add.f32.msk $0xffff, v0  }
0x184: {  	v0 =	vld [tilespmem:s0+$0xA148];
	_ =	sdelay $0x4  }
0x185: {  	[tilespmem:s4+$0xA148] =	vst.add.f32.msk $0xffff, v0  }
0x186: {  	v0 =	vld [tilespmem:s0+$0xA158];
	_ =	sdelay $0x4  }
0x187: {  	[tilespmem:s4+$0xA158] =	vst.add.f32.msk $0xffff, v0  }
0x188: {  	v0 =	vld [tilespmem:s0+$0xA168]  }
.Ltmp30:
0x189: {  	_ = 	snop;
	(pc) =	sbr.rel .LBB2_37-.Ltmp30, $2  }
0x18a: {  	_ =	sdelay $0x2  }
0x18b: {  	[tilespmem:s4+$0xA168] =	vst.add.f32.msk $0xffff, v0  }
.LBB2_38:
0x18c: {  	p0 =	slt.s32 s2, $0x1  }
.Ltmp31:
0x18d: {  	_ = 	snop;
	(pc) =	sbr.rel @p0 .LBB2_42-.Ltmp31, $3  }
0x18e: {  	_ =	sdelay $0x1  }
0x18f: {  	s0 =	simm.s32 $0x6  }
0x190: {  	s3 =	simm.s32 $0x0;
	[sflag:s0] =	ssyncpa.u1 $0x1  }
0x191: {  	s0 =	simm.s32 $0xA118  }
0x192: {  	v0 =	vld.msk [tilespmem:s0+$0x0], $0x1;
	_ =	sdelay $0x4  }
0x193: {  	(v2sf) =	vpush v0, $0x0;
	_ =	sdelay $0xe  }
0x194: {  	s2 =	sadd.s32 $0xFFFFFFFF, s2;
	s0 =	spop (v2sf)  }
0x195: {  	p1 =	sne.s32 s2, $0x0;
	p0 =	sgt.u32 s0, $0x678  }
.Ltmp32:
0x196: {  	s5 =	sand.u32 @!p0 $0x7F8, s0;
	(pc) =	sbr.rel @!p1 .LBB2_41-.Ltmp32, $4  }
0x197: {  	s4 =	simm.s32 $0xA138;
	s0 =	sand.u32 @!p0 $0x7, s0;
	s5 =	sadd.s32 @!p0 s1, s5  }
0x198: {  	[hbm4b:s5+s0] =	stream.linear.scatter @!p0 [tilespmem:s4], [sflag:$0x5], $0x40, $0x38;
	[tilespmem:$0x1EF78] =	vst v63  }
0x199: {  	s0 =	simm.s32 $0x0  }
0x19a: {  	s5 =	simm.s32 $0xA119;
	s0 =	simm.s32 @!p0 $0x100  }
.LBB2_40:
0x19b: {  	v0 =	vld.msk [tilespmem:s5+$0x0], $0x1;
	s2 =	sadd.s32 $0xFFFFFFFF, s2;
	s3 =	sadd.s32 s3, s0  }
0x19c: {  	p0 =	sne.s32 s2, $0x0;
	_ =	sdelay $0x3  }
0x19d: {  	(v2sf) =	vpush v0, $0x0;
	_ =	sdelay $0xe  }
.Ltmp33:
0x19e: {  	s6 =	spop (v2sf);
	(pc) =	sbr.rel @p0 .LBB2_40-.Ltmp33, $4  }
0x19f: {  	s0 =	simm.s32 $0x0;
	p1 =	sgt.u32 s6, $0x678  }
0x1a0: {  	s4 =	sadd.s32 $0x40, s4;
	s0 =	simm.s32 @!p1 $0x100;
	s7 =	sand.u32 @!p1 $0x7F8, s6  }
0x1a1: {  	s5 =	sadd.s32 $0x1, s5;
	s6 =	sand.u32 @!p1 $0x7, s6;
	s7 =	sadd.s32 @!p1 s1, s7  }
0x1a2: {  	[hbm4b:s7+s6] =	stream.linear.scatter @!p1 [tilespmem:s4], [sflag:$0x5], $0x40, $0x38;
	[tilespmem:$0x1EF78] =	vst v63  }
.LBB2_41:
0x1a3: {  	s0 =	sadd.s32 s3, s0  }
0x1a4: {  	s3 =	sshrl.u32 s0, $0x2  }
.LBB2_42:
0x1a5: {  	s0 =	simm.s32 $0x5  }
0x1a6: {  	_ =	swait.ge [sflag:s0], s3  }
0x1a7: {  	s1 =	ssub.s32 $0x0, s3;
	[sflag:s0] =	ssyncset.done $0x0  }
0x1a8: {  	[sflag:s0] =	ssyncadd.s32 s1  }
0x1a9: {  	[sflag:s0] =	ssyncpa.u1 $0x1  }
0x1aa: {  	s30 =	simm.s32 $0x1;
	_ =	sfence  }
0x1ab: {  	[sflag:s30] =	ssyncpa.u1 $0x1  }
0x1ac: {  	_ =	strace $0x9000006E  }
0x1ad: {  	[bflag:$0x2] =	sbarrier.arrive $0xFFFF  }
0x1ae: {  	s31 =	rddreg [dreg:$0x2]  }
0x1af: {  	s0 =	sadd.s32 $0x100000, s31  }
0x1b0: {  	[sflag:s0] =	ssyncadd.tile.s32 $0x1;
	_ =	shalt  }
.Lfunc_end2:
_tile_overlayer_lowered:
.L_overlay_start_2:
0x1b1: {  	(tag) =	ssettag $0x2  }
0x1b2: {  	s0 =	rddreg [dreg:$0x0];
	s2 =	stileid.u32  }
0x1b3: {  	s1 =	rddreg [dreg:$0x1];
	p0 =	sne.s32 s2, $0x0  }
0x1b4: {  	s3 =	rddreg [dreg:$0x2];
	[bflag:$0x3] =	sbarrier.arrive $0xFFFF;
	s2 =	simm.s32 @!p0 $0x1C01  }
0x1b5: {  	[timem:s3], [sflag:s2] =	dma.local @!p0 [hbm:s0], s1  }
0x1b6: {  	s0 =	simm.s32 @!p0 $0x1  }
0x1b7: {  	_ =	swait.ge @!p0 [sflag:s0], s1  }
0x1b8: {  	s1 =	ssub.s32 @!p0 $0x0, s1;
	[sflag:s0] =	ssyncset.done @!p0 $0x0  }
0x1b9: {  	[sflag:s0] =	ssyncadd.s32 @!p0 s1  }
0x1ba: {  	[bflag:$0x3] =	sbarrier.arrive $0xFFFF  }
0x1bb: {  	_ =	shalt  }

// kernel: scatter_offload_async_start
scs
__scs_entry_jumppad:
0x0: {  	(pc) =	sbr.rel $0x88, $3  }
0x1: {  	(tag) =	ssettag $0x0;
	lr =	simm.s32 $0x1  }
0x2: {  	[smem:$0x3F87] =	sst lr;
	_ =	strace $0xD0000000  }
0x3: {  	_ = 	snop  }
0x4: {  	_ = 	snop  }
0x5: {  	_ = 	snop  }
0x6: {  	_ = 	snop  }
0x7: {  	_ = 	snop  }
__scs_overlays_trampoline_lowered:
0x8: {  	[smem:$0x3F96] =	sst s0  }
0x9: {  	[smem:$0x3F97] =	sst s1  }
0xa: {  	[smem:$0x3F98] =	sst s2  }
0xb: {  	[smem:$0x3F99] =	sst s3  }
0xc: {  	[smem:$0x3F9A] =	sst s4  }
0xd: {  	[smem:$0x3F9B] =	sst s5  }
0xe: {  	[smem:$0x3F9C] =	sst s6  }
0xf: {  	[smem:$0x3F9D] =	sst s7  }
0x10: {  	[smem:$0x3F9E] =	sst s8  }
0x11: {  	[smem:$0x3F9F] =	sst s9;
	s0 =	simm.s32 @!p0 $0x0  }
0x12: {  	s1 =	sld [smem:$0x3F85];
	s0 =	simm.s32 @p0 $0x1  }
0x13: {  	[smem:$0x3FA0] =	sst s0;
	s0 =	simm.s32 @!p1 $0x0  }
0x14: {  	s2 =	sld [smem:$0x3F84];
	s0 =	simm.s32 @p1 $0x1  }
0x15: {  	[smem:$0x3FA1] =	sst s0;
	s0 =	simm.s32 @!p2 $0x0  }
0x16: {  	s3 =	sld [smem:$0x3FDB];
	s0 =	simm.s32 @p2 $0x1  }
0x17: {  	s4 =	simm.s32 $0x1BF5;
	[smem:$0x3FA3] =	sst s0  }
0x18: {  	s0 =	sld [smem:$0x3F86];
	_ =	swait.ge [sflag:s4], $0x0  }
0x19: {  	s7 =	sld [smem:$0x3F87]  }
0x1a: {  	s8 =	sadd.s32 $0xFFFFE003, lr  }
0x1b: {  	s9 =	sadd.s32 $0xFFFFFEF7, lr;
	s5 =	simm.s32 $0xFFFFFFFF;
	p2 =	slt.u32 s8, $0xFFFFF086  }
0x1c: {  	p1 =	slt.u32 s9, $0xF7A;
	s5 =	simm.s32 @!p2 $0x0  }
0x1d: {  	s5 =	simm.s32 @p1 $0x1;
	p0 =	seq.s32 s7, s2  }
0x1e: {  	s7 =	smul.u32 @!p0 $0xF7A, s2;
	p2 =	seq.s32 @!p0 s5, $0x0  }
0x1f: {  	s9 =	smul.u32 $0xF7A, s1;
	s8 =	simm.s32 @!p0 $0x1BF5;
	p2 =	por !p2, p0  }
0x20: {  	[sflag:s8] =	ssyncset.s32 @!p0 $0xFFFFF086;
	s6 =	sadd.s32 @!p0 s3, s7;
	s7 =	simm.s32 @!p0 $0x108  }
0x21: {  	s3 =	sadd.s32 s3, s9;
	s6 =	sadd.s32 @!p0 $0x88, s6;
	s7 =	simm.s32 @p2 $0x1082  }
0x22: {  	[simem:s7], [sflag:s8] =	dma.local @!p0 [hbm:s6], $0xF7A  }
0x23: {  	s9 =	sor.u32 $0xD0000000, s2;
	s6 =	simm.s32 $0x108;
	_ =	swait.ge @!p0 [sflag:s8], $0x0  }
0x24: {  	s3 =	sadd.s32 $0x88, s3;
	s6 =	simm.s32 @!p1 $0x1082;
	[sflag:s4] =	ssyncset.s32 $0xFFFFF086  }
0x25: {  	[simem:s6], [sflag:s4] =	dma.local [hbm:s3], $0xF7A  }
0x26: {  	[smem:$0x3F87] =	sst s1;
	(tag) =	ssettag s2;
	_ =	strace s9  }
0x27: {  	s1 =	sld [smem:$0x3F97]  }
0x28: {  	s2 =	sld [smem:$0x3F98]  }
0x29: {  	s4 =	sld [smem:$0x3F9A]  }
0x2a: {  	p0 =	seq.s32 s5, $0x0;
	s5 =	sld [smem:$0x3F9B]  }
0x2b: {  	s6 =	sld [smem:$0x3F9C]  }
0x2c: {  	s7 =	sld [smem:$0x3F9D]  }
0x2d: {  	s3 =	simm.s32 $0x108;
	s8 =	sld [smem:$0x3F9E]  }
0x2e: {  	s3 =	simm.s32 @!p0 $0x1082;
	s9 =	sld [smem:$0x3F9F]  }
0x2f: {  	lr =	sadd.s32 s0, s3;
	s0 =	sld [smem:$0x3F96]  }
0x30: {  	s3 =	sld [smem:$0x3F99]  }
0x31: {  	[smem:$0x3FA2] =	sst s10  }
0x32: {  	s10 =	sld [smem:$0x3FA0];
	_ =	sdelay $0x3  }
0x33: {  	p0 =	seq.s32 s10, $0x1;
	s10 =	sld [smem:$0x3FA2];
	_ =	sdelay $0x3  }
0x34: {  	[smem:$0x3FA2] =	sst s10  }
0x35: {  	s10 =	sld [smem:$0x3FA1];
	_ =	sdelay $0x3  }
0x36: {  	p1 =	seq.s32 s10, $0x1;
	s10 =	sld [smem:$0x3FA2];
	_ =	sdelay $0x3  }
0x37: {  	[smem:$0x3FA2] =	sst s10  }
0x38: {  	s10 =	sld [smem:$0x3FA3]  }
0x39: {  	_ = 	snop;
	(pc) =	sbr.ind lr, $3  }
0x3a: {  	_ = 	snop  }
0x3b: {  	_ = 	snop  }
0x3c: {  	p2 =	seq.s32 s10, $0x1;
	s10 =	sld [smem:$0x3FA2]  }
0x3d: {  	_ =	shalt  }
0x3e: {  	_ =	shalt  }
0x3f: {  	_ =	shalt  }
0x40: {  	_ =	shalt  }
0x41: {  	_ =	shalt  }
0x42: {  	_ =	shalt  }
0x43: {  	_ =	shalt  }
0x44: {  	_ =	shalt  }
0x45: {  	_ =	shalt  }
0x46: {  	_ =	shalt  }
0x47: {  	_ =	shalt  }
0x48: {  	_ =	shalt  }
0x49: {  	_ =	shalt  }
0x4a: {  	_ =	shalt  }
0x4b: {  	_ =	shalt  }
0x4c: {  	_ =	shalt  }
0x4d: {  	_ =	shalt  }
0x4e: {  	_ =	shalt  }
0x4f: {  	_ =	shalt  }
0x50: {  	_ =	shalt  }
0x51: {  	_ =	shalt  }
0x52: {  	_ =	shalt  }
0x53: {  	_ =	shalt  }
0x54: {  	_ =	shalt  }
0x55: {  	_ =	shalt  }
0x56: {  	_ =	shalt  }
0x57: {  	_ =	shalt  }
0x58: {  	_ =	shalt  }
0x59: {  	_ =	shalt  }
0x5a: {  	_ =	shalt  }
0x5b: {  	_ =	shalt  }
0x5c: {  	_ =	shalt  }
0x5d: {  	_ =	shalt  }
0x5e: {  	_ =	shalt  }
0x5f: {  	_ =	shalt  }
0x60: {  	_ =	shalt  }
0x61: {  	_ =	shalt  }
0x62: {  	_ =	shalt  }
0x63: {  	_ =	shalt  }
0x64: {  	_ =	shalt  }
0x65: {  	_ =	shalt  }
0x66: {  	_ =	shalt  }
0x67: {  	_ =	shalt  }
0x68: {  	_ =	shalt  }
0x69: {  	_ =	shalt  }
0x6a: {  	_ =	shalt  }
0x6b: {  	_ =	shalt  }
0x6c: {  	_ =	shalt  }
0x6d: {  	_ =	shalt  }
0x6e: {  	_ =	shalt  }
0x6f: {  	_ =	shalt  }
0x70: {  	_ =	shalt  }
0x71: {  	_ =	shalt  }
0x72: {  	_ =	shalt  }
0x73: {  	_ =	shalt  }
0x74: {  	_ =	shalt  }
0x75: {  	_ =	shalt  }
0x76: {  	_ =	shalt  }
0x77: {  	_ =	shalt  }
0x78: {  	_ =	shalt  }
0x79: {  	_ =	shalt  }
0x7a: {  	_ =	shalt  }
0x7b: {  	_ =	shalt  }
0x7c: {  	_ =	shalt  }
0x7d: {  	_ =	shalt  }
0x7e: {  	_ =	shalt  }
0x7f: {  	_ =	shalt  }
0x80: {  	_ =	shalt  }
0x81: {  	_ =	shalt  }
0x82: {  	_ =	shalt  }
0x83: {  	_ =	shalt  }
0x84: {  	_ =	shalt  }
0x85: {  	_ =	shalt  }
0x86: {  	_ =	shalt  }
0x87: {  	_ =	shalt  }
.Lfunc_end0:
.L_simem_size_0:
called_computation_lowered:
.L_overlay_start_0:
0x88: {  	s0 =	sld [smem:$0x3FD9]  }
0x89: {  	s1 =	sld [smem:$0x3FFE];
	_ =	sdelay $0x3  }
0x8a: {  	s0 =	sadd.s32 s1, s0  }
0x8b: {  	[smem:$0x3FAE] =	sst s0  }
0x8c: {  	_ = 	snop  }
0x8d: {  	(tm) =	ssettm $0x1  }
0x8e: {  	s15 =	sld [smem:$0x3FFB];
	_ =	sdelay $0x3  }
0x8f: {  	_ =	strace s15  }
0x90: {  	s0 =	sld [smem:$0x3FFC];
	_ =	sdelay $0x3  }
0x91: {  	_ =	strace s0  }
0x92: {  	s0 =	sld [smem:$0x3FFD];
	_ =	sdelay $0x3  }
0x93: {  	_ =	strace s0  }
0x94: {  	_ =	strace $0x8FFFFFFF  }
0x95: {  	s16 =	sld [smem:$0x3FDB];
	_ =	sdelay $0x1  }
0x96: {  	s17 =	simm.s32 $_scs_section_size  }
0x97: {  	s2 =	simm.s32 $_size__tile_overlayer_lowered;
	s3 =	simm.s32 $_tile_overlayer_lowered  }
0x98: {  	s20 =	simm.s32 $0x1BFF;
	s19 =	sshll.u32 s3, $0x1;
	s0 =	sadd.s32 s17, s16  }
0x99: {  	s4 =	simm.s32 $0x0;
	s18 =	sshll.u32 s2, $0x1;
	s2 =	sadd.s32 s19, s0  }
0x9a: {  	[timem:s4], [sflag:s20] =	dma.local [hbm:s2], s18  }
0x9b: {  	_ =	swait.ge [sflag:s20], s18  }
0x9c: {  	s1 =	ssub.s32 $0x0, s18;
	[sflag:s20] =	ssyncset.done $0x0  }
0x9d: {  	[sflag:s20] =	ssyncadd.s32 s1;
	_ =	sdelay $0x1  }
0x9e: {  	s21 =	simm.s32 $0x1B8B  }
0x9f: {  	_ =	swait.ge [sflag:s21], $0x1  }
0xa0: {  	[sflag:s21] =	ssyncset.done $0x0  }
0xa1: {  	s23 =	simm.s32 $0x1B8E;
	s22 =	sld [smem:$0x3FFE];
	[sflag:s21] =	ssyncadd.s32 $0xFFFFFFFF  }
0xa2: {  	s24 =	simm.s32 $execute0_lowered;
	[smem:$0x3FD2] =	sst s23  }
0xa3: {  	s2 =	sshll.u32 s24, $0x1;
	_ =	strace $0x8000004C;
	[dreg:$0x1] =	wrdreg $0xFFFFFFFF  }
0xa4: {  	s25 =	simm.s32 $_size_execute0_lowered;
	s0 =	sadd.s32 s0, s2;
	[dreg:$0x0] =	wrdreg $0x0  }
0xa5: {  	s2 =	sshll.u32 s25, $0x1;
	[dreg:$0x2] =	wrdreg s0  }
0xa6: {  	[dreg:$0x3] =	wrdreg s2  }
0xa7: {  	[dreg:$0x4] =	wrdreg $0xC0  }
0xa8: {  	_ =	task [dreg:s4], $0x5FFFF  }
0xa9: {  	[dreg:$0x1] =	wrdreg $0xFFFFFFFF  }
0xaa: {  	[dreg:$0x0] =	wrdreg $0x60  }
0xab: {  	[dreg:$0x2] =	wrdreg s22  }
0xac: {  	[dreg:$0x3] =	wrdreg $0x9  }
0xad: {  	_ =	task.clear_ibuf [dreg:s4], $0x4FFFF;
	_ =	strace $0x9000004C  }
0xae: {  	s26 =	simm.s32 $0x9;
	_ =	strace $0x8000004E  }
0xaf: {  	_ =	swait.ge [sflag:s26], $0x1  }
0xb0: {  	[sflag:s26] =	ssyncadd.s32 $0xFFFFFFFF  }
0xb1: {  	_ =	strace $0x9000004E  }
0xb2: {  	_ =	sfence  }
0xb3: {  	s28 =	sld [smem:$0x0];
	_ =	sdelay $0x1  }
0xb4: {  	s29 =	srdreg.scid  }
0xb5: {  	s30 =	sshll.u32 s29, $0xD;
	s31 =	sshrl.u32 s29, $0x2  }
0xb6: {  	s1 =	sand.u32 $0x1, s29;
	s2 =	sand.u32 $0x4000, s30;
	s0 =	sadd.s32 s31, s28  }
0xb7: {  	s1 =	sor.u32 s2, s1;
	s0 =	sshll.u32 s0, $0x11  }
0xb8: {  	s0 =	sor.u32 s0, s1  }
0xb9: {  	s0 =	sadd.s32 $0x8F2B, s0  }
0xba: {  	[sflag:s0] =	ssyncadd.remote.s32 $0x1  }
0xbb: {  	_ =	sfence.sel $0xFFFF  }
0xbc: {  	[dreg:$0x0] =	wrdreg $0xFFFFFFFF;
	(pc) =	sbr.abs _section_cstart, $3  }
0xbd: {  	[dreg:$0x1] =	wrdreg $0xFFFFFFFF  }
0xbe: {  	_ =	task.clear_ibuf [dreg:s4], $0x2FFFF;
	_ =	strace $0x9FFFFFFF  }
0xbf: {  	(tm) =	ssettm $0x7FFFFFFF  }
tec
execute0_lowered:
.L_overlay_start_1:
0x0: {  	(tag) =	ssettag $0x1  }
0x1: {  	s6 =	stileid.u32  }
0x2: {  	s0 =	rddreg [dreg:$0x0];
	_ =	strace $0x8000004D;
	s1 =	smin.u32 s6, $0x9  }
0x3: {  	s2 =	simm.s32 $0x1;
	p0 =	slt.u32 s6, $0x9;
	s1 =	sadd.s32 s6, s1  }
0x4: {  	v1 =	vimm.s32 $0xFFFFFFFF;
	[sflag:s2] =	ssyncpa.u1 $0x0;
	s3 =	smul.u32 $0x7D0, s1;
	s1 =	simm.s32 $0xFA0  }
0x5: {  	[tilespmem:$0x10] =	vst v1;
	s1 =	simm.s32 @!p0 $0x7D0  }
0x6: {  	v0 =	vimm.f32 $0.0e+00;
	[tilespmem:$0x20] =	vst v1;
	s1 =	sadd.s32 s1, s3  }
0x7: {  	[tilespmem:$0x30] =	vst v0;
	s4 =	smin.u32 s1, $0xC350  }
0x8: {  	[tilespmem:$0x40] =	vst v0;
	s9 =	ssub.s32 s4, s3  }
0x9: {  	[tilespmem:$0x50] =	vst v0;
	p0 =	sgt.s32 s9, $0x0  }
0xa: {  	s7 =	simm.s32 $0x2;
	[tilespmem:$0x60] =	vst v1;
	s9 =	simm.s32 @!p0 $0x0  }
0xb: {  	s8 =	simm.s32 $0x8;
	s31 =	simm.s32 $0x9;
	[tilespmem:$0x70] =	vst v1;
	s30 =	sand.u32 $0xFFF0, s9  }
0xc: {  	s16 =	simm.s32 $0x0;
	s17 =	simm.s32 $0xF0;
	[tilespmem:$0x80] =	vst v1;
	s1 =	sshrl.u32 s30, $0x4  }
0xd: {  	s18 =	simm.s32 $0xFFFFFFFF;
	s19 =	simm.s32 $0xFFFFF160;
	v1 =	vimm.s32 $0x0;
	[tilespmem:$0xB0] =	vst v0;
	s5 =	smul.u32 $0x1063, s1  }
0xe: {  	s20 =	simm.s32 $0xFFFFFFFE;
	s21 =	simm.s32 $0xF;
	s25 =	simm.s32 $0x0;
	[tilespmem:$0x90] =	vst v1  }
0xf: {  	[tilespmem:$0xA0] =	vst v1;
	[sflag:s7] =	ssyncpa.u1 $0x0;
	s7 =	simm.s32 $0x7;
	s10 =	sshrl.u32 s5, $0x13  }
0x10: {  	s24 =	simm.s32 $0x0;
	[sflag:s7] =	ssyncpa.u1 $0x0;
	s11 =	smul.u32 $0x7D0, s10  }
0x11: {  	s14 =	sshllo.u32 s6, $0x1;
	[sflag:s8] =	ssyncpa.u1 $0x0;
	s23 =	smov.u32 s3  }
.Ltmp0:
0x12: {  	s1 =	sadd.s32 $0xA000, s0;
	p0 =	sne.s32 s9, s11;
	(pc) =	sbr.rel .LBB2_1-.Ltmp0, $4  }
0x13: {  	s5 =	sadd.s32 $0x1E0600, s0;
	s0 =	sadd.s32 $0x1E2000, s0;
	s2 =	simm.s32 @!p0 $0x0  }
0x14: {  	[sflag:s31] =	ssyncpa.u1 $0x0;
	[dreg:$0x2] =	wrdreg s0;
	s9 =	sadd.s32 s10, s2  }
0x15: {  	vm0 =	vmmov $0xffff;
	v2 =	vlaneseq.u32;
	p0 =	por $0x0, $0x0;
	s10 =	sshll.u32 s6, $0x1;
	s11 =	sadd.s32 $0x1, s9  }
0x16: {  	vm1 =	vmxor vm1, vm1;
	vm2 =	vmmov $0x1;
	vm3 =	vcmask $0x3F3C;
	s12 =	sadd.s32 $0x2, s9;
	s13 =	sor.u32 $0x81, s10;
	s15 =	sor.u32 $0x80, s10  }
.LBB2_9:
0x17: {  	p1 =	slt.u32 s24, $0x3  }
0x18: {  	s0 =	simm.s32 @!p1 $0x2  }
0x19: {  	_ =	swait.ge @!p1 [sflag:s0], $0x7D0  }
0x1a: {  	[sflag:s0] =	ssyncset.done @!p1 $0x0  }
0x1b: {  	[sflag:s0] =	ssyncadd.s32 @!p1 $0xFFFFF830;
	s0 =	simm.s32 @!p1 $0x9  }
0x1c: {  	_ =	swait.ge @!p1 [sflag:s0], $0x10  }
0x1d: {  	[sflag:s0] =	ssyncset.done @!p1 $0x0  }
0x1e: {  	[sflag:s0] =	ssyncadd.s32 @!p1 $0xFFFFFFF0;
	p1 =	sne.s32 s24, s12  }
.Ltmp1:
0x1f: {  	s2 =	sadd.s32 $0x7D0, s23;
	(pc) =	sbr.rel @!p1 .LBB2_10-.Ltmp1, $4  }
0x20: {  	s6 =	smov.u32 s3;
	s31 =	sadd.s32 $0x1, s24;
	s17 =	sadd.s32 $0x7D0, s17  }
0x21: {  	s18 =	sadd.s32 $0x1, s18;
	s25 =	smov.u32 s23;
	p2 =	slt.s32 s2, s4  }
0x22: {  	p0 =	por !p0, !p0;
	s19 =	sadd.s32 $0x7D0, s19;
	s6 =	smov.u32 @p2 s2  }
0x23: {  	s20 =	sadd.s32 $0x1, s20;
	s23 =	smov.u32 s6;
	s24 =	smov.u32 s31  }
.LBB2_1:
0x24: {  	p1 =	sge.u32 s24, s9  }
0x25: {  	s0 =	smulhi.u32 @!p1 $0xAAAAAAAB, s24;
	_ =	sdelay $0x1  }
0x26: {  	s0 =	sshrl.u32 @!p1 s0, $0x1  }
0x27: {  	s0 =	smul.u32 @!p1 $0x3, s0;
	_ =	sdelay $0x1  }
0x28: {  	s0 =	ssub.s32 @!p1 s24, s0  }
0x29: {  	s0 =	smul.u32 @!p1 $0x1F40, s0;
	_ =	sdelay $0x1  }
0x2a: {  	s2 =	sshrl.u32 @!p1 s23, $0x3;
	s0 =	sshrl.u32 @!p1 s0, $0x2  }
0x2b: {  	s22 =	sand.u32 @!p1 $0x7, s23;
	s2 =	sadd.s32 @!p1 s5, s2;
	s0 =	sadd.s32 @!p1 $0x100, s0  }
0x2c: {  	[tilespmem:s0], [sflag:$0x7] =	stream.linear.gather @!p1 [hbm4b:s2+s22], $0x7D0, $0x38;
	[tilespmem:$0x4770] =	vst v63  }
0x2d: {  	s0 =	sadd.s32 $0xFFFFFFFF, s24  }
0x2e: {  	p1 =	sge.u32 s0, s9  }
.Ltmp2:
0x2f: {  	_ = 	snop;
	(pc) =	sbr.rel @p1 .LBB2_5-.Ltmp2, $1  }
0x30: {  	_ =	sdelay $0x3  }
0x31: {  	s2 =	smulhi.u32 $0xAAAAAAAB, s0;
	_ =	sdelay $0x1  }
0x32: {  	s2 =	sshrl.u32 s2, $0x1  }
0x33: {  	s2 =	smul.u32 $0x3, s2;
	_ =	sdelay $0x1  }
0x34: {  	s2 =	ssub.s32 s0, s2  }
0x35: {  	s2 =	smul.u32 $0x1F40, s2  }
0x36: {  	_ =	swait.ge [sflag:s7], $0x7D0  }
0x37: {  	[sflag:s7] =	ssyncset.done $0x0;
	s2 =	sshrl.u32 s2, $0x2  }
0x38: {  	[sflag:s7] =	ssyncadd.s32 $0xFFFFF830;
	(ifvalue) =	ssetifvalue $0xFFFFFFFF;
	v3 =	vld.msk [tilespmem:s2+$0x100 ss:$0x1], $0xffff;
	_ =	sdelay $0x2  }
0x39: {  	s30 =	smulhi.u32 $0xAAAAAAAB, s18;
	p1 =	sne.s32 s24, $0x1  }
0x3a: {  	v4 =	vimm.s32 @!p1 $0x0  }
0x3b: {  	s2 =	sshrl.u32 s30, $0x1;
	v4 =	vperm.xlane @!p1 v3, v4  }
0x3c: {  	s22 =	sshll.u32 s24, $0x4;
	s2 =	smul.u32 $0xFFFFA240, s2;
	vm4 =	vlt.u32 v3, $0x80  }
0x3d: {  	s22 =	sand.u32 $0x10, s22;
	v3 =	vnsel vm4, $0xFFFFFFFE, v3;
	vm4 =	vlt.u32 @!p1 v4, $0x80  }
0x3e: {  	s2 =	sshra.s32 s2, $0x2;
	[tilespmem:s22+$0x60] =	vst v3;
	v3 =	vnsel @!p1 vm4, $0xFFFFFFFE, v4  }
0x3f: {  	s28 =	sadd.s32 s2, s17;
	[tilespmem:$0x80] =	vst @!p1 v3  }
0x40: {  	v3 =	vld.msk [tilespmem:s28+$0x0 ss:$0x1], $0xffff;
	_ =	sdelay $0x4  }
0x41: {  	(xrf1) =	vunique.msk.u32 $0xffff, v3;
	_ =	sdelay $0xd  }
0x42: {  	v4 =	vimm.s32 $0xFFFFFFFF;
	v5, _, _ =	vpop (xrf1)  }
0x43: {  	vm5 =	vne.s32 v3, v4;
	vm4 =	veq.s32 v5, v2  }
0x44: {  	vm6 =	vlt.u32 v3, $0x80;
	vm4 =	vmand vm5, vm4  }
0x45: {  	vm4 =	vmand vm6, vm4  }
0x46: {  	v4 =	vnsel vm4, $0xFFFFFFFF, v3  }
0x47: {  	s31 =	sand.u32 $0x1, s0  }
0x48: {  	s0 =	simm.s32 $0x7D0;
	p1 =	seq.s32 s31, $0x1  }
0x49: {  	s0 =	simm.s32 @!p1 $0x0  }
0x4a: {  	s26 =	sadd.s32 $0x2030, s0;
	(ifvalue) =	ssetifvalue $0xFFFFFFFF  }
0x4b: {  	v3 =	vperm.xlane v3, v1;
	[tilespmem:s26], [sflag:$0x8] =	stream.indirect_vreg.gather [hbm4b:s1+s16], $0x1, v4, vm0, $0x4038;
	v4 =	vnsel vm6, $0xFFFFFFFE, v4;
	[tilespmem:$0x4770] =	vst v63  }
0x4c: {  	s2 =	simm.s32 $0x0;
	s22 =	sadd.s32 $0xFFFFFFF0, s28;
	[tilespmem:s28+$0x0] =	vst v4  }
.LBB2_3:
0x4d: {  	v4 =	vld.msk [tilespmem:s22+$0x0 ss:$0x1], $0xffff;
	s2 =	sadd.s32 $0x10, s2;
	v5 =	vmov v3;
	s28 =	smov.u32 s22  }
0x4e: {  	p1 =	slt.u32 s2, $0x7C0;
	_ =	sdelay $0x4  }
0x4f: {  	v3 =	vperm.xlane v4, v1;
	(xrf1) =	vunique.msk.u32 $0xffff, v4;
	_ =	sdelay $0xd  }
0x50: {  	v6, _, _ =	vpop (xrf1)  }
0x51: {  	vm5 =	vne.s32 v4, v5;
	vm4 =	veq.s32 v6, v2  }
0x52: {  	vm6 =	vlt.u32 v4, $0x80;
	vm4 =	vmand vm5, vm4  }
0x53: {  	vm4 =	vmand vm6, vm4  }
0x54: {  	v4 =	vnsel vm4, $0xFFFFFFFF, v4  }
.Ltmp3:
0x55: {  	v5 =	vnsel vm6, $0xFFFFFFFE, v4;
	(pc) =	sbr.rel @p1 .LBB2_3-.Ltmp3, $3  }
0x56: {  	_ =	sdelay $0x1  }
0x57: {  	s22 =	sadd.s32 $0xFFFFFFF0, s22;
	s26 =	sadd.s32 $0xFFFFFFF0, s26;
	(ifvalue) =	ssetifvalue $0xFFFFFFFF  }
0x58: {  	[tilespmem:s26], [sflag:$0x8] =	stream.indirect_vreg.gather [hbm4b:s1+s16], $0x1, v4, vm0, $0x4038;
	[tilespmem:s28+$0x0] =	vst v5  }
0x59: {  	s2 =	sshrl.u32 s25, $0x3;
	s6 =	rddreg [dreg:$0x2]  }
0x5a: {  	s0 =	sadd.s32 $0x2810, s0;
	s2 =	sadd.s32 s6, s2  }
0x5b: {  	[tilespmem:s0], [sflag:$0x8] =	stream.linear.gather [hbm:s2], $0x7D0, $0x38;
	[tilespmem:$0x4770] =	vst v63  }
.LBB2_5:
0x5c: {  	p1 =	slt.u32 s24, $0x2  }
0x5d: {  	p2 =	sge.u32 @!p1 s24, s12  }
0x5e: {  	p1 =	por p1, p2  }
.Ltmp4:
0x5f: {  	_ = 	snop;
	(pc) =	sbr.rel @p1 .LBB2_9-.Ltmp4, $1  }
0x60: {  	_ =	sdelay $0x3  }
0x61: {  	s0 =	sadd.s32 $0xFFFFFFFE, s24  }
0x62: {  	s2 =	smulhi.u32 $0xAAAAAAAB, s0;
	_ =	sdelay $0x1  }
0x63: {  	s2 =	sshrl.u32 s2, $0x1  }
0x64: {  	s2 =	smul.u32 $0x3, s2;
	_ =	sdelay $0x1  }
0x65: {  	s0 =	ssub.s32 s0, s2  }
0x66: {  	_ =	swait.ge [sflag:s8], $0xFA0;
	s0 =	smul.u32 $0x7D0, s0  }
0x67: {  	p1 =	sne.s32 s24, s11;
	[sflag:s8] =	ssyncset.done $0x0  }
0x68: {  	[sflag:s8] =	ssyncadd.s32 $0xFFFFF060;
	s2 =	sadd.s32 @!p1 $0x8CF, s0  }
0x69: {  	[spmem:s13] =	stream.linear.scatter @!p1 [tilespmem:s2], [sflag:$0x1], $0x1, $0x38;
	[tilespmem:$0x4770] =	vst v63  }
0x6a: {  	s2 =	simm.s32 @!p1 $0x1  }
0x6b: {  	_ =	swait.ge @!p1 [sflag:s2], $0x1  }
0x6c: {  	s22 =	sshll.u32 s24, $0x4;
	[sflag:s2] =	ssyncset.done @!p1 $0x0  }
0x6d: {  	s25 =	sand.u32 $0x10, s22;
	[sflag:s2] =	ssyncadd.s32 @!p1 $0xFFFFFFFF  }
0x6e: {  	s2 =	sxor.u32 $0x10, s25;
	v4 =	vld [tilespmem:s25+$0x10]  }
0x6f: {  	v5 =	vld [tilespmem:s2+$0x60]  }
0x70: {  	v3 =	vld [tilespmem:$0x80];
	_ =	sdelay $0x2  }
0x71: {  	(v2sf) =	vpush v4, $0x0  }
0x72: {  	(v2sf) =	vpush v5, $0x0  }
0x73: {  	(v2sf) =	vpush v3, $0x0;
	_ =	sdelay $0xc  }
0x74: {  	s6 =	spop (v2sf)  }
0x75: {  	s28 =	spop (v2sf)  }
0x76: {  	s26 =	spop (v2sf)  }
0x77: {  	p2 =	seq.s32 s6, s28;
	p3 =	seq.s32 s26, s6  }
0x78: {  	p3 =	por p2, p3  }
0x79: {  	s6 =	sand.u32 $0x1, s24;
	v4 =	vpsel p3, $0xFFFFFFFF, v4  }
0x7a: {  	s28 =	smul.u32 $0x7D0, s6;
	[tilespmem:s25+$0x10] =	vst.msk $0x1, v4  }
0x7b: {  	v4 =	vld [tilespmem:$0x30]  }
0x7c: {  	v5 =	vld [tilespmem:s28+$0x2810]  }
0x7d: {  	v6 =	vld [tilespmem:s25+$0x40];
	_ =	sdelay $0x3  }
0x7e: {  	vm4 =	vmmov vm1;
	v5 =	vadd.f32 v5, v4  }
0x7f: {  	vm5 =	vmmov vm2;
	vm4 =	vmmov @p2 vm2;
	v4 =	vadd.f32 v6, v4  }
0x80: {  	s22 =	sshll.u32 s6, $0x4;
	vm5 =	vmmov @p3 vm1;
	[tilespmem:s28+$0x2810] =	vst.msk vm4, v5  }
0x81: {  	[tilespmem:s22+$0x4750] =	vst.msk vm5, v4  }
0x82: {  	v4 =	vld [tilespmem:s28+$0x2030];
	_ =	sdelay $0x3  }
0x83: {  	v5 =	vimm.f32 $0.0e+00  }
0x84: {  	v4 =	vshift.insert v4, v5, s21  }
0x85: {  	s29 =	sor.u32 $0x40, s2  }
0x86: {  	[tilespmem:s29+$0x0] =	vst.msk $0x1, v4  }
0x87: {  	[tilespmem:s28+$0x203F] =	vst.msk $0x1, v5  }
0x88: {  	v4 =	vld [tilespmem:s0+$0x8C0];
	_ =	sdelay $0x1  }
0x89: {  	s29 =	smulhi.u32 $0xAAAAAAAB, s20;
	s0 =	simm.s32 $0x1  }
0x8a: {  	s0 =	simm.s32 @!p0 $0x0  }
0x8b: {  	s29 =	sshrl.u32 s29, $0x1;
	s0 =	smul.u32 $0x1F40, s0  }
0x8c: {  	s29 =	smul.u32 $0xFFFFA240, s29;
	v4 =	vshift.insert v4, v1, s21  }
0x8d: {  	s0 =	sshrl.u32 s0, $0x2  }
0x8e: {  	s29 =	sshra.s32 s29, $0x2;
	s30 =	sadd.s32 $0x2810, s0;
	[tilespmem:s2+$0x10] =	vst.msk $0x1, v4  }
0x8f: {  	s6 =	sadd.s32 s29, s19;
	v6 =	vld [tilespmem:s30+$0x0]  }
0x90: {  	v7 =	vld [tilespmem:s6+$0x0];
	_ =	sdelay $0x3  }
0x91: {  	v5 =	vadd.f32 v6, v5  }
0x92: {  	vm4 =	vne.s32 v7, $0xFFFFFFFF  }
0x93: {  	(xrf2) =	vadd.seg.scan.f32 vm4, v5;
	_ =	sdelay $0x3  }
0x94: {  	s31 =	sadd.s32 $0x1870, s0;
	v5 =	vperm.xlane v4, v1  }
0x95: {  	v6 =	vld [tilespmem:s31+$0x0]  }
0x96: {  	vm5 =	veq.s32 v7, v3;
	vm6 =	veq.s32 v7, v5  }
0x97: {  	vm7 =	vgt.u32 v7, $0xFFFFFFFD;
	vm6 =	vmor vm6, vm5  }
0x98: {  	vm6 =	vmor vm6, vm7  }
0x99: {  	v9 =	vld [tilespmem:$0xA0];
	v7 =	vsel vm6, $0xFFFFFFFF, v7  }
0x9a: {  	v10 =	vld [tilespmem:$0x90];
	v6 =	vsel vm5, $0x0, v6;
	v8, _, _ =	vpop (xrf2)  }
0x9b: {  	v6 =	vadd.f32 v8, v6  }
0x9c: {  	s0 =	sadd.s32 $0x37B0, s0  }
0x9d: {  	vm4 =	vmand vm4, vm3;
	[tilespmem:s0+$0x0] =	vst v6;
	(ifvalue) =	ssetifvalue $0xFFFFFFFF  }
0x9e: {  	vm6 =	veq.s32 v9, $0x1;
	[hbm4b:s1+s16] =	stream.indirect_vreg.scatter [tilespmem:s0], [sflag:$0x2], $0x1, v7, vm0, $0x4038;
	v7 =	vsel vm4, $0x0, v8;
	[tilespmem:$0x4770] =	vst v63  }
0x9f: {  	s29 =	sadd.s32 $0x4750, s22;
	s22 =	sadd.s32 $0x10, s6;
	s2 =	simm.s32 $0x0;
	vm4 =	vmor vm6, vm5;
	v6 =	vsel vm5, v8, v10;
	v7 =	vshift.insert v7, v0, s21  }
.LBB2_7:
0xa0: {  	v8 =	vld [tilespmem:s22+$0x0];
	s30 =	sadd.s32 $0x10, s30  }
0xa1: {  	s31 =	sadd.s32 $0x10, s31;
	v9 =	vld [tilespmem:s30+$0x0]  }
0xa2: {  	s2 =	sadd.s32 $0x10, s2;
	v10 =	vld [tilespmem:s31+$0x0]  }
0xa3: {  	p2 =	slt.u32 s2, $0x7C0;
	_ =	sdelay $0x2  }
0xa4: {  	v7 =	vadd.f32 v9, v7  }
0xa5: {  	vm5 =	vne.s32 v8, $0xFFFFFFFF  }
0xa6: {  	vm6 =	vmand vm5, vm3;
	(xrf2) =	vadd.seg.scan.f32 vm5, v7;
	_ =	sdelay $0x5  }
0xa7: {  	vm7 =	veq.s32 v8, v5;
	vm5 =	veq.s32 v8, v3  }
0xa8: {  	vm8 =	vgt.u32 v8, $0xFFFFFFFD;
	vm4 =	vmor vm4, vm5;
	vm7 =	vmor vm7, vm5  }
0xa9: {  	vm7 =	vmor vm7, vm8  }
0xaa: {  	v8 =	vsel vm7, $0xFFFFFFFF, v8  }
.Ltmp5:
0xab: {  	v7 =	vsel vm5, $0x0, v10;
	v9, _, _ =	vpop (xrf2);
	(pc) =	sbr.rel @p2 .LBB2_7-.Ltmp5, $4  }
0xac: {  	v6 =	vsel vm5, v9, v6;
	v10 =	vadd.f32 v9, v7;
	v7 =	vsel vm6, $0x0, v9  }
0xad: {  	s0 =	sadd.s32 $0x10, s0;
	v7 =	vshift.insert v7, v0, s21  }
0xae: {  	s22 =	sadd.s32 $0x10, s22;
	[tilespmem:s0+$0x0] =	vst v10;
	(ifvalue) =	ssetifvalue $0xFFFFFFFF  }
0xaf: {  	[hbm4b:s1+s16] =	stream.indirect_vreg.scatter [tilespmem:s0], [sflag:$0x2], $0x1, v8, vm0, $0x4038;
	[tilespmem:$0x4770] =	vst v63  }
0xb0: {  	v3 =	vld [tilespmem:s28+$0x3F70];
	_ =	sdelay $0x4  }
0xb1: {  	v3 =	vshift.insert v3, v0, s21  }
0xb2: {  	s0 =	simm.s32 $0x30  }
0xb3: {  	[tilespmem:s0+$0x0] =	vst.msk $0x1, v3  }
0xb4: {  	v3 =	vsel vm4, $0x1, v1;
	[tilespmem:$0x90] =	vst v6  }
0xb5: {  	s0 =	sadd.s32 @!p1 $0x3F7F, s28;
	[tilespmem:$0xA0] =	vst v3  }
0xb6: {  	[spmem:s14] =	stream.linear.scatter @!p1 [tilespmem:s0], [sflag:$0x1], $0x1, $0x38;
	[tilespmem:$0x4770] =	vst v63  }
0xb7: {  	s0 =	simm.s32 @!p1 $0x1  }
0xb8: {  	v3 =	vmctz.xlane @!p1 vm4;
	_ =	swait.ge @!p1 [sflag:s0], $0x1  }
0xb9: {  	(v2sf) =	vpush @!p1 v4, $0x0  }
0xba: {  	(v2sf) =	vpush @!p1 v3, $0x0;
	_ =	sdelay $0xd  }
0xbb: {  	s2 =	spop @!p1 (v2sf)  }
0xbc: {  	s6 =	spop @!p1 (v2sf)  }
0xbd: {  	p2 =	sne.s32 @!p1 s26, s2;
	p3 =	slt.s32 @!p1 s6, $0xF  }
0xbe: {  	[sflag:s0] =	ssyncset.done @!p1 $0x0;
	p2 =	por p2, p1;
	p3 =	por !p3, p1  }
0xbf: {  	[sflag:s0] =	ssyncadd.s32 @!p1 $0xFFFFFFFF;
	v3 =	vimm.s32 @!p2 $0xFFFFFFFF;
	s6 =	simm.s32 @p3 $0xF  }
0xc0: {  	[tilespmem:$0x80] =	vst @!p2 v3;
	s2 =	sadd.s32 @!p1 $0x90, s6  }
0xc1: {  	[spmem:s10] =	stream.linear.scatter @!p1 [tilespmem:s2], [sflag:$0x1], $0x1, $0x38;
	[tilespmem:$0x4770] =	vst v63  }
0xc2: {  	_ =	swait.ge @!p1 [sflag:s0], $0x1  }
0xc3: {  	[sflag:s0] =	ssyncset.done @!p1 $0x0  }
0xc4: {  	s2 =	simm.s32 @!p1 $0x80;
	[sflag:s0] =	ssyncadd.s32 @!p1 $0xFFFFFFFF  }
0xc5: {  	[spmem:s15] =	stream.linear.scatter @!p1 [tilespmem:s2], [sflag:$0x1], $0x1, $0x38;
	[tilespmem:$0x4770] =	vst v63  }
0xc6: {  	_ =	swait.ge @!p1 [sflag:s0], $0x1  }
0xc7: {  	[sflag:s0] =	ssyncset.done @!p1 $0x0  }
0xc8: {  	[sflag:s0] =	ssyncadd.s32 @!p1 $0xFFFFFFFF;
	(ifvalue) =	ssetifvalue $0xFFFFFFFF;
	v3 =	vld [tilespmem:s25+$0x10];
	_ =	sdelay $0x3  }
.Ltmp6:
0xc9: {  	_ = 	snop;
	(pc) =	sbr.rel .LBB2_9-.Ltmp6, $3  }
0xca: {  	_ =	sdelay $0x1  }
0xcb: {  	(ifvalue) =	ssetifvalue $0xFFFFFFFF  }
0xcc: {  	[hbm4b:s1+s16] =	stream.indirect_vreg.scatter [tilespmem:s29], [sflag:$0x9], $0x1, v3, vm0, $0x4038;
	[tilespmem:$0x4770] =	vst v63  }
.LBB2_10:
0xcd: {  	_ =	sfence.sel $0x180000  }
0xce: {  	s0 =	simm.s32 $0x7;
	[bflag:$0x0] =	sbarrier.arrive $0xFFFF  }
0xcf: {  	s26 =	simm.s32 $0x8;
	[sflag:s0] =	ssyncpa.u1 $0x1  }
0xd0: {  	s28 =	simm.s32 $0x9;
	[sflag:s26] =	ssyncpa.u1 $0x1  }
0xd1: {  	[sflag:s28] =	ssyncpa.u1 $0x1  }
0xd2: {  	_ =	sfence.stream.spmem  }
0xd3: {  	s29 =	simm.s32 $0x3;
	[bflag:$0x0] =	sbarrier.arrive $0xFFFF  }
0xd4: {  	s30 =	simm.s32 $0x4;
	[sflag:s29] =	ssyncpa.u1 $0x1  }
0xd5: {  	s31 =	simm.s32 $0x3C;
	s2 =	stileid.u32;
	[sflag:s30] =	ssyncpa.u1 $0x1  }
0xd6: {  	p0 =	sne.s32 s2, $0x0;
	[sflag:s31] =	ssyncpa.u1 $0x1  }
0xd7: {  	s0 =	simm.s32 @p0 $0x1;
	_ =	sfence @p0  }
0xd8: {  	[sflag:s0] =	ssyncpa.u1 @p0 $0x1;
	s0 =	simm.s32 @p0 $0x2  }
0xd9: {  	[sflag:s0] =	ssyncpa.u1 @p0 $0x1  }
0xda: {  	_ =	strace @p0 $0x9000004D  }
0xdb: {  	[bflag:$0x2] =	sbarrier.arrive @p0 $0xFFFF  }
0xdc: {  	_ =	shalt @p0  }
.LBB2_11:
0xdd: {  	_ =	sfence.stream.spmem;
	s0 =	simm.s32 $0x5  }
0xde: {  	s2 =	simm.s32 $0x80;
	s3 =	simm.s32 $0xC0;
	[sflag:s0] =	ssyncpa.u1 $0x0  }
0xdf: {  	[tilespmem:s3], [sflag:$0x5] =	stream.linear.gather [spmem:s2], $0x20, $0x38;
	[tilespmem:$0x4770] =	vst v63  }
0xe0: {  	s2 =	simm.s32 $0x0;
	s3 =	simm.s32 $0xE0  }
0xe1: {  	[tilespmem:s3], [sflag:$0x5] =	stream.linear.gather [spmem:s2], $0x20, $0x38;
	[tilespmem:$0x4770] =	vst v63  }
.Ltmp7:
0xe2: {  	_ = 	snop;
	(pc) =	sbr.rel .LBB2_12-.Ltmp7, $4  }
0xe3: {  	_ =	swait.ge [sflag:s0], $0x40  }
0xe4: {  	[sflag:s0] =	ssyncset.done $0x0  }
0xe5: {  	s31 =	simm.s32 $0x6;
	[sflag:s0] =	ssyncadd.s32 $0xFFFFFFC0  }
0xe6: {  	s4 =	simm.s32 $0x0;
	[sflag:s31] =	ssyncpa.u1 $0x0  }
.LBB2_17:
0xe7: {  	p0 =	sgt.u32 s5, $0x7F  }
0xe8: {  	s0 =	sshrl.u32 @!p0 s5, $0x3  }
0xe9: {  	s5 =	sand.u32 @!p0 $0x7, s5;
	s6 =	simm.s32 @!p0 $0xB0;
	s0 =	sadd.s32 @!p0 s1, s0  }
0xea: {  	[tilespmem:s6], [sflag:$0x6] =	stream.linear.gather @!p0 [hbm4b:s0+s5], $0x1, $0x38;
	[tilespmem:$0x4770] =	vst v63  }
0xeb: {  	s0 =	simm.s32 @!p0 $0x6  }
0xec: {  	_ =	swait.ge @!p0 [sflag:s0], $0x1  }
0xed: {  	[sflag:s0] =	ssyncset.done @!p0 $0x0  }
0xee: {  	[sflag:s0] =	ssyncadd.s32 @!p0 $0xFFFFFFFF  }
0xef: {  	v2 =	vmov @!p0 s4;
	v1 =	vld.msk @!p0 [tilespmem:$0xB0], $0x1;
	_ =	sdelay $0x3  }
0xf0: {  	s0 =	simm.s32 @!p0 $0xE0  }
0xf1: {  	[tilespmem:v2+s0+$0x0], v1 =	vst.idx.ret.add.f32.msk @!p0 $0x1, v1  }
0xf2: {  	[tilespmem:s2+$0xC0] =	vst.msk $0x1, v0  }
0xf3: {  	v0 =	vld.msk [tilespmem:s4+$0xE0], $0x1;
	_ =	sdelay $0x4  }
0xf4: {  	[tilespmem:s2+$0xE0] =	vst.msk $0x1, v0;
	s2 =	sadd.s32 $0x1, s2  }
.LBB2_19:
0xf5: {  	s4 =	sadd.s32 $0x1, s4  }
0xf6: {  	p0 =	sne.s32 s4, $0x20  }
.Ltmp8:
0xf7: {  	_ = 	snop;
	(pc) =	sbr.rel @!p0 .LBB2_20-.Ltmp8, $1  }
0xf8: {  	_ =	sdelay $0x3  }
.LBB2_12:
0xf9: {  	v0 =	vld.msk [tilespmem:s4+$0xC0], $0x1;
	_ =	sdelay $0x4  }
0xfa: {  	(v2sf) =	vpush v0, $0x0;
	_ =	sdelay $0xe  }
0xfb: {  	s5 =	spop (v2sf)  }
0xfc: {  	p0 =	seq.s32 s5, $0xFFFFFFFF  }
.Ltmp9:
0xfd: {  	_ = 	snop;
	(pc) =	sbr.rel @p0 .LBB2_19-.Ltmp9, $1  }
0xfe: {  	_ =	sdelay $0x3  }
0xff: {  	p0 =	slt.s32 s2, $0x1  }
.Ltmp10:
0x100: {  	_ = 	snop;
	(pc) =	sbr.rel @p0 .LBB2_17-.Ltmp10, $1  }
0x101: {  	_ =	sdelay $0x3  }
0x102: {  	s0 =	simm.s32 $0xC0;
	p0 =	por $0x0, $0x0  }
0x103: {  	v1 =	vld.msk @!p0 [tilespmem:s0+$0x0], $0x1;
	_ =	sdelay $0x4  }
0x104: {  	(v2sf) =	vpush @!p0 v1, $0x0;
	_ =	sdelay $0xd  }
0x105: {  	p2 =	sne.s32 s2, $0x1  }
.Ltmp11:
0x106: {  	s6 =	spop @!p0 (v2sf);
	(pc) =	sbr.rel @!p2 .LBB2_16-.Ltmp11, $4  }
0x107: {  	p1 =	seq.s32 @!p0 s5, s6  }
0x108: {  	s6 =	simm.s32 $0x0;
	p1 =	por !p1, p0  }
0x109: {  	s8 =	simm.s32 $0xFFFFFFFF;
	s6 =	simm.s32 @p1 $0xFFFFFFFF  }
0x10a: {  	s7 =	simm.s32 $0x1;
	s6 =	smov.u32 @p0 s8  }
.LBB2_15:
0x10b: {  	s8 =	smov.u32 s6;
	p0 =	sne.s32 s6, $0xFFFFFFFF  }
0x10c: {  	s0 =	sadd.s32 $0x1, s0;
	s6 =	smov.u32 s7;
	s7 =	sadd.s32 $0x1, s7  }
0x10d: {  	p1 =	sne.s32 s2, s7;
	v1 =	vld.msk @!p0 [tilespmem:s0+$0x0], $0x1;
	_ =	sdelay $0x4  }
0x10e: {  	(v2sf) =	vpush @!p0 v1, $0x0;
	_ =	sdelay $0xe  }
.Ltmp12:
0x10f: {  	s9 =	spop @!p0 (v2sf);
	(pc) =	sbr.rel @p1 .LBB2_15-.Ltmp12, $4  }
0x110: {  	p2 =	seq.s32 @!p0 s5, s9  }
0x111: {  	p2 =	por !p2, p0  }
0x112: {  	s6 =	simm.s32 @p2 $0xFFFFFFFF  }
0x113: {  	s6 =	smov.u32 @p0 s8  }
.LBB2_16:
0x114: {  	p0 =	sne.s32 s6, $0xFFFFFFFF  }
.Ltmp13:
0x115: {  	_ = 	snop;
	(pc) =	sbr.rel @!p0 .LBB2_17-.Ltmp13, $1  }
0x116: {  	_ =	sdelay $0x3  }
0x117: {  	v0 =	vld.msk [tilespmem:s4+$0xE0], $0x1;
	v1 =	vmov s6  }
.Ltmp14:
0x118: {  	_ = 	snop;
	(pc) =	sbr.rel .LBB2_19-.Ltmp14, $2  }
0x119: {  	_ =	sdelay $0x2  }
0x11a: {  	[tilespmem:v1+s3+$0x0], v0 =	vst.idx.ret.add.f32.msk $0x1, v0  }
.LBB2_20:
0x11b: {  	p0 =	slt.s32 s2, $0x1  }
.Ltmp15:
0x11c: {  	_ = 	snop;
	(pc) =	sbr.rel @p0 .LBB2_24-.Ltmp15, $3  }
0x11d: {  	_ =	sdelay $0x1  }
0x11e: {  	s0 =	simm.s32 $0x6  }
0x11f: {  	s3 =	simm.s32 $0x0;
	[sflag:s0] =	ssyncpa.u1 $0x1  }
0x120: {  	s0 =	simm.s32 $0xC0  }
0x121: {  	v0 =	vld.msk [tilespmem:s0+$0x0], $0x1;
	_ =	sdelay $0x4  }
0x122: {  	(v2sf) =	vpush v0, $0x0;
	_ =	sdelay $0xe  }
0x123: {  	s2 =	sadd.s32 $0xFFFFFFFF, s2;
	s4 =	spop (v2sf)  }
0x124: {  	p1 =	sne.s32 s2, $0x0;
	p0 =	sgt.u32 s4, $0x7F  }
.Ltmp16:
0x125: {  	s5 =	sshrl.u32 @!p0 s4, $0x3;
	(pc) =	sbr.rel @!p1 .LBB2_23-.Ltmp16, $4  }
0x126: {  	s0 =	simm.s32 $0xE0;
	s4 =	sand.u32 @!p0 $0x7, s4;
	s5 =	sadd.s32 @!p0 s1, s5  }
0x127: {  	[hbm4b:s5+s4] =	stream.linear.scatter @!p0 [tilespmem:s0], [sflag:$0x5], $0x1, $0x38;
	[tilespmem:$0x4770] =	vst v63  }
0x128: {  	s5 =	simm.s32 $0x0  }
0x129: {  	s4 =	simm.s32 $0xC1;
	s5 =	simm.s32 @!p0 $0x4  }
.LBB2_22:
0x12a: {  	v0 =	vld.msk [tilespmem:s4+$0x0], $0x1;
	s2 =	sadd.s32 $0xFFFFFFFF, s2;
	s3 =	sadd.s32 s3, s5  }
0x12b: {  	p0 =	sne.s32 s2, $0x0;
	_ =	sdelay $0x3  }
0x12c: {  	(v2sf) =	vpush v0, $0x0;
	_ =	sdelay $0xe  }
.Ltmp17:
0x12d: {  	s6 =	spop (v2sf);
	(pc) =	sbr.rel @p0 .LBB2_22-.Ltmp17, $4  }
0x12e: {  	s5 =	simm.s32 $0x0;
	p1 =	sgt.u32 s6, $0x7F  }
0x12f: {  	s0 =	sadd.s32 $0x1, s0;
	s5 =	simm.s32 @!p1 $0x4;
	s7 =	sshrl.u32 @!p1 s6, $0x3  }
0x130: {  	s4 =	sadd.s32 $0x1, s4;
	s6 =	sand.u32 @!p1 $0x7, s6;
	s7 =	sadd.s32 @!p1 s1, s7  }
0x131: {  	[hbm4b:s7+s6] =	stream.linear.scatter @!p1 [tilespmem:s0], [sflag:$0x5], $0x1, $0x38;
	[tilespmem:$0x4770] =	vst v63  }
.LBB2_23:
0x132: {  	s0 =	sadd.s32 s3, s5  }
0x133: {  	s3 =	sshrl.u32 s0, $0x2  }
.LBB2_24:
0x134: {  	s0 =	simm.s32 $0x5  }
0x135: {  	_ =	swait.ge [sflag:s0], s3  }
0x136: {  	s1 =	ssub.s32 $0x0, s3;
	[sflag:s0] =	ssyncset.done $0x0  }
0x137: {  	[sflag:s0] =	ssyncadd.s32 s1  }
0x138: {  	[sflag:s0] =	ssyncpa.u1 $0x1  }
0x139: {  	s29 =	simm.s32 $0x1;
	_ =	sfence  }
0x13a: {  	s30 =	simm.s32 $0x2;
	[sflag:s29] =	ssyncpa.u1 $0x1  }
0x13b: {  	[sflag:s30] =	ssyncpa.u1 $0x1  }
0x13c: {  	_ =	strace $0x9000004D  }
0x13d: {  	[bflag:$0x2] =	sbarrier.arrive $0xFFFF  }
0x13e: {  	s31 =	rddreg [dreg:$0x1]  }
0x13f: {  	s0 =	sadd.s32 $0x100000, s31  }
0x140: {  	[sflag:s0] =	ssyncadd.tile.s32 $0x1;
	_ =	shalt  }
.Lfunc_end2:
_tile_overlayer_lowered:
.L_overlay_start_2:
0x141: {  	(tag) =	ssettag $0x2  }
0x142: {  	s0 =	rddreg [dreg:$0x0];
	s2 =	stileid.u32  }
0x143: {  	s1 =	rddreg [dreg:$0x1];
	p0 =	sne.s32 s2, $0x0  }
0x144: {  	s3 =	rddreg [dreg:$0x2];
	[bflag:$0x3] =	sbarrier.arrive $0xFFFF;
	s2 =	simm.s32 @!p0 $0x1C01  }
0x145: {  	[timem:s3], [sflag:s2] =	dma.local @!p0 [hbm:s0], s1  }
0x146: {  	s0 =	simm.s32 @!p0 $0x1  }
0x147: {  	_ =	swait.ge @!p0 [sflag:s0], s1  }
0x148: {  	s1 =	ssub.s32 @!p0 $0x0, s1;
	[sflag:s0] =	ssyncset.done @!p0 $0x0  }
0x149: {  	[sflag:s0] =	ssyncadd.s32 @!p0 s1  }
0x14a: {  	[bflag:$0x3] =	sbarrier.arrive $0xFFFF  }
0x14b: {  	_ =	shalt  }

</sc_bundles>
